<compile_context>
chip_gen: v7x
topology: tpu7x:2x2x1
jax: 0.10.2.dev20260603
libtpu: 0.0.44.dev20260713+nightly
codegen_flags: <defaults>
</compile_context>

<pallas_src>
import functools

import jax
import jax.numpy as jnp
from jax import lax
from jax.experimental import pallas as pl
from jax.experimental.pallas import tpu as pltpu
from jax.experimental.pallas import tpu_sc as plsc

N_NODES = 10000
N_EDGES = 160000
D_IN = 256
D_OUT = 512

NC = 2
NS = 16
LANES = 16

NN = 10240
SL = NN // NS
CL = NN // (NC * NS)
CHUNK = 128
ROWS = N_EDGES // CHUNK
CPT = ROWS // NS
N_EXTRA = ROWS - CPT * NS
EPT = CPT * CHUNK
GRP = 13
N_GRP = CPT // GRP


def _rsqrt_newton(d):
    yi = jnp.int32(0x5F3759DF) - lax.shift_right_logical(
        lax.bitcast_convert_type(d, jnp.int32), 1)
    y = lax.bitcast_convert_type(yi, jnp.float32)
    for _ in range(3):
        y = y * (1.5 - 0.5 * d * y * y)
    return y


def _sc_body(e_hbm, c_hbm,
             dsti, srci, ones_v, g_v, dis_v, buf_a, buf_b,
             deg_sh, s_sh, dis_sh, sem):
    t = lax.axis_index("s")
    cc = lax.axis_index("c")
    w = cc * NS + t
    has_extra = t < N_EXTRA

    d_dst = pltpu.async_copy(e_hbm.at[1, pl.ds(t * EPT, EPT)],
                             dsti.at[pl.ds(0, EPT)], sem)
    d_src = pltpu.async_copy(e_hbm.at[0, pl.ds(t * EPT, EPT)],
                             srci.at[pl.ds(0, EPT)], sem)

    @pl.when(has_extra)
    def _stage_extra():
        pltpu.sync_copy(e_hbm.at[1, pl.ds(NS * EPT + t * CHUNK, CHUNK)],
                        dsti.at[pl.ds(EPT, CHUNK)])
        pltpu.sync_copy(e_hbm.at[0, pl.ds(NS * EPT + t * CHUNK, CHUNK)],
                        srci.at[pl.ds(EPT, CHUNK)])

    def zero_body(i, _):
        buf_a[pl.ds(i * LANES, LANES)] = jnp.zeros((LANES,), jnp.float32)
        return 0
    lax.fori_loop(0, SL // LANES, zero_body, 0)
    pltpu.sync_copy(buf_a, deg_sh.at[pl.ds(t * SL, SL)])
    pltpu.sync_copy(buf_a, s_sh.at[pl.ds(t * SL, SL)])
    for k in range(CHUNK // LANES):
        ones_v[pl.ds(k * LANES, LANES)] = jnp.ones((LANES,), jnp.float32)
    d_dst.wait()
    d_src.wait()
    plsc.subcore_barrier()

    def _fire_hist(g):
        return [
            pltpu.async_copy(
                ones_v, deg_sh.at[dsti.at[pl.ds((g * GRP + k) * CHUNK, CHUNK)]],
                sem, add=True)
            for k in range(GRP)
        ]
    d0 = _fire_hist(0)
    def hist_body(g, _):
        descs = _fire_hist(g)
        for d in descs:
            d.wait()
        return 0
    lax.fori_loop(1, N_GRP, hist_body, 0)
    for d in d0:
        d.wait()

    @pl.when(has_extra)
    def _hist_extra():
        pltpu.sync_copy(ones_v, deg_sh.at[dsti.at[pl.ds(EPT, CHUNK)]], add=True)
    plsc.subcore_barrier()

    pltpu.sync_copy(deg_sh.at[pl.ds(t * SL, SL)], buf_a)
    def rsqrt_body(i, _):
        d = buf_a[pl.ds(i * LANES, LANES)] + 1.0
        buf_b[pl.ds(i * LANES, LANES)] = _rsqrt_newton(d)
        return 0
    lax.fori_loop(0, SL // LANES, rsqrt_body, 0)
    pltpu.sync_copy(buf_b, dis_sh.at[pl.ds(t * SL, SL)])
    plsc.subcore_barrier()
    pltpu.sync_copy(dis_sh, dis_v)

    def _gather_grp(g):
        for k in range(GRP):
            j = (g * GRP + k) * CHUNK
            for m in range(CHUNK // LANES):
                idx = dsti[pl.ds(j + m * LANES, LANES)]
                g_v[pl.ds(j + m * LANES, LANES)] = plsc.load_gather(
                    dis_v, [idx])

    def _fire_p3(g):
        return [
            pltpu.async_copy(g_v.at[pl.ds((g * GRP + k) * CHUNK, CHUNK)],
                             s_sh.at[srci.at[pl.ds((g * GRP + k) * CHUNK,
                                                   CHUNK)]],
                             sem, add=True)
            for k in range(GRP)
        ]
    _gather_grp(0)
    d1 = _fire_p3(0)
    def p3_body(g, _):
        _gather_grp(g)
        descs = _fire_p3(g)
        for d in descs:
            d.wait()
        return 0
    lax.fori_loop(1, N_GRP, p3_body, 0)
    for d in d1:
        d.wait()

    @pl.when(has_extra)
    def _p3_extra():
        for m in range(CHUNK // LANES):
            idx = dsti[pl.ds(EPT + m * LANES, LANES)]
            g_v[pl.ds(EPT + m * LANES, LANES)] = plsc.load_gather(dis_v, [idx])
        pltpu.sync_copy(g_v.at[pl.ds(EPT, CHUNK)],
                        s_sh.at[srci.at[pl.ds(EPT, CHUNK)]], add=True)
    plsc.subcore_barrier()

    pltpu.sync_copy(s_sh.at[pl.ds(w * CL, CL)], buf_a.at[pl.ds(0, CL)])
    def c_body(i, _):
        s = buf_a[pl.ds(i * LANES, LANES)]
        dd = dis_v[pl.ds(w * CL + i * LANES, LANES)]
        ids = w * CL + i * LANES + lax.iota(jnp.int32, 16)
        c = jnp.where(ids < N_NODES, dd * (s + dd), 0.0)
        buf_b[pl.ds(i * LANES, LANES)] = c
        return 0
    lax.fori_loop(0, CL // LANES, c_body, 0)
    pltpu.sync_copy(buf_b.at[pl.ds(0, CL)], c_hbm.at[pl.ds(w * CL, CL)])


_sc_weights = functools.partial(
    pl.kernel,
    out_type=jax.ShapeDtypeStruct((NN,), jnp.float32),
    mesh=plsc.VectorSubcoreMesh(core_axis_name="c", subcore_axis_name="s",
                                num_cores=NC, num_subcores=NS),
    compiler_params=pltpu.CompilerParams(needs_layout_passes=False),
    scratch_types=[
        pltpu.VMEM((EPT + CHUNK,), jnp.int32),
        pltpu.VMEM((EPT + CHUNK,), jnp.int32),
        pltpu.VMEM((CHUNK,), jnp.float32),
        pltpu.VMEM((EPT + CHUNK,), jnp.float32),
        pltpu.VMEM((NN,), jnp.float32),
        pltpu.VMEM((SL,), jnp.float32),
        pltpu.VMEM((SL,), jnp.float32),
        pltpu.VMEM_SHARED((NN,), jnp.float32),
        pltpu.VMEM_SHARED((NN,), jnp.float32),
        pltpu.VMEM_SHARED((NN,), jnp.float32),
        pltpu.SemaphoreType.DMA,
    ],
)(_sc_body)


BN = 2000


def _tc_body(c_ref, x_ref, w_ref, b_ref, o_ref, acc_ref):
    i = pl.program_id(0)

    @pl.when(i == 0)
    def _init():
        acc_ref[...] = jnp.zeros_like(acc_ref)

    cb = c_ref[pl.ds(i, 1), :]
    acc_ref[...] += jnp.dot(cb, x_ref[...],
                            preferred_element_type=jnp.float32)

    @pl.when(i == pl.num_programs(0) - 1)
    def _fin():
        v = acc_ref[...] * jnp.float32(1.0 / N_NODES)
        o_ref[...] = jnp.dot(v, w_ref[...],
                             preferred_element_type=jnp.float32) + b_ref[...]


def kernel(x, edge_index, W, b):
    c = _sc_weights(edge_index)

    c2 = c[:N_NODES].reshape(N_NODES // BN, BN)
    out = pl.pallas_call(
        _tc_body,
        grid=(N_NODES // BN,),
        in_specs=[
            pl.BlockSpec((N_NODES // BN, BN), lambda i: (0, 0)),
            pl.BlockSpec((BN, D_IN), lambda i: (i, 0)),
            pl.BlockSpec((D_IN, D_OUT), lambda i: (0, 0)),
            pl.BlockSpec((1, D_OUT), lambda i: (0, 0)),
        ],
        out_specs=pl.BlockSpec((1, D_OUT), lambda i: (0, 0)),
        out_shape=jax.ShapeDtypeStruct((1, D_OUT), jnp.float32),
        scratch_shapes=[pltpu.VMEM((1, D_IN), jnp.float32)],
    )(c2, x, W, b.reshape(1, D_OUT))
    return out.reshape(D_OUT)

# --- scband reference (transcript-rebuilt; emitter-appended) ---
"""Pipeline reference for scband-het-gcn-2-23553600652054 (READ-ONLY COPY).

The authoritative reference and input builder live on the scoring server;
editing this copy changes nothing except your own understanding.
"""

import jax, jax.numpy as jnp
import numpy as np

N_NODES = 10000
N_EDGES = 160000
D_IN = 256
D_OUT = 512

def setup_inputs(seed: int = 0) -> dict:
    key = jax.random.key(seed)
    k1, k2, k3 = jax.random.split(key, 3)
    x = jax.random.normal(k1, (N_NODES, D_IN), dtype=jnp.float32)
    edge_index = jax.random.randint(k2, (2, N_EDGES), 0, N_NODES, dtype=jnp.int32)
    # GCNConv learned parameters (xavier-style init, bias 0.1 per init_weights convention)
    W = jax.random.normal(k3, (D_IN, D_OUT), dtype=jnp.float32) * (1.0 / np.sqrt(D_IN))
    b = jnp.full((D_OUT,), 0.1, dtype=jnp.float32)
    return {"x": x, "edge_index": edge_index, "W": W, "b": b}

def reference(x, edge_index, W, b):
    # Faithful PyG GCNConv: add self-loops, symmetric deg normalization,
    # out = D^{-1/2} (A + I) D^{-1/2} X W + b; then mean-pool over nodes (dim 0).
    N = x.shape[0]
    self_loops = jnp.arange(N, dtype=edge_index.dtype)
    src = jnp.concatenate([edge_index[0], self_loops])
    dst = jnp.concatenate([edge_index[1], self_loops])
    deg = jnp.zeros((N,), dtype=x.dtype).at[dst].add(1.0)
    deg_inv_sqrt = jnp.where(deg > 0, 1.0 / jnp.sqrt(deg), 0.0)
    norm = deg_inv_sqrt[src] * deg_inv_sqrt[dst]
    h = x @ W
    msgs = h[src] * norm[:, None]
    out = jnp.zeros((N, W.shape[1]), dtype=x.dtype).at[dst].add(msgs) + b
    # graph_node_pooling: mean over all node embeddings
    graph_embedding = jnp.mean(out, axis=0)
    return graph_embedding

if __name__ == "__main__":
    import jax
    _d = setup_inputs()
    print(jax.jit(kernel)(*tuple(_d.values())))

</pallas_src>

<mosaic_0001>
#map = affine_map<(d0, d1) -> (0, 0)>
#map1 = affine_map<(d0, d1) -> (0)>
module attributes {stable_mosaic.version = 14 : i64} {
  func.func @_sc_body(%arg0: i32, %arg1: i32, %arg2: memref<2x160000xi32, #tpu.memory_space<hbm>>, %arg3: memref<10240xf32, #tpu.memory_space<hbm>>, %arg4: memref<10112xi32, #tpu.memory_space<vmem>>, %arg5: memref<10112xi32, #tpu.memory_space<vmem>>, %arg6: memref<128xf32, #tpu.memory_space<vmem>>, %arg7: memref<10112xf32, #tpu.memory_space<vmem>>, %arg8: memref<10240xf32, #tpu.memory_space<vmem>>, %arg9: memref<640xf32, #tpu.memory_space<vmem>>, %arg10: memref<640xf32, #tpu.memory_space<vmem>>, %arg11: memref<10240xf32, #tpu.memory_space<vmem_shared>>, %arg12: memref<10240xf32, #tpu.memory_space<vmem_shared>>, %arg13: memref<10240xf32, #tpu.memory_space<vmem_shared>>, %arg14: memref<!tpu.dma_semaphore, #tpu.memory_space<semaphore_mem>>) attributes {dimension_semantics = [#tpu.dimension_semantics<core_parallel>, #tpu.dimension_semantics<subcore_parallel>], iteration_bounds = array<i64: 2, 16>, scalar_prefetch = 0 : i64, scratch_operands = 11 : i64, tpu.core_type = #tpu.core_type<sc_vector_subcore>, window_params = [{transform_indices = #map}, {transform_indices = #map1}]} {
    %mul3A = arith.constant 16 : i32
    %mul3A_0 = arith.muli %arg0, %mul3A : i32
    %add3A = arith.addi %mul3A_0, %arg1 : i32
    %lt3A = arith.constant 2 : i32
    %lt3A_1 = arith.cmpi slt, %arg1, %lt3A : i32
    %mul3A_2 = arith.constant 9984 : i32
    %mul3A_3 = arith.muli %arg1, %mul3A_2 : i32
    %dma_start3A = arith.constant 1 : i32
    %dma_start3A_4 = arith.constant 0 : i32
    %dma_start3A_5 = tpu.memref_slice %arg4[%dma_start3A_4] : memref<10112xi32, #tpu.memory_space<vmem>> -> memref<9984xi32, #tpu.memory_space<vmem>>
    %dma_start3A_6 = tpu.memref_slice %arg2[%dma_start3A, %mul3A_3] : memref<2x160000xi32, #tpu.memory_space<hbm>> -> memref<1x9984xi32, #tpu.memory_space<hbm>>
    %dma_start3A_7 = tpu.memref_squeeze %dma_start3A_6 : memref<1x9984xi32, #tpu.memory_space<hbm>> -> memref<9984xi32, #tpu.memory_space<hbm>>
    %dma_start3A_8 = arith.constant 0 : i32
    %dma_start3A_9 = tpu.memref_slice %arg4[%dma_start3A_8] : memref<10112xi32, #tpu.memory_space<vmem>> -> memref<9984xi32, #tpu.memory_space<vmem>>
    %dma_start3A_10 = tpu.memref_slice %arg2[%dma_start3A, %mul3A_3] : memref<2x160000xi32, #tpu.memory_space<hbm>> -> memref<1x9984xi32, #tpu.memory_space<hbm>>
    %dma_start3A_11 = tpu.memref_squeeze %dma_start3A_10 : memref<1x9984xi32, #tpu.memory_space<hbm>> -> memref<9984xi32, #tpu.memory_space<hbm>>
    tpu.enqueue_dma source(%dma_start3A_11 : memref<9984xi32, #tpu.memory_space<hbm>>) target(%dma_start3A_9 : memref<9984xi32, #tpu.memory_space<vmem>>) target_semaphore(%arg14 : memref<!tpu.dma_semaphore, #tpu.memory_space<semaphore_mem>>)
    %mul3A_12 = arith.constant 9984 : i32
    %mul3A_13 = arith.muli %arg1, %mul3A_12 : i32
    %dma_start3A_14 = arith.constant 0 : i32
    %dma_start3A_15 = arith.constant 0 : i32
    %dma_start3A_16 = tpu.memref_slice %arg5[%dma_start3A_15] : memref<10112xi32, #tpu.memory_space<vmem>> -> memref<9984xi32, #tpu.memory_space<vmem>>
    %dma_start3A_17 = tpu.memref_slice %arg2[%dma_start3A_14, %mul3A_13] : memref<2x160000xi32, #tpu.memory_space<hbm>> -> memref<1x9984xi32, #tpu.memory_space<hbm>>
    %dma_start3A_18 = tpu.memref_squeeze %dma_start3A_17 : memref<1x9984xi32, #tpu.memory_space<hbm>> -> memref<9984xi32, #tpu.memory_space<hbm>>
    %dma_start3A_19 = arith.constant 0 : i32
    %dma_start3A_20 = tpu.memref_slice %arg5[%dma_start3A_19] : memref<10112xi32, #tpu.memory_space<vmem>> -> memref<9984xi32, #tpu.memory_space<vmem>>
    %dma_start3A_21 = tpu.memref_slice %arg2[%dma_start3A_14, %mul3A_13] : memref<2x160000xi32, #tpu.memory_space<hbm>> -> memref<1x9984xi32, #tpu.memory_space<hbm>>
    %dma_start3A_22 = tpu.memref_squeeze %dma_start3A_21 : memref<1x9984xi32, #tpu.memory_space<hbm>> -> memref<9984xi32, #tpu.memory_space<hbm>>
    tpu.enqueue_dma source(%dma_start3A_22 : memref<9984xi32, #tpu.memory_space<hbm>>) target(%dma_start3A_20 : memref<9984xi32, #tpu.memory_space<vmem>>) target_semaphore(%arg14 : memref<!tpu.dma_semaphore, #tpu.memory_space<semaphore_mem>>)
    %convert_element_type3A = arith.extui %lt3A_1 : i1 to i32
    %cond3A = arith.constant 0 : i32
    %cond3A_23 = arith.cmpi ne, %convert_element_type3A, %cond3A : i32
    scf.if %cond3A_23 {
      %mul3A_904 = arith.constant 128 : i32
      %mul3A_905 = arith.muli %arg1, %mul3A_904 : i32
      %add3A_906 = arith.constant 159744 : i32
      %add3A_907 = arith.addi %add3A_906, %mul3A_905 : i32
      %run_scoped3A = arith.constant 1 : i32
      "tpu.region"() ({
        %run_scoped3A_913 = tpu.sem_alloc : memref<!tpu.dma_semaphore, #tpu.memory_space<semaphore_mem>>
        %dma_start3A_914 = arith.constant 9984 : i32
        %dma_start3A_915 = tpu.memref_slice %arg4[%dma_start3A_914] : memref<10112xi32, #tpu.memory_space<vmem>> -> memref<128xi32, #tpu.memory_space<vmem>>
        %dma_start3A_916 = tpu.memref_slice %arg2[%run_scoped3A, %add3A_907] : memref<2x160000xi32, #tpu.memory_space<hbm>> -> memref<1x128xi32, #tpu.memory_space<hbm>>
        %dma_start3A_917 = tpu.memref_squeeze %dma_start3A_916 : memref<1x128xi32, #tpu.memory_space<hbm>> -> memref<128xi32, #tpu.memory_space<hbm>>
        %dma_start3A_918 = arith.constant 9984 : i32
        %dma_start3A_919 = tpu.memref_slice %arg4[%dma_start3A_918] : memref<10112xi32, #tpu.memory_space<vmem>> -> memref<128xi32, #tpu.memory_space<vmem>>
        %dma_start3A_920 = tpu.memref_slice %arg2[%run_scoped3A, %add3A_907] : memref<2x160000xi32, #tpu.memory_space<hbm>> -> memref<1x128xi32, #tpu.memory_space<hbm>>
        %dma_start3A_921 = tpu.memref_squeeze %dma_start3A_920 : memref<1x128xi32, #tpu.memory_space<hbm>> -> memref<128xi32, #tpu.memory_space<hbm>>
        tpu.enqueue_dma source(%dma_start3A_921 : memref<128xi32, #tpu.memory_space<hbm>>) target(%dma_start3A_919 : memref<128xi32, #tpu.memory_space<vmem>>) target_semaphore(%run_scoped3A_913 : memref<!tpu.dma_semaphore, #tpu.memory_space<semaphore_mem>>)
        %dma_wait3A_922 = arith.constant 9984 : i32
        %dma_wait3A_923 = tpu.memref_slice %arg4[%dma_wait3A_922] : memref<10112xi32, #tpu.memory_space<vmem>> -> memref<128xi32, #tpu.memory_space<vmem>>
        %dma_wait3A_924 = tpu.memref_slice %arg2[%run_scoped3A, %add3A_907] : memref<2x160000xi32, #tpu.memory_space<hbm>> -> memref<1x128xi32, #tpu.memory_space<hbm>>
        %dma_wait3A_925 = tpu.memref_squeeze %dma_wait3A_924 : memref<1x128xi32, #tpu.memory_space<hbm>> -> memref<128xi32, #tpu.memory_space<hbm>>
        %dma_wait3A_926 = arith.constant 9984 : i32
        %dma_wait3A_927 = tpu.memref_slice %arg4[%dma_wait3A_926] : memref<10112xi32, #tpu.memory_space<vmem>> -> memref<128xi32, #tpu.memory_space<vmem>>
        %dma_wait3A_928 = tpu.memref_slice %arg2[%run_scoped3A, %add3A_907] : memref<2x160000xi32, #tpu.memory_space<hbm>> -> memref<1x128xi32, #tpu.memory_space<hbm>>
        %dma_wait3A_929 = tpu.memref_squeeze %dma_wait3A_928 : memref<1x128xi32, #tpu.memory_space<hbm>> -> memref<128xi32, #tpu.memory_space<hbm>>
        tpu.wait_dma2 semaphore(%run_scoped3A_913 : memref<!tpu.dma_semaphore, #tpu.memory_space<semaphore_mem>>) src(%dma_wait3A_929 : memref<128xi32, #tpu.memory_space<hbm>>) dst(%dma_wait3A_927 : memref<128xi32, #tpu.memory_space<vmem>>)
        tpu.yield
      }) : () -> ()
      %mul3A_908 = arith.constant 128 : i32
      %mul3A_909 = arith.muli %arg1, %mul3A_908 : i32
      %add3A_910 = arith.constant 159744 : i32
      %add3A_911 = arith.addi %add3A_910, %mul3A_909 : i32
      %run_scoped3A_912 = arith.constant 0 : i32
      "tpu.region"() ({
        %run_scoped3A_913 = tpu.sem_alloc : memref<!tpu.dma_semaphore, #tpu.memory_space<semaphore_mem>>
        %dma_start3A_914 = arith.constant 9984 : i32
        %dma_start3A_915 = tpu.memref_slice %arg5[%dma_start3A_914] : memref<10112xi32, #tpu.memory_space<vmem>> -> memref<128xi32, #tpu.memory_space<vmem>>
        %dma_start3A_916 = tpu.memref_slice %arg2[%run_scoped3A_912, %add3A_911] : memref<2x160000xi32, #tpu.memory_space<hbm>> -> memref<1x128xi32, #tpu.memory_space<hbm>>
        %dma_start3A_917 = tpu.memref_squeeze %dma_start3A_916 : memref<1x128xi32, #tpu.memory_space<hbm>> -> memref<128xi32, #tpu.memory_space<hbm>>
        %dma_start3A_918 = arith.constant 9984 : i32
        %dma_start3A_919 = tpu.memref_slice %arg5[%dma_start3A_918] : memref<10112xi32, #tpu.memory_space<vmem>> -> memref<128xi32, #tpu.memory_space<vmem>>
        %dma_start3A_920 = tpu.memref_slice %arg2[%run_scoped3A_912, %add3A_911] : memref<2x160000xi32, #tpu.memory_space<hbm>> -> memref<1x128xi32, #tpu.memory_space<hbm>>
        %dma_start3A_921 = tpu.memref_squeeze %dma_start3A_920 : memref<1x128xi32, #tpu.memory_space<hbm>> -> memref<128xi32, #tpu.memory_space<hbm>>
        tpu.enqueue_dma source(%dma_start3A_921 : memref<128xi32, #tpu.memory_space<hbm>>) target(%dma_start3A_919 : memref<128xi32, #tpu.memory_space<vmem>>) target_semaphore(%run_scoped3A_913 : memref<!tpu.dma_semaphore, #tpu.memory_space<semaphore_mem>>)
        %dma_wait3A_922 = arith.constant 9984 : i32
        %dma_wait3A_923 = tpu.memref_slice %arg5[%dma_wait3A_922] : memref<10112xi32, #tpu.memory_space<vmem>> -> memref<128xi32, #tpu.memory_space<vmem>>
        %dma_wait3A_924 = tpu.memref_slice %arg2[%run_scoped3A_912, %add3A_911] : memref<2x160000xi32, #tpu.memory_space<hbm>> -> memref<1x128xi32, #tpu.memory_space<hbm>>
        %dma_wait3A_925 = tpu.memref_squeeze %dma_wait3A_924 : memref<1x128xi32, #tpu.memory_space<hbm>> -> memref<128xi32, #tpu.memory_space<hbm>>
        %dma_wait3A_926 = arith.constant 9984 : i32
        %dma_wait3A_927 = tpu.memref_slice %arg5[%dma_wait3A_926] : memref<10112xi32, #tpu.memory_space<vmem>> -> memref<128xi32, #tpu.memory_space<vmem>>
        %dma_wait3A_928 = tpu.memref_slice %arg2[%run_scoped3A_912, %add3A_911] : memref<2x160000xi32, #tpu.memory_space<hbm>> -> memref<1x128xi32, #tpu.memory_space<hbm>>
        %dma_wait3A_929 = tpu.memref_squeeze %dma_wait3A_928 : memref<1x128xi32, #tpu.memory_space<hbm>> -> memref<128xi32, #tpu.memory_space<hbm>>
        tpu.wait_dma2 semaphore(%run_scoped3A_913 : memref<!tpu.dma_semaphore, #tpu.memory_space<semaphore_mem>>) src(%dma_wait3A_929 : memref<128xi32, #tpu.memory_space<hbm>>) dst(%dma_wait3A_927 : memref<128xi32, #tpu.memory_space<vmem>>)
        tpu.yield
      }) : () -> ()
    } else {
    }
    %scan3A = arith.constant 0 : i32
    %scan3A_24 = arith.constant 0 : i32
    %scan3A_25 = arith.constant 40 : i32
    %scan3A_26 = arith.addi %scan3A_24, %scan3A_25 : i32
    %scan3A_27 = arith.constant 1 : i32
    %scan3A_28 = scf.for %scan3A_904 = %scan3A_24 to %scan3A_26 step %scan3A_27 iter_args(%scan3A_905 = %scan3A) -> (i32)  : i32 {
      %broadcast_in_dim3A_906 = arith.constant 0.000000e+00 : f32
      %broadcast_in_dim3A_907 = vector.broadcast %broadcast_in_dim3A_906 : f32 to vector<16xf32>
      %mul3A_908 = arith.constant 16 : i32
      %mul3A_909 = arith.muli %scan3A_904, %mul3A_908 : i32
      %swap3A_910 = arith.index_cast %mul3A_909 : i32 to index
      %swap3A_911 = tpu.vector_load %arg9[%swap3A_910] {strides = array<i32>} : memref<640xf32, #tpu.memory_space<vmem>>, vector<16xf32>,
      tpu.vector_store %arg9[%swap3A_910], %broadcast_in_dim3A_907 {strides = array<i32>} : memref<640xf32, #tpu.memory_space<vmem>>, vector<16xf32>,
      %scan3A_912 = arith.constant 0 : i32
      scf.yield %scan3A_912 : i32
    }
    %scan3A_29 = arith.constant 40 : i32
    %mul3A_30 = arith.constant 640 : i32
    %mul3A_31 = arith.muli %arg1, %mul3A_30 : i32
    "tpu.region"() ({
      %run_scoped3A = tpu.sem_alloc : memref<!tpu.dma_semaphore, #tpu.memory_space<semaphore_mem>>
      %dma_start3A_904 = tpu.memref_slice %arg11[%mul3A_31] : memref<10240xf32, #tpu.memory_space<vmem_shared>> -> memref<640xf32, #tpu.memory_space<vmem_shared>>
      %dma_start3A_905 = tpu.memref_slice %arg11[%mul3A_31] : memref<10240xf32, #tpu.memory_space<vmem_shared>> -> memref<640xf32, #tpu.memory_space<vmem_shared>>
      tpu.enqueue_dma source(%arg9 : memref<640xf32, #tpu.memory_space<vmem>>) target(%dma_start3A_905 : memref<640xf32, #tpu.memory_space<vmem_shared>>) target_semaphore(%run_scoped3A : memref<!tpu.dma_semaphore, #tpu.memory_space<semaphore_mem>>)
      %dma_wait3A_906 = tpu.memref_slice %arg11[%mul3A_31] : memref<10240xf32, #tpu.memory_space<vmem_shared>> -> memref<640xf32, #tpu.memory_space<vmem_shared>>
      %dma_wait3A_907 = tpu.memref_slice %arg11[%mul3A_31] : memref<10240xf32, #tpu.memory_space<vmem_shared>> -> memref<640xf32, #tpu.memory_space<vmem_shared>>
      tpu.wait_dma2 semaphore(%run_scoped3A : memref<!tpu.dma_semaphore, #tpu.memory_space<semaphore_mem>>) src(%arg9 : memref<640xf32, #tpu.memory_space<vmem>>) dst(%dma_wait3A_907 : memref<640xf32, #tpu.memory_space<vmem_shared>>)
      tpu.yield
    }) : () -> ()
    %mul3A_32 = arith.constant 640 : i32
    %mul3A_33 = arith.muli %arg1, %mul3A_32 : i32
    "tpu.region"() ({
      %run_scoped3A = tpu.sem_alloc : memref<!tpu.dma_semaphore, #tpu.memory_space<semaphore_mem>>
      %dma_start3A_904 = tpu.memref_slice %arg12[%mul3A_33] : memref<10240xf32, #tpu.memory_space<vmem_shared>> -> memref<640xf32, #tpu.memory_space<vmem_shared>>
      %dma_start3A_905 = tpu.memref_slice %arg12[%mul3A_33] : memref<10240xf32, #tpu.memory_space<vmem_shared>> -> memref<640xf32, #tpu.memory_space<vmem_shared>>
      tpu.enqueue_dma source(%arg9 : memref<640xf32, #tpu.memory_space<vmem>>) target(%dma_start3A_905 : memref<640xf32, #tpu.memory_space<vmem_shared>>) target_semaphore(%run_scoped3A : memref<!tpu.dma_semaphore, #tpu.memory_space<semaphore_mem>>)
      %dma_wait3A_906 = tpu.memref_slice %arg12[%mul3A_33] : memref<10240xf32, #tpu.memory_space<vmem_shared>> -> memref<640xf32, #tpu.memory_space<vmem_shared>>
      %dma_wait3A_907 = tpu.memref_slice %arg12[%mul3A_33] : memref<10240xf32, #tpu.memory_space<vmem_shared>> -> memref<640xf32, #tpu.memory_space<vmem_shared>>
      tpu.wait_dma2 semaphore(%run_scoped3A : memref<!tpu.dma_semaphore, #tpu.memory_space<semaphore_mem>>) src(%arg9 : memref<640xf32, #tpu.memory_space<vmem>>) dst(%dma_wait3A_907 : memref<640xf32, #tpu.memory_space<vmem_shared>>)
      tpu.yield
    }) : () -> ()
    %broadcast_in_dim3A = arith.constant 1.000000e+00 : f32
    %broadcast_in_dim3A_34 = vector.broadcast %broadcast_in_dim3A : f32 to vector<16xf32>
    %swap3A = arith.constant 0 : index
    %swap3A_35 = tpu.vector_load %arg6[%swap3A] {strides = array<i32>} : memref<128xf32, #tpu.memory_space<vmem>>, vector<16xf32>,
    tpu.vector_store %arg6[%swap3A], %broadcast_in_dim3A_34 {strides = array<i32>} : memref<128xf32, #tpu.memory_space<vmem>>, vector<16xf32>,
    %broadcast_in_dim3A_36 = arith.constant 1.000000e+00 : f32
    %broadcast_in_dim3A_37 = vector.broadcast %broadcast_in_dim3A_36 : f32 to vector<16xf32>
    %swap3A_38 = arith.constant 16 : index
    %swap3A_39 = tpu.vector_load %arg6[%swap3A_38] {strides = array<i32>} : memref<128xf32, #tpu.memory_space<vmem>>, vector<16xf32>,
    tpu.vector_store %arg6[%swap3A_38], %broadcast_in_dim3A_37 {strides = array<i32>} : memref<128xf32, #tpu.memory_space<vmem>>, vector<16xf32>,
    %broadcast_in_dim3A_40 = arith.constant 1.000000e+00 : f32
    %broadcast_in_dim3A_41 = vector.broadcast %broadcast_in_dim3A_40 : f32 to vector<16xf32>
    %swap3A_42 = arith.constant 32 : index
    %swap3A_43 = tpu.vector_load %arg6[%swap3A_42] {strides = array<i32>} : memref<128xf32, #tpu.memory_space<vmem>>, vector<16xf32>,
    tpu.vector_store %arg6[%swap3A_42], %broadcast_in_dim3A_41 {strides = array<i32>} : memref<128xf32, #tpu.memory_space<vmem>>, vector<16xf32>,
    %broadcast_in_dim3A_44 = arith.constant 1.000000e+00 : f32
    %broadcast_in_dim3A_45 = vector.broadcast %broadcast_in_dim3A_44 : f32 to vector<16xf32>
    %swap3A_46 = arith.constant 48 : index
    %swap3A_47 = tpu.vector_load %arg6[%swap3A_46] {strides = array<i32>} : memref<128xf32, #tpu.memory_space<vmem>>, vector<16xf32>,
    tpu.vector_store %arg6[%swap3A_46], %broadcast_in_dim3A_45 {strides = array<i32>} : memref<128xf32, #tpu.memory_space<vmem>>, vector<16xf32>,
    %broadcast_in_dim3A_48 = arith.constant 1.000000e+00 : f32
    %broadcast_in_dim3A_49 = vector.broadcast %broadcast_in_dim3A_48 : f32 to vector<16xf32>
    %swap3A_50 = arith.constant 64 : index
    %swap3A_51 = tpu.vector_load %arg6[%swap3A_50] {strides = array<i32>} : memref<128xf32, #tpu.memory_space<vmem>>, vector<16xf32>,
    tpu.vector_store %arg6[%swap3A_50], %broadcast_in_dim3A_49 {strides = array<i32>} : memref<128xf32, #tpu.memory_space<vmem>>, vector<16xf32>,
    %broadcast_in_dim3A_52 = arith.constant 1.000000e+00 : f32
    %broadcast_in_dim3A_53 = vector.broadcast %broadcast_in_dim3A_52 : f32 to vector<16xf32>
    %swap3A_54 = arith.constant 80 : index
    %swap3A_55 = tpu.vector_load %arg6[%swap3A_54] {strides = array<i32>} : memref<128xf32, #tpu.memory_space<vmem>>, vector<16xf32>,
    tpu.vector_store %arg6[%swap3A_54], %broadcast_in_dim3A_53 {strides = array<i32>} : memref<128xf32, #tpu.memory_space<vmem>>, vector<16xf32>,
    %broadcast_in_dim3A_56 = arith.constant 1.000000e+00 : f32
    %broadcast_in_dim3A_57 = vector.broadcast %broadcast_in_dim3A_56 : f32 to vector<16xf32>
    %swap3A_58 = arith.constant 96 : index
    %swap3A_59 = tpu.vector_load %arg6[%swap3A_58] {strides = array<i32>} : memref<128xf32, #tpu.memory_space<vmem>>, vector<16xf32>,
    tpu.vector_store %arg6[%swap3A_58], %broadcast_in_dim3A_57 {strides = array<i32>} : memref<128xf32, #tpu.memory_space<vmem>>, vector<16xf32>,
    %broadcast_in_dim3A_60 = arith.constant 1.000000e+00 : f32
    %broadcast_in_dim3A_61 = vector.broadcast %broadcast_in_dim3A_60 : f32 to vector<16xf32>
    %swap3A_62 = arith.constant 112 : index
    %swap3A_63 = tpu.vector_load %arg6[%swap3A_62] {strides = array<i32>} : memref<128xf32, #tpu.memory_space<vmem>>, vector<16xf32>,
    tpu.vector_store %arg6[%swap3A_62], %broadcast_in_dim3A_61 {strides = array<i32>} : memref<128xf32, #tpu.memory_space<vmem>>, vector<16xf32>,
    %dma_wait3A = arith.constant 1 : i32
    %dma_wait3A_64 = arith.constant 0 : i32
    %dma_wait3A_65 = tpu.memref_slice %arg4[%dma_wait3A_64] : memref<10112xi32, #tpu.memory_space<vmem>> -> memref<9984xi32, #tpu.memory_space<vmem>>
    %dma_wait3A_66 = tpu.memref_slice %arg2[%dma_wait3A, %mul3A_3] : memref<2x160000xi32, #tpu.memory_space<hbm>> -> memref<1x9984xi32, #tpu.memory_space<hbm>>
    %dma_wait3A_67 = tpu.memref_squeeze %dma_wait3A_66 : memref<1x9984xi32, #tpu.memory_space<hbm>> -> memref<9984xi32, #tpu.memory_space<hbm>>
    %dma_wait3A_68 = arith.constant 0 : i32
    %dma_wait3A_69 = tpu.memref_slice %arg4[%dma_wait3A_68] : memref<10112xi32, #tpu.memory_space<vmem>> -> memref<9984xi32, #tpu.memory_space<vmem>>
    %dma_wait3A_70 = tpu.memref_slice %arg2[%dma_wait3A, %mul3A_3] : memref<2x160000xi32, #tpu.memory_space<hbm>> -> memref<1x9984xi32, #tpu.memory_space<hbm>>
    %dma_wait3A_71 = tpu.memref_squeeze %dma_wait3A_70 : memref<1x9984xi32, #tpu.memory_space<hbm>> -> memref<9984xi32, #tpu.memory_space<hbm>>
    tpu.wait_dma2 semaphore(%arg14 : memref<!tpu.dma_semaphore, #tpu.memory_space<semaphore_mem>>) src(%dma_wait3A_71 : memref<9984xi32, #tpu.memory_space<hbm>>) dst(%dma_wait3A_69 : memref<9984xi32, #tpu.memory_space<vmem>>)
    %dma_wait3A_72 = arith.constant 0 : i32
    %dma_wait3A_73 = arith.constant 0 : i32
    %dma_wait3A_74 = tpu.memref_slice %arg5[%dma_wait3A_73] : memref<10112xi32, #tpu.memory_space<vmem>> -> memref<9984xi32, #tpu.memory_space<vmem>>
    %dma_wait3A_75 = tpu.memref_slice %arg2[%dma_wait3A_72, %mul3A_13] : memref<2x160000xi32, #tpu.memory_space<hbm>> -> memref<1x9984xi32, #tpu.memory_space<hbm>>
    %dma_wait3A_76 = tpu.memref_squeeze %dma_wait3A_75 : memref<1x9984xi32, #tpu.memory_space<hbm>> -> memref<9984xi32, #tpu.memory_space<hbm>>
    %dma_wait3A_77 = arith.constant 0 : i32
    %dma_wait3A_78 = tpu.memref_slice %arg5[%dma_wait3A_77] : memref<10112xi32, #tpu.memory_space<vmem>> -> memref<9984xi32, #tpu.memory_space<vmem>>
    %dma_wait3A_79 = tpu.memref_slice %arg2[%dma_wait3A_72, %mul3A_13] : memref<2x160000xi32, #tpu.memory_space<hbm>> -> memref<1x9984xi32, #tpu.memory_space<hbm>>
    %dma_wait3A_80 = tpu.memref_squeeze %dma_wait3A_79 : memref<1x9984xi32, #tpu.memory_space<hbm>> -> memref<9984xi32, #tpu.memory_space<hbm>>
    tpu.wait_dma2 semaphore(%arg14 : memref<!tpu.dma_semaphore, #tpu.memory_space<semaphore_mem>>) src(%dma_wait3A_80 : memref<9984xi32, #tpu.memory_space<hbm>>) dst(%dma_wait3A_78 : memref<9984xi32, #tpu.memory_space<vmem>>)
    %barrier3A = arith.constant 0 : index
    tpu.barrier barrier_id(%barrier3A)
    %dma_start3A_81 = arith.constant 0 : i32
    %dma_start3A_82 = tpu.memref_slice %arg4[%dma_start3A_81] : memref<10112xi32, #tpu.memory_space<vmem>> -> memref<128xi32, #tpu.memory_space<vmem>>
    %dma_start3A_83 = arith.constant 0 : i32
    %dma_start3A_84 = tpu.memref_slice %arg11[%dma_start3A_83] : memref<10240xf32, #tpu.memory_space<vmem_shared>> -> memref<10240xf32, #tpu.memory_space<vmem_shared>>
    tpu.enqueue_indirect_dma source(%arg6 : memref<128xf32, #tpu.memory_space<vmem>>) target(%dma_start3A_84 : memref<10240xf32, #tpu.memory_space<vmem_shared>>) offsets(%dma_start3A_82 : memref<128xi32, #tpu.memory_space<vmem>>) semaphore(%arg14 : memref<!tpu.dma_semaphore, #tpu.memory_space<semaphore_mem>>) {add = true}
    %dma_start3A_85 = arith.constant 128 : i32
    %dma_start3A_86 = tpu.memref_slice %arg4[%dma_start3A_85] : memref<10112xi32, #tpu.memory_space<vmem>> -> memref<128xi32, #tpu.memory_space<vmem>>
    %dma_start3A_87 = arith.constant 0 : i32
    %dma_start3A_88 = tpu.memref_slice %arg11[%dma_start3A_87] : memref<10240xf32, #tpu.memory_space<vmem_shared>> -> memref<10240xf32, #tpu.memory_space<vmem_shared>>
    tpu.enqueue_indirect_dma source(%arg6 : memref<128xf32, #tpu.memory_space<vmem>>) target(%dma_start3A_88 : memref<10240xf32, #tpu.memory_space<vmem_shared>>) offsets(%dma_start3A_86 : memref<128xi32, #tpu.memory_space<vmem>>) semaphore(%arg14 : memref<!tpu.dma_semaphore, #tpu.memory_space<semaphore_mem>>) {add = true}
    %dma_start3A_89 = arith.constant 256 : i32
    %dma_start3A_90 = tpu.memref_slice %arg4[%dma_start3A_89] : memref<10112xi32, #tpu.memory_space<vmem>> -> memref<128xi32, #tpu.memory_space<vmem>>
    %dma_start3A_91 = arith.constant 0 : i32
    %dma_start3A_92 = tpu.memref_slice %arg11[%dma_start3A_91] : memref<10240xf32, #tpu.memory_space<vmem_shared>> -> memref<10240xf32, #tpu.memory_space<vmem_shared>>
    tpu.enqueue_indirect_dma source(%arg6 : memref<128xf32, #tpu.memory_space<vmem>>) target(%dma_start3A_92 : memref<10240xf32, #tpu.memory_space<vmem_shared>>) offsets(%dma_start3A_90 : memref<128xi32, #tpu.memory_space<vmem>>) semaphore(%arg14 : memref<!tpu.dma_semaphore, #tpu.memory_space<semaphore_mem>>) {add = true}
    %dma_start3A_93 = arith.constant 384 : i32
    %dma_start3A_94 = tpu.memref_slice %arg4[%dma_start3A_93] : memref<10112xi32, #tpu.memory_space<vmem>> -> memref<128xi32, #tpu.memory_space<vmem>>
    %dma_start3A_95 = arith.constant 0 : i32
    %dma_start3A_96 = tpu.memref_slice %arg11[%dma_start3A_95] : memref<10240xf32, #tpu.memory_space<vmem_shared>> -> memref<10240xf32, #tpu.memory_space<vmem_shared>>
    tpu.enqueue_indirect_dma source(%arg6 : memref<128xf32, #tpu.memory_space<vmem>>) target(%dma_start3A_96 : memref<10240xf32, #tpu.memory_space<vmem_shared>>) offsets(%dma_start3A_94 : memref<128xi32, #tpu.memory_space<vmem>>) semaphore(%arg14 : memref<!tpu.dma_semaphore, #tpu.memory_space<semaphore_mem>>) {add = true}
    %dma_start3A_97 = arith.constant 512 : i32
    %dma_start3A_98 = tpu.memref_slice %arg4[%dma_start3A_97] : memref<10112xi32, #tpu.memory_space<vmem>> -> memref<128xi32, #tpu.memory_space<vmem>>
    %dma_start3A_99 = arith.constant 0 : i32
    %dma_start3A_100 = tpu.memref_slice %arg11[%dma_start3A_99] : memref<10240xf32, #tpu.memory_space<vmem_shared>> -> memref<10240xf32, #tpu.memory_space<vmem_shared>>
    tpu.enqueue_indirect_dma source(%arg6 : memref<128xf32, #tpu.memory_space<vmem>>) target(%dma_start3A_100 : memref<10240xf32, #tpu.memory_space<vmem_shared>>) offsets(%dma_start3A_98 : memref<128xi32, #tpu.memory_space<vmem>>) semaphore(%arg14 : memref<!tpu.dma_semaphore, #tpu.memory_space<semaphore_mem>>) {add = true}
    %dma_start3A_101 = arith.constant 640 : i32
    %dma_start3A_102 = tpu.memref_slice %arg4[%dma_start3A_101] : memref<10112xi32, #tpu.memory_space<vmem>> -> memref<128xi32, #tpu.memory_space<vmem>>
    %dma_start3A_103 = arith.constant 0 : i32
    %dma_start3A_104 = tpu.memref_slice %arg11[%dma_start3A_103] : memref<10240xf32, #tpu.memory_space<vmem_shared>> -> memref<10240xf32, #tpu.memory_space<vmem_shared>>
    tpu.enqueue_indirect_dma source(%arg6 : memref<128xf32, #tpu.memory_space<vmem>>) target(%dma_start3A_104 : memref<10240xf32, #tpu.memory_space<vmem_shared>>) offsets(%dma_start3A_102 : memref<128xi32, #tpu.memory_space<vmem>>) semaphore(%arg14 : memref<!tpu.dma_semaphore, #tpu.memory_space<semaphore_mem>>) {add = true}
    %dma_start3A_105 = arith.constant 768 : i32
    %dma_start3A_106 = tpu.memref_slice %arg4[%dma_start3A_105] : memref<10112xi32, #tpu.memory_space<vmem>> -> memref<128xi32, #tpu.memory_space<vmem>>
    %dma_start3A_107 = arith.constant 0 : i32
    %dma_start3A_108 = tpu.memref_slice %arg11[%dma_start3A_107] : memref<10240xf32, #tpu.memory_space<vmem_shared>> -> memref<10240xf32, #tpu.memory_space<vmem_shared>>
    tpu.enqueue_indirect_dma source(%arg6 : memref<128xf32, #tpu.memory_space<vmem>>) target(%dma_start3A_108 : memref<10240xf32, #tpu.memory_space<vmem_shared>>) offsets(%dma_start3A_106 : memref<128xi32, #tpu.memory_space<vmem>>) semaphore(%arg14 : memref<!tpu.dma_semaphore, #tpu.memory_space<semaphore_mem>>) {add = true}
    %dma_start3A_109 = arith.constant 896 : i32
    %dma_start3A_110 = tpu.memref_slice %arg4[%dma_start3A_109] : memref<10112xi32, #tpu.memory_space<vmem>> -> memref<128xi32, #tpu.memory_space<vmem>>
    %dma_start3A_111 = arith.constant 0 : i32
    %dma_start3A_112 = tpu.memref_slice %arg11[%dma_start3A_111] : memref<10240xf32, #tpu.memory_space<vmem_shared>> -> memref<10240xf32, #tpu.memory_space<vmem_shared>>
    tpu.enqueue_indirect_dma source(%arg6 : memref<128xf32, #tpu.memory_space<vmem>>) target(%dma_start3A_112 : memref<10240xf32, #tpu.memory_space<vmem_shared>>) offsets(%dma_start3A_110 : memref<128xi32, #tpu.memory_space<vmem>>) semaphore(%arg14 : memref<!tpu.dma_semaphore, #tpu.memory_space<semaphore_mem>>) {add = true}
    %dma_start3A_113 = arith.constant 1024 : i32
    %dma_start3A_114 = tpu.memref_slice %arg4[%dma_start3A_113] : memref<10112xi32, #tpu.memory_space<vmem>> -> memref<128xi32, #tpu.memory_space<vmem>>
    %dma_start3A_115 = arith.constant 0 : i32
    %dma_start3A_116 = tpu.memref_slice %arg11[%dma_start3A_115] : memref<10240xf32, #tpu.memory_space<vmem_shared>> -> memref<10240xf32, #tpu.memory_space<vmem_shared>>
    tpu.enqueue_indirect_dma source(%arg6 : memref<128xf32, #tpu.memory_space<vmem>>) target(%dma_start3A_116 : memref<10240xf32, #tpu.memory_space<vmem_shared>>) offsets(%dma_start3A_114 : memref<128xi32, #tpu.memory_space<vmem>>) semaphore(%arg14 : memref<!tpu.dma_semaphore, #tpu.memory_space<semaphore_mem>>) {add = true}
    %dma_start3A_117 = arith.constant 1152 : i32
    %dma_start3A_118 = tpu.memref_slice %arg4[%dma_start3A_117] : memref<10112xi32, #tpu.memory_space<vmem>> -> memref<128xi32, #tpu.memory_space<vmem>>
    %dma_start3A_119 = arith.constant 0 : i32
    %dma_start3A_120 = tpu.memref_slice %arg11[%dma_start3A_119] : memref<10240xf32, #tpu.memory_space<vmem_shared>> -> memref<10240xf32, #tpu.memory_space<vmem_shared>>
    tpu.enqueue_indirect_dma source(%arg6 : memref<128xf32, #tpu.memory_space<vmem>>) target(%dma_start3A_120 : memref<10240xf32, #tpu.memory_space<vmem_shared>>) offsets(%dma_start3A_118 : memref<128xi32, #tpu.memory_space<vmem>>) semaphore(%arg14 : memref<!tpu.dma_semaphore, #tpu.memory_space<semaphore_mem>>) {add = true}
    %dma_start3A_121 = arith.constant 1280 : i32
    %dma_start3A_122 = tpu.memref_slice %arg4[%dma_start3A_121] : memref<10112xi32, #tpu.memory_space<vmem>> -> memref<128xi32, #tpu.memory_space<vmem>>
    %dma_start3A_123 = arith.constant 0 : i32
    %dma_start3A_124 = tpu.memref_slice %arg11[%dma_start3A_123] : memref<10240xf32, #tpu.memory_space<vmem_shared>> -> memref<10240xf32, #tpu.memory_space<vmem_shared>>
    tpu.enqueue_indirect_dma source(%arg6 : memref<128xf32, #tpu.memory_space<vmem>>) target(%dma_start3A_124 : memref<10240xf32, #tpu.memory_space<vmem_shared>>) offsets(%dma_start3A_122 : memref<128xi32, #tpu.memory_space<vmem>>) semaphore(%arg14 : memref<!tpu.dma_semaphore, #tpu.memory_space<semaphore_mem>>) {add = true}
    %dma_start3A_125 = arith.constant 1408 : i32
    %dma_start3A_126 = tpu.memref_slice %arg4[%dma_start3A_125] : memref<10112xi32, #tpu.memory_space<vmem>> -> memref<128xi32, #tpu.memory_space<vmem>>
    %dma_start3A_127 = arith.constant 0 : i32
    %dma_start3A_128 = tpu.memref_slice %arg11[%dma_start3A_127] : memref<10240xf32, #tpu.memory_space<vmem_shared>> -> memref<10240xf32, #tpu.memory_space<vmem_shared>>
    tpu.enqueue_indirect_dma source(%arg6 : memref<128xf32, #tpu.memory_space<vmem>>) target(%dma_start3A_128 : memref<10240xf32, #tpu.memory_space<vmem_shared>>) offsets(%dma_start3A_126 : memref<128xi32, #tpu.memory_space<vmem>>) semaphore(%arg14 : memref<!tpu.dma_semaphore, #tpu.memory_space<semaphore_mem>>) {add = true}
    %dma_start3A_129 = arith.constant 1536 : i32
    %dma_start3A_130 = tpu.memref_slice %arg4[%dma_start3A_129] : memref<10112xi32, #tpu.memory_space<vmem>> -> memref<128xi32, #tpu.memory_space<vmem>>
    %dma_start3A_131 = arith.constant 0 : i32
    %dma_start3A_132 = tpu.memref_slice %arg11[%dma_start3A_131] : memref<10240xf32, #tpu.memory_space<vmem_shared>> -> memref<10240xf32, #tpu.memory_space<vmem_shared>>
    tpu.enqueue_indirect_dma source(%arg6 : memref<128xf32, #tpu.memory_space<vmem>>) target(%dma_start3A_132 : memref<10240xf32, #tpu.memory_space<vmem_shared>>) offsets(%dma_start3A_130 : memref<128xi32, #tpu.memory_space<vmem>>) semaphore(%arg14 : memref<!tpu.dma_semaphore, #tpu.memory_space<semaphore_mem>>) {add = true}
    %scan3A_133 = arith.constant 0 : i32
    %scan3A_134 = arith.constant 1 : i32
    %scan3A_135 = arith.constant 5 : i32
    %scan3A_136 = arith.addi %scan3A_134, %scan3A_135 : i32
    %scan3A_137 = arith.constant 1 : i32
    %scan3A_138 = scf.for %scan3A_904 = %scan3A_134 to %scan3A_136 step %scan3A_137 iter_args(%scan3A_905 = %scan3A_133) -> (i32)  : i32 {
      %mul3A_906 = arith.constant 13 : i32
      %mul3A_907 = arith.muli %scan3A_904, %mul3A_906 : i32
      %add3A_908 = arith.constant 0 : i32
      %add3A_909 = arith.addi %mul3A_907, %add3A_908 : i32
      %mul3A_910 = arith.constant 128 : i32
      %mul3A_911 = arith.muli %add3A_909, %mul3A_910 : i32
      %dma_start3A_912 = tpu.memref_slice %arg4[%mul3A_911] : memref<10112xi32, #tpu.memory_space<vmem>> -> memref<128xi32, #tpu.memory_space<vmem>>
      %dma_start3A_913 = arith.constant 0 : i32
      %dma_start3A_914 = tpu.memref_slice %arg11[%dma_start3A_913] : memref<10240xf32, #tpu.memory_space<vmem_shared>> -> memref<10240xf32, #tpu.memory_space<vmem_shared>>
      tpu.enqueue_indirect_dma source(%arg6 : memref<128xf32, #tpu.memory_space<vmem>>) target(%dma_start3A_914 : memref<10240xf32, #tpu.memory_space<vmem_shared>>) offsets(%dma_start3A_912 : memref<128xi32, #tpu.memory_space<vmem>>) semaphore(%arg14 : memref<!tpu.dma_semaphore, #tpu.memory_space<semaphore_mem>>) {add = true}
      %mul3A_915 = arith.constant 13 : i32
      %mul3A_916 = arith.muli %scan3A_904, %mul3A_915 : i32
      %add3A_917 = arith.constant 1 : i32
      %add3A_918 = arith.addi %mul3A_916, %add3A_917 : i32
      %mul3A_919 = arith.constant 128 : i32
      %mul3A_920 = arith.muli %add3A_918, %mul3A_919 : i32
      %dma_start3A_921 = tpu.memref_slice %arg4[%mul3A_920] : memref<10112xi32, #tpu.memory_space<vmem>> -> memref<128xi32, #tpu.memory_space<vmem>>
      %dma_start3A_922 = arith.constant 0 : i32
      %dma_start3A_923 = tpu.memref_slice %arg11[%dma_start3A_922] : memref<10240xf32, #tpu.memory_space<vmem_shared>> -> memref<10240xf32, #tpu.memory_space<vmem_shared>>
      tpu.enqueue_indirect_dma source(%arg6 : memref<128xf32, #tpu.memory_space<vmem>>) target(%dma_start3A_923 : memref<10240xf32, #tpu.memory_space<vmem_shared>>) offsets(%dma_start3A_921 : memref<128xi32, #tpu.memory_space<vmem>>) semaphore(%arg14 : memref<!tpu.dma_semaphore, #tpu.memory_space<semaphore_mem>>) {add = true}
      %mul3A_924 = arith.constant 13 : i32
      %mul3A_925 = arith.muli %scan3A_904, %mul3A_924 : i32
      %add3A_926 = arith.constant 2 : i32
      %add3A_927 = arith.addi %mul3A_925, %add3A_926 : i32
      %mul3A_928 = arith.constant 128 : i32
      %mul3A_929 = arith.muli %add3A_927, %mul3A_928 : i32
      %dma_start3A_930 = tpu.memref_slice %arg4[%mul3A_929] : memref<10112xi32, #tpu.memory_space<vmem>> -> memref<128xi32, #tpu.memory_space<vmem>>
      %dma_start3A_931 = arith.constant 0 : i32
      %dma_start3A_932 = tpu.memref_slice %arg11[%dma_start3A_931] : memref<10240xf32, #tpu.memory_space<vmem_shared>> -> memref<10240xf32, #tpu.memory_space<vmem_shared>>
      tpu.enqueue_indirect_dma source(%arg6 : memref<128xf32, #tpu.memory_space<vmem>>) target(%dma_start3A_932 : memref<10240xf32, #tpu.memory_space<vmem_shared>>) offsets(%dma_start3A_930 : memref<128xi32, #tpu.memory_space<vmem>>) semaphore(%arg14 : memref<!tpu.dma_semaphore, #tpu.memory_space<semaphore_mem>>) {add = true}
      %mul3A_933 = arith.constant 13 : i32
      %mul3A_934 = arith.muli %scan3A_904, %mul3A_933 : i32
      %add3A_935 = arith.constant 3 : i32
      %add3A_936 = arith.addi %mul3A_934, %add3A_935 : i32
      %mul3A_937 = arith.constant 128 : i32
      %mul3A_938 = arith.muli %add3A_936, %mul3A_937 : i32
      %dma_start3A_939 = tpu.memref_slice %arg4[%mul3A_938] : memref<10112xi32, #tpu.memory_space<vmem>> -> memref<128xi32, #tpu.memory_space<vmem>>
      %dma_start3A_940 = arith.constant 0 : i32
      %dma_start3A_941 = tpu.memref_slice %arg11[%dma_start3A_940] : memref<10240xf32, #tpu.memory_space<vmem_shared>> -> memref<10240xf32, #tpu.memory_space<vmem_shared>>
      tpu.enqueue_indirect_dma source(%arg6 : memref<128xf32, #tpu.memory_space<vmem>>) target(%dma_start3A_941 : memref<10240xf32, #tpu.memory_space<vmem_shared>>) offsets(%dma_start3A_939 : memref<128xi32, #tpu.memory_space<vmem>>) semaphore(%arg14 : memref<!tpu.dma_semaphore, #tpu.memory_space<semaphore_mem>>) {add = true}
      %mul3A_942 = arith.constant 13 : i32
      %mul3A_943 = arith.muli %scan3A_904, %mul3A_942 : i32
      %add3A_944 = arith.constant 4 : i32
      %add3A_945 = arith.addi %mul3A_943, %add3A_944 : i32
      %mul3A_946 = arith.constant 128 : i32
      %mul3A_947 = arith.muli %add3A_945, %mul3A_946 : i32
      %dma_start3A_948 = tpu.memref_slice %arg4[%mul3A_947] : memref<10112xi32, #tpu.memory_space<vmem>> -> memref<128xi32, #tpu.memory_space<vmem>>
      %dma_start3A_949 = arith.constant 0 : i32
      %dma_start3A_950 = tpu.memref_slice %arg11[%dma_start3A_949] : memref<10240xf32, #tpu.memory_space<vmem_shared>> -> memref<10240xf32, #tpu.memory_space<vmem_shared>>
      tpu.enqueue_indirect_dma source(%arg6 : memref<128xf32, #tpu.memory_space<vmem>>) target(%dma_start3A_950 : memref<10240xf32, #tpu.memory_space<vmem_shared>>) offsets(%dma_start3A_948 : memref<128xi32, #tpu.memory_space<vmem>>) semaphore(%arg14 : memref<!tpu.dma_semaphore, #tpu.memory_space<semaphore_mem>>) {add = true}
      %mul3A_951 = arith.constant 13 : i32
      %mul3A_952 = arith.muli %scan3A_904, %mul3A_951 : i32
      %add3A_953 = arith.constant 5 : i32
      %add3A_954 = arith.addi %mul3A_952, %add3A_953 : i32
      %mul3A_955 = arith.constant 128 : i32
      %mul3A_956 = arith.muli %add3A_954, %mul3A_955 : i32
      %dma_start3A_957 = tpu.memref_slice %arg4[%mul3A_956] : memref<10112xi32, #tpu.memory_space<vmem>> -> memref<128xi32, #tpu.memory_space<vmem>>
      %dma_start3A_958 = arith.constant 0 : i32
      %dma_start3A_959 = tpu.memref_slice %arg11[%dma_start3A_958] : memref<10240xf32, #tpu.memory_space<vmem_shared>> -> memref<10240xf32, #tpu.memory_space<vmem_shared>>
      tpu.enqueue_indirect_dma source(%arg6 : memref<128xf32, #tpu.memory_space<vmem>>) target(%dma_start3A_959 : memref<10240xf32, #tpu.memory_space<vmem_shared>>) offsets(%dma_start3A_957 : memref<128xi32, #tpu.memory_space<vmem>>) semaphore(%arg14 : memref<!tpu.dma_semaphore, #tpu.memory_space<semaphore_mem>>) {add = true}
      %mul3A_960 = arith.constant 13 : i32
      %mul3A_961 = arith.muli %scan3A_904, %mul3A_960 : i32
      %add3A_962 = arith.constant 6 : i32
      %add3A_963 = arith.addi %mul3A_961, %add3A_962 : i32
      %mul3A_964 = arith.constant 128 : i32
      %mul3A_965 = arith.muli %add3A_963, %mul3A_964 : i32
      %dma_start3A_966 = tpu.memref_slice %arg4[%mul3A_965] : memref<10112xi32, #tpu.memory_space<vmem>> -> memref<128xi32, #tpu.memory_space<vmem>>
      %dma_start3A_967 = arith.constant 0 : i32
      %dma_start3A_968 = tpu.memref_slice %arg11[%dma_start3A_967] : memref<10240xf32, #tpu.memory_space<vmem_shared>> -> memref<10240xf32, #tpu.memory_space<vmem_shared>>
      tpu.enqueue_indirect_dma source(%arg6 : memref<128xf32, #tpu.memory_space<vmem>>) target(%dma_start3A_968 : memref<10240xf32, #tpu.memory_space<vmem_shared>>) offsets(%dma_start3A_966 : memref<128xi32, #tpu.memory_space<vmem>>) semaphore(%arg14 : memref<!tpu.dma_semaphore, #tpu.memory_space<semaphore_mem>>) {add = true}
      %mul3A_969 = arith.constant 13 : i32
      %mul3A_970 = arith.muli %scan3A_904, %mul3A_969 : i32
      %add3A_971 = arith.constant 7 : i32
      %add3A_972 = arith.addi %mul3A_970, %add3A_971 : i32
      %mul3A_973 = arith.constant 128 : i32
      %mul3A_974 = arith.muli %add3A_972, %mul3A_973 : i32
      %dma_start3A_975 = tpu.memref_slice %arg4[%mul3A_974] : memref<10112xi32, #tpu.memory_space<vmem>> -> memref<128xi32, #tpu.memory_space<vmem>>
      %dma_start3A_976 = arith.constant 0 : i32
      %dma_start3A_977 = tpu.memref_slice %arg11[%dma_start3A_976] : memref<10240xf32, #tpu.memory_space<vmem_shared>> -> memref<10240xf32, #tpu.memory_space<vmem_shared>>
      tpu.enqueue_indirect_dma source(%arg6 : memref<128xf32, #tpu.memory_space<vmem>>) target(%dma_start3A_977 : memref<10240xf32, #tpu.memory_space<vmem_shared>>) offsets(%dma_start3A_975 : memref<128xi32, #tpu.memory_space<vmem>>) semaphore(%arg14 : memref<!tpu.dma_semaphore, #tpu.memory_space<semaphore_mem>>) {add = true}
      %mul3A_978 = arith.constant 13 : i32
      %mul3A_979 = arith.muli %scan3A_904, %mul3A_978 : i32
      %add3A_980 = arith.constant 8 : i32
      %add3A_981 = arith.addi %mul3A_979, %add3A_980 : i32
      %mul3A_982 = arith.constant 128 : i32
      %mul3A_983 = arith.muli %add3A_981, %mul3A_982 : i32
      %dma_start3A_984 = tpu.memref_slice %arg4[%mul3A_983] : memref<10112xi32, #tpu.memory_space<vmem>> -> memref<128xi32, #tpu.memory_space<vmem>>
      %dma_start3A_985 = arith.constant 0 : i32
      %dma_start3A_986 = tpu.memref_slice %arg11[%dma_start3A_985] : memref<10240xf32, #tpu.memory_space<vmem_shared>> -> memref<10240xf32, #tpu.memory_space<vmem_shared>>
      tpu.enqueue_indirect_dma source(%arg6 : memref<128xf32, #tpu.memory_space<vmem>>) target(%dma_start3A_986 : memref<10240xf32, #tpu.memory_space<vmem_shared>>) offsets(%dma_start3A_984 : memref<128xi32, #tpu.memory_space<vmem>>) semaphore(%arg14 : memref<!tpu.dma_semaphore, #tpu.memory_space<semaphore_mem>>) {add = true}
      %mul3A_987 = arith.constant 13 : i32
      %mul3A_988 = arith.muli %scan3A_904, %mul3A_987 : i32
      %add3A_989 = arith.constant 9 : i32
      %add3A_990 = arith.addi %mul3A_988, %add3A_989 : i32
      %mul3A_991 = arith.constant 128 : i32
      %mul3A_992 = arith.muli %add3A_990, %mul3A_991 : i32
      %dma_start3A_993 = tpu.memref_slice %arg4[%mul3A_992] : memref<10112xi32, #tpu.memory_space<vmem>> -> memref<128xi32, #tpu.memory_space<vmem>>
      %dma_start3A_994 = arith.constant 0 : i32
      %dma_start3A_995 = tpu.memref_slice %arg11[%dma_start3A_994] : memref<10240xf32, #tpu.memory_space<vmem_shared>> -> memref<10240xf32, #tpu.memory_space<vmem_shared>>
      tpu.enqueue_indirect_dma source(%arg6 : memref<128xf32, #tpu.memory_space<vmem>>) target(%dma_start3A_995 : memref<10240xf32, #tpu.memory_space<vmem_shared>>) offsets(%dma_start3A_993 : memref<128xi32, #tpu.memory_space<vmem>>) semaphore(%arg14 : memref<!tpu.dma_semaphore, #tpu.memory_space<semaphore_mem>>) {add = true}
      %mul3A_996 = arith.constant 13 : i32
      %mul3A_997 = arith.muli %scan3A_904, %mul3A_996 : i32
      %add3A_998 = arith.constant 10 : i32
      %add3A_999 = arith.addi %mul3A_997, %add3A_998 : i32
      %mul3A_1000 = arith.constant 128 : i32
      %mul3A_1001 = arith.muli %add3A_999, %mul3A_1000 : i32
      %dma_start3A_1002 = tpu.memref_slice %arg4[%mul3A_1001] : memref<10112xi32, #tpu.memory_space<vmem>> -> memref<128xi32, #tpu.memory_space<vmem>>
      %dma_start3A_1003 = arith.constant 0 : i32
      %dma_start3A_1004 = tpu.memref_slice %arg11[%dma_start3A_1003] : memref<10240xf32, #tpu.memory_space<vmem_shared>> -> memref<10240xf32, #tpu.memory_space<vmem_shared>>
      tpu.enqueue_indirect_dma source(%arg6 : memref<128xf32, #tpu.memory_space<vmem>>) target(%dma_start3A_1004 : memref<10240xf32, #tpu.memory_space<vmem_shared>>) offsets(%dma_start3A_1002 : memref<128xi32, #tpu.memory_space<vmem>>) semaphore(%arg14 : memref<!tpu.dma_semaphore, #tpu.memory_space<semaphore_mem>>) {add = true}
      %mul3A_1005 = arith.constant 13 : i32
      %mul3A_1006 = arith.muli %scan3A_904, %mul3A_1005 : i32
      %add3A_1007 = arith.constant 11 : i32
      %add3A_1008 = arith.addi %mul3A_1006, %add3A_1007 : i32
      %mul3A_1009 = arith.constant 128 : i32
      %mul3A_1010 = arith.muli %add3A_1008, %mul3A_1009 : i32
      %dma_start3A_1011 = tpu.memref_slice %arg4[%mul3A_1010] : memref<10112xi32, #tpu.memory_space<vmem>> -> memref<128xi32, #tpu.memory_space<vmem>>
      %dma_start3A_1012 = arith.constant 0 : i32
      %dma_start3A_1013 = tpu.memref_slice %arg11[%dma_start3A_1012] : memref<10240xf32, #tpu.memory_space<vmem_shared>> -> memref<10240xf32, #tpu.memory_space<vmem_shared>>
      tpu.enqueue_indirect_dma source(%arg6 : memref<128xf32, #tpu.memory_space<vmem>>) target(%dma_start3A_1013 : memref<10240xf32, #tpu.memory_space<vmem_shared>>) offsets(%dma_start3A_1011 : memref<128xi32, #tpu.memory_space<vmem>>) semaphore(%arg14 : memref<!tpu.dma_semaphore, #tpu.memory_space<semaphore_mem>>) {add = true}
      %mul3A_1014 = arith.constant 13 : i32
      %mul3A_1015 = arith.muli %scan3A_904, %mul3A_1014 : i32
      %add3A_1016 = arith.constant 12 : i32
      %add3A_1017 = arith.addi %mul3A_1015, %add3A_1016 : i32
      %mul3A_1018 = arith.constant 128 : i32
      %mul3A_1019 = arith.muli %add3A_1017, %mul3A_1018 : i32
      %dma_start3A_1020 = tpu.memref_slice %arg4[%mul3A_1019] : memref<10112xi32, #tpu.memory_space<vmem>> -> memref<128xi32, #tpu.memory_space<vmem>>
      %dma_start3A_1021 = arith.constant 0 : i32
      %dma_start3A_1022 = tpu.memref_slice %arg11[%dma_start3A_1021] : memref<10240xf32, #tpu.memory_space<vmem_shared>> -> memref<10240xf32, #tpu.memory_space<vmem_shared>>
      tpu.enqueue_indirect_dma source(%arg6 : memref<128xf32, #tpu.memory_space<vmem>>) target(%dma_start3A_1022 : memref<10240xf32, #tpu.memory_space<vmem_shared>>) offsets(%dma_start3A_1020 : memref<128xi32, #tpu.memory_space<vmem>>) semaphore(%arg14 : memref<!tpu.dma_semaphore, #tpu.memory_space<semaphore_mem>>) {add = true}
      %dma_wait3A_1023 = tpu.memref_slice %arg4[%mul3A_911] : memref<10112xi32, #tpu.memory_space<vmem>> -> memref<128xi32, #tpu.memory_space<vmem>>
      %dma_wait3A_1024 = arith.constant 0 : i32
      %dma_wait3A_1025 = tpu.memref_slice %arg11[%dma_wait3A_1024] : memref<10240xf32, #tpu.memory_space<vmem_shared>> -> memref<10240xf32, #tpu.memory_space<vmem_shared>>
      tpu.wait_indirect_dma semaphore(%arg14 : memref<!tpu.dma_semaphore, #tpu.memory_space<semaphore_mem>>) src(%arg6 : memref<128xf32, #tpu.memory_space<vmem>>) dst(%dma_wait3A_1025 : memref<10240xf32, #tpu.memory_space<vmem_shared>>)
      %dma_wait3A_1026 = tpu.memref_slice %arg4[%mul3A_920] : memref<10112xi32, #tpu.memory_space<vmem>> -> memref<128xi32, #tpu.memory_space<vmem>>
      %dma_wait3A_1027 = arith.constant 0 : i32
      %dma_wait3A_1028 = tpu.memref_slice %arg11[%dma_wait3A_1027] : memref<10240xf32, #tpu.memory_space<vmem_shared>> -> memref<10240xf32, #tpu.memory_space<vmem_shared>>
      tpu.wait_indirect_dma semaphore(%arg14 : memref<!tpu.dma_semaphore, #tpu.memory_space<semaphore_mem>>) src(%arg6 : memref<128xf32, #tpu.memory_space<vmem>>) dst(%dma_wait3A_1028 : memref<10240xf32, #tpu.memory_space<vmem_shared>>)
      %dma_wait3A_1029 = tpu.memref_slice %arg4[%mul3A_929] : memref<10112xi32, #tpu.memory_space<vmem>> -> memref<128xi32, #tpu.memory_space<vmem>>
      %dma_wait3A_1030 = arith.constant 0 : i32
      %dma_wait3A_1031 = tpu.memref_slice %arg11[%dma_wait3A_1030] : memref<10240xf32, #tpu.memory_space<vmem_shared>> -> memref<10240xf32, #tpu.memory_space<vmem_shared>>
      tpu.wait_indirect_dma semaphore(%arg14 : memref<!tpu.dma_semaphore, #tpu.memory_space<semaphore_mem>>) src(%arg6 : memref<128xf32, #tpu.memory_space<vmem>>) dst(%dma_wait3A_1031 : memref<10240xf32, #tpu.memory_space<vmem_shared>>)
      %dma_wait3A_1032 = tpu.memref_slice %arg4[%mul3A_938] : memref<10112xi32, #tpu.memory_space<vmem>> -> memref<128xi32, #tpu.memory_space<vmem>>
      %dma_wait3A_1033 = arith.constant 0 : i32
      %dma_wait3A_1034 = tpu.memref_slice %arg11[%dma_wait3A_1033] : memref<10240xf32, #tpu.memory_space<vmem_shared>> -> memref<10240xf32, #tpu.memory_space<vmem_shared>>
      tpu.wait_indirect_dma semaphore(%arg14 : memref<!tpu.dma_semaphore, #tpu.memory_space<semaphore_mem>>) src(%arg6 : memref<128xf32, #tpu.memory_space<vmem>>) dst(%dma_wait3A_1034 : memref<10240xf32, #tpu.memory_space<vmem_shared>>)
      %dma_wait3A_1035 = tpu.memref_slice %arg4[%mul3A_947] : memref<10112xi32, #tpu.memory_space<vmem>> -> memref<128xi32, #tpu.memory_space<vmem>>
      %dma_wait3A_1036 = arith.constant 0 : i32
      %dma_wait3A_1037 = tpu.memref_slice %arg11[%dma_wait3A_1036] : memref<10240xf32, #tpu.memory_space<vmem_shared>> -> memref<10240xf32, #tpu.memory_space<vmem_shared>>
      tpu.wait_indirect_dma semaphore(%arg14 : memref<!tpu.dma_semaphore, #tpu.memory_space<semaphore_mem>>) src(%arg6 : memref<128xf32, #tpu.memory_space<vmem>>) dst(%dma_wait3A_1037 : memref<10240xf32, #tpu.memory_space<vmem_shared>>)
      %dma_wait3A_1038 = tpu.memref_slice %arg4[%mul3A_956] : memref<10112xi32, #tpu.memory_space<vmem>> -> memref<128xi32, #tpu.memory_space<vmem>>
      %dma_wait3A_1039 = arith.constant 0 : i32
      %dma_wait3A_1040 = tpu.memref_slice %arg11[%dma_wait3A_1039] : memref<10240xf32, #tpu.memory_space<vmem_shared>> -> memref<10240xf32, #tpu.memory_space<vmem_shared>>
      tpu.wait_indirect_dma semaphore(%arg14 : memref<!tpu.dma_semaphore, #tpu.memory_space<semaphore_mem>>) src(%arg6 : memref<128xf32, #tpu.memory_space<vmem>>) dst(%dma_wait3A_1040 : memref<10240xf32, #tpu.memory_space<vmem_shared>>)
      %dma_wait3A_1041 = tpu.memref_slice %arg4[%mul3A_965] : memref<10112xi32, #tpu.memory_space<vmem>> -> memref<128xi32, #tpu.memory_space<vmem>>
      %dma_wait3A_1042 = arith.constant 0 : i32
      %dma_wait3A_1043 = tpu.memref_slice %arg11[%dma_wait3A_1042] : memref<10240xf32, #tpu.memory_space<vmem_shared>> -> memref<10240xf32, #tpu.memory_space<vmem_shared>>
      tpu.wait_indirect_dma semaphore(%arg14 : memref<!tpu.dma_semaphore, #tpu.memory_space<semaphore_mem>>) src(%arg6 : memref<128xf32, #tpu.memory_space<vmem>>) dst(%dma_wait3A_1043 : memref<10240xf32, #tpu.memory_space<vmem_shared>>)
      %dma_wait3A_1044 = tpu.memref_slice %arg4[%mul3A_974] : memref<10112xi32, #tpu.memory_space<vmem>> -> memref<128xi32, #tpu.memory_space<vmem>>
      %dma_wait3A_1045 = arith.constant 0 : i32
      %dma_wait3A_1046 = tpu.memref_slice %arg11[%dma_wait3A_1045] : memref<10240xf32, #tpu.memory_space<vmem_shared>> -> memref<10240xf32, #tpu.memory_space<vmem_shared>>
      tpu.wait_indirect_dma semaphore(%arg14 : memref<!tpu.dma_semaphore, #tpu.memory_space<semaphore_mem>>) src(%arg6 : memref<128xf32, #tpu.memory_space<vmem>>) dst(%dma_wait3A_1046 : memref<10240xf32, #tpu.memory_space<vmem_shared>>)
      %dma_wait3A_1047 = tpu.memref_slice %arg4[%mul3A_983] : memref<10112xi32, #tpu.memory_space<vmem>> -> memref<128xi32, #tpu.memory_space<vmem>>
      %dma_wait3A_1048 = arith.constant 0 : i32
      %dma_wait3A_1049 = tpu.memref_slice %arg11[%dma_wait3A_1048] : memref<10240xf32, #tpu.memory_space<vmem_shared>> -> memref<10240xf32, #tpu.memory_space<vmem_shared>>
      tpu.wait_indirect_dma semaphore(%arg14 : memref<!tpu.dma_semaphore, #tpu.memory_space<semaphore_mem>>) src(%arg6 : memref<128xf32, #tpu.memory_space<vmem>>) dst(%dma_wait3A_1049 : memref<10240xf32, #tpu.memory_space<vmem_shared>>)
      %dma_wait3A_1050 = tpu.memref_slice %arg4[%mul3A_992] : memref<10112xi32, #tpu.memory_space<vmem>> -> memref<128xi32, #tpu.memory_space<vmem>>
      %dma_wait3A_1051 = arith.constant 0 : i32
      %dma_wait3A_1052 = tpu.memref_slice %arg11[%dma_wait3A_1051] : memref<10240xf32, #tpu.memory_space<vmem_shared>> -> memref<10240xf32, #tpu.memory_space<vmem_shared>>
      tpu.wait_indirect_dma semaphore(%arg14 : memref<!tpu.dma_semaphore, #tpu.memory_space<semaphore_mem>>) src(%arg6 : memref<128xf32, #tpu.memory_space<vmem>>) dst(%dma_wait3A_1052 : memref<10240xf32, #tpu.memory_space<vmem_shared>>)
      %dma_wait3A_1053 = tpu.memref_slice %arg4[%mul3A_1001] : memref<10112xi32, #tpu.memory_space<vmem>> -> memref<128xi32, #tpu.memory_space<vmem>>
      %dma_wait3A_1054 = arith.constant 0 : i32
      %dma_wait3A_1055 = tpu.memref_slice %arg11[%dma_wait3A_1054] : memref<10240xf32, #tpu.memory_space<vmem_shared>> -> memref<10240xf32, #tpu.memory_space<vmem_shared>>
      tpu.wait_indirect_dma semaphore(%arg14 : memref<!tpu.dma_semaphore, #tpu.memory_space<semaphore_mem>>) src(%arg6 : memref<128xf32, #tpu.memory_space<vmem>>) dst(%dma_wait3A_1055 : memref<10240xf32, #tpu.memory_space<vmem_shared>>)
      %dma_wait3A_1056 = tpu.memref_slice %arg4[%mul3A_1010] : memref<10112xi32, #tpu.memory_space<vmem>> -> memref<128xi32, #tpu.memory_space<vmem>>
      %dma_wait3A_1057 = arith.constant 0 : i32
      %dma_wait3A_1058 = tpu.memref_slice %arg11[%dma_wait3A_1057] : memref<10240xf32, #tpu.memory_space<vmem_shared>> -> memref<10240xf32, #tpu.memory_space<vmem_shared>>
      tpu.wait_indirect_dma semaphore(%arg14 : memref<!tpu.dma_semaphore, #tpu.memory_space<semaphore_mem>>) src(%arg6 : memref<128xf32, #tpu.memory_space<vmem>>) dst(%dma_wait3A_1058 : memref<10240xf32, #tpu.memory_space<vmem_shared>>)
      %dma_wait3A_1059 = tpu.memref_slice %arg4[%mul3A_1019] : memref<10112xi32, #tpu.memory_space<vmem>> -> memref<128xi32, #tpu.memory_space<vmem>>
      %dma_wait3A_1060 = arith.constant 0 : i32
      %dma_wait3A_1061 = tpu.memref_slice %arg11[%dma_wait3A_1060] : memref<10240xf32, #tpu.memory_space<vmem_shared>> -> memref<10240xf32, #tpu.memory_space<vmem_shared>>
      tpu.wait_indirect_dma semaphore(%arg14 : memref<!tpu.dma_semaphore, #tpu.memory_space<semaphore_mem>>) src(%arg6 : memref<128xf32, #tpu.memory_space<vmem>>) dst(%dma_wait3A_1061 : memref<10240xf32, #tpu.memory_space<vmem_shared>>)
      %scan3A_1062 = arith.constant 0 : i32
      scf.yield %scan3A_1062 : i32
    }
    %scan3A_139 = arith.constant 5 : i32
    %dma_wait3A_140 = arith.constant 0 : i32
    %dma_wait3A_141 = tpu.memref_slice %arg4[%dma_wait3A_140] : memref<10112xi32, #tpu.memory_space<vmem>> -> memref<128xi32, #tpu.memory_space<vmem>>
    %dma_wait3A_142 = arith.constant 0 : i32
    %dma_wait3A_143 = tpu.memref_slice %arg11[%dma_wait3A_142] : memref<10240xf32, #tpu.memory_space<vmem_shared>> -> memref<10240xf32, #tpu.memory_space<vmem_shared>>
    tpu.wait_indirect_dma semaphore(%arg14 : memref<!tpu.dma_semaphore, #tpu.memory_space<semaphore_mem>>) src(%arg6 : memref<128xf32, #tpu.memory_space<vmem>>) dst(%dma_wait3A_143 : memref<10240xf32, #tpu.memory_space<vmem_shared>>)
    %dma_wait3A_144 = arith.constant 128 : i32
    %dma_wait3A_145 = tpu.memref_slice %arg4[%dma_wait3A_144] : memref<10112xi32, #tpu.memory_space<vmem>> -> memref<128xi32, #tpu.memory_space<vmem>>
    %dma_wait3A_146 = arith.constant 0 : i32
    %dma_wait3A_147 = tpu.memref_slice %arg11[%dma_wait3A_146] : memref<10240xf32, #tpu.memory_space<vmem_shared>> -> memref<10240xf32, #tpu.memory_space<vmem_shared>>
    tpu.wait_indirect_dma semaphore(%arg14 : memref<!tpu.dma_semaphore, #tpu.memory_space<semaphore_mem>>) src(%arg6 : memref<128xf32, #tpu.memory_space<vmem>>) dst(%dma_wait3A_147 : memref<10240xf32, #tpu.memory_space<vmem_shared>>)
    %dma_wait3A_148 = arith.constant 256 : i32
    %dma_wait3A_149 = tpu.memref_slice %arg4[%dma_wait3A_148] : memref<10112xi32, #tpu.memory_space<vmem>> -> memref<128xi32, #tpu.memory_space<vmem>>
    %dma_wait3A_150 = arith.constant 0 : i32
    %dma_wait3A_151 = tpu.memref_slice %arg11[%dma_wait3A_150] : memref<10240xf32, #tpu.memory_space<vmem_shared>> -> memref<10240xf32, #tpu.memory_space<vmem_shared>>
    tpu.wait_indirect_dma semaphore(%arg14 : memref<!tpu.dma_semaphore, #tpu.memory_space<semaphore_mem>>) src(%arg6 : memref<128xf32, #tpu.memory_space<vmem>>) dst(%dma_wait3A_151 : memref<10240xf32, #tpu.memory_space<vmem_shared>>)
    %dma_wait3A_152 = arith.constant 384 : i32
    %dma_wait3A_153 = tpu.memref_slice %arg4[%dma_wait3A_152] : memref<10112xi32, #tpu.memory_space<vmem>> -> memref<128xi32, #tpu.memory_space<vmem>>
    %dma_wait3A_154 = arith.constant 0 : i32
    %dma_wait3A_155 = tpu.memref_slice %arg11[%dma_wait3A_154] : memref<10240xf32, #tpu.memory_space<vmem_shared>> -> memref<10240xf32, #tpu.memory_space<vmem_shared>>
    tpu.wait_indirect_dma semaphore(%arg14 : memref<!tpu.dma_semaphore, #tpu.memory_space<semaphore_mem>>) src(%arg6 : memref<128xf32, #tpu.memory_space<vmem>>) dst(%dma_wait3A_155 : memref<10240xf32, #tpu.memory_space<vmem_shared>>)
    %dma_wait3A_156 = arith.constant 512 : i32
    %dma_wait3A_157 = tpu.memref_slice %arg4[%dma_wait3A_156] : memref<10112xi32, #tpu.memory_space<vmem>> -> memref<128xi32, #tpu.memory_space<vmem>>
    %dma_wait3A_158 = arith.constant 0 : i32
    %dma_wait3A_159 = tpu.memref_slice %arg11[%dma_wait3A_158] : memref<10240xf32, #tpu.memory_space<vmem_shared>> -> memref<10240xf32, #tpu.memory_space<vmem_shared>>
    tpu.wait_indirect_dma semaphore(%arg14 : memref<!tpu.dma_semaphore, #tpu.memory_space<semaphore_mem>>) src(%arg6 : memref<128xf32, #tpu.memory_space<vmem>>) dst(%dma_wait3A_159 : memref<10240xf32, #tpu.memory_space<vmem_shared>>)
    %dma_wait3A_160 = arith.constant 640 : i32
    %dma_wait3A_161 = tpu.memref_slice %arg4[%dma_wait3A_160] : memref<10112xi32, #tpu.memory_space<vmem>> -> memref<128xi32, #tpu.memory_space<vmem>>
    %dma_wait3A_162 = arith.constant 0 : i32
    %dma_wait3A_163 = tpu.memref_slice %arg11[%dma_wait3A_162] : memref<10240xf32, #tpu.memory_space<vmem_shared>> -> memref<10240xf32, #tpu.memory_space<vmem_shared>>
    tpu.wait_indirect_dma semaphore(%arg14 : memref<!tpu.dma_semaphore, #tpu.memory_space<semaphore_mem>>) src(%arg6 : memref<128xf32, #tpu.memory_space<vmem>>) dst(%dma_wait3A_163 : memref<10240xf32, #tpu.memory_space<vmem_shared>>)
    %dma_wait3A_164 = arith.constant 768 : i32
    %dma_wait3A_165 = tpu.memref_slice %arg4[%dma_wait3A_164] : memref<10112xi32, #tpu.memory_space<vmem>> -> memref<128xi32, #tpu.memory_space<vmem>>
    %dma_wait3A_166 = arith.constant 0 : i32
    %dma_wait3A_167 = tpu.memref_slice %arg11[%dma_wait3A_166] : memref<10240xf32, #tpu.memory_space<vmem_shared>> -> memref<10240xf32, #tpu.memory_space<vmem_shared>>
    tpu.wait_indirect_dma semaphore(%arg14 : memref<!tpu.dma_semaphore, #tpu.memory_space<semaphore_mem>>) src(%arg6 : memref<128xf32, #tpu.memory_space<vmem>>) dst(%dma_wait3A_167 : memref<10240xf32, #tpu.memory_space<vmem_shared>>)
    %dma_wait3A_168 = arith.constant 896 : i32
    %dma_wait3A_169 = tpu.memref_slice %arg4[%dma_wait3A_168] : memref<10112xi32, #tpu.memory_space<vmem>> -> memref<128xi32, #tpu.memory_space<vmem>>
    %dma_wait3A_170 = arith.constant 0 : i32
    %dma_wait3A_171 = tpu.memref_slice %arg11[%dma_wait3A_170] : memref<10240xf32, #tpu.memory_space<vmem_shared>> -> memref<10240xf32, #tpu.memory_space<vmem_shared>>
    tpu.wait_indirect_dma semaphore(%arg14 : memref<!tpu.dma_semaphore, #tpu.memory_space<semaphore_mem>>) src(%arg6 : memref<128xf32, #tpu.memory_space<vmem>>) dst(%dma_wait3A_171 : memref<10240xf32, #tpu.memory_space<vmem_shared>>)
    %dma_wait3A_172 = arith.constant 1024 : i32
    %dma_wait3A_173 = tpu.memref_slice %arg4[%dma_wait3A_172] : memref<10112xi32, #tpu.memory_space<vmem>> -> memref<128xi32, #tpu.memory_space<vmem>>
    %dma_wait3A_174 = arith.constant 0 : i32
    %dma_wait3A_175 = tpu.memref_slice %arg11[%dma_wait3A_174] : memref<10240xf32, #tpu.memory_space<vmem_shared>> -> memref<10240xf32, #tpu.memory_space<vmem_shared>>
    tpu.wait_indirect_dma semaphore(%arg14 : memref<!tpu.dma_semaphore, #tpu.memory_space<semaphore_mem>>) src(%arg6 : memref<128xf32, #tpu.memory_space<vmem>>) dst(%dma_wait3A_175 : memref<10240xf32, #tpu.memory_space<vmem_shared>>)
    %dma_wait3A_176 = arith.constant 1152 : i32
    %dma_wait3A_177 = tpu.memref_slice %arg4[%dma_wait3A_176] : memref<10112xi32, #tpu.memory_space<vmem>> -> memref<128xi32, #tpu.memory_space<vmem>>
    %dma_wait3A_178 = arith.constant 0 : i32
    %dma_wait3A_179 = tpu.memref_slice %arg11[%dma_wait3A_178] : memref<10240xf32, #tpu.memory_space<vmem_shared>> -> memref<10240xf32, #tpu.memory_space<vmem_shared>>
    tpu.wait_indirect_dma semaphore(%arg14 : memref<!tpu.dma_semaphore, #tpu.memory_space<semaphore_mem>>) src(%arg6 : memref<128xf32, #tpu.memory_space<vmem>>) dst(%dma_wait3A_179 : memref<10240xf32, #tpu.memory_space<vmem_shared>>)
    %dma_wait3A_180 = arith.constant 1280 : i32
    %dma_wait3A_181 = tpu.memref_slice %arg4[%dma_wait3A_180] : memref<10112xi32, #tpu.memory_space<vmem>> -> memref<128xi32, #tpu.memory_space<vmem>>
    %dma_wait3A_182 = arith.constant 0 : i32
    %dma_wait3A_183 = tpu.memref_slice %arg11[%dma_wait3A_182] : memref<10240xf32, #tpu.memory_space<vmem_shared>> -> memref<10240xf32, #tpu.memory_space<vmem_shared>>
    tpu.wait_indirect_dma semaphore(%arg14 : memref<!tpu.dma_semaphore, #tpu.memory_space<semaphore_mem>>) src(%arg6 : memref<128xf32, #tpu.memory_space<vmem>>) dst(%dma_wait3A_183 : memref<10240xf32, #tpu.memory_space<vmem_shared>>)
    %dma_wait3A_184 = arith.constant 1408 : i32
    %dma_wait3A_185 = tpu.memref_slice %arg4[%dma_wait3A_184] : memref<10112xi32, #tpu.memory_space<vmem>> -> memref<128xi32, #tpu.memory_space<vmem>>
    %dma_wait3A_186 = arith.constant 0 : i32
    %dma_wait3A_187 = tpu.memref_slice %arg11[%dma_wait3A_186] : memref<10240xf32, #tpu.memory_space<vmem_shared>> -> memref<10240xf32, #tpu.memory_space<vmem_shared>>
    tpu.wait_indirect_dma semaphore(%arg14 : memref<!tpu.dma_semaphore, #tpu.memory_space<semaphore_mem>>) src(%arg6 : memref<128xf32, #tpu.memory_space<vmem>>) dst(%dma_wait3A_187 : memref<10240xf32, #tpu.memory_space<vmem_shared>>)
    %dma_wait3A_188 = arith.constant 1536 : i32
    %dma_wait3A_189 = tpu.memref_slice %arg4[%dma_wait3A_188] : memref<10112xi32, #tpu.memory_space<vmem>> -> memref<128xi32, #tpu.memory_space<vmem>>
    %dma_wait3A_190 = arith.constant 0 : i32
    %dma_wait3A_191 = tpu.memref_slice %arg11[%dma_wait3A_190] : memref<10240xf32, #tpu.memory_space<vmem_shared>> -> memref<10240xf32, #tpu.memory_space<vmem_shared>>
    tpu.wait_indirect_dma semaphore(%arg14 : memref<!tpu.dma_semaphore, #tpu.memory_space<semaphore_mem>>) src(%arg6 : memref<128xf32, #tpu.memory_space<vmem>>) dst(%dma_wait3A_191 : memref<10240xf32, #tpu.memory_space<vmem_shared>>)
    %convert_element_type3A_192 = arith.extui %lt3A_1 : i1 to i32
    %cond3A_193 = arith.constant 0 : i32
    %cond3A_194 = arith.cmpi ne, %convert_element_type3A_192, %cond3A_193 : i32
    scf.if %cond3A_194 {
      "tpu.region"() ({
        %run_scoped3A = tpu.sem_alloc : memref<!tpu.dma_semaphore, #tpu.memory_space<semaphore_mem>>
        %dma_start3A_904 = arith.constant 9984 : i32
        %dma_start3A_905 = tpu.memref_slice %arg4[%dma_start3A_904] : memref<10112xi32, #tpu.memory_space<vmem>> -> memref<128xi32, #tpu.memory_space<vmem>>
        %dma_start3A_906 = arith.constant 0 : i32
        %dma_start3A_907 = tpu.memref_slice %arg11[%dma_start3A_906] : memref<10240xf32, #tpu.memory_space<vmem_shared>> -> memref<10240xf32, #tpu.memory_space<vmem_shared>>
        tpu.enqueue_indirect_dma source(%arg6 : memref<128xf32, #tpu.memory_space<vmem>>) target(%dma_start3A_907 : memref<10240xf32, #tpu.memory_space<vmem_shared>>) offsets(%dma_start3A_905 : memref<128xi32, #tpu.memory_space<vmem>>) semaphore(%run_scoped3A : memref<!tpu.dma_semaphore, #tpu.memory_space<semaphore_mem>>) {add = true}
        %dma_wait3A_908 = arith.constant 9984 : i32
        %dma_wait3A_909 = tpu.memref_slice %arg4[%dma_wait3A_908] : memref<10112xi32, #tpu.memory_space<vmem>> -> memref<128xi32, #tpu.memory_space<vmem>>
        %dma_wait3A_910 = arith.constant 0 : i32
        %dma_wait3A_911 = tpu.memref_slice %arg11[%dma_wait3A_910] : memref<10240xf32, #tpu.memory_space<vmem_shared>> -> memref<10240xf32, #tpu.memory_space<vmem_shared>>
        tpu.wait_indirect_dma semaphore(%run_scoped3A : memref<!tpu.dma_semaphore, #tpu.memory_space<semaphore_mem>>) src(%arg6 : memref<128xf32, #tpu.memory_space<vmem>>) dst(%dma_wait3A_911 : memref<10240xf32, #tpu.memory_space<vmem_shared>>)
        tpu.yield
      }) : () -> ()
    } else {
    }
    %barrier3A_195 = arith.constant 0 : index
    tpu.barrier barrier_id(%barrier3A_195)
    %mul3A_196 = arith.constant 640 : i32
    %mul3A_197 = arith.muli %arg1, %mul3A_196 : i32
    "tpu.region"() ({
      %run_scoped3A = tpu.sem_alloc : memref<!tpu.dma_semaphore, #tpu.memory_space<semaphore_mem>>
      %dma_start3A_904 = tpu.memref_slice %arg11[%mul3A_197] : memref<10240xf32, #tpu.memory_space<vmem_shared>> -> memref<640xf32, #tpu.memory_space<vmem_shared>>
      %dma_start3A_905 = tpu.memref_slice %arg11[%mul3A_197] : memref<10240xf32, #tpu.memory_space<vmem_shared>> -> memref<640xf32, #tpu.memory_space<vmem_shared>>
      tpu.enqueue_dma source(%dma_start3A_905 : memref<640xf32, #tpu.memory_space<vmem_shared>>) target(%arg9 : memref<640xf32, #tpu.memory_space<vmem>>) target_semaphore(%run_scoped3A : memref<!tpu.dma_semaphore, #tpu.memory_space<semaphore_mem>>)
      %dma_wait3A_906 = tpu.memref_slice %arg11[%mul3A_197] : memref<10240xf32, #tpu.memory_space<vmem_shared>> -> memref<640xf32, #tpu.memory_space<vmem_shared>>
      %dma_wait3A_907 = tpu.memref_slice %arg11[%mul3A_197] : memref<10240xf32, #tpu.memory_space<vmem_shared>> -> memref<640xf32, #tpu.memory_space<vmem_shared>>
      tpu.wait_dma2 semaphore(%run_scoped3A : memref<!tpu.dma_semaphore, #tpu.memory_space<semaphore_mem>>) src(%dma_wait3A_907 : memref<640xf32, #tpu.memory_space<vmem_shared>>) dst(%arg9 : memref<640xf32, #tpu.memory_space<vmem>>)
      tpu.yield
    }) : () -> ()
    %scan3A_198 = arith.constant 0 : i32
    %scan3A_199 = arith.constant 0 : i32
    %scan3A_200 = arith.constant 40 : i32
    %scan3A_201 = arith.addi %scan3A_199, %scan3A_200 : i32
    %scan3A_202 = arith.constant 1 : i32
    %scan3A_203 = scf.for %scan3A_904 = %scan3A_199 to %scan3A_201 step %scan3A_202 iter_args(%scan3A_905 = %scan3A_198) -> (i32)  : i32 {
      %mul3A_906 = arith.constant 16 : i32
      %mul3A_907 = arith.muli %scan3A_904, %mul3A_906 : i32
      %get3A_908 = arith.index_cast %mul3A_907 : i32 to index
      %get3A_909 = tpu.vector_load %arg9[%get3A_908] {strides = array<i32>} : memref<640xf32, #tpu.memory_space<vmem>>, vector<16xf32>,
      %add3A_910 = arith.constant 1.000000e+00 : f32
      %add3A_911 = vector.broadcast %add3A_910 : f32 to vector<16xf32>
      %add3A_912 = arith.addf %get3A_909, %add3A_911 : vector<16xf32>
      %bitcast_convert_type3A = tpu.bitcast %add3A_912 : vector<16xf32> -> vector<16xi32>
      %shift_right_logical3A = arith.constant 1 : i32
      %shift_right_logical3A_913 = vector.broadcast %shift_right_logical3A : i32 to vector<16xi32>
      %shift_right_logical3A_914 = arith.shrui %bitcast_convert_type3A, %shift_right_logical3A_913 : vector<16xi32>
      %sub3A = arith.constant 1597463007 : i32
      %sub3A_915 = vector.broadcast %sub3A : i32 to vector<16xi32>
      %sub3A_916 = arith.subi %sub3A_915, %shift_right_logical3A_914 : vector<16xi32>
      %bitcast_convert_type3A_917 = tpu.bitcast %sub3A_916 : vector<16xi32> -> vector<16xf32>
      %mul3A_918 = arith.constant 5.000000e-01 : f32
      %mul3A_919 = vector.broadcast %mul3A_918 : f32 to vector<16xf32>
      %mul3A_920 = arith.mulf %mul3A_919, %add3A_912 : vector<16xf32>
      %mul3A_921 = arith.mulf %mul3A_920, %bitcast_convert_type3A_917 : vector<16xf32>
      %mul3A_922 = arith.mulf %mul3A_921, %bitcast_convert_type3A_917 : vector<16xf32>
      %sub3A_923 = arith.constant 1.500000e+00 : f32
      %sub3A_924 = vector.broadcast %sub3A_923 : f32 to vector<16xf32>
      %sub3A_925 = arith.subf %sub3A_924, %mul3A_922 : vector<16xf32>
      %mul3A_926 = arith.mulf %bitcast_convert_type3A_917, %sub3A_925 : vector<16xf32>
      %mul3A_927 = arith.constant 5.000000e-01 : f32
      %mul3A_928 = vector.broadcast %mul3A_927 : f32 to vector<16xf32>
      %mul3A_929 = arith.mulf %mul3A_928, %add3A_912 : vector<16xf32>
      %mul3A_930 = arith.mulf %mul3A_929, %mul3A_926 : vector<16xf32>
      %mul3A_931 = arith.mulf %mul3A_930, %mul3A_926 : vector<16xf32>
      %sub3A_932 = arith.constant 1.500000e+00 : f32
      %sub3A_933 = vector.broadcast %sub3A_932 : f32 to vector<16xf32>
      %sub3A_934 = arith.subf %sub3A_933, %mul3A_931 : vector<16xf32>
      %mul3A_935 = arith.mulf %mul3A_926, %sub3A_934 : vector<16xf32>
      %mul3A_936 = arith.constant 5.000000e-01 : f32
      %mul3A_937 = vector.broadcast %mul3A_936 : f32 to vector<16xf32>
      %mul3A_938 = arith.mulf %mul3A_937, %add3A_912 : vector<16xf32>
      %mul3A_939 = arith.mulf %mul3A_938, %mul3A_935 : vector<16xf32>
      %mul3A_940 = arith.mulf %mul3A_939, %mul3A_935 : vector<16xf32>
      %sub3A_941 = arith.constant 1.500000e+00 : f32
      %sub3A_942 = vector.broadcast %sub3A_941 : f32 to vector<16xf32>
      %sub3A_943 = arith.subf %sub3A_942, %mul3A_940 : vector<16xf32>
      %mul3A_944 = arith.mulf %mul3A_935, %sub3A_943 : vector<16xf32>
      %mul3A_945 = arith.constant 16 : i32
      %mul3A_946 = arith.muli %scan3A_904, %mul3A_945 : i32
      %swap3A_947 = arith.index_cast %mul3A_946 : i32 to index
      %swap3A_948 = tpu.vector_load %arg10[%swap3A_947] {strides = array<i32>} : memref<640xf32, #tpu.memory_space<vmem>>, vector<16xf32>,
      tpu.vector_store %arg10[%swap3A_947], %mul3A_944 {strides = array<i32>} : memref<640xf32, #tpu.memory_space<vmem>>, vector<16xf32>,
      %scan3A_949 = arith.constant 0 : i32
      scf.yield %scan3A_949 : i32
    }
    %scan3A_204 = arith.constant 40 : i32
    %mul3A_205 = arith.constant 640 : i32
    %mul3A_206 = arith.muli %arg1, %mul3A_205 : i32
    "tpu.region"() ({
      %run_scoped3A = tpu.sem_alloc : memref<!tpu.dma_semaphore, #tpu.memory_space<semaphore_mem>>
      %dma_start3A_904 = tpu.memref_slice %arg13[%mul3A_206] : memref<10240xf32, #tpu.memory_space<vmem_shared>> -> memref<640xf32, #tpu.memory_space<vmem_shared>>
      %dma_start3A_905 = tpu.memref_slice %arg13[%mul3A_206] : memref<10240xf32, #tpu.memory_space<vmem_shared>> -> memref<640xf32, #tpu.memory_space<vmem_shared>>
      tpu.enqueue_dma source(%arg10 : memref<640xf32, #tpu.memory_space<vmem>>) target(%dma_start3A_905 : memref<640xf32, #tpu.memory_space<vmem_shared>>) target_semaphore(%run_scoped3A : memref<!tpu.dma_semaphore, #tpu.memory_space<semaphore_mem>>)
      %dma_wait3A_906 = tpu.memref_slice %arg13[%mul3A_206] : memref<10240xf32, #tpu.memory_space<vmem_shared>> -> memref<640xf32, #tpu.memory_space<vmem_shared>>
      %dma_wait3A_907 = tpu.memref_slice %arg13[%mul3A_206] : memref<10240xf32, #tpu.memory_space<vmem_shared>> -> memref<640xf32, #tpu.memory_space<vmem_shared>>
      tpu.wait_dma2 semaphore(%run_scoped3A : memref<!tpu.dma_semaphore, #tpu.memory_space<semaphore_mem>>) src(%arg10 : memref<640xf32, #tpu.memory_space<vmem>>) dst(%dma_wait3A_907 : memref<640xf32, #tpu.memory_space<vmem_shared>>)
      tpu.yield
    }) : () -> ()
    %barrier3A_207 = arith.constant 0 : index
    tpu.barrier barrier_id(%barrier3A_207)
    "tpu.region"() ({
      %run_scoped3A = tpu.sem_alloc : memref<!tpu.dma_semaphore, #tpu.memory_space<semaphore_mem>>
      tpu.enqueue_dma source(%arg13 : memref<10240xf32, #tpu.memory_space<vmem_shared>>) target(%arg8 : memref<10240xf32, #tpu.memory_space<vmem>>) target_semaphore(%run_scoped3A : memref<!tpu.dma_semaphore, #tpu.memory_space<semaphore_mem>>)
      tpu.wait_dma2 semaphore(%run_scoped3A : memref<!tpu.dma_semaphore, #tpu.memory_space<semaphore_mem>>) src(%arg13 : memref<10240xf32, #tpu.memory_space<vmem_shared>>) dst(%arg8 : memref<10240xf32, #tpu.memory_space<vmem>>)
      tpu.yield
    }) : () -> ()
    %get3A = arith.constant 0 : index
    %get3A_208 = tpu.vector_load %arg4[%get3A] {strides = array<i32>} : memref<10112xi32, #tpu.memory_space<vmem>>, vector<16xi32>,
    %gather3A = tpu.vector_load_idx %arg8[%get3A_208] : memref<10240xf32, #tpu.memory_space<vmem>>[vector<16xi32>], vector<16xf32>,
    %swap3A_209 = arith.constant 0 : index
    %swap3A_210 = tpu.vector_load %arg7[%swap3A_209] {strides = array<i32>} : memref<10112xf32, #tpu.memory_space<vmem>>, vector<16xf32>,
    tpu.vector_store %arg7[%swap3A_209], %gather3A {strides = array<i32>} : memref<10112xf32, #tpu.memory_space<vmem>>, vector<16xf32>,
    %get3A_211 = arith.constant 16 : index
    %get3A_212 = tpu.vector_load %arg4[%get3A_211] {strides = array<i32>} : memref<10112xi32, #tpu.memory_space<vmem>>, vector<16xi32>,
    %gather3A_213 = tpu.vector_load_idx %arg8[%get3A_212] : memref<10240xf32, #tpu.memory_space<vmem>>[vector<16xi32>], vector<16xf32>,
    %swap3A_214 = arith.constant 16 : index
    %swap3A_215 = tpu.vector_load %arg7[%swap3A_214] {strides = array<i32>} : memref<10112xf32, #tpu.memory_space<vmem>>, vector<16xf32>,
    tpu.vector_store %arg7[%swap3A_214], %gather3A_213 {strides = array<i32>} : memref<10112xf32, #tpu.memory_space<vmem>>, vector<16xf32>,
    %get3A_216 = arith.constant 32 : index
    %get3A_217 = tpu.vector_load %arg4[%get3A_216] {strides = array<i32>} : memref<10112xi32, #tpu.memory_space<vmem>>, vector<16xi32>,
    %gather3A_218 = tpu.vector_load_idx %arg8[%get3A_217] : memref<10240xf32, #tpu.memory_space<vmem>>[vector<16xi32>], vector<16xf32>,
    %swap3A_219 = arith.constant 32 : index
    %swap3A_220 = tpu.vector_load %arg7[%swap3A_219] {strides = array<i32>} : memref<10112xf32, #tpu.memory_space<vmem>>, vector<16xf32>,
    tpu.vector_store %arg7[%swap3A_219], %gather3A_218 {strides = array<i32>} : memref<10112xf32, #tpu.memory_space<vmem>>, vector<16xf32>,
    %get3A_221 = arith.constant 48 : index
    %get3A_222 = tpu.vector_load %arg4[%get3A_221] {strides = array<i32>} : memref<10112xi32, #tpu.memory_space<vmem>>, vector<16xi32>,
    %gather3A_223 = tpu.vector_load_idx %arg8[%get3A_222] : memref<10240xf32, #tpu.memory_space<vmem>>[vector<16xi32>], vector<16xf32>,
    %swap3A_224 = arith.constant 48 : index
    %swap3A_225 = tpu.vector_load %arg7[%swap3A_224] {strides = array<i32>} : memref<10112xf32, #tpu.memory_space<vmem>>, vector<16xf32>,
    tpu.vector_store %arg7[%swap3A_224], %gather3A_223 {strides = array<i32>} : memref<10112xf32, #tpu.memory_space<vmem>>, vector<16xf32>,
    %get3A_226 = arith.constant 64 : index
    %get3A_227 = tpu.vector_load %arg4[%get3A_226] {strides = array<i32>} : memref<10112xi32, #tpu.memory_space<vmem>>, vector<16xi32>,
    %gather3A_228 = tpu.vector_load_idx %arg8[%get3A_227] : memref<10240xf32, #tpu.memory_space<vmem>>[vector<16xi32>], vector<16xf32>,
    %swap3A_229 = arith.constant 64 : index
    %swap3A_230 = tpu.vector_load %arg7[%swap3A_229] {strides = array<i32>} : memref<10112xf32, #tpu.memory_space<vmem>>, vector<16xf32>,
    tpu.vector_store %arg7[%swap3A_229], %gather3A_228 {strides = array<i32>} : memref<10112xf32, #tpu.memory_space<vmem>>, vector<16xf32>,
    %get3A_231 = arith.constant 80 : index
    %get3A_232 = tpu.vector_load %arg4[%get3A_231] {strides = array<i32>} : memref<10112xi32, #tpu.memory_space<vmem>>, vector<16xi32>,
    %gather3A_233 = tpu.vector_load_idx %arg8[%get3A_232] : memref<10240xf32, #tpu.memory_space<vmem>>[vector<16xi32>], vector<16xf32>,
    %swap3A_234 = arith.constant 80 : index
    %swap3A_235 = tpu.vector_load %arg7[%swap3A_234] {strides = array<i32>} : memref<10112xf32, #tpu.memory_space<vmem>>, vector<16xf32>,
    tpu.vector_store %arg7[%swap3A_234], %gather3A_233 {strides = array<i32>} : memref<10112xf32, #tpu.memory_space<vmem>>, vector<16xf32>,
    %get3A_236 = arith.constant 96 : index
    %get3A_237 = tpu.vector_load %arg4[%get3A_236] {strides = array<i32>} : memref<10112xi32, #tpu.memory_space<vmem>>, vector<16xi32>,
    %gather3A_238 = tpu.vector_load_idx %arg8[%get3A_237] : memref<10240xf32, #tpu.memory_space<vmem>>[vector<16xi32>], vector<16xf32>,
    %swap3A_239 = arith.constant 96 : index
    %swap3A_240 = tpu.vector_load %arg7[%swap3A_239] {strides = array<i32>} : memref<10112xf32, #tpu.memory_space<vmem>>, vector<16xf32>,
    tpu.vector_store %arg7[%swap3A_239], %gather3A_238 {strides = array<i32>} : memref<10112xf32, #tpu.memory_space<vmem>>, vector<16xf32>,
    %get3A_241 = arith.constant 112 : index
    %get3A_242 = tpu.vector_load %arg4[%get3A_241] {strides = array<i32>} : memref<10112xi32, #tpu.memory_space<vmem>>, vector<16xi32>,
    %gather3A_243 = tpu.vector_load_idx %arg8[%get3A_242] : memref<10240xf32, #tpu.memory_space<vmem>>[vector<16xi32>], vector<16xf32>,
    %swap3A_244 = arith.constant 112 : index
    %swap3A_245 = tpu.vector_load %arg7[%swap3A_244] {strides = array<i32>} : memref<10112xf32, #tpu.memory_space<vmem>>, vector<16xf32>,
    tpu.vector_store %arg7[%swap3A_244], %gather3A_243 {strides = array<i32>} : memref<10112xf32, #tpu.memory_space<vmem>>, vector<16xf32>,
    %get3A_246 = arith.constant 128 : index
    %get3A_247 = tpu.vector_load %arg4[%get3A_246] {strides = array<i32>} : memref<10112xi32, #tpu.memory_space<vmem>>, vector<16xi32>,
    %gather3A_248 = tpu.vector_load_idx %arg8[%get3A_247] : memref<10240xf32, #tpu.memory_space<vmem>>[vector<16xi32>], vector<16xf32>,
    %swap3A_249 = arith.constant 128 : index
    %swap3A_250 = tpu.vector_load %arg7[%swap3A_249] {strides = array<i32>} : memref<10112xf32, #tpu.memory_space<vmem>>, vector<16xf32>,
    tpu.vector_store %arg7[%swap3A_249], %gather3A_248 {strides = array<i32>} : memref<10112xf32, #tpu.memory_space<vmem>>, vector<16xf32>,
    %get3A_251 = arith.constant 144 : index
    %get3A_252 = tpu.vector_load %arg4[%get3A_251] {strides = array<i32>} : memref<10112xi32, #tpu.memory_space<vmem>>, vector<16xi32>,
    %gather3A_253 = tpu.vector_load_idx %arg8[%get3A_252] : memref<10240xf32, #tpu.memory_space<vmem>>[vector<16xi32>], vector<16xf32>,
    %swap3A_254 = arith.constant 144 : index
    %swap3A_255 = tpu.vector_load %arg7[%swap3A_254] {strides = array<i32>} : memref<10112xf32, #tpu.memory_space<vmem>>, vector<16xf32>,
    tpu.vector_store %arg7[%swap3A_254], %gather3A_253 {strides = array<i32>} : memref<10112xf32, #tpu.memory_space<vmem>>, vector<16xf32>,
    %get3A_256 = arith.constant 160 : index
    %get3A_257 = tpu.vector_load %arg4[%get3A_256] {strides = array<i32>} : memref<10112xi32, #tpu.memory_space<vmem>>, vector<16xi32>,
    %gather3A_258 = tpu.vector_load_idx %arg8[%get3A_257] : memref<10240xf32, #tpu.memory_space<vmem>>[vector<16xi32>], vector<16xf32>,
    %swap3A_259 = arith.constant 160 : index
    %swap3A_260 = tpu.vector_load %arg7[%swap3A_259] {strides = array<i32>} : memref<10112xf32, #tpu.memory_space<vmem>>, vector<16xf32>,
    tpu.vector_store %arg7[%swap3A_259], %gather3A_258 {strides = array<i32>} : memref<10112xf32, #tpu.memory_space<vmem>>, vector<16xf32>,
    %get3A_261 = arith.constant 176 : index
    %get3A_262 = tpu.vector_load %arg4[%get3A_261] {strides = array<i32>} : memref<10112xi32, #tpu.memory_space<vmem>>, vector<16xi32>,
    %gather3A_263 = tpu.vector_load_idx %arg8[%get3A_262] : memref<10240xf32, #tpu.memory_space<vmem>>[vector<16xi32>], vector<16xf32>,
    %swap3A_264 = arith.constant 176 : index
    %swap3A_265 = tpu.vector_load %arg7[%swap3A_264] {strides = array<i32>} : memref<10112xf32, #tpu.memory_space<vmem>>, vector<16xf32>,
    tpu.vector_store %arg7[%swap3A_264], %gather3A_263 {strides = array<i32>} : memref<10112xf32, #tpu.memory_space<vmem>>, vector<16xf32>,
    %get3A_266 = arith.constant 192 : index
    %get3A_267 = tpu.vector_load %arg4[%get3A_266] {strides = array<i32>} : memref<10112xi32, #tpu.memory_space<vmem>>, vector<16xi32>,
    %gather3A_268 = tpu.vector_load_idx %arg8[%get3A_267] : memref<10240xf32, #tpu.memory_space<vmem>>[vector<16xi32>], vector<16xf32>,
    %swap3A_269 = arith.constant 192 : index
    %swap3A_270 = tpu.vector_load %arg7[%swap3A_269] {strides = array<i32>} : memref<10112xf32, #tpu.memory_space<vmem>>, vector<16xf32>,
    tpu.vector_store %arg7[%swap3A_269], %gather3A_268 {strides = array<i32>} : memref<10112xf32, #tpu.memory_space<vmem>>, vector<16xf32>,
    %get3A_271 = arith.constant 208 : index
    %get3A_272 = tpu.vector_load %arg4[%get3A_271] {strides = array<i32>} : memref<10112xi32, #tpu.memory_space<vmem>>, vector<16xi32>,
    %gather3A_273 = tpu.vector_load_idx %arg8[%get3A_272] : memref<10240xf32, #tpu.memory_space<vmem>>[vector<16xi32>], vector<16xf32>,
    %swap3A_274 = arith.constant 208 : index
    %swap3A_275 = tpu.vector_load %arg7[%swap3A_274] {strides = array<i32>} : memref<10112xf32, #tpu.memory_space<vmem>>, vector<16xf32>,
    tpu.vector_store %arg7[%swap3A_274], %gather3A_273 {strides = array<i32>} : memref<10112xf32, #tpu.memory_space<vmem>>, vector<16xf32>,
    %get3A_276 = arith.constant 224 : index
    %get3A_277 = tpu.vector_load %arg4[%get3A_276] {strides = array<i32>} : memref<10112xi32, #tpu.memory_space<vmem>>, vector<16xi32>,
    %gather3A_278 = tpu.vector_load_idx %arg8[%get3A_277] : memref<10240xf32, #tpu.memory_space<vmem>>[vector<16xi32>], vector<16xf32>,
    %swap3A_279 = arith.constant 224 : index
    %swap3A_280 = tpu.vector_load %arg7[%swap3A_279] {strides = array<i32>} : memref<10112xf32, #tpu.memory_space<vmem>>, vector<16xf32>,
    tpu.vector_store %arg7[%swap3A_279], %gather3A_278 {strides = array<i32>} : memref<10112xf32, #tpu.memory_space<vmem>>, vector<16xf32>,
    %get3A_281 = arith.constant 240 : index
    %get3A_282 = tpu.vector_load %arg4[%get3A_281] {strides = array<i32>} : memref<10112xi32, #tpu.memory_space<vmem>>, vector<16xi32>,
    %gather3A_283 = tpu.vector_load_idx %arg8[%get3A_282] : memref<10240xf32, #tpu.memory_space<vmem>>[vector<16xi32>], vector<16xf32>,
    %swap3A_284 = arith.constant 240 : index
    %swap3A_285 = tpu.vector_load %arg7[%swap3A_284] {strides = array<i32>} : memref<10112xf32, #tpu.memory_space<vmem>>, vector<16xf32>,
    tpu.vector_store %arg7[%swap3A_284], %gather3A_283 {strides = array<i32>} : memref<10112xf32, #tpu.memory_space<vmem>>, vector<16xf32>,
    %get3A_286 = arith.constant 256 : index
    %get3A_287 = tpu.vector_load %arg4[%get3A_286] {strides = array<i32>} : memref<10112xi32, #tpu.memory_space<vmem>>, vector<16xi32>,
    %gather3A_288 = tpu.vector_load_idx %arg8[%get3A_287] : memref<10240xf32, #tpu.memory_space<vmem>>[vector<16xi32>], vector<16xf32>,
    %swap3A_289 = arith.constant 256 : index
    %swap3A_290 = tpu.vector_load %arg7[%swap3A_289] {strides = array<i32>} : memref<10112xf32, #tpu.memory_space<vmem>>, vector<16xf32>,
    tpu.vector_store %arg7[%swap3A_289], %gather3A_288 {strides = array<i32>} : memref<10112xf32, #tpu.memory_space<vmem>>, vector<16xf32>,
    %get3A_291 = arith.constant 272 : index
    %get3A_292 = tpu.vector_load %arg4[%get3A_291] {strides = array<i32>} : memref<10112xi32, #tpu.memory_space<vmem>>, vector<16xi32>,
    %gather3A_293 = tpu.vector_load_idx %arg8[%get3A_292] : memref<10240xf32, #tpu.memory_space<vmem>>[vector<16xi32>], vector<16xf32>,
    %swap3A_294 = arith.constant 272 : index
    %swap3A_295 = tpu.vector_load %arg7[%swap3A_294] {strides = array<i32>} : memref<10112xf32, #tpu.memory_space<vmem>>, vector<16xf32>,
    tpu.vector_store %arg7[%swap3A_294], %gather3A_293 {strides = array<i32>} : memref<10112xf32, #tpu.memory_space<vmem>>, vector<16xf32>,
    %get3A_296 = arith.constant 288 : index
    %get3A_297 = tpu.vector_load %arg4[%get3A_296] {strides = array<i32>} : memref<10112xi32, #tpu.memory_space<vmem>>, vector<16xi32>,
    %gather3A_298 = tpu.vector_load_idx %arg8[%get3A_297] : memref<10240xf32, #tpu.memory_space<vmem>>[vector<16xi32>], vector<16xf32>,
    %swap3A_299 = arith.constant 288 : index
    %swap3A_300 = tpu.vector_load %arg7[%swap3A_299] {strides = array<i32>} : memref<10112xf32, #tpu.memory_space<vmem>>, vector<16xf32>,
    tpu.vector_store %arg7[%swap3A_299], %gather3A_298 {strides = array<i32>} : memref<10112xf32, #tpu.memory_space<vmem>>, vector<16xf32>,
    %get3A_301 = arith.constant 304 : index
    %get3A_302 = tpu.vector_load %arg4[%get3A_301] {strides = array<i32>} : memref<10112xi32, #tpu.memory_space<vmem>>, vector<16xi32>,
    %gather3A_303 = tpu.vector_load_idx %arg8[%get3A_302] : memref<10240xf32, #tpu.memory_space<vmem>>[vector<16xi32>], vector<16xf32>,
    %swap3A_304 = arith.constant 304 : index
    %swap3A_305 = tpu.vector_load %arg7[%swap3A_304] {strides = array<i32>} : memref<10112xf32, #tpu.memory_space<vmem>>, vector<16xf32>,
    tpu.vector_store %arg7[%swap3A_304], %gather3A_303 {strides = array<i32>} : memref<10112xf32, #tpu.memory_space<vmem>>, vector<16xf32>,
    %get3A_306 = arith.constant 320 : index
    %get3A_307 = tpu.vector_load %arg4[%get3A_306] {strides = array<i32>} : memref<10112xi32, #tpu.memory_space<vmem>>, vector<16xi32>,
    %gather3A_308 = tpu.vector_load_idx %arg8[%get3A_307] : memref<10240xf32, #tpu.memory_space<vmem>>[vector<16xi32>], vector<16xf32>,
    %swap3A_309 = arith.constant 320 : index
    %swap3A_310 = tpu.vector_load %arg7[%swap3A_309] {strides = array<i32>} : memref<10112xf32, #tpu.memory_space<vmem>>, vector<16xf32>,
    tpu.vector_store %arg7[%swap3A_309], %gather3A_308 {strides = array<i32>} : memref<10112xf32, #tpu.memory_space<vmem>>, vector<16xf32>,
    %get3A_311 = arith.constant 336 : index
    %get3A_312 = tpu.vector_load %arg4[%get3A_311] {strides = array<i32>} : memref<10112xi32, #tpu.memory_space<vmem>>, vector<16xi32>,
    %gather3A_313 = tpu.vector_load_idx %arg8[%get3A_312] : memref<10240xf32, #tpu.memory_space<vmem>>[vector<16xi32>], vector<16xf32>,
    %swap3A_314 = arith.constant 336 : index
    %swap3A_315 = tpu.vector_load %arg7[%swap3A_314] {strides = array<i32>} : memref<10112xf32, #tpu.memory_space<vmem>>, vector<16xf32>,
    tpu.vector_store %arg7[%swap3A_314], %gather3A_313 {strides = array<i32>} : memref<10112xf32, #tpu.memory_space<vmem>>, vector<16xf32>,
    %get3A_316 = arith.constant 352 : index
    %get3A_317 = tpu.vector_load %arg4[%get3A_316] {strides = array<i32>} : memref<10112xi32, #tpu.memory_space<vmem>>, vector<16xi32>,
    %gather3A_318 = tpu.vector_load_idx %arg8[%get3A_317] : memref<10240xf32, #tpu.memory_space<vmem>>[vector<16xi32>], vector<16xf32>,
    %swap3A_319 = arith.constant 352 : index
    %swap3A_320 = tpu.vector_load %arg7[%swap3A_319] {strides = array<i32>} : memref<10112xf32, #tpu.memory_space<vmem>>, vector<16xf32>,
    tpu.vector_store %arg7[%swap3A_319], %gather3A_318 {strides = array<i32>} : memref<10112xf32, #tpu.memory_space<vmem>>, vector<16xf32>,
    %get3A_321 = arith.constant 368 : index
    %get3A_322 = tpu.vector_load %arg4[%get3A_321] {strides = array<i32>} : memref<10112xi32, #tpu.memory_space<vmem>>, vector<16xi32>,
    %gather3A_323 = tpu.vector_load_idx %arg8[%get3A_322] : memref<10240xf32, #tpu.memory_space<vmem>>[vector<16xi32>], vector<16xf32>,
    %swap3A_324 = arith.constant 368 : index
    %swap3A_325 = tpu.vector_load %arg7[%swap3A_324] {strides = array<i32>} : memref<10112xf32, #tpu.memory_space<vmem>>, vector<16xf32>,
    tpu.vector_store %arg7[%swap3A_324], %gather3A_323 {strides = array<i32>} : memref<10112xf32, #tpu.memory_space<vmem>>, vector<16xf32>,
    %get3A_326 = arith.constant 384 : index
    %get3A_327 = tpu.vector_load %arg4[%get3A_326] {strides = array<i32>} : memref<10112xi32, #tpu.memory_space<vmem>>, vector<16xi32>,
    %gather3A_328 = tpu.vector_load_idx %arg8[%get3A_327] : memref<10240xf32, #tpu.memory_space<vmem>>[vector<16xi32>], vector<16xf32>,
    %swap3A_329 = arith.constant 384 : index
    %swap3A_330 = tpu.vector_load %arg7[%swap3A_329] {strides = array<i32>} : memref<10112xf32, #tpu.memory_space<vmem>>, vector<16xf32>,
    tpu.vector_store %arg7[%swap3A_329], %gather3A_328 {strides = array<i32>} : memref<10112xf32, #tpu.memory_space<vmem>>, vector<16xf32>,
    %get3A_331 = arith.constant 400 : index
    %get3A_332 = tpu.vector_load %arg4[%get3A_331] {strides = array<i32>} : memref<10112xi32, #tpu.memory_space<vmem>>, vector<16xi32>,
    %gather3A_333 = tpu.vector_load_idx %arg8[%get3A_332] : memref<10240xf32, #tpu.memory_space<vmem>>[vector<16xi32>], vector<16xf32>,
    %swap3A_334 = arith.constant 400 : index
    %swap3A_335 = tpu.vector_load %arg7[%swap3A_334] {strides = array<i32>} : memref<10112xf32, #tpu.memory_space<vmem>>, vector<16xf32>,
    tpu.vector_store %arg7[%swap3A_334], %gather3A_333 {strides = array<i32>} : memref<10112xf32, #tpu.memory_space<vmem>>, vector<16xf32>,
    %get3A_336 = arith.constant 416 : index
    %get3A_337 = tpu.vector_load %arg4[%get3A_336] {strides = array<i32>} : memref<10112xi32, #tpu.memory_space<vmem>>, vector<16xi32>,
    %gather3A_338 = tpu.vector_load_idx %arg8[%get3A_337] : memref<10240xf32, #tpu.memory_space<vmem>>[vector<16xi32>], vector<16xf32>,
    %swap3A_339 = arith.constant 416 : index
    %swap3A_340 = tpu.vector_load %arg7[%swap3A_339] {strides = array<i32>} : memref<10112xf32, #tpu.memory_space<vmem>>, vector<16xf32>,
    tpu.vector_store %arg7[%swap3A_339], %gather3A_338 {strides = array<i32>} : memref<10112xf32, #tpu.memory_space<vmem>>, vector<16xf32>,
    %get3A_341 = arith.constant 432 : index
    %get3A_342 = tpu.vector_load %arg4[%get3A_341] {strides = array<i32>} : memref<10112xi32, #tpu.memory_space<vmem>>, vector<16xi32>,
    %gather3A_343 = tpu.vector_load_idx %arg8[%get3A_342] : memref<10240xf32, #tpu.memory_space<vmem>>[vector<16xi32>], vector<16xf32>,
    %swap3A_344 = arith.constant 432 : index
    %swap3A_345 = tpu.vector_load %arg7[%swap3A_344] {strides = array<i32>} : memref<10112xf32, #tpu.memory_space<vmem>>, vector<16xf32>,
    tpu.vector_store %arg7[%swap3A_344], %gather3A_343 {strides = array<i32>} : memref<10112xf32, #tpu.memory_space<vmem>>, vector<16xf32>,
    %get3A_346 = arith.constant 448 : index
    %get3A_347 = tpu.vector_load %arg4[%get3A_346] {strides = array<i32>} : memref<10112xi32, #tpu.memory_space<vmem>>, vector<16xi32>,
    %gather3A_348 = tpu.vector_load_idx %arg8[%get3A_347] : memref<10240xf32, #tpu.memory_space<vmem>>[vector<16xi32>], vector<16xf32>,
    %swap3A_349 = arith.constant 448 : index
    %swap3A_350 = tpu.vector_load %arg7[%swap3A_349] {strides = array<i32>} : memref<10112xf32, #tpu.memory_space<vmem>>, vector<16xf32>,
    tpu.vector_store %arg7[%swap3A_349], %gather3A_348 {strides = array<i32>} : memref<10112xf32, #tpu.memory_space<vmem>>, vector<16xf32>,
    %get3A_351 = arith.constant 464 : index
    %get3A_352 = tpu.vector_load %arg4[%get3A_351] {strides = array<i32>} : memref<10112xi32, #tpu.memory_space<vmem>>, vector<16xi32>,
    %gather3A_353 = tpu.vector_load_idx %arg8[%get3A_352] : memref<10240xf32, #tpu.memory_space<vmem>>[vector<16xi32>], vector<16xf32>,
    %swap3A_354 = arith.constant 464 : index
    %swap3A_355 = tpu.vector_load %arg7[%swap3A_354] {strides = array<i32>} : memref<10112xf32, #tpu.memory_space<vmem>>, vector<16xf32>,
    tpu.vector_store %arg7[%swap3A_354], %gather3A_353 {strides = array<i32>} : memref<10112xf32, #tpu.memory_space<vmem>>, vector<16xf32>,
    %get3A_356 = arith.constant 480 : index
    %get3A_357 = tpu.vector_load %arg4[%get3A_356] {strides = array<i32>} : memref<10112xi32, #tpu.memory_space<vmem>>, vector<16xi32>,
    %gather3A_358 = tpu.vector_load_idx %arg8[%get3A_357] : memref<10240xf32, #tpu.memory_space<vmem>>[vector<16xi32>], vector<16xf32>,
    %swap3A_359 = arith.constant 480 : index
    %swap3A_360 = tpu.vector_load %arg7[%swap3A_359] {strides = array<i32>} : memref<10112xf32, #tpu.memory_space<vmem>>, vector<16xf32>,
    tpu.vector_store %arg7[%swap3A_359], %gather3A_358 {strides = array<i32>} : memref<10112xf32, #tpu.memory_space<vmem>>, vector<16xf32>,
    %get3A_361 = arith.constant 496 : index
    %get3A_362 = tpu.vector_load %arg4[%get3A_361] {strides = array<i32>} : memref<10112xi32, #tpu.memory_space<vmem>>, vector<16xi32>,
    %gather3A_363 = tpu.vector_load_idx %arg8[%get3A_362] : memref<10240xf32, #tpu.memory_space<vmem>>[vector<16xi32>], vector<16xf32>,
    %swap3A_364 = arith.constant 496 : index
    %swap3A_365 = tpu.vector_load %arg7[%swap3A_364] {strides = array<i32>} : memref<10112xf32, #tpu.memory_space<vmem>>, vector<16xf32>,
    tpu.vector_store %arg7[%swap3A_364], %gather3A_363 {strides = array<i32>} : memref<10112xf32, #tpu.memory_space<vmem>>, vector<16xf32>,
    %get3A_366 = arith.constant 512 : index
    %get3A_367 = tpu.vector_load %arg4[%get3A_366] {strides = array<i32>} : memref<10112xi32, #tpu.memory_space<vmem>>, vector<16xi32>,
    %gather3A_368 = tpu.vector_load_idx %arg8[%get3A_367] : memref<10240xf32, #tpu.memory_space<vmem>>[vector<16xi32>], vector<16xf32>,
    %swap3A_369 = arith.constant 512 : index
    %swap3A_370 = tpu.vector_load %arg7[%swap3A_369] {strides = array<i32>} : memref<10112xf32, #tpu.memory_space<vmem>>, vector<16xf32>,
    tpu.vector_store %arg7[%swap3A_369], %gather3A_368 {strides = array<i32>} : memref<10112xf32, #tpu.memory_space<vmem>>, vector<16xf32>,
    %get3A_371 = arith.constant 528 : index
    %get3A_372 = tpu.vector_load %arg4[%get3A_371] {strides = array<i32>} : memref<10112xi32, #tpu.memory_space<vmem>>, vector<16xi32>,
    %gather3A_373 = tpu.vector_load_idx %arg8[%get3A_372] : memref<10240xf32, #tpu.memory_space<vmem>>[vector<16xi32>], vector<16xf32>,
    %swap3A_374 = arith.constant 528 : index
    %swap3A_375 = tpu.vector_load %arg7[%swap3A_374] {strides = array<i32>} : memref<10112xf32, #tpu.memory_space<vmem>>, vector<16xf32>,
    tpu.vector_store %arg7[%swap3A_374], %gather3A_373 {strides = array<i32>} : memref<10112xf32, #tpu.memory_space<vmem>>, vector<16xf32>,
    %get3A_376 = arith.constant 544 : index
    %get3A_377 = tpu.vector_load %arg4[%get3A_376] {strides = array<i32>} : memref<10112xi32, #tpu.memory_space<vmem>>, vector<16xi32>,
    %gather3A_378 = tpu.vector_load_idx %arg8[%get3A_377] : memref<10240xf32, #tpu.memory_space<vmem>>[vector<16xi32>], vector<16xf32>,
    %swap3A_379 = arith.constant 544 : index
    %swap3A_380 = tpu.vector_load %arg7[%swap3A_379] {strides = array<i32>} : memref<10112xf32, #tpu.memory_space<vmem>>, vector<16xf32>,
    tpu.vector_store %arg7[%swap3A_379], %gather3A_378 {strides = array<i32>} : memref<10112xf32, #tpu.memory_space<vmem>>, vector<16xf32>,
    %get3A_381 = arith.constant 560 : index
    %get3A_382 = tpu.vector_load %arg4[%get3A_381] {strides = array<i32>} : memref<10112xi32, #tpu.memory_space<vmem>>, vector<16xi32>,
    %gather3A_383 = tpu.vector_load_idx %arg8[%get3A_382] : memref<10240xf32, #tpu.memory_space<vmem>>[vector<16xi32>], vector<16xf32>,
    %swap3A_384 = arith.constant 560 : index
    %swap3A_385 = tpu.vector_load %arg7[%swap3A_384] {strides = array<i32>} : memref<10112xf32, #tpu.memory_space<vmem>>, vector<16xf32>,
    tpu.vector_store %arg7[%swap3A_384], %gather3A_383 {strides = array<i32>} : memref<10112xf32, #tpu.memory_space<vmem>>, vector<16xf32>,
    %get3A_386 = arith.constant 576 : index
    %get3A_387 = tpu.vector_load %arg4[%get3A_386] {strides = array<i32>} : memref<10112xi32, #tpu.memory_space<vmem>>, vector<16xi32>,
    %gather3A_388 = tpu.vector_load_idx %arg8[%get3A_387] : memref<10240xf32, #tpu.memory_space<vmem>>[vector<16xi32>], vector<16xf32>,
    %swap3A_389 = arith.constant 576 : index
    %swap3A_390 = tpu.vector_load %arg7[%swap3A_389] {strides = array<i32>} : memref<10112xf32, #tpu.memory_space<vmem>>, vector<16xf32>,
    tpu.vector_store %arg7[%swap3A_389], %gather3A_388 {strides = array<i32>} : memref<10112xf32, #tpu.memory_space<vmem>>, vector<16xf32>,
    %get3A_391 = arith.constant 592 : index
    %get3A_392 = tpu.vector_load %arg4[%get3A_391] {strides = array<i32>} : memref<10112xi32, #tpu.memory_space<vmem>>, vector<16xi32>,
    %gather3A_393 = tpu.vector_load_idx %arg8[%get3A_392] : memref<10240xf32, #tpu.memory_space<vmem>>[vector<16xi32>], vector<16xf32>,
    %swap3A_394 = arith.constant 592 : index
    %swap3A_395 = tpu.vector_load %arg7[%swap3A_394] {strides = array<i32>} : memref<10112xf32, #tpu.memory_space<vmem>>, vector<16xf32>,
    tpu.vector_store %arg7[%swap3A_394], %gather3A_393 {strides = array<i32>} : memref<10112xf32, #tpu.memory_space<vmem>>, vector<16xf32>,
    %get3A_396 = arith.constant 608 : index
    %get3A_397 = tpu.vector_load %arg4[%get3A_396] {strides = array<i32>} : memref<10112xi32, #tpu.memory_space<vmem>>, vector<16xi32>,
    %gather3A_398 = tpu.vector_load_idx %arg8[%get3A_397] : memref<10240xf32, #tpu.memory_space<vmem>>[vector<16xi32>], vector<16xf32>,
    %swap3A_399 = arith.constant 608 : index
    %swap3A_400 = tpu.vector_load %arg7[%swap3A_399] {strides = array<i32>} : memref<10112xf32, #tpu.memory_space<vmem>>, vector<16xf32>,
    tpu.vector_store %arg7[%swap3A_399], %gather3A_398 {strides = array<i32>} : memref<10112xf32, #tpu.memory_space<vmem>>, vector<16xf32>,
    %get3A_401 = arith.constant 624 : index
    %get3A_402 = tpu.vector_load %arg4[%get3A_401] {strides = array<i32>} : memref<10112xi32, #tpu.memory_space<vmem>>, vector<16xi32>,
    %gather3A_403 = tpu.vector_load_idx %arg8[%get3A_402] : memref<10240xf32, #tpu.memory_space<vmem>>[vector<16xi32>], vector<16xf32>,
    %swap3A_404 = arith.constant 624 : index
    %swap3A_405 = tpu.vector_load %arg7[%swap3A_404] {strides = array<i32>} : memref<10112xf32, #tpu.memory_space<vmem>>, vector<16xf32>,
    tpu.vector_store %arg7[%swap3A_404], %gather3A_403 {strides = array<i32>} : memref<10112xf32, #tpu.memory_space<vmem>>, vector<16xf32>,
    %get3A_406 = arith.constant 640 : index
    %get3A_407 = tpu.vector_load %arg4[%get3A_406] {strides = array<i32>} : memref<10112xi32, #tpu.memory_space<vmem>>, vector<16xi32>,
    %gather3A_408 = tpu.vector_load_idx %arg8[%get3A_407] : memref<10240xf32, #tpu.memory_space<vmem>>[vector<16xi32>], vector<16xf32>,
    %swap3A_409 = arith.constant 640 : index
    %swap3A_410 = tpu.vector_load %arg7[%swap3A_409] {strides = array<i32>} : memref<10112xf32, #tpu.memory_space<vmem>>, vector<16xf32>,
    tpu.vector_store %arg7[%swap3A_409], %gather3A_408 {strides = array<i32>} : memref<10112xf32, #tpu.memory_space<vmem>>, vector<16xf32>,
    %get3A_411 = arith.constant 656 : index
    %get3A_412 = tpu.vector_load %arg4[%get3A_411] {strides = array<i32>} : memref<10112xi32, #tpu.memory_space<vmem>>, vector<16xi32>,
    %gather3A_413 = tpu.vector_load_idx %arg8[%get3A_412] : memref<10240xf32, #tpu.memory_space<vmem>>[vector<16xi32>], vector<16xf32>,
    %swap3A_414 = arith.constant 656 : index
    %swap3A_415 = tpu.vector_load %arg7[%swap3A_414] {strides = array<i32>} : memref<10112xf32, #tpu.memory_space<vmem>>, vector<16xf32>,
    tpu.vector_store %arg7[%swap3A_414], %gather3A_413 {strides = array<i32>} : memref<10112xf32, #tpu.memory_space<vmem>>, vector<16xf32>,
    %get3A_416 = arith.constant 672 : index
    %get3A_417 = tpu.vector_load %arg4[%get3A_416] {strides = array<i32>} : memref<10112xi32, #tpu.memory_space<vmem>>, vector<16xi32>,
    %gather3A_418 = tpu.vector_load_idx %arg8[%get3A_417] : memref<10240xf32, #tpu.memory_space<vmem>>[vector<16xi32>], vector<16xf32>,
    %swap3A_419 = arith.constant 672 : index
    %swap3A_420 = tpu.vector_load %arg7[%swap3A_419] {strides = array<i32>} : memref<10112xf32, #tpu.memory_space<vmem>>, vector<16xf32>,
    tpu.vector_store %arg7[%swap3A_419], %gather3A_418 {strides = array<i32>} : memref<10112xf32, #tpu.memory_space<vmem>>, vector<16xf32>,
    %get3A_421 = arith.constant 688 : index
    %get3A_422 = tpu.vector_load %arg4[%get3A_421] {strides = array<i32>} : memref<10112xi32, #tpu.memory_space<vmem>>, vector<16xi32>,
    %gather3A_423 = tpu.vector_load_idx %arg8[%get3A_422] : memref<10240xf32, #tpu.memory_space<vmem>>[vector<16xi32>], vector<16xf32>,
    %swap3A_424 = arith.constant 688 : index
    %swap3A_425 = tpu.vector_load %arg7[%swap3A_424] {strides = array<i32>} : memref<10112xf32, #tpu.memory_space<vmem>>, vector<16xf32>,
    tpu.vector_store %arg7[%swap3A_424], %gather3A_423 {strides = array<i32>} : memref<10112xf32, #tpu.memory_space<vmem>>, vector<16xf32>,
    %get3A_426 = arith.constant 704 : index
    %get3A_427 = tpu.vector_load %arg4[%get3A_426] {strides = array<i32>} : memref<10112xi32, #tpu.memory_space<vmem>>, vector<16xi32>,
    %gather3A_428 = tpu.vector_load_idx %arg8[%get3A_427] : memref<10240xf32, #tpu.memory_space<vmem>>[vector<16xi32>], vector<16xf32>,
    %swap3A_429 = arith.constant 704 : index
    %swap3A_430 = tpu.vector_load %arg7[%swap3A_429] {strides = array<i32>} : memref<10112xf32, #tpu.memory_space<vmem>>, vector<16xf32>,
    tpu.vector_store %arg7[%swap3A_429], %gather3A_428 {strides = array<i32>} : memref<10112xf32, #tpu.memory_space<vmem>>, vector<16xf32>,
    %get3A_431 = arith.constant 720 : index
    %get3A_432 = tpu.vector_load %arg4[%get3A_431] {strides = array<i32>} : memref<10112xi32, #tpu.memory_space<vmem>>, vector<16xi32>,
    %gather3A_433 = tpu.vector_load_idx %arg8[%get3A_432] : memref<10240xf32, #tpu.memory_space<vmem>>[vector<16xi32>], vector<16xf32>,
    %swap3A_434 = arith.constant 720 : index
    %swap3A_435 = tpu.vector_load %arg7[%swap3A_434] {strides = array<i32>} : memref<10112xf32, #tpu.memory_space<vmem>>, vector<16xf32>,
    tpu.vector_store %arg7[%swap3A_434], %gather3A_433 {strides = array<i32>} : memref<10112xf32, #tpu.memory_space<vmem>>, vector<16xf32>,
    %get3A_436 = arith.constant 736 : index
    %get3A_437 = tpu.vector_load %arg4[%get3A_436] {strides = array<i32>} : memref<10112xi32, #tpu.memory_space<vmem>>, vector<16xi32>,
    %gather3A_438 = tpu.vector_load_idx %arg8[%get3A_437] : memref<10240xf32, #tpu.memory_space<vmem>>[vector<16xi32>], vector<16xf32>,
    %swap3A_439 = arith.constant 736 : index
    %swap3A_440 = tpu.vector_load %arg7[%swap3A_439] {strides = array<i32>} : memref<10112xf32, #tpu.memory_space<vmem>>, vector<16xf32>,
    tpu.vector_store %arg7[%swap3A_439], %gather3A_438 {strides = array<i32>} : memref<10112xf32, #tpu.memory_space<vmem>>, vector<16xf32>,
    %get3A_441 = arith.constant 752 : index
    %get3A_442 = tpu.vector_load %arg4[%get3A_441] {strides = array<i32>} : memref<10112xi32, #tpu.memory_space<vmem>>, vector<16xi32>,
    %gather3A_443 = tpu.vector_load_idx %arg8[%get3A_442] : memref<10240xf32, #tpu.memory_space<vmem>>[vector<16xi32>], vector<16xf32>,
    %swap3A_444 = arith.constant 752 : index
    %swap3A_445 = tpu.vector_load %arg7[%swap3A_444] {strides = array<i32>} : memref<10112xf32, #tpu.memory_space<vmem>>, vector<16xf32>,
    tpu.vector_store %arg7[%swap3A_444], %gather3A_443 {strides = array<i32>} : memref<10112xf32, #tpu.memory_space<vmem>>, vector<16xf32>,
    %get3A_446 = arith.constant 768 : index
    %get3A_447 = tpu.vector_load %arg4[%get3A_446] {strides = array<i32>} : memref<10112xi32, #tpu.memory_space<vmem>>, vector<16xi32>,
    %gather3A_448 = tpu.vector_load_idx %arg8[%get3A_447] : memref<10240xf32, #tpu.memory_space<vmem>>[vector<16xi32>], vector<16xf32>,
    %swap3A_449 = arith.constant 768 : index
    %swap3A_450 = tpu.vector_load %arg7[%swap3A_449] {strides = array<i32>} : memref<10112xf32, #tpu.memory_space<vmem>>, vector<16xf32>,
    tpu.vector_store %arg7[%swap3A_449], %gather3A_448 {strides = array<i32>} : memref<10112xf32, #tpu.memory_space<vmem>>, vector<16xf32>,
    %get3A_451 = arith.constant 784 : index
    %get3A_452 = tpu.vector_load %arg4[%get3A_451] {strides = array<i32>} : memref<10112xi32, #tpu.memory_space<vmem>>, vector<16xi32>,
    %gather3A_453 = tpu.vector_load_idx %arg8[%get3A_452] : memref<10240xf32, #tpu.memory_space<vmem>>[vector<16xi32>], vector<16xf32>,
    %swap3A_454 = arith.constant 784 : index
    %swap3A_455 = tpu.vector_load %arg7[%swap3A_454] {strides = array<i32>} : memref<10112xf32, #tpu.memory_space<vmem>>, vector<16xf32>,
    tpu.vector_store %arg7[%swap3A_454], %gather3A_453 {strides = array<i32>} : memref<10112xf32, #tpu.memory_space<vmem>>, vector<16xf32>,
    %get3A_456 = arith.constant 800 : index
    %get3A_457 = tpu.vector_load %arg4[%get3A_456] {strides = array<i32>} : memref<10112xi32, #tpu.memory_space<vmem>>, vector<16xi32>,
    %gather3A_458 = tpu.vector_load_idx %arg8[%get3A_457] : memref<10240xf32, #tpu.memory_space<vmem>>[vector<16xi32>], vector<16xf32>,
    %swap3A_459 = arith.constant 800 : index
    %swap3A_460 = tpu.vector_load %arg7[%swap3A_459] {strides = array<i32>} : memref<10112xf32, #tpu.memory_space<vmem>>, vector<16xf32>,
    tpu.vector_store %arg7[%swap3A_459], %gather3A_458 {strides = array<i32>} : memref<10112xf32, #tpu.memory_space<vmem>>, vector<16xf32>,
    %get3A_461 = arith.constant 816 : index
    %get3A_462 = tpu.vector_load %arg4[%get3A_461] {strides = array<i32>} : memref<10112xi32, #tpu.memory_space<vmem>>, vector<16xi32>,
    %gather3A_463 = tpu.vector_load_idx %arg8[%get3A_462] : memref<10240xf32, #tpu.memory_space<vmem>>[vector<16xi32>], vector<16xf32>,
    %swap3A_464 = arith.constant 816 : index
    %swap3A_465 = tpu.vector_load %arg7[%swap3A_464] {strides = array<i32>} : memref<10112xf32, #tpu.memory_space<vmem>>, vector<16xf32>,
    tpu.vector_store %arg7[%swap3A_464], %gather3A_463 {strides = array<i32>} : memref<10112xf32, #tpu.memory_space<vmem>>, vector<16xf32>,
    %get3A_466 = arith.constant 832 : index
    %get3A_467 = tpu.vector_load %arg4[%get3A_466] {strides = array<i32>} : memref<10112xi32, #tpu.memory_space<vmem>>, vector<16xi32>,
    %gather3A_468 = tpu.vector_load_idx %arg8[%get3A_467] : memref<10240xf32, #tpu.memory_space<vmem>>[vector<16xi32>], vector<16xf32>,
    %swap3A_469 = arith.constant 832 : index
    %swap3A_470 = tpu.vector_load %arg7[%swap3A_469] {strides = array<i32>} : memref<10112xf32, #tpu.memory_space<vmem>>, vector<16xf32>,
    tpu.vector_store %arg7[%swap3A_469], %gather3A_468 {strides = array<i32>} : memref<10112xf32, #tpu.memory_space<vmem>>, vector<16xf32>,
    %get3A_471 = arith.constant 848 : index
    %get3A_472 = tpu.vector_load %arg4[%get3A_471] {strides = array<i32>} : memref<10112xi32, #tpu.memory_space<vmem>>, vector<16xi32>,
    %gather3A_473 = tpu.vector_load_idx %arg8[%get3A_472] : memref<10240xf32, #tpu.memory_space<vmem>>[vector<16xi32>], vector<16xf32>,
    %swap3A_474 = arith.constant 848 : index
    %swap3A_475 = tpu.vector_load %arg7[%swap3A_474] {strides = array<i32>} : memref<10112xf32, #tpu.memory_space<vmem>>, vector<16xf32>,
    tpu.vector_store %arg7[%swap3A_474], %gather3A_473 {strides = array<i32>} : memref<10112xf32, #tpu.memory_space<vmem>>, vector<16xf32>,
    %get3A_476 = arith.constant 864 : index
    %get3A_477 = tpu.vector_load %arg4[%get3A_476] {strides = array<i32>} : memref<10112xi32, #tpu.memory_space<vmem>>, vector<16xi32>,
    %gather3A_478 = tpu.vector_load_idx %arg8[%get3A_477] : memref<10240xf32, #tpu.memory_space<vmem>>[vector<16xi32>], vector<16xf32>,
    %swap3A_479 = arith.constant 864 : index
    %swap3A_480 = tpu.vector_load %arg7[%swap3A_479] {strides = array<i32>} : memref<10112xf32, #tpu.memory_space<vmem>>, vector<16xf32>,
    tpu.vector_store %arg7[%swap3A_479], %gather3A_478 {strides = array<i32>} : memref<10112xf32, #tpu.memory_space<vmem>>, vector<16xf32>,
    %get3A_481 = arith.constant 880 : index
    %get3A_482 = tpu.vector_load %arg4[%get3A_481] {strides = array<i32>} : memref<10112xi32, #tpu.memory_space<vmem>>, vector<16xi32>,
    %gather3A_483 = tpu.vector_load_idx %arg8[%get3A_482] : memref<10240xf32, #tpu.memory_space<vmem>>[vector<16xi32>], vector<16xf32>,
    %swap3A_484 = arith.constant 880 : index
    %swap3A_485 = tpu.vector_load %arg7[%swap3A_484] {strides = array<i32>} : memref<10112xf32, #tpu.memory_space<vmem>>, vector<16xf32>,
    tpu.vector_store %arg7[%swap3A_484], %gather3A_483 {strides = array<i32>} : memref<10112xf32, #tpu.memory_space<vmem>>, vector<16xf32>,
    %get3A_486 = arith.constant 896 : index
    %get3A_487 = tpu.vector_load %arg4[%get3A_486] {strides = array<i32>} : memref<10112xi32, #tpu.memory_space<vmem>>, vector<16xi32>,
    %gather3A_488 = tpu.vector_load_idx %arg8[%get3A_487] : memref<10240xf32, #tpu.memory_space<vmem>>[vector<16xi32>], vector<16xf32>,
    %swap3A_489 = arith.constant 896 : index
    %swap3A_490 = tpu.vector_load %arg7[%swap3A_489] {strides = array<i32>} : memref<10112xf32, #tpu.memory_space<vmem>>, vector<16xf32>,
    tpu.vector_store %arg7[%swap3A_489], %gather3A_488 {strides = array<i32>} : memref<10112xf32, #tpu.memory_space<vmem>>, vector<16xf32>,
    %get3A_491 = arith.constant 912 : index
    %get3A_492 = tpu.vector_load %arg4[%get3A_491] {strides = array<i32>} : memref<10112xi32, #tpu.memory_space<vmem>>, vector<16xi32>,
    %gather3A_493 = tpu.vector_load_idx %arg8[%get3A_492] : memref<10240xf32, #tpu.memory_space<vmem>>[vector<16xi32>], vector<16xf32>,
    %swap3A_494 = arith.constant 912 : index
    %swap3A_495 = tpu.vector_load %arg7[%swap3A_494] {strides = array<i32>} : memref<10112xf32, #tpu.memory_space<vmem>>, vector<16xf32>,
    tpu.vector_store %arg7[%swap3A_494], %gather3A_493 {strides = array<i32>} : memref<10112xf32, #tpu.memory_space<vmem>>, vector<16xf32>,
    %get3A_496 = arith.constant 928 : index
    %get3A_497 = tpu.vector_load %arg4[%get3A_496] {strides = array<i32>} : memref<10112xi32, #tpu.memory_space<vmem>>, vector<16xi32>,
    %gather3A_498 = tpu.vector_load_idx %arg8[%get3A_497] : memref<10240xf32, #tpu.memory_space<vmem>>[vector<16xi32>], vector<16xf32>,
    %swap3A_499 = arith.constant 928 : index
    %swap3A_500 = tpu.vector_load %arg7[%swap3A_499] {strides = array<i32>} : memref<10112xf32, #tpu.memory_space<vmem>>, vector<16xf32>,
    tpu.vector_store %arg7[%swap3A_499], %gather3A_498 {strides = array<i32>} : memref<10112xf32, #tpu.memory_space<vmem>>, vector<16xf32>,
    %get3A_501 = arith.constant 944 : index
    %get3A_502 = tpu.vector_load %arg4[%get3A_501] {strides = array<i32>} : memref<10112xi32, #tpu.memory_space<vmem>>, vector<16xi32>,
    %gather3A_503 = tpu.vector_load_idx %arg8[%get3A_502] : memref<10240xf32, #tpu.memory_space<vmem>>[vector<16xi32>], vector<16xf32>,
    %swap3A_504 = arith.constant 944 : index
    %swap3A_505 = tpu.vector_load %arg7[%swap3A_504] {strides = array<i32>} : memref<10112xf32, #tpu.memory_space<vmem>>, vector<16xf32>,
    tpu.vector_store %arg7[%swap3A_504], %gather3A_503 {strides = array<i32>} : memref<10112xf32, #tpu.memory_space<vmem>>, vector<16xf32>,
    %get3A_506 = arith.constant 960 : index
    %get3A_507 = tpu.vector_load %arg4[%get3A_506] {strides = array<i32>} : memref<10112xi32, #tpu.memory_space<vmem>>, vector<16xi32>,
    %gather3A_508 = tpu.vector_load_idx %arg8[%get3A_507] : memref<10240xf32, #tpu.memory_space<vmem>>[vector<16xi32>], vector<16xf32>,
    %swap3A_509 = arith.constant 960 : index
    %swap3A_510 = tpu.vector_load %arg7[%swap3A_509] {strides = array<i32>} : memref<10112xf32, #tpu.memory_space<vmem>>, vector<16xf32>,
    tpu.vector_store %arg7[%swap3A_509], %gather3A_508 {strides = array<i32>} : memref<10112xf32, #tpu.memory_space<vmem>>, vector<16xf32>,
    %get3A_511 = arith.constant 976 : index
    %get3A_512 = tpu.vector_load %arg4[%get3A_511] {strides = array<i32>} : memref<10112xi32, #tpu.memory_space<vmem>>, vector<16xi32>,
    %gather3A_513 = tpu.vector_load_idx %arg8[%get3A_512] : memref<10240xf32, #tpu.memory_space<vmem>>[vector<16xi32>], vector<16xf32>,
    %swap3A_514 = arith.constant 976 : index
    %swap3A_515 = tpu.vector_load %arg7[%swap3A_514] {strides = array<i32>} : memref<10112xf32, #tpu.memory_space<vmem>>, vector<16xf32>,
    tpu.vector_store %arg7[%swap3A_514], %gather3A_513 {strides = array<i32>} : memref<10112xf32, #tpu.memory_space<vmem>>, vector<16xf32>,
    %get3A_516 = arith.constant 992 : index
    %get3A_517 = tpu.vector_load %arg4[%get3A_516] {strides = array<i32>} : memref<10112xi32, #tpu.memory_space<vmem>>, vector<16xi32>,
    %gather3A_518 = tpu.vector_load_idx %arg8[%get3A_517] : memref<10240xf32, #tpu.memory_space<vmem>>[vector<16xi32>], vector<16xf32>,
    %swap3A_519 = arith.constant 992 : index
    %swap3A_520 = tpu.vector_load %arg7[%swap3A_519] {strides = array<i32>} : memref<10112xf32, #tpu.memory_space<vmem>>, vector<16xf32>,
    tpu.vector_store %arg7[%swap3A_519], %gather3A_518 {strides = array<i32>} : memref<10112xf32, #tpu.memory_space<vmem>>, vector<16xf32>,
    %get3A_521 = arith.constant 1008 : index
    %get3A_522 = tpu.vector_load %arg4[%get3A_521] {strides = array<i32>} : memref<10112xi32, #tpu.memory_space<vmem>>, vector<16xi32>,
    %gather3A_523 = tpu.vector_load_idx %arg8[%get3A_522] : memref<10240xf32, #tpu.memory_space<vmem>>[vector<16xi32>], vector<16xf32>,
    %swap3A_524 = arith.constant 1008 : index
    %swap3A_525 = tpu.vector_load %arg7[%swap3A_524] {strides = array<i32>} : memref<10112xf32, #tpu.memory_space<vmem>>, vector<16xf32>,
    tpu.vector_store %arg7[%swap3A_524], %gather3A_523 {strides = array<i32>} : memref<10112xf32, #tpu.memory_space<vmem>>, vector<16xf32>,
    %get3A_526 = arith.constant 1024 : index
    %get3A_527 = tpu.vector_load %arg4[%get3A_526] {strides = array<i32>} : memref<10112xi32, #tpu.memory_space<vmem>>, vector<16xi32>,
    %gather3A_528 = tpu.vector_load_idx %arg8[%get3A_527] : memref<10240xf32, #tpu.memory_space<vmem>>[vector<16xi32>], vector<16xf32>,
    %swap3A_529 = arith.constant 1024 : index
    %swap3A_530 = tpu.vector_load %arg7[%swap3A_529] {strides = array<i32>} : memref<10112xf32, #tpu.memory_space<vmem>>, vector<16xf32>,
    tpu.vector_store %arg7[%swap3A_529], %gather3A_528 {strides = array<i32>} : memref<10112xf32, #tpu.memory_space<vmem>>, vector<16xf32>,
    %get3A_531 = arith.constant 1040 : index
    %get3A_532 = tpu.vector_load %arg4[%get3A_531] {strides = array<i32>} : memref<10112xi32, #tpu.memory_space<vmem>>, vector<16xi32>,
    %gather3A_533 = tpu.vector_load_idx %arg8[%get3A_532] : memref<10240xf32, #tpu.memory_space<vmem>>[vector<16xi32>], vector<16xf32>,
    %swap3A_534 = arith.constant 1040 : index
    %swap3A_535 = tpu.vector_load %arg7[%swap3A_534] {strides = array<i32>} : memref<10112xf32, #tpu.memory_space<vmem>>, vector<16xf32>,
    tpu.vector_store %arg7[%swap3A_534], %gather3A_533 {strides = array<i32>} : memref<10112xf32, #tpu.memory_space<vmem>>, vector<16xf32>,
    %get3A_536 = arith.constant 1056 : index
    %get3A_537 = tpu.vector_load %arg4[%get3A_536] {strides = array<i32>} : memref<10112xi32, #tpu.memory_space<vmem>>, vector<16xi32>,
    %gather3A_538 = tpu.vector_load_idx %arg8[%get3A_537] : memref<10240xf32, #tpu.memory_space<vmem>>[vector<16xi32>], vector<16xf32>,
    %swap3A_539 = arith.constant 1056 : index
    %swap3A_540 = tpu.vector_load %arg7[%swap3A_539] {strides = array<i32>} : memref<10112xf32, #tpu.memory_space<vmem>>, vector<16xf32>,
    tpu.vector_store %arg7[%swap3A_539], %gather3A_538 {strides = array<i32>} : memref<10112xf32, #tpu.memory_space<vmem>>, vector<16xf32>,
    %get3A_541 = arith.constant 1072 : index
    %get3A_542 = tpu.vector_load %arg4[%get3A_541] {strides = array<i32>} : memref<10112xi32, #tpu.memory_space<vmem>>, vector<16xi32>,
    %gather3A_543 = tpu.vector_load_idx %arg8[%get3A_542] : memref<10240xf32, #tpu.memory_space<vmem>>[vector<16xi32>], vector<16xf32>,
    %swap3A_544 = arith.constant 1072 : index
    %swap3A_545 = tpu.vector_load %arg7[%swap3A_544] {strides = array<i32>} : memref<10112xf32, #tpu.memory_space<vmem>>, vector<16xf32>,
    tpu.vector_store %arg7[%swap3A_544], %gather3A_543 {strides = array<i32>} : memref<10112xf32, #tpu.memory_space<vmem>>, vector<16xf32>,
    %get3A_546 = arith.constant 1088 : index
    %get3A_547 = tpu.vector_load %arg4[%get3A_546] {strides = array<i32>} : memref<10112xi32, #tpu.memory_space<vmem>>, vector<16xi32>,
    %gather3A_548 = tpu.vector_load_idx %arg8[%get3A_547] : memref<10240xf32, #tpu.memory_space<vmem>>[vector<16xi32>], vector<16xf32>,
    %swap3A_549 = arith.constant 1088 : index
    %swap3A_550 = tpu.vector_load %arg7[%swap3A_549] {strides = array<i32>} : memref<10112xf32, #tpu.memory_space<vmem>>, vector<16xf32>,
    tpu.vector_store %arg7[%swap3A_549], %gather3A_548 {strides = array<i32>} : memref<10112xf32, #tpu.memory_space<vmem>>, vector<16xf32>,
    %get3A_551 = arith.constant 1104 : index
    %get3A_552 = tpu.vector_load %arg4[%get3A_551] {strides = array<i32>} : memref<10112xi32, #tpu.memory_space<vmem>>, vector<16xi32>,
    %gather3A_553 = tpu.vector_load_idx %arg8[%get3A_552] : memref<10240xf32, #tpu.memory_space<vmem>>[vector<16xi32>], vector<16xf32>,
    %swap3A_554 = arith.constant 1104 : index
    %swap3A_555 = tpu.vector_load %arg7[%swap3A_554] {strides = array<i32>} : memref<10112xf32, #tpu.memory_space<vmem>>, vector<16xf32>,
    tpu.vector_store %arg7[%swap3A_554], %gather3A_553 {strides = array<i32>} : memref<10112xf32, #tpu.memory_space<vmem>>, vector<16xf32>,
    %get3A_556 = arith.constant 1120 : index
    %get3A_557 = tpu.vector_load %arg4[%get3A_556] {strides = array<i32>} : memref<10112xi32, #tpu.memory_space<vmem>>, vector<16xi32>,
    %gather3A_558 = tpu.vector_load_idx %arg8[%get3A_557] : memref<10240xf32, #tpu.memory_space<vmem>>[vector<16xi32>], vector<16xf32>,
    %swap3A_559 = arith.constant 1120 : index
    %swap3A_560 = tpu.vector_load %arg7[%swap3A_559] {strides = array<i32>} : memref<10112xf32, #tpu.memory_space<vmem>>, vector<16xf32>,
    tpu.vector_store %arg7[%swap3A_559], %gather3A_558 {strides = array<i32>} : memref<10112xf32, #tpu.memory_space<vmem>>, vector<16xf32>,
    %get3A_561 = arith.constant 1136 : index
    %get3A_562 = tpu.vector_load %arg4[%get3A_561] {strides = array<i32>} : memref<10112xi32, #tpu.memory_space<vmem>>, vector<16xi32>,
    %gather3A_563 = tpu.vector_load_idx %arg8[%get3A_562] : memref<10240xf32, #tpu.memory_space<vmem>>[vector<16xi32>], vector<16xf32>,
    %swap3A_564 = arith.constant 1136 : index
    %swap3A_565 = tpu.vector_load %arg7[%swap3A_564] {strides = array<i32>} : memref<10112xf32, #tpu.memory_space<vmem>>, vector<16xf32>,
    tpu.vector_store %arg7[%swap3A_564], %gather3A_563 {strides = array<i32>} : memref<10112xf32, #tpu.memory_space<vmem>>, vector<16xf32>,
    %get3A_566 = arith.constant 1152 : index
    %get3A_567 = tpu.vector_load %arg4[%get3A_566] {strides = array<i32>} : memref<10112xi32, #tpu.memory_space<vmem>>, vector<16xi32>,
    %gather3A_568 = tpu.vector_load_idx %arg8[%get3A_567] : memref<10240xf32, #tpu.memory_space<vmem>>[vector<16xi32>], vector<16xf32>,
    %swap3A_569 = arith.constant 1152 : index
    %swap3A_570 = tpu.vector_load %arg7[%swap3A_569] {strides = array<i32>} : memref<10112xf32, #tpu.memory_space<vmem>>, vector<16xf32>,
    tpu.vector_store %arg7[%swap3A_569], %gather3A_568 {strides = array<i32>} : memref<10112xf32, #tpu.memory_space<vmem>>, vector<16xf32>,
    %get3A_571 = arith.constant 1168 : index
    %get3A_572 = tpu.vector_load %arg4[%get3A_571] {strides = array<i32>} : memref<10112xi32, #tpu.memory_space<vmem>>, vector<16xi32>,
    %gather3A_573 = tpu.vector_load_idx %arg8[%get3A_572] : memref<10240xf32, #tpu.memory_space<vmem>>[vector<16xi32>], vector<16xf32>,
    %swap3A_574 = arith.constant 1168 : index
    %swap3A_575 = tpu.vector_load %arg7[%swap3A_574] {strides = array<i32>} : memref<10112xf32, #tpu.memory_space<vmem>>, vector<16xf32>,
    tpu.vector_store %arg7[%swap3A_574], %gather3A_573 {strides = array<i32>} : memref<10112xf32, #tpu.memory_space<vmem>>, vector<16xf32>,
    %get3A_576 = arith.constant 1184 : index
    %get3A_577 = tpu.vector_load %arg4[%get3A_576] {strides = array<i32>} : memref<10112xi32, #tpu.memory_space<vmem>>, vector<16xi32>,
    %gather3A_578 = tpu.vector_load_idx %arg8[%get3A_577] : memref<10240xf32, #tpu.memory_space<vmem>>[vector<16xi32>], vector<16xf32>,
    %swap3A_579 = arith.constant 1184 : index
    %swap3A_580 = tpu.vector_load %arg7[%swap3A_579] {strides = array<i32>} : memref<10112xf32, #tpu.memory_space<vmem>>, vector<16xf32>,
    tpu.vector_store %arg7[%swap3A_579], %gather3A_578 {strides = array<i32>} : memref<10112xf32, #tpu.memory_space<vmem>>, vector<16xf32>,
    %get3A_581 = arith.constant 1200 : index
    %get3A_582 = tpu.vector_load %arg4[%get3A_581] {strides = array<i32>} : memref<10112xi32, #tpu.memory_space<vmem>>, vector<16xi32>,
    %gather3A_583 = tpu.vector_load_idx %arg8[%get3A_582] : memref<10240xf32, #tpu.memory_space<vmem>>[vector<16xi32>], vector<16xf32>,
    %swap3A_584 = arith.constant 1200 : index
    %swap3A_585 = tpu.vector_load %arg7[%swap3A_584] {strides = array<i32>} : memref<10112xf32, #tpu.memory_space<vmem>>, vector<16xf32>,
    tpu.vector_store %arg7[%swap3A_584], %gather3A_583 {strides = array<i32>} : memref<10112xf32, #tpu.memory_space<vmem>>, vector<16xf32>,
    %get3A_586 = arith.constant 1216 : index
    %get3A_587 = tpu.vector_load %arg4[%get3A_586] {strides = array<i32>} : memref<10112xi32, #tpu.memory_space<vmem>>, vector<16xi32>,
    %gather3A_588 = tpu.vector_load_idx %arg8[%get3A_587] : memref<10240xf32, #tpu.memory_space<vmem>>[vector<16xi32>], vector<16xf32>,
    %swap3A_589 = arith.constant 1216 : index
    %swap3A_590 = tpu.vector_load %arg7[%swap3A_589] {strides = array<i32>} : memref<10112xf32, #tpu.memory_space<vmem>>, vector<16xf32>,
    tpu.vector_store %arg7[%swap3A_589], %gather3A_588 {strides = array<i32>} : memref<10112xf32, #tpu.memory_space<vmem>>, vector<16xf32>,
    %get3A_591 = arith.constant 1232 : index
    %get3A_592 = tpu.vector_load %arg4[%get3A_591] {strides = array<i32>} : memref<10112xi32, #tpu.memory_space<vmem>>, vector<16xi32>,
    %gather3A_593 = tpu.vector_load_idx %arg8[%get3A_592] : memref<10240xf32, #tpu.memory_space<vmem>>[vector<16xi32>], vector<16xf32>,
    %swap3A_594 = arith.constant 1232 : index
    %swap3A_595 = tpu.vector_load %arg7[%swap3A_594] {strides = array<i32>} : memref<10112xf32, #tpu.memory_space<vmem>>, vector<16xf32>,
    tpu.vector_store %arg7[%swap3A_594], %gather3A_593 {strides = array<i32>} : memref<10112xf32, #tpu.memory_space<vmem>>, vector<16xf32>,
    %get3A_596 = arith.constant 1248 : index
    %get3A_597 = tpu.vector_load %arg4[%get3A_596] {strides = array<i32>} : memref<10112xi32, #tpu.memory_space<vmem>>, vector<16xi32>,
    %gather3A_598 = tpu.vector_load_idx %arg8[%get3A_597] : memref<10240xf32, #tpu.memory_space<vmem>>[vector<16xi32>], vector<16xf32>,
    %swap3A_599 = arith.constant 1248 : index
    %swap3A_600 = tpu.vector_load %arg7[%swap3A_599] {strides = array<i32>} : memref<10112xf32, #tpu.memory_space<vmem>>, vector<16xf32>,
    tpu.vector_store %arg7[%swap3A_599], %gather3A_598 {strides = array<i32>} : memref<10112xf32, #tpu.memory_space<vmem>>, vector<16xf32>,
    %get3A_601 = arith.constant 1264 : index
    %get3A_602 = tpu.vector_load %arg4[%get3A_601] {strides = array<i32>} : memref<10112xi32, #tpu.memory_space<vmem>>, vector<16xi32>,
    %gather3A_603 = tpu.vector_load_idx %arg8[%get3A_602] : memref<10240xf32, #tpu.memory_space<vmem>>[vector<16xi32>], vector<16xf32>,
    %swap3A_604 = arith.constant 1264 : index
    %swap3A_605 = tpu.vector_load %arg7[%swap3A_604] {strides = array<i32>} : memref<10112xf32, #tpu.memory_space<vmem>>, vector<16xf32>,
    tpu.vector_store %arg7[%swap3A_604], %gather3A_603 {strides = array<i32>} : memref<10112xf32, #tpu.memory_space<vmem>>, vector<16xf32>,
    %get3A_606 = arith.constant 1280 : index
    %get3A_607 = tpu.vector_load %arg4[%get3A_606] {strides = array<i32>} : memref<10112xi32, #tpu.memory_space<vmem>>, vector<16xi32>,
    %gather3A_608 = tpu.vector_load_idx %arg8[%get3A_607] : memref<10240xf32, #tpu.memory_space<vmem>>[vector<16xi32>], vector<16xf32>,
    %swap3A_609 = arith.constant 1280 : index
    %swap3A_610 = tpu.vector_load %arg7[%swap3A_609] {strides = array<i32>} : memref<10112xf32, #tpu.memory_space<vmem>>, vector<16xf32>,
    tpu.vector_store %arg7[%swap3A_609], %gather3A_608 {strides = array<i32>} : memref<10112xf32, #tpu.memory_space<vmem>>, vector<16xf32>,
    %get3A_611 = arith.constant 1296 : index
    %get3A_612 = tpu.vector_load %arg4[%get3A_611] {strides = array<i32>} : memref<10112xi32, #tpu.memory_space<vmem>>, vector<16xi32>,
    %gather3A_613 = tpu.vector_load_idx %arg8[%get3A_612] : memref<10240xf32, #tpu.memory_space<vmem>>[vector<16xi32>], vector<16xf32>,
    %swap3A_614 = arith.constant 1296 : index
    %swap3A_615 = tpu.vector_load %arg7[%swap3A_614] {strides = array<i32>} : memref<10112xf32, #tpu.memory_space<vmem>>, vector<16xf32>,
    tpu.vector_store %arg7[%swap3A_614], %gather3A_613 {strides = array<i32>} : memref<10112xf32, #tpu.memory_space<vmem>>, vector<16xf32>,
    %get3A_616 = arith.constant 1312 : index
    %get3A_617 = tpu.vector_load %arg4[%get3A_616] {strides = array<i32>} : memref<10112xi32, #tpu.memory_space<vmem>>, vector<16xi32>,
    %gather3A_618 = tpu.vector_load_idx %arg8[%get3A_617] : memref<10240xf32, #tpu.memory_space<vmem>>[vector<16xi32>], vector<16xf32>,
    %swap3A_619 = arith.constant 1312 : index
    %swap3A_620 = tpu.vector_load %arg7[%swap3A_619] {strides = array<i32>} : memref<10112xf32, #tpu.memory_space<vmem>>, vector<16xf32>,
    tpu.vector_store %arg7[%swap3A_619], %gather3A_618 {strides = array<i32>} : memref<10112xf32, #tpu.memory_space<vmem>>, vector<16xf32>,
    %get3A_621 = arith.constant 1328 : index
    %get3A_622 = tpu.vector_load %arg4[%get3A_621] {strides = array<i32>} : memref<10112xi32, #tpu.memory_space<vmem>>, vector<16xi32>,
    %gather3A_623 = tpu.vector_load_idx %arg8[%get3A_622] : memref<10240xf32, #tpu.memory_space<vmem>>[vector<16xi32>], vector<16xf32>,
    %swap3A_624 = arith.constant 1328 : index
    %swap3A_625 = tpu.vector_load %arg7[%swap3A_624] {strides = array<i32>} : memref<10112xf32, #tpu.memory_space<vmem>>, vector<16xf32>,
    tpu.vector_store %arg7[%swap3A_624], %gather3A_623 {strides = array<i32>} : memref<10112xf32, #tpu.memory_space<vmem>>, vector<16xf32>,
    %get3A_626 = arith.constant 1344 : index
    %get3A_627 = tpu.vector_load %arg4[%get3A_626] {strides = array<i32>} : memref<10112xi32, #tpu.memory_space<vmem>>, vector<16xi32>,
    %gather3A_628 = tpu.vector_load_idx %arg8[%get3A_627] : memref<10240xf32, #tpu.memory_space<vmem>>[vector<16xi32>], vector<16xf32>,
    %swap3A_629 = arith.constant 1344 : index
    %swap3A_630 = tpu.vector_load %arg7[%swap3A_629] {strides = array<i32>} : memref<10112xf32, #tpu.memory_space<vmem>>, vector<16xf32>,
    tpu.vector_store %arg7[%swap3A_629], %gather3A_628 {strides = array<i32>} : memref<10112xf32, #tpu.memory_space<vmem>>, vector<16xf32>,
    %get3A_631 = arith.constant 1360 : index
    %get3A_632 = tpu.vector_load %arg4[%get3A_631] {strides = array<i32>} : memref<10112xi32, #tpu.memory_space<vmem>>, vector<16xi32>,
    %gather3A_633 = tpu.vector_load_idx %arg8[%get3A_632] : memref<10240xf32, #tpu.memory_space<vmem>>[vector<16xi32>], vector<16xf32>,
    %swap3A_634 = arith.constant 1360 : index
    %swap3A_635 = tpu.vector_load %arg7[%swap3A_634] {strides = array<i32>} : memref<10112xf32, #tpu.memory_space<vmem>>, vector<16xf32>,
    tpu.vector_store %arg7[%swap3A_634], %gather3A_633 {strides = array<i32>} : memref<10112xf32, #tpu.memory_space<vmem>>, vector<16xf32>,
    %get3A_636 = arith.constant 1376 : index
    %get3A_637 = tpu.vector_load %arg4[%get3A_636] {strides = array<i32>} : memref<10112xi32, #tpu.memory_space<vmem>>, vector<16xi32>,
    %gather3A_638 = tpu.vector_load_idx %arg8[%get3A_637] : memref<10240xf32, #tpu.memory_space<vmem>>[vector<16xi32>], vector<16xf32>,
    %swap3A_639 = arith.constant 1376 : index
    %swap3A_640 = tpu.vector_load %arg7[%swap3A_639] {strides = array<i32>} : memref<10112xf32, #tpu.memory_space<vmem>>, vector<16xf32>,
    tpu.vector_store %arg7[%swap3A_639], %gather3A_638 {strides = array<i32>} : memref<10112xf32, #tpu.memory_space<vmem>>, vector<16xf32>,
    %get3A_641 = arith.constant 1392 : index
    %get3A_642 = tpu.vector_load %arg4[%get3A_641] {strides = array<i32>} : memref<10112xi32, #tpu.memory_space<vmem>>, vector<16xi32>,
    %gather3A_643 = tpu.vector_load_idx %arg8[%get3A_642] : memref<10240xf32, #tpu.memory_space<vmem>>[vector<16xi32>], vector<16xf32>,
    %swap3A_644 = arith.constant 1392 : index
    %swap3A_645 = tpu.vector_load %arg7[%swap3A_644] {strides = array<i32>} : memref<10112xf32, #tpu.memory_space<vmem>>, vector<16xf32>,
    tpu.vector_store %arg7[%swap3A_644], %gather3A_643 {strides = array<i32>} : memref<10112xf32, #tpu.memory_space<vmem>>, vector<16xf32>,
    %get3A_646 = arith.constant 1408 : index
    %get3A_647 = tpu.vector_load %arg4[%get3A_646] {strides = array<i32>} : memref<10112xi32, #tpu.memory_space<vmem>>, vector<16xi32>,
    %gather3A_648 = tpu.vector_load_idx %arg8[%get3A_647] : memref<10240xf32, #tpu.memory_space<vmem>>[vector<16xi32>], vector<16xf32>,
    %swap3A_649 = arith.constant 1408 : index
    %swap3A_650 = tpu.vector_load %arg7[%swap3A_649] {strides = array<i32>} : memref<10112xf32, #tpu.memory_space<vmem>>, vector<16xf32>,
    tpu.vector_store %arg7[%swap3A_649], %gather3A_648 {strides = array<i32>} : memref<10112xf32, #tpu.memory_space<vmem>>, vector<16xf32>,
    %get3A_651 = arith.constant 1424 : index
    %get3A_652 = tpu.vector_load %arg4[%get3A_651] {strides = array<i32>} : memref<10112xi32, #tpu.memory_space<vmem>>, vector<16xi32>,
    %gather3A_653 = tpu.vector_load_idx %arg8[%get3A_652] : memref<10240xf32, #tpu.memory_space<vmem>>[vector<16xi32>], vector<16xf32>,
    %swap3A_654 = arith.constant 1424 : index
    %swap3A_655 = tpu.vector_load %arg7[%swap3A_654] {strides = array<i32>} : memref<10112xf32, #tpu.memory_space<vmem>>, vector<16xf32>,
    tpu.vector_store %arg7[%swap3A_654], %gather3A_653 {strides = array<i32>} : memref<10112xf32, #tpu.memory_space<vmem>>, vector<16xf32>,
    %get3A_656 = arith.constant 1440 : index
    %get3A_657 = tpu.vector_load %arg4[%get3A_656] {strides = array<i32>} : memref<10112xi32, #tpu.memory_space<vmem>>, vector<16xi32>,
    %gather3A_658 = tpu.vector_load_idx %arg8[%get3A_657] : memref<10240xf32, #tpu.memory_space<vmem>>[vector<16xi32>], vector<16xf32>,
    %swap3A_659 = arith.constant 1440 : index
    %swap3A_660 = tpu.vector_load %arg7[%swap3A_659] {strides = array<i32>} : memref<10112xf32, #tpu.memory_space<vmem>>, vector<16xf32>,
    tpu.vector_store %arg7[%swap3A_659], %gather3A_658 {strides = array<i32>} : memref<10112xf32, #tpu.memory_space<vmem>>, vector<16xf32>,
    %get3A_661 = arith.constant 1456 : index
    %get3A_662 = tpu.vector_load %arg4[%get3A_661] {strides = array<i32>} : memref<10112xi32, #tpu.memory_space<vmem>>, vector<16xi32>,
    %gather3A_663 = tpu.vector_load_idx %arg8[%get3A_662] : memref<10240xf32, #tpu.memory_space<vmem>>[vector<16xi32>], vector<16xf32>,
    %swap3A_664 = arith.constant 1456 : index
    %swap3A_665 = tpu.vector_load %arg7[%swap3A_664] {strides = array<i32>} : memref<10112xf32, #tpu.memory_space<vmem>>, vector<16xf32>,
    tpu.vector_store %arg7[%swap3A_664], %gather3A_663 {strides = array<i32>} : memref<10112xf32, #tpu.memory_space<vmem>>, vector<16xf32>,
    %get3A_666 = arith.constant 1472 : index
    %get3A_667 = tpu.vector_load %arg4[%get3A_666] {strides = array<i32>} : memref<10112xi32, #tpu.memory_space<vmem>>, vector<16xi32>,
    %gather3A_668 = tpu.vector_load_idx %arg8[%get3A_667] : memref<10240xf32, #tpu.memory_space<vmem>>[vector<16xi32>], vector<16xf32>,
    %swap3A_669 = arith.constant 1472 : index
    %swap3A_670 = tpu.vector_load %arg7[%swap3A_669] {strides = array<i32>} : memref<10112xf32, #tpu.memory_space<vmem>>, vector<16xf32>,
    tpu.vector_store %arg7[%swap3A_669], %gather3A_668 {strides = array<i32>} : memref<10112xf32, #tpu.memory_space<vmem>>, vector<16xf32>,
    %get3A_671 = arith.constant 1488 : index
    %get3A_672 = tpu.vector_load %arg4[%get3A_671] {strides = array<i32>} : memref<10112xi32, #tpu.memory_space<vmem>>, vector<16xi32>,
    %gather3A_673 = tpu.vector_load_idx %arg8[%get3A_672] : memref<10240xf32, #tpu.memory_space<vmem>>[vector<16xi32>], vector<16xf32>,
    %swap3A_674 = arith.constant 1488 : index
    %swap3A_675 = tpu.vector_load %arg7[%swap3A_674] {strides = array<i32>} : memref<10112xf32, #tpu.memory_space<vmem>>, vector<16xf32>,
    tpu.vector_store %arg7[%swap3A_674], %gather3A_673 {strides = array<i32>} : memref<10112xf32, #tpu.memory_space<vmem>>, vector<16xf32>,
    %get3A_676 = arith.constant 1504 : index
    %get3A_677 = tpu.vector_load %arg4[%get3A_676] {strides = array<i32>} : memref<10112xi32, #tpu.memory_space<vmem>>, vector<16xi32>,
    %gather3A_678 = tpu.vector_load_idx %arg8[%get3A_677] : memref<10240xf32, #tpu.memory_space<vmem>>[vector<16xi32>], vector<16xf32>,
    %swap3A_679 = arith.constant 1504 : index
    %swap3A_680 = tpu.vector_load %arg7[%swap3A_679] {strides = array<i32>} : memref<10112xf32, #tpu.memory_space<vmem>>, vector<16xf32>,
    tpu.vector_store %arg7[%swap3A_679], %gather3A_678 {strides = array<i32>} : memref<10112xf32, #tpu.memory_space<vmem>>, vector<16xf32>,
    %get3A_681 = arith.constant 1520 : index
    %get3A_682 = tpu.vector_load %arg4[%get3A_681] {strides = array<i32>} : memref<10112xi32, #tpu.memory_space<vmem>>, vector<16xi32>,
    %gather3A_683 = tpu.vector_load_idx %arg8[%get3A_682] : memref<10240xf32, #tpu.memory_space<vmem>>[vector<16xi32>], vector<16xf32>,
    %swap3A_684 = arith.constant 1520 : index
    %swap3A_685 = tpu.vector_load %arg7[%swap3A_684] {strides = array<i32>} : memref<10112xf32, #tpu.memory_space<vmem>>, vector<16xf32>,
    tpu.vector_store %arg7[%swap3A_684], %gather3A_683 {strides = array<i32>} : memref<10112xf32, #tpu.memory_space<vmem>>, vector<16xf32>,
    %get3A_686 = arith.constant 1536 : index
    %get3A_687 = tpu.vector_load %arg4[%get3A_686] {strides = array<i32>} : memref<10112xi32, #tpu.memory_space<vmem>>, vector<16xi32>,
    %gather3A_688 = tpu.vector_load_idx %arg8[%get3A_687] : memref<10240xf32, #tpu.memory_space<vmem>>[vector<16xi32>], vector<16xf32>,
    %swap3A_689 = arith.constant 1536 : index
    %swap3A_690 = tpu.vector_load %arg7[%swap3A_689] {strides = array<i32>} : memref<10112xf32, #tpu.memory_space<vmem>>, vector<16xf32>,
    tpu.vector_store %arg7[%swap3A_689], %gather3A_688 {strides = array<i32>} : memref<10112xf32, #tpu.memory_space<vmem>>, vector<16xf32>,
    %get3A_691 = arith.constant 1552 : index
    %get3A_692 = tpu.vector_load %arg4[%get3A_691] {strides = array<i32>} : memref<10112xi32, #tpu.memory_space<vmem>>, vector<16xi32>,
    %gather3A_693 = tpu.vector_load_idx %arg8[%get3A_692] : memref<10240xf32, #tpu.memory_space<vmem>>[vector<16xi32>], vector<16xf32>,
    %swap3A_694 = arith.constant 1552 : index
    %swap3A_695 = tpu.vector_load %arg7[%swap3A_694] {strides = array<i32>} : memref<10112xf32, #tpu.memory_space<vmem>>, vector<16xf32>,
    tpu.vector_store %arg7[%swap3A_694], %gather3A_693 {strides = array<i32>} : memref<10112xf32, #tpu.memory_space<vmem>>, vector<16xf32>,
    %get3A_696 = arith.constant 1568 : index
    %get3A_697 = tpu.vector_load %arg4[%get3A_696] {strides = array<i32>} : memref<10112xi32, #tpu.memory_space<vmem>>, vector<16xi32>,
    %gather3A_698 = tpu.vector_load_idx %arg8[%get3A_697] : memref<10240xf32, #tpu.memory_space<vmem>>[vector<16xi32>], vector<16xf32>,
    %swap3A_699 = arith.constant 1568 : index
    %swap3A_700 = tpu.vector_load %arg7[%swap3A_699] {strides = array<i32>} : memref<10112xf32, #tpu.memory_space<vmem>>, vector<16xf32>,
    tpu.vector_store %arg7[%swap3A_699], %gather3A_698 {strides = array<i32>} : memref<10112xf32, #tpu.memory_space<vmem>>, vector<16xf32>,
    %get3A_701 = arith.constant 1584 : index
    %get3A_702 = tpu.vector_load %arg4[%get3A_701] {strides = array<i32>} : memref<10112xi32, #tpu.memory_space<vmem>>, vector<16xi32>,
    %gather3A_703 = tpu.vector_load_idx %arg8[%get3A_702] : memref<10240xf32, #tpu.memory_space<vmem>>[vector<16xi32>], vector<16xf32>,
    %swap3A_704 = arith.constant 1584 : index
    %swap3A_705 = tpu.vector_load %arg7[%swap3A_704] {strides = array<i32>} : memref<10112xf32, #tpu.memory_space<vmem>>, vector<16xf32>,
    tpu.vector_store %arg7[%swap3A_704], %gather3A_703 {strides = array<i32>} : memref<10112xf32, #tpu.memory_space<vmem>>, vector<16xf32>,
    %get3A_706 = arith.constant 1600 : index
    %get3A_707 = tpu.vector_load %arg4[%get3A_706] {strides = array<i32>} : memref<10112xi32, #tpu.memory_space<vmem>>, vector<16xi32>,
    %gather3A_708 = tpu.vector_load_idx %arg8[%get3A_707] : memref<10240xf32, #tpu.memory_space<vmem>>[vector<16xi32>], vector<16xf32>,
    %swap3A_709 = arith.constant 1600 : index
    %swap3A_710 = tpu.vector_load %arg7[%swap3A_709] {strides = array<i32>} : memref<10112xf32, #tpu.memory_space<vmem>>, vector<16xf32>,
    tpu.vector_store %arg7[%swap3A_709], %gather3A_708 {strides = array<i32>} : memref<10112xf32, #tpu.memory_space<vmem>>, vector<16xf32>,
    %get3A_711 = arith.constant 1616 : index
    %get3A_712 = tpu.vector_load %arg4[%get3A_711] {strides = array<i32>} : memref<10112xi32, #tpu.memory_space<vmem>>, vector<16xi32>,
    %gather3A_713 = tpu.vector_load_idx %arg8[%get3A_712] : memref<10240xf32, #tpu.memory_space<vmem>>[vector<16xi32>], vector<16xf32>,
    %swap3A_714 = arith.constant 1616 : index
    %swap3A_715 = tpu.vector_load %arg7[%swap3A_714] {strides = array<i32>} : memref<10112xf32, #tpu.memory_space<vmem>>, vector<16xf32>,
    tpu.vector_store %arg7[%swap3A_714], %gather3A_713 {strides = array<i32>} : memref<10112xf32, #tpu.memory_space<vmem>>, vector<16xf32>,
    %get3A_716 = arith.constant 1632 : index
    %get3A_717 = tpu.vector_load %arg4[%get3A_716] {strides = array<i32>} : memref<10112xi32, #tpu.memory_space<vmem>>, vector<16xi32>,
    %gather3A_718 = tpu.vector_load_idx %arg8[%get3A_717] : memref<10240xf32, #tpu.memory_space<vmem>>[vector<16xi32>], vector<16xf32>,
    %swap3A_719 = arith.constant 1632 : index
    %swap3A_720 = tpu.vector_load %arg7[%swap3A_719] {strides = array<i32>} : memref<10112xf32, #tpu.memory_space<vmem>>, vector<16xf32>,
    tpu.vector_store %arg7[%swap3A_719], %gather3A_718 {strides = array<i32>} : memref<10112xf32, #tpu.memory_space<vmem>>, vector<16xf32>,
    %get3A_721 = arith.constant 1648 : index
    %get3A_722 = tpu.vector_load %arg4[%get3A_721] {strides = array<i32>} : memref<10112xi32, #tpu.memory_space<vmem>>, vector<16xi32>,
    %gather3A_723 = tpu.vector_load_idx %arg8[%get3A_722] : memref<10240xf32, #tpu.memory_space<vmem>>[vector<16xi32>], vector<16xf32>,
    %swap3A_724 = arith.constant 1648 : index
    %swap3A_725 = tpu.vector_load %arg7[%swap3A_724] {strides = array<i32>} : memref<10112xf32, #tpu.memory_space<vmem>>, vector<16xf32>,
    tpu.vector_store %arg7[%swap3A_724], %gather3A_723 {strides = array<i32>} : memref<10112xf32, #tpu.memory_space<vmem>>, vector<16xf32>,
    %dma_start3A_726 = arith.constant 0 : i32
    %dma_start3A_727 = tpu.memref_slice %arg7[%dma_start3A_726] : memref<10112xf32, #tpu.memory_space<vmem>> -> memref<128xf32, #tpu.memory_space<vmem>>
    %dma_start3A_728 = arith.constant 0 : i32
    %dma_start3A_729 = tpu.memref_slice %arg5[%dma_start3A_728] : memref<10112xi32, #tpu.memory_space<vmem>> -> memref<128xi32, #tpu.memory_space<vmem>>
    %dma_start3A_730 = arith.constant 0 : i32
    %dma_start3A_731 = tpu.memref_slice %arg12[%dma_start3A_730] : memref<10240xf32, #tpu.memory_space<vmem_shared>> -> memref<10240xf32, #tpu.memory_space<vmem_shared>>
    tpu.enqueue_indirect_dma source(%dma_start3A_727 : memref<128xf32, #tpu.memory_space<vmem>>) target(%dma_start3A_731 : memref<10240xf32, #tpu.memory_space<vmem_shared>>) offsets(%dma_start3A_729 : memref<128xi32, #tpu.memory_space<vmem>>) semaphore(%arg14 : memref<!tpu.dma_semaphore, #tpu.memory_space<semaphore_mem>>) {add = true}
    %dma_start3A_732 = arith.constant 128 : i32
    %dma_start3A_733 = tpu.memref_slice %arg7[%dma_start3A_732] : memref<10112xf32, #tpu.memory_space<vmem>> -> memref<128xf32, #tpu.memory_space<vmem>>
    %dma_start3A_734 = arith.constant 128 : i32
    %dma_start3A_735 = tpu.memref_slice %arg5[%dma_start3A_734] : memref<10112xi32, #tpu.memory_space<vmem>> -> memref<128xi32, #tpu.memory_space<vmem>>
    %dma_start3A_736 = arith.constant 0 : i32
    %dma_start3A_737 = tpu.memref_slice %arg12[%dma_start3A_736] : memref<10240xf32, #tpu.memory_space<vmem_shared>> -> memref<10240xf32, #tpu.memory_space<vmem_shared>>
    tpu.enqueue_indirect_dma source(%dma_start3A_733 : memref<128xf32, #tpu.memory_space<vmem>>) target(%dma_start3A_737 : memref<10240xf32, #tpu.memory_space<vmem_shared>>) offsets(%dma_start3A_735 : memref<128xi32, #tpu.memory_space<vmem>>) semaphore(%arg14 : memref<!tpu.dma_semaphore, #tpu.memory_space<semaphore_mem>>) {add = true}
    %dma_start3A_738 = arith.constant 256 : i32
    %dma_start3A_739 = tpu.memref_slice %arg7[%dma_start3A_738] : memref<10112xf32, #tpu.memory_space<vmem>> -> memref<128xf32, #tpu.memory_space<vmem>>
    %dma_start3A_740 = arith.constant 256 : i32
    %dma_start3A_741 = tpu.memref_slice %arg5[%dma_start3A_740] : memref<10112xi32, #tpu.memory_space<vmem>> -> memref<128xi32, #tpu.memory_space<vmem>>
    %dma_start3A_742 = arith.constant 0 : i32
    %dma_start3A_743 = tpu.memref_slice %arg12[%dma_start3A_742] : memref<10240xf32, #tpu.memory_space<vmem_shared>> -> memref<10240xf32, #tpu.memory_space<vmem_shared>>
    tpu.enqueue_indirect_dma source(%dma_start3A_739 : memref<128xf32, #tpu.memory_space<vmem>>) target(%dma_start3A_743 : memref<10240xf32, #tpu.memory_space<vmem_shared>>) offsets(%dma_start3A_741 : memref<128xi32, #tpu.memory_space<vmem>>) semaphore(%arg14 : memref<!tpu.dma_semaphore, #tpu.memory_space<semaphore_mem>>) {add = true}
    %dma_start3A_744 = arith.constant 384 : i32
    %dma_start3A_745 = tpu.memref_slice %arg7[%dma_start3A_744] : memref<10112xf32, #tpu.memory_space<vmem>> -> memref<128xf32, #tpu.memory_space<vmem>>
    %dma_start3A_746 = arith.constant 384 : i32
    %dma_start3A_747 = tpu.memref_slice %arg5[%dma_start3A_746] : memref<10112xi32, #tpu.memory_space<vmem>> -> memref<128xi32, #tpu.memory_space<vmem>>
    %dma_start3A_748 = arith.constant 0 : i32
    %dma_start3A_749 = tpu.memref_slice %arg12[%dma_start3A_748] : memref<10240xf32, #tpu.memory_space<vmem_shared>> -> memref<10240xf32, #tpu.memory_space<vmem_shared>>
    tpu.enqueue_indirect_dma source(%dma_start3A_745 : memref<128xf32, #tpu.memory_space<vmem>>) target(%dma_start3A_749 : memref<10240xf32, #tpu.memory_space<vmem_shared>>) offsets(%dma_start3A_747 : memref<128xi32, #tpu.memory_space<vmem>>) semaphore(%arg14 : memref<!tpu.dma_semaphore, #tpu.memory_space<semaphore_mem>>) {add = true}
    %dma_start3A_750 = arith.constant 512 : i32
    %dma_start3A_751 = tpu.memref_slice %arg7[%dma_start3A_750] : memref<10112xf32, #tpu.memory_space<vmem>> -> memref<128xf32, #tpu.memory_space<vmem>>
    %dma_start3A_752 = arith.constant 512 : i32
    %dma_start3A_753 = tpu.memref_slice %arg5[%dma_start3A_752] : memref<10112xi32, #tpu.memory_space<vmem>> -> memref<128xi32, #tpu.memory_space<vmem>>
    %dma_start3A_754 = arith.constant 0 : i32
    %dma_start3A_755 = tpu.memref_slice %arg12[%dma_start3A_754] : memref<10240xf32, #tpu.memory_space<vmem_shared>> -> memref<10240xf32, #tpu.memory_space<vmem_shared>>
    tpu.enqueue_indirect_dma source(%dma_start3A_751 : memref<128xf32, #tpu.memory_space<vmem>>) target(%dma_start3A_755 : memref<10240xf32, #tpu.memory_space<vmem_shared>>) offsets(%dma_start3A_753 : memref<128xi32, #tpu.memory_space<vmem>>) semaphore(%arg14 : memref<!tpu.dma_semaphore, #tpu.memory_space<semaphore_mem>>) {add = true}
    %dma_start3A_756 = arith.constant 640 : i32
    %dma_start3A_757 = tpu.memref_slice %arg7[%dma_start3A_756] : memref<10112xf32, #tpu.memory_space<vmem>> -> memref<128xf32, #tpu.memory_space<vmem>>
    %dma_start3A_758 = arith.constant 640 : i32
    %dma_start3A_759 = tpu.memref_slice %arg5[%dma_start3A_758] : memref<10112xi32, #tpu.memory_space<vmem>> -> memref<128xi32, #tpu.memory_space<vmem>>
    %dma_start3A_760 = arith.constant 0 : i32
    %dma_start3A_761 = tpu.memref_slice %arg12[%dma_start3A_760] : memref<10240xf32, #tpu.memory_space<vmem_shared>> -> memref<10240xf32, #tpu.memory_space<vmem_shared>>
    tpu.enqueue_indirect_dma source(%dma_start3A_757 : memref<128xf32, #tpu.memory_space<vmem>>) target(%dma_start3A_761 : memref<10240xf32, #tpu.memory_space<vmem_shared>>) offsets(%dma_start3A_759 : memref<128xi32, #tpu.memory_space<vmem>>) semaphore(%arg14 : memref<!tpu.dma_semaphore, #tpu.memory_space<semaphore_mem>>) {add = true}
    %dma_start3A_762 = arith.constant 768 : i32
    %dma_start3A_763 = tpu.memref_slice %arg7[%dma_start3A_762] : memref<10112xf32, #tpu.memory_space<vmem>> -> memref<128xf32, #tpu.memory_space<vmem>>
    %dma_start3A_764 = arith.constant 768 : i32
    %dma_start3A_765 = tpu.memref_slice %arg5[%dma_start3A_764] : memref<10112xi32, #tpu.memory_space<vmem>> -> memref<128xi32, #tpu.memory_space<vmem>>
    %dma_start3A_766 = arith.constant 0 : i32
    %dma_start3A_767 = tpu.memref_slice %arg12[%dma_start3A_766] : memref<10240xf32, #tpu.memory_space<vmem_shared>> -> memref<10240xf32, #tpu.memory_space<vmem_shared>>
    tpu.enqueue_indirect_dma source(%dma_start3A_763 : memref<128xf32, #tpu.memory_space<vmem>>) target(%dma_start3A_767 : memref<10240xf32, #tpu.memory_space<vmem_shared>>) offsets(%dma_start3A_765 : memref<128xi32, #tpu.memory_space<vmem>>) semaphore(%arg14 : memref<!tpu.dma_semaphore, #tpu.memory_space<semaphore_mem>>) {add = true}
    %dma_start3A_768 = arith.constant 896 : i32
    %dma_start3A_769 = tpu.memref_slice %arg7[%dma_start3A_768] : memref<10112xf32, #tpu.memory_space<vmem>> -> memref<128xf32, #tpu.memory_space<vmem>>
    %dma_start3A_770 = arith.constant 896 : i32
    %dma_start3A_771 = tpu.memref_slice %arg5[%dma_start3A_770] : memref<10112xi32, #tpu.memory_space<vmem>> -> memref<128xi32, #tpu.memory_space<vmem>>
    %dma_start3A_772 = arith.constant 0 : i32
    %dma_start3A_773 = tpu.memref_slice %arg12[%dma_start3A_772] : memref<10240xf32, #tpu.memory_space<vmem_shared>> -> memref<10240xf32, #tpu.memory_space<vmem_shared>>
    tpu.enqueue_indirect_dma source(%dma_start3A_769 : memref<128xf32, #tpu.memory_space<vmem>>) target(%dma_start3A_773 : memref<10240xf32, #tpu.memory_space<vmem_shared>>) offsets(%dma_start3A_771 : memref<128xi32, #tpu.memory_space<vmem>>) semaphore(%arg14 : memref<!tpu.dma_semaphore, #tpu.memory_space<semaphore_mem>>) {add = true}
    %dma_start3A_774 = arith.constant 1024 : i32
    %dma_start3A_775 = tpu.memref_slice %arg7[%dma_start3A_774] : memref<10112xf32, #tpu.memory_space<vmem>> -> memref<128xf32, #tpu.memory_space<vmem>>
    %dma_start3A_776 = arith.constant 1024 : i32
    %dma_start3A_777 = tpu.memref_slice %arg5[%dma_start3A_776] : memref<10112xi32, #tpu.memory_space<vmem>> -> memref<128xi32, #tpu.memory_space<vmem>>
    %dma_start3A_778 = arith.constant 0 : i32
    %dma_start3A_779 = tpu.memref_slice %arg12[%dma_start3A_778] : memref<10240xf32, #tpu.memory_space<vmem_shared>> -> memref<10240xf32, #tpu.memory_space<vmem_shared>>
    tpu.enqueue_indirect_dma source(%dma_start3A_775 : memref<128xf32, #tpu.memory_space<vmem>>) target(%dma_start3A_779 : memref<10240xf32, #tpu.memory_space<vmem_shared>>) offsets(%dma_start3A_777 : memref<128xi32, #tpu.memory_space<vmem>>) semaphore(%arg14 : memref<!tpu.dma_semaphore, #tpu.memory_space<semaphore_mem>>) {add = true}
    %dma_start3A_780 = arith.constant 1152 : i32
    %dma_start3A_781 = tpu.memref_slice %arg7[%dma_start3A_780] : memref<10112xf32, #tpu.memory_space<vmem>> -> memref<128xf32, #tpu.memory_space<vmem>>
    %dma_start3A_782 = arith.constant 1152 : i32
    %dma_start3A_783 = tpu.memref_slice %arg5[%dma_start3A_782] : memref<10112xi32, #tpu.memory_space<vmem>> -> memref<128xi32, #tpu.memory_space<vmem>>
    %dma_start3A_784 = arith.constant 0 : i32
    %dma_start3A_785 = tpu.memref_slice %arg12[%dma_start3A_784] : memref<10240xf32, #tpu.memory_space<vmem_shared>> -> memref<10240xf32, #tpu.memory_space<vmem_shared>>
    tpu.enqueue_indirect_dma source(%dma_start3A_781 : memref<128xf32, #tpu.memory_space<vmem>>) target(%dma_start3A_785 : memref<10240xf32, #tpu.memory_space<vmem_shared>>) offsets(%dma_start3A_783 : memref<128xi32, #tpu.memory_space<vmem>>) semaphore(%arg14 : memref<!tpu.dma_semaphore, #tpu.memory_space<semaphore_mem>>) {add = true}
    %dma_start3A_786 = arith.constant 1280 : i32
    %dma_start3A_787 = tpu.memref_slice %arg7[%dma_start3A_786] : memref<10112xf32, #tpu.memory_space<vmem>> -> memref<128xf32, #tpu.memory_space<vmem>>
    %dma_start3A_788 = arith.constant 1280 : i32
    %dma_start3A_789 = tpu.memref_slice %arg5[%dma_start3A_788] : memref<10112xi32, #tpu.memory_space<vmem>> -> memref<128xi32, #tpu.memory_space<vmem>>
    %dma_start3A_790 = arith.constant 0 : i32
    %dma_start3A_791 = tpu.memref_slice %arg12[%dma_start3A_790] : memref<10240xf32, #tpu.memory_space<vmem_shared>> -> memref<10240xf32, #tpu.memory_space<vmem_shared>>
    tpu.enqueue_indirect_dma source(%dma_start3A_787 : memref<128xf32, #tpu.memory_space<vmem>>) target(%dma_start3A_791 : memref<10240xf32, #tpu.memory_space<vmem_shared>>) offsets(%dma_start3A_789 : memref<128xi32, #tpu.memory_space<vmem>>) semaphore(%arg14 : memref<!tpu.dma_semaphore, #tpu.memory_space<semaphore_mem>>) {add = true}
    %dma_start3A_792 = arith.constant 1408 : i32
    %dma_start3A_793 = tpu.memref_slice %arg7[%dma_start3A_792] : memref<10112xf32, #tpu.memory_space<vmem>> -> memref<128xf32, #tpu.memory_space<vmem>>
    %dma_start3A_794 = arith.constant 1408 : i32
    %dma_start3A_795 = tpu.memref_slice %arg5[%dma_start3A_794] : memref<10112xi32, #tpu.memory_space<vmem>> -> memref<128xi32, #tpu.memory_space<vmem>>
    %dma_start3A_796 = arith.constant 0 : i32
    %dma_start3A_797 = tpu.memref_slice %arg12[%dma_start3A_796] : memref<10240xf32, #tpu.memory_space<vmem_shared>> -> memref<10240xf32, #tpu.memory_space<vmem_shared>>
    tpu.enqueue_indirect_dma source(%dma_start3A_793 : memref<128xf32, #tpu.memory_space<vmem>>) target(%dma_start3A_797 : memref<10240xf32, #tpu.memory_space<vmem_shared>>) offsets(%dma_start3A_795 : memref<128xi32, #tpu.memory_space<vmem>>) semaphore(%arg14 : memref<!tpu.dma_semaphore, #tpu.memory_space<semaphore_mem>>) {add = true}
    %dma_start3A_798 = arith.constant 1536 : i32
    %dma_start3A_799 = tpu.memref_slice %arg7[%dma_start3A_798] : memref<10112xf32, #tpu.memory_space<vmem>> -> memref<128xf32, #tpu.memory_space<vmem>>
    %dma_start3A_800 = arith.constant 1536 : i32
    %dma_start3A_801 = tpu.memref_slice %arg5[%dma_start3A_800] : memref<10112xi32, #tpu.memory_space<vmem>> -> memref<128xi32, #tpu.memory_space<vmem>>
    %dma_start3A_802 = arith.constant 0 : i32
    %dma_start3A_803 = tpu.memref_slice %arg12[%dma_start3A_802] : memref<10240xf32, #tpu.memory_space<vmem_shared>> -> memref<10240xf32, #tpu.memory_space<vmem_shared>>
    tpu.enqueue_indirect_dma source(%dma_start3A_799 : memref<128xf32, #tpu.memory_space<vmem>>) target(%dma_start3A_803 : memref<10240xf32, #tpu.memory_space<vmem_shared>>) offsets(%dma_start3A_801 : memref<128xi32, #tpu.memory_space<vmem>>) semaphore(%arg14 : memref<!tpu.dma_semaphore, #tpu.memory_space<semaphore_mem>>) {add = true}
    %scan3A_804 = arith.constant 0 : i32
    %scan3A_805 = arith.constant 1 : i32
    %scan3A_806 = arith.constant 5 : i32
    %scan3A_807 = arith.addi %scan3A_805, %scan3A_806 : i32
    %scan3A_808 = arith.constant 1 : i32
    %scan3A_809 = scf.for %scan3A_904 = %scan3A_805 to %scan3A_807 step %scan3A_808 iter_args(%scan3A_905 = %scan3A_804) -> (i32)  : i32 {
      %mul3A_906 = arith.constant 13 : i32
      %mul3A_907 = arith.muli %scan3A_904, %mul3A_906 : i32
      %add3A_908 = arith.constant 0 : i32
      %add3A_909 = arith.addi %mul3A_907, %add3A_908 : i32
      %mul3A_910 = arith.constant 128 : i32
      %mul3A_911 = arith.muli %add3A_909, %mul3A_910 : i32
      %add3A_912 = arith.constant 0 : i32
      %add3A_913 = arith.addi %mul3A_911, %add3A_912 : i32
      %get3A_914 = arith.index_cast %add3A_913 : i32 to index
      %get3A_915 = tpu.vector_load %arg4[%get3A_914] {strides = array<i32>} : memref<10112xi32, #tpu.memory_space<vmem>>, vector<16xi32>,
      %gather3A_916 = tpu.vector_load_idx %arg8[%get3A_915] : memref<10240xf32, #tpu.memory_space<vmem>>[vector<16xi32>], vector<16xf32>,
      %add3A_917 = arith.constant 0 : i32
      %add3A_918 = arith.addi %mul3A_911, %add3A_917 : i32
      %swap3A_919 = arith.index_cast %add3A_918 : i32 to index
      %swap3A_920 = tpu.vector_load %arg7[%swap3A_919] {strides = array<i32>} : memref<10112xf32, #tpu.memory_space<vmem>>, vector<16xf32>,
      tpu.vector_store %arg7[%swap3A_919], %gather3A_916 {strides = array<i32>} : memref<10112xf32, #tpu.memory_space<vmem>>, vector<16xf32>,
      %add3A_921 = arith.constant 16 : i32
      %add3A_922 = arith.addi %mul3A_911, %add3A_921 : i32
      %get3A_923 = arith.index_cast %add3A_922 : i32 to index
      %get3A_924 = tpu.vector_load %arg4[%get3A_923] {strides = array<i32>} : memref<10112xi32, #tpu.memory_space<vmem>>, vector<16xi32>,
      %gather3A_925 = tpu.vector_load_idx %arg8[%get3A_924] : memref<10240xf32, #tpu.memory_space<vmem>>[vector<16xi32>], vector<16xf32>,
      %add3A_926 = arith.constant 16 : i32
      %add3A_927 = arith.addi %mul3A_911, %add3A_926 : i32
      %swap3A_928 = arith.index_cast %add3A_927 : i32 to index
      %swap3A_929 = tpu.vector_load %arg7[%swap3A_928] {strides = array<i32>} : memref<10112xf32, #tpu.memory_space<vmem>>, vector<16xf32>,
      tpu.vector_store %arg7[%swap3A_928], %gather3A_925 {strides = array<i32>} : memref<10112xf32, #tpu.memory_space<vmem>>, vector<16xf32>,
      %add3A_930 = arith.constant 32 : i32
      %add3A_931 = arith.addi %mul3A_911, %add3A_930 : i32
      %get3A_932 = arith.index_cast %add3A_931 : i32 to index
      %get3A_933 = tpu.vector_load %arg4[%get3A_932] {strides = array<i32>} : memref<10112xi32, #tpu.memory_space<vmem>>, vector<16xi32>,
      %gather3A_934 = tpu.vector_load_idx %arg8[%get3A_933] : memref<10240xf32, #tpu.memory_space<vmem>>[vector<16xi32>], vector<16xf32>,
      %add3A_935 = arith.constant 32 : i32
      %add3A_936 = arith.addi %mul3A_911, %add3A_935 : i32
      %swap3A_937 = arith.index_cast %add3A_936 : i32 to index
      %swap3A_938 = tpu.vector_load %arg7[%swap3A_937] {strides = array<i32>} : memref<10112xf32, #tpu.memory_space<vmem>>, vector<16xf32>,
      tpu.vector_store %arg7[%swap3A_937], %gather3A_934 {strides = array<i32>} : memref<10112xf32, #tpu.memory_space<vmem>>, vector<16xf32>,
      %add3A_939 = arith.constant 48 : i32
      %add3A_940 = arith.addi %mul3A_911, %add3A_939 : i32
      %get3A_941 = arith.index_cast %add3A_940 : i32 to index
      %get3A_942 = tpu.vector_load %arg4[%get3A_941] {strides = array<i32>} : memref<10112xi32, #tpu.memory_space<vmem>>, vector<16xi32>,
      %gather3A_943 = tpu.vector_load_idx %arg8[%get3A_942] : memref<10240xf32, #tpu.memory_space<vmem>>[vector<16xi32>], vector<16xf32>,
      %add3A_944 = arith.constant 48 : i32
      %add3A_945 = arith.addi %mul3A_911, %add3A_944 : i32
      %swap3A_946 = arith.index_cast %add3A_945 : i32 to index
      %swap3A_947 = tpu.vector_load %arg7[%swap3A_946] {strides = array<i32>} : memref<10112xf32, #tpu.memory_space<vmem>>, vector<16xf32>,
      tpu.vector_store %arg7[%swap3A_946], %gather3A_943 {strides = array<i32>} : memref<10112xf32, #tpu.memory_space<vmem>>, vector<16xf32>,
      %add3A_948 = arith.constant 64 : i32
      %add3A_949 = arith.addi %mul3A_911, %add3A_948 : i32
      %get3A_950 = arith.index_cast %add3A_949 : i32 to index
      %get3A_951 = tpu.vector_load %arg4[%get3A_950] {strides = array<i32>} : memref<10112xi32, #tpu.memory_space<vmem>>, vector<16xi32>,
      %gather3A_952 = tpu.vector_load_idx %arg8[%get3A_951] : memref<10240xf32, #tpu.memory_space<vmem>>[vector<16xi32>], vector<16xf32>,
      %add3A_953 = arith.constant 64 : i32
      %add3A_954 = arith.addi %mul3A_911, %add3A_953 : i32
      %swap3A_955 = arith.index_cast %add3A_954 : i32 to index
      %swap3A_956 = tpu.vector_load %arg7[%swap3A_955] {strides = array<i32>} : memref<10112xf32, #tpu.memory_space<vmem>>, vector<16xf32>,
      tpu.vector_store %arg7[%swap3A_955], %gather3A_952 {strides = array<i32>} : memref<10112xf32, #tpu.memory_space<vmem>>, vector<16xf32>,
      %add3A_957 = arith.constant 80 : i32
      %add3A_958 = arith.addi %mul3A_911, %add3A_957 : i32
      %get3A_959 = arith.index_cast %add3A_958 : i32 to index
      %get3A_960 = tpu.vector_load %arg4[%get3A_959] {strides = array<i32>} : memref<10112xi32, #tpu.memory_space<vmem>>, vector<16xi32>,
      %gather3A_961 = tpu.vector_load_idx %arg8[%get3A_960] : memref<10240xf32, #tpu.memory_space<vmem>>[vector<16xi32>], vector<16xf32>,
      %add3A_962 = arith.constant 80 : i32
      %add3A_963 = arith.addi %mul3A_911, %add3A_962 : i32
      %swap3A_964 = arith.index_cast %add3A_963 : i32 to index
      %swap3A_965 = tpu.vector_load %arg7[%swap3A_964] {strides = array<i32>} : memref<10112xf32, #tpu.memory_space<vmem>>, vector<16xf32>,
      tpu.vector_store %arg7[%swap3A_964], %gather3A_961 {strides = array<i32>} : memref<10112xf32, #tpu.memory_space<vmem>>, vector<16xf32>,
      %add3A_966 = arith.constant 96 : i32
      %add3A_967 = arith.addi %mul3A_911, %add3A_966 : i32
      %get3A_968 = arith.index_cast %add3A_967 : i32 to index
      %get3A_969 = tpu.vector_load %arg4[%get3A_968] {strides = array<i32>} : memref<10112xi32, #tpu.memory_space<vmem>>, vector<16xi32>,
      %gather3A_970 = tpu.vector_load_idx %arg8[%get3A_969] : memref<10240xf32, #tpu.memory_space<vmem>>[vector<16xi32>], vector<16xf32>,
      %add3A_971 = arith.constant 96 : i32
      %add3A_972 = arith.addi %mul3A_911, %add3A_971 : i32
      %swap3A_973 = arith.index_cast %add3A_972 : i32 to index
      %swap3A_974 = tpu.vector_load %arg7[%swap3A_973] {strides = array<i32>} : memref<10112xf32, #tpu.memory_space<vmem>>, vector<16xf32>,
      tpu.vector_store %arg7[%swap3A_973], %gather3A_970 {strides = array<i32>} : memref<10112xf32, #tpu.memory_space<vmem>>, vector<16xf32>,
      %add3A_975 = arith.constant 112 : i32
      %add3A_976 = arith.addi %mul3A_911, %add3A_975 : i32
      %get3A_977 = arith.index_cast %add3A_976 : i32 to index
      %get3A_978 = tpu.vector_load %arg4[%get3A_977] {strides = array<i32>} : memref<10112xi32, #tpu.memory_space<vmem>>, vector<16xi32>,
      %gather3A_979 = tpu.vector_load_idx %arg8[%get3A_978] : memref<10240xf32, #tpu.memory_space<vmem>>[vector<16xi32>], vector<16xf32>,
      %add3A_980 = arith.constant 112 : i32
      %add3A_981 = arith.addi %mul3A_911, %add3A_980 : i32
      %swap3A_982 = arith.index_cast %add3A_981 : i32 to index
      %swap3A_983 = tpu.vector_load %arg7[%swap3A_982] {strides = array<i32>} : memref<10112xf32, #tpu.memory_space<vmem>>, vector<16xf32>,
      tpu.vector_store %arg7[%swap3A_982], %gather3A_979 {strides = array<i32>} : memref<10112xf32, #tpu.memory_space<vmem>>, vector<16xf32>,
      %mul3A_984 = arith.constant 13 : i32
      %mul3A_985 = arith.muli %scan3A_904, %mul3A_984 : i32
      %add3A_986 = arith.constant 1 : i32
      %add3A_987 = arith.addi %mul3A_985, %add3A_986 : i32
      %mul3A_988 = arith.constant 128 : i32
      %mul3A_989 = arith.muli %add3A_987, %mul3A_988 : i32
      %add3A_990 = arith.constant 0 : i32
      %add3A_991 = arith.addi %mul3A_989, %add3A_990 : i32
      %get3A_992 = arith.index_cast %add3A_991 : i32 to index
      %get3A_993 = tpu.vector_load %arg4[%get3A_992] {strides = array<i32>} : memref<10112xi32, #tpu.memory_space<vmem>>, vector<16xi32>,
      %gather3A_994 = tpu.vector_load_idx %arg8[%get3A_993] : memref<10240xf32, #tpu.memory_space<vmem>>[vector<16xi32>], vector<16xf32>,
      %add3A_995 = arith.constant 0 : i32
      %add3A_996 = arith.addi %mul3A_989, %add3A_995 : i32
      %swap3A_997 = arith.index_cast %add3A_996 : i32 to index
      %swap3A_998 = tpu.vector_load %arg7[%swap3A_997] {strides = array<i32>} : memref<10112xf32, #tpu.memory_space<vmem>>, vector<16xf32>,
      tpu.vector_store %arg7[%swap3A_997], %gather3A_994 {strides = array<i32>} : memref<10112xf32, #tpu.memory_space<vmem>>, vector<16xf32>,
      %add3A_999 = arith.constant 16 : i32
      %add3A_1000 = arith.addi %mul3A_989, %add3A_999 : i32
      %get3A_1001 = arith.index_cast %add3A_1000 : i32 to index
      %get3A_1002 = tpu.vector_load %arg4[%get3A_1001] {strides = array<i32>} : memref<10112xi32, #tpu.memory_space<vmem>>, vector<16xi32>,
      %gather3A_1003 = tpu.vector_load_idx %arg8[%get3A_1002] : memref<10240xf32, #tpu.memory_space<vmem>>[vector<16xi32>], vector<16xf32>,
      %add3A_1004 = arith.constant 16 : i32
      %add3A_1005 = arith.addi %mul3A_989, %add3A_1004 : i32
      %swap3A_1006 = arith.index_cast %add3A_1005 : i32 to index
      %swap3A_1007 = tpu.vector_load %arg7[%swap3A_1006] {strides = array<i32>} : memref<10112xf32, #tpu.memory_space<vmem>>, vector<16xf32>,
      tpu.vector_store %arg7[%swap3A_1006], %gather3A_1003 {strides = array<i32>} : memref<10112xf32, #tpu.memory_space<vmem>>, vector<16xf32>,
      %add3A_1008 = arith.constant 32 : i32
      %add3A_1009 = arith.addi %mul3A_989, %add3A_1008 : i32
      %get3A_1010 = arith.index_cast %add3A_1009 : i32 to index
      %get3A_1011 = tpu.vector_load %arg4[%get3A_1010] {strides = array<i32>} : memref<10112xi32, #tpu.memory_space<vmem>>, vector<16xi32>,
      %gather3A_1012 = tpu.vector_load_idx %arg8[%get3A_1011] : memref<10240xf32, #tpu.memory_space<vmem>>[vector<16xi32>], vector<16xf32>,
      %add3A_1013 = arith.constant 32 : i32
      %add3A_1014 = arith.addi %mul3A_989, %add3A_1013 : i32
      %swap3A_1015 = arith.index_cast %add3A_1014 : i32 to index
      %swap3A_1016 = tpu.vector_load %arg7[%swap3A_1015] {strides = array<i32>} : memref<10112xf32, #tpu.memory_space<vmem>>, vector<16xf32>,
      tpu.vector_store %arg7[%swap3A_1015], %gather3A_1012 {strides = array<i32>} : memref<10112xf32, #tpu.memory_space<vmem>>, vector<16xf32>,
      %add3A_1017 = arith.constant 48 : i32
      %add3A_1018 = arith.addi %mul3A_989, %add3A_1017 : i32
      %get3A_1019 = arith.index_cast %add3A_1018 : i32 to index
      %get3A_1020 = tpu.vector_load %arg4[%get3A_1019] {strides = array<i32>} : memref<10112xi32, #tpu.memory_space<vmem>>, vector<16xi32>,
      %gather3A_1021 = tpu.vector_load_idx %arg8[%get3A_1020] : memref<10240xf32, #tpu.memory_space<vmem>>[vector<16xi32>], vector<16xf32>,
      %add3A_1022 = arith.constant 48 : i32
      %add3A_1023 = arith.addi %mul3A_989, %add3A_1022 : i32
      %swap3A_1024 = arith.index_cast %add3A_1023 : i32 to index
      %swap3A_1025 = tpu.vector_load %arg7[%swap3A_1024] {strides = array<i32>} : memref<10112xf32, #tpu.memory_space<vmem>>, vector<16xf32>,
      tpu.vector_store %arg7[%swap3A_1024], %gather3A_1021 {strides = array<i32>} : memref<10112xf32, #tpu.memory_space<vmem>>, vector<16xf32>,
      %add3A_1026 = arith.constant 64 : i32
      %add3A_1027 = arith.addi %mul3A_989, %add3A_1026 : i32
      %get3A_1028 = arith.index_cast %add3A_1027 : i32 to index
      %get3A_1029 = tpu.vector_load %arg4[%get3A_1028] {strides = array<i32>} : memref<10112xi32, #tpu.memory_space<vmem>>, vector<16xi32>,
      %gather3A_1030 = tpu.vector_load_idx %arg8[%get3A_1029] : memref<10240xf32, #tpu.memory_space<vmem>>[vector<16xi32>], vector<16xf32>,
      %add3A_1031 = arith.constant 64 : i32
      %add3A_1032 = arith.addi %mul3A_989, %add3A_1031 : i32
      %swap3A_1033 = arith.index_cast %add3A_1032 : i32 to index
      %swap3A_1034 = tpu.vector_load %arg7[%swap3A_1033] {strides = array<i32>} : memref<10112xf32, #tpu.memory_space<vmem>>, vector<16xf32>,
      tpu.vector_store %arg7[%swap3A_1033], %gather3A_1030 {strides = array<i32>} : memref<10112xf32, #tpu.memory_space<vmem>>, vector<16xf32>,
      %add3A_1035 = arith.constant 80 : i32
      %add3A_1036 = arith.addi %mul3A_989, %add3A_1035 : i32
      %get3A_1037 = arith.index_cast %add3A_1036 : i32 to index
      %get3A_1038 = tpu.vector_load %arg4[%get3A_1037] {strides = array<i32>} : memref<10112xi32, #tpu.memory_space<vmem>>, vector<16xi32>,
      %gather3A_1039 = tpu.vector_load_idx %arg8[%get3A_1038] : memref<10240xf32, #tpu.memory_space<vmem>>[vector<16xi32>], vector<16xf32>,
      %add3A_1040 = arith.constant 80 : i32
      %add3A_1041 = arith.addi %mul3A_989, %add3A_1040 : i32
      %swap3A_1042 = arith.index_cast %add3A_1041 : i32 to index
      %swap3A_1043 = tpu.vector_load %arg7[%swap3A_1042] {strides = array<i32>} : memref<10112xf32, #tpu.memory_space<vmem>>, vector<16xf32>,
      tpu.vector_store %arg7[%swap3A_1042], %gather3A_1039 {strides = array<i32>} : memref<10112xf32, #tpu.memory_space<vmem>>, vector<16xf32>,
      %add3A_1044 = arith.constant 96 : i32
      %add3A_1045 = arith.addi %mul3A_989, %add3A_1044 : i32
      %get3A_1046 = arith.index_cast %add3A_1045 : i32 to index
      %get3A_1047 = tpu.vector_load %arg4[%get3A_1046] {strides = array<i32>} : memref<10112xi32, #tpu.memory_space<vmem>>, vector<16xi32>,
      %gather3A_1048 = tpu.vector_load_idx %arg8[%get3A_1047] : memref<10240xf32, #tpu.memory_space<vmem>>[vector<16xi32>], vector<16xf32>,
      %add3A_1049 = arith.constant 96 : i32
      %add3A_1050 = arith.addi %mul3A_989, %add3A_1049 : i32
      %swap3A_1051 = arith.index_cast %add3A_1050 : i32 to index
      %swap3A_1052 = tpu.vector_load %arg7[%swap3A_1051] {strides = array<i32>} : memref<10112xf32, #tpu.memory_space<vmem>>, vector<16xf32>,
      tpu.vector_store %arg7[%swap3A_1051], %gather3A_1048 {strides = array<i32>} : memref<10112xf32, #tpu.memory_space<vmem>>, vector<16xf32>,
      %add3A_1053 = arith.constant 112 : i32
      %add3A_1054 = arith.addi %mul3A_989, %add3A_1053 : i32
      %get3A_1055 = arith.index_cast %add3A_1054 : i32 to index
      %get3A_1056 = tpu.vector_load %arg4[%get3A_1055] {strides = array<i32>} : memref<10112xi32, #tpu.memory_space<vmem>>, vector<16xi32>,
      %gather3A_1057 = tpu.vector_load_idx %arg8[%get3A_1056] : memref<10240xf32, #tpu.memory_space<vmem>>[vector<16xi32>], vector<16xf32>,
      %add3A_1058 = arith.constant 112 : i32
      %add3A_1059 = arith.addi %mul3A_989, %add3A_1058 : i32
      %swap3A_1060 = arith.index_cast %add3A_1059 : i32 to index
      %swap3A_1061 = tpu.vector_load %arg7[%swap3A_1060] {strides = array<i32>} : memref<10112xf32, #tpu.memory_space<vmem>>, vector<16xf32>,
      tpu.vector_store %arg7[%swap3A_1060], %gather3A_1057 {strides = array<i32>} : memref<10112xf32, #tpu.memory_space<vmem>>, vector<16xf32>,
      %mul3A_1062 = arith.constant 13 : i32
      %mul3A_1063 = arith.muli %scan3A_904, %mul3A_1062 : i32
      %add3A_1064 = arith.constant 2 : i32
      %add3A_1065 = arith.addi %mul3A_1063, %add3A_1064 : i32
      %mul3A_1066 = arith.constant 128 : i32
      %mul3A_1067 = arith.muli %add3A_1065, %mul3A_1066 : i32
      %add3A_1068 = arith.constant 0 : i32
      %add3A_1069 = arith.addi %mul3A_1067, %add3A_1068 : i32
      %get3A_1070 = arith.index_cast %add3A_1069 : i32 to index
      %get3A_1071 = tpu.vector_load %arg4[%get3A_1070] {strides = array<i32>} : memref<10112xi32, #tpu.memory_space<vmem>>, vector<16xi32>,
      %gather3A_1072 = tpu.vector_load_idx %arg8[%get3A_1071] : memref<10240xf32, #tpu.memory_space<vmem>>[vector<16xi32>], vector<16xf32>,
      %add3A_1073 = arith.constant 0 : i32
      %add3A_1074 = arith.addi %mul3A_1067, %add3A_1073 : i32
      %swap3A_1075 = arith.index_cast %add3A_1074 : i32 to index
      %swap3A_1076 = tpu.vector_load %arg7[%swap3A_1075] {strides = array<i32>} : memref<10112xf32, #tpu.memory_space<vmem>>, vector<16xf32>,
      tpu.vector_store %arg7[%swap3A_1075], %gather3A_1072 {strides = array<i32>} : memref<10112xf32, #tpu.memory_space<vmem>>, vector<16xf32>,
      %add3A_1077 = arith.constant 16 : i32
      %add3A_1078 = arith.addi %mul3A_1067, %add3A_1077 : i32
      %get3A_1079 = arith.index_cast %add3A_1078 : i32 to index
      %get3A_1080 = tpu.vector_load %arg4[%get3A_1079] {strides = array<i32>} : memref<10112xi32, #tpu.memory_space<vmem>>, vector<16xi32>,
      %gather3A_1081 = tpu.vector_load_idx %arg8[%get3A_1080] : memref<10240xf32, #tpu.memory_space<vmem>>[vector<16xi32>], vector<16xf32>,
      %add3A_1082 = arith.constant 16 : i32
      %add3A_1083 = arith.addi %mul3A_1067, %add3A_1082 : i32
      %swap3A_1084 = arith.index_cast %add3A_1083 : i32 to index
      %swap3A_1085 = tpu.vector_load %arg7[%swap3A_1084] {strides = array<i32>} : memref<10112xf32, #tpu.memory_space<vmem>>, vector<16xf32>,
      tpu.vector_store %arg7[%swap3A_1084], %gather3A_1081 {strides = array<i32>} : memref<10112xf32, #tpu.memory_space<vmem>>, vector<16xf32>,
      %add3A_1086 = arith.constant 32 : i32
      %add3A_1087 = arith.addi %mul3A_1067, %add3A_1086 : i32
      %get3A_1088 = arith.index_cast %add3A_1087 : i32 to index
      %get3A_1089 = tpu.vector_load %arg4[%get3A_1088] {strides = array<i32>} : memref<10112xi32, #tpu.memory_space<vmem>>, vector<16xi32>,
      %gather3A_1090 = tpu.vector_load_idx %arg8[%get3A_1089] : memref<10240xf32, #tpu.memory_space<vmem>>[vector<16xi32>], vector<16xf32>,
      %add3A_1091 = arith.constant 32 : i32
      %add3A_1092 = arith.addi %mul3A_1067, %add3A_1091 : i32
      %swap3A_1093 = arith.index_cast %add3A_1092 : i32 to index
      %swap3A_1094 = tpu.vector_load %arg7[%swap3A_1093] {strides = array<i32>} : memref<10112xf32, #tpu.memory_space<vmem>>, vector<16xf32>,
      tpu.vector_store %arg7[%swap3A_1093], %gather3A_1090 {strides = array<i32>} : memref<10112xf32, #tpu.memory_space<vmem>>, vector<16xf32>,
      %add3A_1095 = arith.constant 48 : i32
      %add3A_1096 = arith.addi %mul3A_1067, %add3A_1095 : i32
      %get3A_1097 = arith.index_cast %add3A_1096 : i32 to index
      %get3A_1098 = tpu.vector_load %arg4[%get3A_1097] {strides = array<i32>} : memref<10112xi32, #tpu.memory_space<vmem>>, vector<16xi32>,
      %gather3A_1099 = tpu.vector_load_idx %arg8[%get3A_1098] : memref<10240xf32, #tpu.memory_space<vmem>>[vector<16xi32>], vector<16xf32>,
      %add3A_1100 = arith.constant 48 : i32
      %add3A_1101 = arith.addi %mul3A_1067, %add3A_1100 : i32
      %swap3A_1102 = arith.index_cast %add3A_1101 : i32 to index
      %swap3A_1103 = tpu.vector_load %arg7[%swap3A_1102] {strides = array<i32>} : memref<10112xf32, #tpu.memory_space<vmem>>, vector<16xf32>,
      tpu.vector_store %arg7[%swap3A_1102], %gather3A_1099 {strides = array<i32>} : memref<10112xf32, #tpu.memory_space<vmem>>, vector<16xf32>,
      %add3A_1104 = arith.constant 64 : i32
      %add3A_1105 = arith.addi %mul3A_1067, %add3A_1104 : i32
      %get3A_1106 = arith.index_cast %add3A_1105 : i32 to index
      %get3A_1107 = tpu.vector_load %arg4[%get3A_1106] {strides = array<i32>} : memref<10112xi32, #tpu.memory_space<vmem>>, vector<16xi32>,
      %gather3A_1108 = tpu.vector_load_idx %arg8[%get3A_1107] : memref<10240xf32, #tpu.memory_space<vmem>>[vector<16xi32>], vector<16xf32>,
      %add3A_1109 = arith.constant 64 : i32
      %add3A_1110 = arith.addi %mul3A_1067, %add3A_1109 : i32
      %swap3A_1111 = arith.index_cast %add3A_1110 : i32 to index
      %swap3A_1112 = tpu.vector_load %arg7[%swap3A_1111] {strides = array<i32>} : memref<10112xf32, #tpu.memory_space<vmem>>, vector<16xf32>,
      tpu.vector_store %arg7[%swap3A_1111], %gather3A_1108 {strides = array<i32>} : memref<10112xf32, #tpu.memory_space<vmem>>, vector<16xf32>,
      %add3A_1113 = arith.constant 80 : i32
      %add3A_1114 = arith.addi %mul3A_1067, %add3A_1113 : i32
      %get3A_1115 = arith.index_cast %add3A_1114 : i32 to index
      %get3A_1116 = tpu.vector_load %arg4[%get3A_1115] {strides = array<i32>} : memref<10112xi32, #tpu.memory_space<vmem>>, vector<16xi32>,
      %gather3A_1117 = tpu.vector_load_idx %arg8[%get3A_1116] : memref<10240xf32, #tpu.memory_space<vmem>>[vector<16xi32>], vector<16xf32>,
      %add3A_1118 = arith.constant 80 : i32
      %add3A_1119 = arith.addi %mul3A_1067, %add3A_1118 : i32
      %swap3A_1120 = arith.index_cast %add3A_1119 : i32 to index
      %swap3A_1121 = tpu.vector_load %arg7[%swap3A_1120] {strides = array<i32>} : memref<10112xf32, #tpu.memory_space<vmem>>, vector<16xf32>,
      tpu.vector_store %arg7[%swap3A_1120], %gather3A_1117 {strides = array<i32>} : memref<10112xf32, #tpu.memory_space<vmem>>, vector<16xf32>,
      %add3A_1122 = arith.constant 96 : i32
      %add3A_1123 = arith.addi %mul3A_1067, %add3A_1122 : i32
      %get3A_1124 = arith.index_cast %add3A_1123 : i32 to index
      %get3A_1125 = tpu.vector_load %arg4[%get3A_1124] {strides = array<i32>} : memref<10112xi32, #tpu.memory_space<vmem>>, vector<16xi32>,
      %gather3A_1126 = tpu.vector_load_idx %arg8[%get3A_1125] : memref<10240xf32, #tpu.memory_space<vmem>>[vector<16xi32>], vector<16xf32>,
      %add3A_1127 = arith.constant 96 : i32
      %add3A_1128 = arith.addi %mul3A_1067, %add3A_1127 : i32
      %swap3A_1129 = arith.index_cast %add3A_1128 : i32 to index
      %swap3A_1130 = tpu.vector_load %arg7[%swap3A_1129] {strides = array<i32>} : memref<10112xf32, #tpu.memory_space<vmem>>, vector<16xf32>,
      tpu.vector_store %arg7[%swap3A_1129], %gather3A_1126 {strides = array<i32>} : memref<10112xf32, #tpu.memory_space<vmem>>, vector<16xf32>,
      %add3A_1131 = arith.constant 112 : i32
      %add3A_1132 = arith.addi %mul3A_1067, %add3A_1131 : i32
      %get3A_1133 = arith.index_cast %add3A_1132 : i32 to index
      %get3A_1134 = tpu.vector_load %arg4[%get3A_1133] {strides = array<i32>} : memref<10112xi32, #tpu.memory_space<vmem>>, vector<16xi32>,
      %gather3A_1135 = tpu.vector_load_idx %arg8[%get3A_1134] : memref<10240xf32, #tpu.memory_space<vmem>>[vector<16xi32>], vector<16xf32>,
      %add3A_1136 = arith.constant 112 : i32
      %add3A_1137 = arith.addi %mul3A_1067, %add3A_1136 : i32
      %swap3A_1138 = arith.index_cast %add3A_1137 : i32 to index
      %swap3A_1139 = tpu.vector_load %arg7[%swap3A_1138] {strides = array<i32>} : memref<10112xf32, #tpu.memory_space<vmem>>, vector<16xf32>,
      tpu.vector_store %arg7[%swap3A_1138], %gather3A_1135 {strides = array<i32>} : memref<10112xf32, #tpu.memory_space<vmem>>, vector<16xf32>,
      %mul3A_1140 = arith.constant 13 : i32
      %mul3A_1141 = arith.muli %scan3A_904, %mul3A_1140 : i32
      %add3A_1142 = arith.constant 3 : i32
      %add3A_1143 = arith.addi %mul3A_1141, %add3A_1142 : i32
      %mul3A_1144 = arith.constant 128 : i32
      %mul3A_1145 = arith.muli %add3A_1143, %mul3A_1144 : i32
      %add3A_1146 = arith.constant 0 : i32
      %add3A_1147 = arith.addi %mul3A_1145, %add3A_1146 : i32
      %get3A_1148 = arith.index_cast %add3A_1147 : i32 to index
      %get3A_1149 = tpu.vector_load %arg4[%get3A_1148] {strides = array<i32>} : memref<10112xi32, #tpu.memory_space<vmem>>, vector<16xi32>,
      %gather3A_1150 = tpu.vector_load_idx %arg8[%get3A_1149] : memref<10240xf32, #tpu.memory_space<vmem>>[vector<16xi32>], vector<16xf32>,
      %add3A_1151 = arith.constant 0 : i32
      %add3A_1152 = arith.addi %mul3A_1145, %add3A_1151 : i32
      %swap3A_1153 = arith.index_cast %add3A_1152 : i32 to index
      %swap3A_1154 = tpu.vector_load %arg7[%swap3A_1153] {strides = array<i32>} : memref<10112xf32, #tpu.memory_space<vmem>>, vector<16xf32>,
      tpu.vector_store %arg7[%swap3A_1153], %gather3A_1150 {strides = array<i32>} : memref<10112xf32, #tpu.memory_space<vmem>>, vector<16xf32>,
      %add3A_1155 = arith.constant 16 : i32
      %add3A_1156 = arith.addi %mul3A_1145, %add3A_1155 : i32
      %get3A_1157 = arith.index_cast %add3A_1156 : i32 to index
      %get3A_1158 = tpu.vector_load %arg4[%get3A_1157] {strides = array<i32>} : memref<10112xi32, #tpu.memory_space<vmem>>, vector<16xi32>,
      %gather3A_1159 = tpu.vector_load_idx %arg8[%get3A_1158] : memref<10240xf32, #tpu.memory_space<vmem>>[vector<16xi32>], vector<16xf32>,
      %add3A_1160 = arith.constant 16 : i32
      %add3A_1161 = arith.addi %mul3A_1145, %add3A_1160 : i32
      %swap3A_1162 = arith.index_cast %add3A_1161 : i32 to index
      %swap3A_1163 = tpu.vector_load %arg7[%swap3A_1162] {strides = array<i32>} : memref<10112xf32, #tpu.memory_space<vmem>>, vector<16xf32>,
      tpu.vector_store %arg7[%swap3A_1162], %gather3A_1159 {strides = array<i32>} : memref<10112xf32, #tpu.memory_space<vmem>>, vector<16xf32>,
      %add3A_1164 = arith.constant 32 : i32
      %add3A_1165 = arith.addi %mul3A_1145, %add3A_1164 : i32
      %get3A_1166 = arith.index_cast %add3A_1165 : i32 to index
      %get3A_1167 = tpu.vector_load %arg4[%get3A_1166] {strides = array<i32>} : memref<10112xi32, #tpu.memory_space<vmem>>, vector<16xi32>,
      %gather3A_1168 = tpu.vector_load_idx %arg8[%get3A_1167] : memref<10240xf32, #tpu.memory_space<vmem>>[vector<16xi32>], vector<16xf32>,
      %add3A_1169 = arith.constant 32 : i32
      %add3A_1170 = arith.addi %mul3A_1145, %add3A_1169 : i32
      %swap3A_1171 = arith.index_cast %add3A_1170 : i32 to index
      %swap3A_1172 = tpu.vector_load %arg7[%swap3A_1171] {strides = array<i32>} : memref<10112xf32, #tpu.memory_space<vmem>>, vector<16xf32>,
      tpu.vector_store %arg7[%swap3A_1171], %gather3A_1168 {strides = array<i32>} : memref<10112xf32, #tpu.memory_space<vmem>>, vector<16xf32>,
      %add3A_1173 = arith.constant 48 : i32
      %add3A_1174 = arith.addi %mul3A_1145, %add3A_1173 : i32
      %get3A_1175 = arith.index_cast %add3A_1174 : i32 to index
      %get3A_1176 = tpu.vector_load %arg4[%get3A_1175] {strides = array<i32>} : memref<10112xi32, #tpu.memory_space<vmem>>, vector<16xi32>,
      %gather3A_1177 = tpu.vector_load_idx %arg8[%get3A_1176] : memref<10240xf32, #tpu.memory_space<vmem>>[vector<16xi32>], vector<16xf32>,
      %add3A_1178 = arith.constant 48 : i32
      %add3A_1179 = arith.addi %mul3A_1145, %add3A_1178 : i32
      %swap3A_1180 = arith.index_cast %add3A_1179 : i32 to index
      %swap3A_1181 = tpu.vector_load %arg7[%swap3A_1180] {strides = array<i32>} : memref<10112xf32, #tpu.memory_space<vmem>>, vector<16xf32>,
      tpu.vector_store %arg7[%swap3A_1180], %gather3A_1177 {strides = array<i32>} : memref<10112xf32, #tpu.memory_space<vmem>>, vector<16xf32>,
      %add3A_1182 = arith.constant 64 : i32
      %add3A_1183 = arith.addi %mul3A_1145, %add3A_1182 : i32
      %get3A_1184 = arith.index_cast %add3A_1183 : i32 to index
      %get3A_1185 = tpu.vector_load %arg4[%get3A_1184] {strides = array<i32>} : memref<10112xi32, #tpu.memory_space<vmem>>, vector<16xi32>,
      %gather3A_1186 = tpu.vector_load_idx %arg8[%get3A_1185] : memref<10240xf32, #tpu.memory_space<vmem>>[vector<16xi32>], vector<16xf32>,
      %add3A_1187 = arith.constant 64 : i32
      %add3A_1188 = arith.addi %mul3A_1145, %add3A_1187 : i32
      %swap3A_1189 = arith.index_cast %add3A_1188 : i32 to index
      %swap3A_1190 = tpu.vector_load %arg7[%swap3A_1189] {strides = array<i32>} : memref<10112xf32, #tpu.memory_space<vmem>>, vector<16xf32>,
      tpu.vector_store %arg7[%swap3A_1189], %gather3A_1186 {strides = array<i32>} : memref<10112xf32, #tpu.memory_space<vmem>>, vector<16xf32>,
      %add3A_1191 = arith.constant 80 : i32
      %add3A_1192 = arith.addi %mul3A_1145, %add3A_1191 : i32
      %get3A_1193 = arith.index_cast %add3A_1192 : i32 to index
      %get3A_1194 = tpu.vector_load %arg4[%get3A_1193] {strides = array<i32>} : memref<10112xi32, #tpu.memory_space<vmem>>, vector<16xi32>,
      %gather3A_1195 = tpu.vector_load_idx %arg8[%get3A_1194] : memref<10240xf32, #tpu.memory_space<vmem>>[vector<16xi32>], vector<16xf32>,
      %add3A_1196 = arith.constant 80 : i32
      %add3A_1197 = arith.addi %mul3A_1145, %add3A_1196 : i32
      %swap3A_1198 = arith.index_cast %add3A_1197 : i32 to index
      %swap3A_1199 = tpu.vector_load %arg7[%swap3A_1198] {strides = array<i32>} : memref<10112xf32, #tpu.memory_space<vmem>>, vector<16xf32>,
      tpu.vector_store %arg7[%swap3A_1198], %gather3A_1195 {strides = array<i32>} : memref<10112xf32, #tpu.memory_space<vmem>>, vector<16xf32>,
      %add3A_1200 = arith.constant 96 : i32
      %add3A_1201 = arith.addi %mul3A_1145, %add3A_1200 : i32
      %get3A_1202 = arith.index_cast %add3A_1201 : i32 to index
      %get3A_1203 = tpu.vector_load %arg4[%get3A_1202] {strides = array<i32>} : memref<10112xi32, #tpu.memory_space<vmem>>, vector<16xi32>,
      %gather3A_1204 = tpu.vector_load_idx %arg8[%get3A_1203] : memref<10240xf32, #tpu.memory_space<vmem>>[vector<16xi32>], vector<16xf32>,
      %add3A_1205 = arith.constant 96 : i32
      %add3A_1206 = arith.addi %mul3A_1145, %add3A_1205 : i32
      %swap3A_1207 = arith.index_cast %add3A_1206 : i32 to index
      %swap3A_1208 = tpu.vector_load %arg7[%swap3A_1207] {strides = array<i32>} : memref<10112xf32, #tpu.memory_space<vmem>>, vector<16xf32>,
      tpu.vector_store %arg7[%swap3A_1207], %gather3A_1204 {strides = array<i32>} : memref<10112xf32, #tpu.memory_space<vmem>>, vector<16xf32>,
      %add3A_1209 = arith.constant 112 : i32
      %add3A_1210 = arith.addi %mul3A_1145, %add3A_1209 : i32
      %get3A_1211 = arith.index_cast %add3A_1210 : i32 to index
      %get3A_1212 = tpu.vector_load %arg4[%get3A_1211] {strides = array<i32>} : memref<10112xi32, #tpu.memory_space<vmem>>, vector<16xi32>,
      %gather3A_1213 = tpu.vector_load_idx %arg8[%get3A_1212] : memref<10240xf32, #tpu.memory_space<vmem>>[vector<16xi32>], vector<16xf32>,
      %add3A_1214 = arith.constant 112 : i32
      %add3A_1215 = arith.addi %mul3A_1145, %add3A_1214 : i32
      %swap3A_1216 = arith.index_cast %add3A_1215 : i32 to index
      %swap3A_1217 = tpu.vector_load %arg7[%swap3A_1216] {strides = array<i32>} : memref<10112xf32, #tpu.memory_space<vmem>>, vector<16xf32>,
      tpu.vector_store %arg7[%swap3A_1216], %gather3A_1213 {strides = array<i32>} : memref<10112xf32, #tpu.memory_space<vmem>>, vector<16xf32>,
      %mul3A_1218 = arith.constant 13 : i32
      %mul3A_1219 = arith.muli %scan3A_904, %mul3A_1218 : i32
      %add3A_1220 = arith.constant 4 : i32
      %add3A_1221 = arith.addi %mul3A_1219, %add3A_1220 : i32
      %mul3A_1222 = arith.constant 128 : i32
      %mul3A_1223 = arith.muli %add3A_1221, %mul3A_1222 : i32
      %add3A_1224 = arith.constant 0 : i32
      %add3A_1225 = arith.addi %mul3A_1223, %add3A_1224 : i32
      %get3A_1226 = arith.index_cast %add3A_1225 : i32 to index
      %get3A_1227 = tpu.vector_load %arg4[%get3A_1226] {strides = array<i32>} : memref<10112xi32, #tpu.memory_space<vmem>>, vector<16xi32>,
      %gather3A_1228 = tpu.vector_load_idx %arg8[%get3A_1227] : memref<10240xf32, #tpu.memory_space<vmem>>[vector<16xi32>], vector<16xf32>,
      %add3A_1229 = arith.constant 0 : i32
      %add3A_1230 = arith.addi %mul3A_1223, %add3A_1229 : i32
      %swap3A_1231 = arith.index_cast %add3A_1230 : i32 to index
      %swap3A_1232 = tpu.vector_load %arg7[%swap3A_1231] {strides = array<i32>} : memref<10112xf32, #tpu.memory_space<vmem>>, vector<16xf32>,
      tpu.vector_store %arg7[%swap3A_1231], %gather3A_1228 {strides = array<i32>} : memref<10112xf32, #tpu.memory_space<vmem>>, vector<16xf32>,
      %add3A_1233 = arith.constant 16 : i32
      %add3A_1234 = arith.addi %mul3A_1223, %add3A_1233 : i32
      %get3A_1235 = arith.index_cast %add3A_1234 : i32 to index
      %get3A_1236 = tpu.vector_load %arg4[%get3A_1235] {strides = array<i32>} : memref<10112xi32, #tpu.memory_space<vmem>>, vector<16xi32>,
      %gather3A_1237 = tpu.vector_load_idx %arg8[%get3A_1236] : memref<10240xf32, #tpu.memory_space<vmem>>[vector<16xi32>], vector<16xf32>,
      %add3A_1238 = arith.constant 16 : i32
      %add3A_1239 = arith.addi %mul3A_1223, %add3A_1238 : i32
      %swap3A_1240 = arith.index_cast %add3A_1239 : i32 to index
      %swap3A_1241 = tpu.vector_load %arg7[%swap3A_1240] {strides = array<i32>} : memref<10112xf32, #tpu.memory_space<vmem>>, vector<16xf32>,
      tpu.vector_store %arg7[%swap3A_1240], %gather3A_1237 {strides = array<i32>} : memref<10112xf32, #tpu.memory_space<vmem>>, vector<16xf32>,
      %add3A_1242 = arith.constant 32 : i32
      %add3A_1243 = arith.addi %mul3A_1223, %add3A_1242 : i32
      %get3A_1244 = arith.index_cast %add3A_1243 : i32 to index
      %get3A_1245 = tpu.vector_load %arg4[%get3A_1244] {strides = array<i32>} : memref<10112xi32, #tpu.memory_space<vmem>>, vector<16xi32>,
      %gather3A_1246 = tpu.vector_load_idx %arg8[%get3A_1245] : memref<10240xf32, #tpu.memory_space<vmem>>[vector<16xi32>], vector<16xf32>,
      %add3A_1247 = arith.constant 32 : i32
      %add3A_1248 = arith.addi %mul3A_1223, %add3A_1247 : i32
      %swap3A_1249 = arith.index_cast %add3A_1248 : i32 to index
      %swap3A_1250 = tpu.vector_load %arg7[%swap3A_1249] {strides = array<i32>} : memref<10112xf32, #tpu.memory_space<vmem>>, vector<16xf32>,
      tpu.vector_store %arg7[%swap3A_1249], %gather3A_1246 {strides = array<i32>} : memref<10112xf32, #tpu.memory_space<vmem>>, vector<16xf32>,
      %add3A_1251 = arith.constant 48 : i32
      %add3A_1252 = arith.addi %mul3A_1223, %add3A_1251 : i32
      %get3A_1253 = arith.index_cast %add3A_1252 : i32 to index
      %get3A_1254 = tpu.vector_load %arg4[%get3A_1253] {strides = array<i32>} : memref<10112xi32, #tpu.memory_space<vmem>>, vector<16xi32>,
      %gather3A_1255 = tpu.vector_load_idx %arg8[%get3A_1254] : memref<10240xf32, #tpu.memory_space<vmem>>[vector<16xi32>], vector<16xf32>,
      %add3A_1256 = arith.constant 48 : i32
      %add3A_1257 = arith.addi %mul3A_1223, %add3A_1256 : i32
      %swap3A_1258 = arith.index_cast %add3A_1257 : i32 to index
      %swap3A_1259 = tpu.vector_load %arg7[%swap3A_1258] {strides = array<i32>} : memref<10112xf32, #tpu.memory_space<vmem>>, vector<16xf32>,
      tpu.vector_store %arg7[%swap3A_1258], %gather3A_1255 {strides = array<i32>} : memref<10112xf32, #tpu.memory_space<vmem>>, vector<16xf32>,
      %add3A_1260 = arith.constant 64 : i32
      %add3A_1261 = arith.addi %mul3A_1223, %add3A_1260 : i32
      %get3A_1262 = arith.index_cast %add3A_1261 : i32 to index
      %get3A_1263 = tpu.vector_load %arg4[%get3A_1262] {strides = array<i32>} : memref<10112xi32, #tpu.memory_space<vmem>>, vector<16xi32>,
      %gather3A_1264 = tpu.vector_load_idx %arg8[%get3A_1263] : memref<10240xf32, #tpu.memory_space<vmem>>[vector<16xi32>], vector<16xf32>,
      %add3A_1265 = arith.constant 64 : i32
      %add3A_1266 = arith.addi %mul3A_1223, %add3A_1265 : i32
      %swap3A_1267 = arith.index_cast %add3A_1266 : i32 to index
      %swap3A_1268 = tpu.vector_load %arg7[%swap3A_1267] {strides = array<i32>} : memref<10112xf32, #tpu.memory_space<vmem>>, vector<16xf32>,
      tpu.vector_store %arg7[%swap3A_1267], %gather3A_1264 {strides = array<i32>} : memref<10112xf32, #tpu.memory_space<vmem>>, vector<16xf32>,
      %add3A_1269 = arith.constant 80 : i32
      %add3A_1270 = arith.addi %mul3A_1223, %add3A_1269 : i32
      %get3A_1271 = arith.index_cast %add3A_1270 : i32 to index
      %get3A_1272 = tpu.vector_load %arg4[%get3A_1271] {strides = array<i32>} : memref<10112xi32, #tpu.memory_space<vmem>>, vector<16xi32>,
      %gather3A_1273 = tpu.vector_load_idx %arg8[%get3A_1272] : memref<10240xf32, #tpu.memory_space<vmem>>[vector<16xi32>], vector<16xf32>,
      %add3A_1274 = arith.constant 80 : i32
      %add3A_1275 = arith.addi %mul3A_1223, %add3A_1274 : i32
      %swap3A_1276 = arith.index_cast %add3A_1275 : i32 to index
      %swap3A_1277 = tpu.vector_load %arg7[%swap3A_1276] {strides = array<i32>} : memref<10112xf32, #tpu.memory_space<vmem>>, vector<16xf32>,
      tpu.vector_store %arg7[%swap3A_1276], %gather3A_1273 {strides = array<i32>} : memref<10112xf32, #tpu.memory_space<vmem>>, vector<16xf32>,
      %add3A_1278 = arith.constant 96 : i32
      %add3A_1279 = arith.addi %mul3A_1223, %add3A_1278 : i32
      %get3A_1280 = arith.index_cast %add3A_1279 : i32 to index
      %get3A_1281 = tpu.vector_load %arg4[%get3A_1280] {strides = array<i32>} : memref<10112xi32, #tpu.memory_space<vmem>>, vector<16xi32>,
      %gather3A_1282 = tpu.vector_load_idx %arg8[%get3A_1281] : memref<10240xf32, #tpu.memory_space<vmem>>[vector<16xi32>], vector<16xf32>,
      %add3A_1283 = arith.constant 96 : i32
      %add3A_1284 = arith.addi %mul3A_1223, %add3A_1283 : i32
      %swap3A_1285 = arith.index_cast %add3A_1284 : i32 to index
      %swap3A_1286 = tpu.vector_load %arg7[%swap3A_1285] {strides = array<i32>} : memref<10112xf32, #tpu.memory_space<vmem>>, vector<16xf32>,
      tpu.vector_store %arg7[%swap3A_1285], %gather3A_1282 {strides = array<i32>} : memref<10112xf32, #tpu.memory_space<vmem>>, vector<16xf32>,
      %add3A_1287 = arith.constant 112 : i32
      %add3A_1288 = arith.addi %mul3A_1223, %add3A_1287 : i32
      %get3A_1289 = arith.index_cast %add3A_1288 : i32 to index
      %get3A_1290 = tpu.vector_load %arg4[%get3A_1289] {strides = array<i32>} : memref<10112xi32, #tpu.memory_space<vmem>>, vector<16xi32>,
      %gather3A_1291 = tpu.vector_load_idx %arg8[%get3A_1290] : memref<10240xf32, #tpu.memory_space<vmem>>[vector<16xi32>], vector<16xf32>,
      %add3A_1292 = arith.constant 112 : i32
      %add3A_1293 = arith.addi %mul3A_1223, %add3A_1292 : i32
      %swap3A_1294 = arith.index_cast %add3A_1293 : i32 to index
      %swap3A_1295 = tpu.vector_load %arg7[%swap3A_1294] {strides = array<i32>} : memref<10112xf32, #tpu.memory_space<vmem>>, vector<16xf32>,
      tpu.vector_store %arg7[%swap3A_1294], %gather3A_1291 {strides = array<i32>} : memref<10112xf32, #tpu.memory_space<vmem>>, vector<16xf32>,
      %mul3A_1296 = arith.constant 13 : i32
      %mul3A_1297 = arith.muli %scan3A_904, %mul3A_1296 : i32
      %add3A_1298 = arith.constant 5 : i32
      %add3A_1299 = arith.addi %mul3A_1297, %add3A_1298 : i32
      %mul3A_1300 = arith.constant 128 : i32
      %mul3A_1301 = arith.muli %add3A_1299, %mul3A_1300 : i32
      %add3A_1302 = arith.constant 0 : i32
      %add3A_1303 = arith.addi %mul3A_1301, %add3A_1302 : i32
      %get3A_1304 = arith.index_cast %add3A_1303 : i32 to index
      %get3A_1305 = tpu.vector_load %arg4[%get3A_1304] {strides = array<i32>} : memref<10112xi32, #tpu.memory_space<vmem>>, vector<16xi32>,
      %gather3A_1306 = tpu.vector_load_idx %arg8[%get3A_1305] : memref<10240xf32, #tpu.memory_space<vmem>>[vector<16xi32>], vector<16xf32>,
      %add3A_1307 = arith.constant 0 : i32
      %add3A_1308 = arith.addi %mul3A_1301, %add3A_1307 : i32
      %swap3A_1309 = arith.index_cast %add3A_1308 : i32 to index
      %swap3A_1310 = tpu.vector_load %arg7[%swap3A_1309] {strides = array<i32>} : memref<10112xf32, #tpu.memory_space<vmem>>, vector<16xf32>,
      tpu.vector_store %arg7[%swap3A_1309], %gather3A_1306 {strides = array<i32>} : memref<10112xf32, #tpu.memory_space<vmem>>, vector<16xf32>,
      %add3A_1311 = arith.constant 16 : i32
      %add3A_1312 = arith.addi %mul3A_1301, %add3A_1311 : i32
      %get3A_1313 = arith.index_cast %add3A_1312 : i32 to index
      %get3A_1314 = tpu.vector_load %arg4[%get3A_1313] {strides = array<i32>} : memref<10112xi32, #tpu.memory_space<vmem>>, vector<16xi32>,
      %gather3A_1315 = tpu.vector_load_idx %arg8[%get3A_1314] : memref<10240xf32, #tpu.memory_space<vmem>>[vector<16xi32>], vector<16xf32>,
      %add3A_1316 = arith.constant 16 : i32
      %add3A_1317 = arith.addi %mul3A_1301, %add3A_1316 : i32
      %swap3A_1318 = arith.index_cast %add3A_1317 : i32 to index
      %swap3A_1319 = tpu.vector_load %arg7[%swap3A_1318] {strides = array<i32>} : memref<10112xf32, #tpu.memory_space<vmem>>, vector<16xf32>,
      tpu.vector_store %arg7[%swap3A_1318], %gather3A_1315 {strides = array<i32>} : memref<10112xf32, #tpu.memory_space<vmem>>, vector<16xf32>,
      %add3A_1320 = arith.constant 32 : i32
      %add3A_1321 = arith.addi %mul3A_1301, %add3A_1320 : i32
      %get3A_1322 = arith.index_cast %add3A_1321 : i32 to index
      %get3A_1323 = tpu.vector_load %arg4[%get3A_1322] {strides = array<i32>} : memref<10112xi32, #tpu.memory_space<vmem>>, vector<16xi32>,
      %gather3A_1324 = tpu.vector_load_idx %arg8[%get3A_1323] : memref<10240xf32, #tpu.memory_space<vmem>>[vector<16xi32>], vector<16xf32>,
      %add3A_1325 = arith.constant 32 : i32
      %add3A_1326 = arith.addi %mul3A_1301, %add3A_1325 : i32
      %swap3A_1327 = arith.index_cast %add3A_1326 : i32 to index
      %swap3A_1328 = tpu.vector_load %arg7[%swap3A_1327] {strides = array<i32>} : memref<10112xf32, #tpu.memory_space<vmem>>, vector<16xf32>,
      tpu.vector_store %arg7[%swap3A_1327], %gather3A_1324 {strides = array<i32>} : memref<10112xf32, #tpu.memory_space<vmem>>, vector<16xf32>,
      %add3A_1329 = arith.constant 48 : i32
      %add3A_1330 = arith.addi %mul3A_1301, %add3A_1329 : i32
      %get3A_1331 = arith.index_cast %add3A_1330 : i32 to index
      %get3A_1332 = tpu.vector_load %arg4[%get3A_1331] {strides = array<i32>} : memref<10112xi32, #tpu.memory_space<vmem>>, vector<16xi32>,
      %gather3A_1333 = tpu.vector_load_idx %arg8[%get3A_1332] : memref<10240xf32, #tpu.memory_space<vmem>>[vector<16xi32>], vector<16xf32>,
      %add3A_1334 = arith.constant 48 : i32
      %add3A_1335 = arith.addi %mul3A_1301, %add3A_1334 : i32
      %swap3A_1336 = arith.index_cast %add3A_1335 : i32 to index
      %swap3A_1337 = tpu.vector_load %arg7[%swap3A_1336] {strides = array<i32>} : memref<10112xf32, #tpu.memory_space<vmem>>, vector<16xf32>,
      tpu.vector_store %arg7[%swap3A_1336], %gather3A_1333 {strides = array<i32>} : memref<10112xf32, #tpu.memory_space<vmem>>, vector<16xf32>,
      %add3A_1338 = arith.constant 64 : i32
      %add3A_1339 = arith.addi %mul3A_1301, %add3A_1338 : i32
      %get3A_1340 = arith.index_cast %add3A_1339 : i32 to index
      %get3A_1341 = tpu.vector_load %arg4[%get3A_1340] {strides = array<i32>} : memref<10112xi32, #tpu.memory_space<vmem>>, vector<16xi32>,
      %gather3A_1342 = tpu.vector_load_idx %arg8[%get3A_1341] : memref<10240xf32, #tpu.memory_space<vmem>>[vector<16xi32>], vector<16xf32>,
      %add3A_1343 = arith.constant 64 : i32
      %add3A_1344 = arith.addi %mul3A_1301, %add3A_1343 : i32
      %swap3A_1345 = arith.index_cast %add3A_1344 : i32 to index
      %swap3A_1346 = tpu.vector_load %arg7[%swap3A_1345] {strides = array<i32>} : memref<10112xf32, #tpu.memory_space<vmem>>, vector<16xf32>,
      tpu.vector_store %arg7[%swap3A_1345], %gather3A_1342 {strides = array<i32>} : memref<10112xf32, #tpu.memory_space<vmem>>, vector<16xf32>,
      %add3A_1347 = arith.constant 80 : i32
      %add3A_1348 = arith.addi %mul3A_1301, %add3A_1347 : i32
      %get3A_1349 = arith.index_cast %add3A_1348 : i32 to index
      %get3A_1350 = tpu.vector_load %arg4[%get3A_1349] {strides = array<i32>} : memref<10112xi32, #tpu.memory_space<vmem>>, vector<16xi32>,
      %gather3A_1351 = tpu.vector_load_idx %arg8[%get3A_1350] : memref<10240xf32, #tpu.memory_space<vmem>>[vector<16xi32>], vector<16xf32>,
      %add3A_1352 = arith.constant 80 : i32
      %add3A_1353 = arith.addi %mul3A_1301, %add3A_1352 : i32
      %swap3A_1354 = arith.index_cast %add3A_1353 : i32 to index
      %swap3A_1355 = tpu.vector_load %arg7[%swap3A_1354] {strides = array<i32>} : memref<10112xf32, #tpu.memory_space<vmem>>, vector<16xf32>,
      tpu.vector_store %arg7[%swap3A_1354], %gather3A_1351 {strides = array<i32>} : memref<10112xf32, #tpu.memory_space<vmem>>, vector<16xf32>,
      %add3A_1356 = arith.constant 96 : i32
      %add3A_1357 = arith.addi %mul3A_1301, %add3A_1356 : i32
      %get3A_1358 = arith.index_cast %add3A_1357 : i32 to index
      %get3A_1359 = tpu.vector_load %arg4[%get3A_1358] {strides = array<i32>} : memref<10112xi32, #tpu.memory_space<vmem>>, vector<16xi32>,
      %gather3A_1360 = tpu.vector_load_idx %arg8[%get3A_1359] : memref<10240xf32, #tpu.memory_space<vmem>>[vector<16xi32>], vector<16xf32>,
      %add3A_1361 = arith.constant 96 : i32
      %add3A_1362 = arith.addi %mul3A_1301, %add3A_1361 : i32
      %swap3A_1363 = arith.index_cast %add3A_1362 : i32 to index
      %swap3A_1364 = tpu.vector_load %arg7[%swap3A_1363] {strides = array<i32>} : memref<10112xf32, #tpu.memory_space<vmem>>, vector<16xf32>,
      tpu.vector_store %arg7[%swap3A_1363], %gather3A_1360 {strides = array<i32>} : memref<10112xf32, #tpu.memory_space<vmem>>, vector<16xf32>,
      %add3A_1365 = arith.constant 112 : i32
      %add3A_1366 = arith.addi %mul3A_1301, %add3A_1365 : i32
      %get3A_1367 = arith.index_cast %add3A_1366 : i32 to index
      %get3A_1368 = tpu.vector_load %arg4[%get3A_1367] {strides = array<i32>} : memref<10112xi32, #tpu.memory_space<vmem>>, vector<16xi32>,
      %gather3A_1369 = tpu.vector_load_idx %arg8[%get3A_1368] : memref<10240xf32, #tpu.memory_space<vmem>>[vector<16xi32>], vector<16xf32>,
      %add3A_1370 = arith.constant 112 : i32
      %add3A_1371 = arith.addi %mul3A_1301, %add3A_1370 : i32
      %swap3A_1372 = arith.index_cast %add3A_1371 : i32 to index
      %swap3A_1373 = tpu.vector_load %arg7[%swap3A_1372] {strides = array<i32>} : memref<10112xf32, #tpu.memory_space<vmem>>, vector<16xf32>,
      tpu.vector_store %arg7[%swap3A_1372], %gather3A_1369 {strides = array<i32>} : memref<10112xf32, #tpu.memory_space<vmem>>, vector<16xf32>,
      %mul3A_1374 = arith.constant 13 : i32
      %mul3A_1375 = arith.muli %scan3A_904, %mul3A_1374 : i32
      %add3A_1376 = arith.constant 6 : i32
      %add3A_1377 = arith.addi %mul3A_1375, %add3A_1376 : i32
      %mul3A_1378 = arith.constant 128 : i32
      %mul3A_1379 = arith.muli %add3A_1377, %mul3A_1378 : i32
      %add3A_1380 = arith.constant 0 : i32
      %add3A_1381 = arith.addi %mul3A_1379, %add3A_1380 : i32
      %get3A_1382 = arith.index_cast %add3A_1381 : i32 to index
      %get3A_1383 = tpu.vector_load %arg4[%get3A_1382] {strides = array<i32>} : memref<10112xi32, #tpu.memory_space<vmem>>, vector<16xi32>,
      %gather3A_1384 = tpu.vector_load_idx %arg8[%get3A_1383] : memref<10240xf32, #tpu.memory_space<vmem>>[vector<16xi32>], vector<16xf32>,
      %add3A_1385 = arith.constant 0 : i32
      %add3A_1386 = arith.addi %mul3A_1379, %add3A_1385 : i32
      %swap3A_1387 = arith.index_cast %add3A_1386 : i32 to index
      %swap3A_1388 = tpu.vector_load %arg7[%swap3A_1387] {strides = array<i32>} : memref<10112xf32, #tpu.memory_space<vmem>>, vector<16xf32>,
      tpu.vector_store %arg7[%swap3A_1387], %gather3A_1384 {strides = array<i32>} : memref<10112xf32, #tpu.memory_space<vmem>>, vector<16xf32>,
      %add3A_1389 = arith.constant 16 : i32
      %add3A_1390 = arith.addi %mul3A_1379, %add3A_1389 : i32
      %get3A_1391 = arith.index_cast %add3A_1390 : i32 to index
      %get3A_1392 = tpu.vector_load %arg4[%get3A_1391] {strides = array<i32>} : memref<10112xi32, #tpu.memory_space<vmem>>, vector<16xi32>,
      %gather3A_1393 = tpu.vector_load_idx %arg8[%get3A_1392] : memref<10240xf32, #tpu.memory_space<vmem>>[vector<16xi32>], vector<16xf32>,
      %add3A_1394 = arith.constant 16 : i32
      %add3A_1395 = arith.addi %mul3A_1379, %add3A_1394 : i32
      %swap3A_1396 = arith.index_cast %add3A_1395 : i32 to index
      %swap3A_1397 = tpu.vector_load %arg7[%swap3A_1396] {strides = array<i32>} : memref<10112xf32, #tpu.memory_space<vmem>>, vector<16xf32>,
      tpu.vector_store %arg7[%swap3A_1396], %gather3A_1393 {strides = array<i32>} : memref<10112xf32, #tpu.memory_space<vmem>>, vector<16xf32>,
      %add3A_1398 = arith.constant 32 : i32
      %add3A_1399 = arith.addi %mul3A_1379, %add3A_1398 : i32
      %get3A_1400 = arith.index_cast %add3A_1399 : i32 to index
      %get3A_1401 = tpu.vector_load %arg4[%get3A_1400] {strides = array<i32>} : memref<10112xi32, #tpu.memory_space<vmem>>, vector<16xi32>,
      %gather3A_1402 = tpu.vector_load_idx %arg8[%get3A_1401] : memref<10240xf32, #tpu.memory_space<vmem>>[vector<16xi32>], vector<16xf32>,
      %add3A_1403 = arith.constant 32 : i32
      %add3A_1404 = arith.addi %mul3A_1379, %add3A_1403 : i32
      %swap3A_1405 = arith.index_cast %add3A_1404 : i32 to index
      %swap3A_1406 = tpu.vector_load %arg7[%swap3A_1405] {strides = array<i32>} : memref<10112xf32, #tpu.memory_space<vmem>>, vector<16xf32>,
      tpu.vector_store %arg7[%swap3A_1405], %gather3A_1402 {strides = array<i32>} : memref<10112xf32, #tpu.memory_space<vmem>>, vector<16xf32>,
      %add3A_1407 = arith.constant 48 : i32
      %add3A_1408 = arith.addi %mul3A_1379, %add3A_1407 : i32
      %get3A_1409 = arith.index_cast %add3A_1408 : i32 to index
      %get3A_1410 = tpu.vector_load %arg4[%get3A_1409] {strides = array<i32>} : memref<10112xi32, #tpu.memory_space<vmem>>, vector<16xi32>,
      %gather3A_1411 = tpu.vector_load_idx %arg8[%get3A_1410] : memref<10240xf32, #tpu.memory_space<vmem>>[vector<16xi32>], vector<16xf32>,
      %add3A_1412 = arith.constant 48 : i32
      %add3A_1413 = arith.addi %mul3A_1379, %add3A_1412 : i32
      %swap3A_1414 = arith.index_cast %add3A_1413 : i32 to index
      %swap3A_1415 = tpu.vector_load %arg7[%swap3A_1414] {strides = array<i32>} : memref<10112xf32, #tpu.memory_space<vmem>>, vector<16xf32>,
      tpu.vector_store %arg7[%swap3A_1414], %gather3A_1411 {strides = array<i32>} : memref<10112xf32, #tpu.memory_space<vmem>>, vector<16xf32>,
      %add3A_1416 = arith.constant 64 : i32
      %add3A_1417 = arith.addi %mul3A_1379, %add3A_1416 : i32
      %get3A_1418 = arith.index_cast %add3A_1417 : i32 to index
      %get3A_1419 = tpu.vector_load %arg4[%get3A_1418] {strides = array<i32>} : memref<10112xi32, #tpu.memory_space<vmem>>, vector<16xi32>,
      %gather3A_1420 = tpu.vector_load_idx %arg8[%get3A_1419] : memref<10240xf32, #tpu.memory_space<vmem>>[vector<16xi32>], vector<16xf32>,
      %add3A_1421 = arith.constant 64 : i32
      %add3A_1422 = arith.addi %mul3A_1379, %add3A_1421 : i32
      %swap3A_1423 = arith.index_cast %add3A_1422 : i32 to index
      %swap3A_1424 = tpu.vector_load %arg7[%swap3A_1423] {strides = array<i32>} : memref<10112xf32, #tpu.memory_space<vmem>>, vector<16xf32>,
      tpu.vector_store %arg7[%swap3A_1423], %gather3A_1420 {strides = array<i32>} : memref<10112xf32, #tpu.memory_space<vmem>>, vector<16xf32>,
      %add3A_1425 = arith.constant 80 : i32
      %add3A_1426 = arith.addi %mul3A_1379, %add3A_1425 : i32
      %get3A_1427 = arith.index_cast %add3A_1426 : i32 to index
      %get3A_1428 = tpu.vector_load %arg4[%get3A_1427] {strides = array<i32>} : memref<10112xi32, #tpu.memory_space<vmem>>, vector<16xi32>,
      %gather3A_1429 = tpu.vector_load_idx %arg8[%get3A_1428] : memref<10240xf32, #tpu.memory_space<vmem>>[vector<16xi32>], vector<16xf32>,
      %add3A_1430 = arith.constant 80 : i32
      %add3A_1431 = arith.addi %mul3A_1379, %add3A_1430 : i32
      %swap3A_1432 = arith.index_cast %add3A_1431 : i32 to index
      %swap3A_1433 = tpu.vector_load %arg7[%swap3A_1432] {strides = array<i32>} : memref<10112xf32, #tpu.memory_space<vmem>>, vector<16xf32>,
      tpu.vector_store %arg7[%swap3A_1432], %gather3A_1429 {strides = array<i32>} : memref<10112xf32, #tpu.memory_space<vmem>>, vector<16xf32>,
      %add3A_1434 = arith.constant 96 : i32
      %add3A_1435 = arith.addi %mul3A_1379, %add3A_1434 : i32
      %get3A_1436 = arith.index_cast %add3A_1435 : i32 to index
      %get3A_1437 = tpu.vector_load %arg4[%get3A_1436] {strides = array<i32>} : memref<10112xi32, #tpu.memory_space<vmem>>, vector<16xi32>,
      %gather3A_1438 = tpu.vector_load_idx %arg8[%get3A_1437] : memref<10240xf32, #tpu.memory_space<vmem>>[vector<16xi32>], vector<16xf32>,
      %add3A_1439 = arith.constant 96 : i32
      %add3A_1440 = arith.addi %mul3A_1379, %add3A_1439 : i32
      %swap3A_1441 = arith.index_cast %add3A_1440 : i32 to index
      %swap3A_1442 = tpu.vector_load %arg7[%swap3A_1441] {strides = array<i32>} : memref<10112xf32, #tpu.memory_space<vmem>>, vector<16xf32>,
      tpu.vector_store %arg7[%swap3A_1441], %gather3A_1438 {strides = array<i32>} : memref<10112xf32, #tpu.memory_space<vmem>>, vector<16xf32>,
      %add3A_1443 = arith.constant 112 : i32
      %add3A_1444 = arith.addi %mul3A_1379, %add3A_1443 : i32
      %get3A_1445 = arith.index_cast %add3A_1444 : i32 to index
      %get3A_1446 = tpu.vector_load %arg4[%get3A_1445] {strides = array<i32>} : memref<10112xi32, #tpu.memory_space<vmem>>, vector<16xi32>,
      %gather3A_1447 = tpu.vector_load_idx %arg8[%get3A_1446] : memref<10240xf32, #tpu.memory_space<vmem>>[vector<16xi32>], vector<16xf32>,
      %add3A_1448 = arith.constant 112 : i32
      %add3A_1449 = arith.addi %mul3A_1379, %add3A_1448 : i32
      %swap3A_1450 = arith.index_cast %add3A_1449 : i32 to index
      %swap3A_1451 = tpu.vector_load %arg7[%swap3A_1450] {strides = array<i32>} : memref<10112xf32, #tpu.memory_space<vmem>>, vector<16xf32>,
      tpu.vector_store %arg7[%swap3A_1450], %gather3A_1447 {strides = array<i32>} : memref<10112xf32, #tpu.memory_space<vmem>>, vector<16xf32>,
      %mul3A_1452 = arith.constant 13 : i32
      %mul3A_1453 = arith.muli %scan3A_904, %mul3A_1452 : i32
      %add3A_1454 = arith.constant 7 : i32
      %add3A_1455 = arith.addi %mul3A_1453, %add3A_1454 : i32
      %mul3A_1456 = arith.constant 128 : i32
      %mul3A_1457 = arith.muli %add3A_1455, %mul3A_1456 : i32
      %add3A_1458 = arith.constant 0 : i32
      %add3A_1459 = arith.addi %mul3A_1457, %add3A_1458 : i32
      %get3A_1460 = arith.index_cast %add3A_1459 : i32 to index
      %get3A_1461 = tpu.vector_load %arg4[%get3A_1460] {strides = array<i32>} : memref<10112xi32, #tpu.memory_space<vmem>>, vector<16xi32>,
      %gather3A_1462 = tpu.vector_load_idx %arg8[%get3A_1461] : memref<10240xf32, #tpu.memory_space<vmem>>[vector<16xi32>], vector<16xf32>,
      %add3A_1463 = arith.constant 0 : i32
      %add3A_1464 = arith.addi %mul3A_1457, %add3A_1463 : i32
      %swap3A_1465 = arith.index_cast %add3A_1464 : i32 to index
      %swap3A_1466 = tpu.vector_load %arg7[%swap3A_1465] {strides = array<i32>} : memref<10112xf32, #tpu.memory_space<vmem>>, vector<16xf32>,
      tpu.vector_store %arg7[%swap3A_1465], %gather3A_1462 {strides = array<i32>} : memref<10112xf32, #tpu.memory_space<vmem>>, vector<16xf32>,
      %add3A_1467 = arith.constant 16 : i32
      %add3A_1468 = arith.addi %mul3A_1457, %add3A_1467 : i32
      %get3A_1469 = arith.index_cast %add3A_1468 : i32 to index
      %get3A_1470 = tpu.vector_load %arg4[%get3A_1469] {strides = array<i32>} : memref<10112xi32, #tpu.memory_space<vmem>>, vector<16xi32>,
      %gather3A_1471 = tpu.vector_load_idx %arg8[%get3A_1470] : memref<10240xf32, #tpu.memory_space<vmem>>[vector<16xi32>], vector<16xf32>,
      %add3A_1472 = arith.constant 16 : i32
      %add3A_1473 = arith.addi %mul3A_1457, %add3A_1472 : i32
      %swap3A_1474 = arith.index_cast %add3A_1473 : i32 to index
      %swap3A_1475 = tpu.vector_load %arg7[%swap3A_1474] {strides = array<i32>} : memref<10112xf32, #tpu.memory_space<vmem>>, vector<16xf32>,
      tpu.vector_store %arg7[%swap3A_1474], %gather3A_1471 {strides = array<i32>} : memref<10112xf32, #tpu.memory_space<vmem>>, vector<16xf32>,
      %add3A_1476 = arith.constant 32 : i32
      %add3A_1477 = arith.addi %mul3A_1457, %add3A_1476 : i32
      %get3A_1478 = arith.index_cast %add3A_1477 : i32 to index
      %get3A_1479 = tpu.vector_load %arg4[%get3A_1478] {strides = array<i32>} : memref<10112xi32, #tpu.memory_space<vmem>>, vector<16xi32>,
      %gather3A_1480 = tpu.vector_load_idx %arg8[%get3A_1479] : memref<10240xf32, #tpu.memory_space<vmem>>[vector<16xi32>], vector<16xf32>,
      %add3A_1481 = arith.constant 32 : i32
      %add3A_1482 = arith.addi %mul3A_1457, %add3A_1481 : i32
      %swap3A_1483 = arith.index_cast %add3A_1482 : i32 to index
      %swap3A_1484 = tpu.vector_load %arg7[%swap3A_1483] {strides = array<i32>} : memref<10112xf32, #tpu.memory_space<vmem>>, vector<16xf32>,
      tpu.vector_store %arg7[%swap3A_1483], %gather3A_1480 {strides = array<i32>} : memref<10112xf32, #tpu.memory_space<vmem>>, vector<16xf32>,
      %add3A_1485 = arith.constant 48 : i32
      %add3A_1486 = arith.addi %mul3A_1457, %add3A_1485 : i32
      %get3A_1487 = arith.index_cast %add3A_1486 : i32 to index
      %get3A_1488 = tpu.vector_load %arg4[%get3A_1487] {strides = array<i32>} : memref<10112xi32, #tpu.memory_space<vmem>>, vector<16xi32>,
      %gather3A_1489 = tpu.vector_load_idx %arg8[%get3A_1488] : memref<10240xf32, #tpu.memory_space<vmem>>[vector<16xi32>], vector<16xf32>,
      %add3A_1490 = arith.constant 48 : i32
      %add3A_1491 = arith.addi %mul3A_1457, %add3A_1490 : i32
      %swap3A_1492 = arith.index_cast %add3A_1491 : i32 to index
      %swap3A_1493 = tpu.vector_load %arg7[%swap3A_1492] {strides = array<i32>} : memref<10112xf32, #tpu.memory_space<vmem>>, vector<16xf32>,
      tpu.vector_store %arg7[%swap3A_1492], %gather3A_1489 {strides = array<i32>} : memref<10112xf32, #tpu.memory_space<vmem>>, vector<16xf32>,
      %add3A_1494 = arith.constant 64 : i32
      %add3A_1495 = arith.addi %mul3A_1457, %add3A_1494 : i32
      %get3A_1496 = arith.index_cast %add3A_1495 : i32 to index
      %get3A_1497 = tpu.vector_load %arg4[%get3A_1496] {strides = array<i32>} : memref<10112xi32, #tpu.memory_space<vmem>>, vector<16xi32>,
      %gather3A_1498 = tpu.vector_load_idx %arg8[%get3A_1497] : memref<10240xf32, #tpu.memory_space<vmem>>[vector<16xi32>], vector<16xf32>,
      %add3A_1499 = arith.constant 64 : i32
      %add3A_1500 = arith.addi %mul3A_1457, %add3A_1499 : i32
      %swap3A_1501 = arith.index_cast %add3A_1500 : i32 to index
      %swap3A_1502 = tpu.vector_load %arg7[%swap3A_1501] {strides = array<i32>} : memref<10112xf32, #tpu.memory_space<vmem>>, vector<16xf32>,
      tpu.vector_store %arg7[%swap3A_1501], %gather3A_1498 {strides = array<i32>} : memref<10112xf32, #tpu.memory_space<vmem>>, vector<16xf32>,
      %add3A_1503 = arith.constant 80 : i32
      %add3A_1504 = arith.addi %mul3A_1457, %add3A_1503 : i32
      %get3A_1505 = arith.index_cast %add3A_1504 : i32 to index
      %get3A_1506 = tpu.vector_load %arg4[%get3A_1505] {strides = array<i32>} : memref<10112xi32, #tpu.memory_space<vmem>>, vector<16xi32>,
      %gather3A_1507 = tpu.vector_load_idx %arg8[%get3A_1506] : memref<10240xf32, #tpu.memory_space<vmem>>[vector<16xi32>], vector<16xf32>,
      %add3A_1508 = arith.constant 80 : i32
      %add3A_1509 = arith.addi %mul3A_1457, %add3A_1508 : i32
      %swap3A_1510 = arith.index_cast %add3A_1509 : i32 to index
      %swap3A_1511 = tpu.vector_load %arg7[%swap3A_1510] {strides = array<i32>} : memref<10112xf32, #tpu.memory_space<vmem>>, vector<16xf32>,
      tpu.vector_store %arg7[%swap3A_1510], %gather3A_1507 {strides = array<i32>} : memref<10112xf32, #tpu.memory_space<vmem>>, vector<16xf32>,
      %add3A_1512 = arith.constant 96 : i32
      %add3A_1513 = arith.addi %mul3A_1457, %add3A_1512 : i32
      %get3A_1514 = arith.index_cast %add3A_1513 : i32 to index
      %get3A_1515 = tpu.vector_load %arg4[%get3A_1514] {strides = array<i32>} : memref<10112xi32, #tpu.memory_space<vmem>>, vector<16xi32>,
      %gather3A_1516 = tpu.vector_load_idx %arg8[%get3A_1515] : memref<10240xf32, #tpu.memory_space<vmem>>[vector<16xi32>], vector<16xf32>,
      %add3A_1517 = arith.constant 96 : i32
      %add3A_1518 = arith.addi %mul3A_1457, %add3A_1517 : i32
      %swap3A_1519 = arith.index_cast %add3A_1518 : i32 to index
      %swap3A_1520 = tpu.vector_load %arg7[%swap3A_1519] {strides = array<i32>} : memref<10112xf32, #tpu.memory_space<vmem>>, vector<16xf32>,
      tpu.vector_store %arg7[%swap3A_1519], %gather3A_1516 {strides = array<i32>} : memref<10112xf32, #tpu.memory_space<vmem>>, vector<16xf32>,
      %add3A_1521 = arith.constant 112 : i32
      %add3A_1522 = arith.addi %mul3A_1457, %add3A_1521 : i32
      %get3A_1523 = arith.index_cast %add3A_1522 : i32 to index
      %get3A_1524 = tpu.vector_load %arg4[%get3A_1523] {strides = array<i32>} : memref<10112xi32, #tpu.memory_space<vmem>>, vector<16xi32>,
      %gather3A_1525 = tpu.vector_load_idx %arg8[%get3A_1524] : memref<10240xf32, #tpu.memory_space<vmem>>[vector<16xi32>], vector<16xf32>,
      %add3A_1526 = arith.constant 112 : i32
      %add3A_1527 = arith.addi %mul3A_1457, %add3A_1526 : i32
      %swap3A_1528 = arith.index_cast %add3A_1527 : i32 to index
      %swap3A_1529 = tpu.vector_load %arg7[%swap3A_1528] {strides = array<i32>} : memref<10112xf32, #tpu.memory_space<vmem>>, vector<16xf32>,
      tpu.vector_store %arg7[%swap3A_1528], %gather3A_1525 {strides = array<i32>} : memref<10112xf32, #tpu.memory_space<vmem>>, vector<16xf32>,
      %mul3A_1530 = arith.constant 13 : i32
      %mul3A_1531 = arith.muli %scan3A_904, %mul3A_1530 : i32
      %add3A_1532 = arith.constant 8 : i32
      %add3A_1533 = arith.addi %mul3A_1531, %add3A_1532 : i32
      %mul3A_1534 = arith.constant 128 : i32
      %mul3A_1535 = arith.muli %add3A_1533, %mul3A_1534 : i32
      %add3A_1536 = arith.constant 0 : i32
      %add3A_1537 = arith.addi %mul3A_1535, %add3A_1536 : i32
      %get3A_1538 = arith.index_cast %add3A_1537 : i32 to index
      %get3A_1539 = tpu.vector_load %arg4[%get3A_1538] {strides = array<i32>} : memref<10112xi32, #tpu.memory_space<vmem>>, vector<16xi32>,
      %gather3A_1540 = tpu.vector_load_idx %arg8[%get3A_1539] : memref<10240xf32, #tpu.memory_space<vmem>>[vector<16xi32>], vector<16xf32>,
      %add3A_1541 = arith.constant 0 : i32
      %add3A_1542 = arith.addi %mul3A_1535, %add3A_1541 : i32
      %swap3A_1543 = arith.index_cast %add3A_1542 : i32 to index
      %swap3A_1544 = tpu.vector_load %arg7[%swap3A_1543] {strides = array<i32>} : memref<10112xf32, #tpu.memory_space<vmem>>, vector<16xf32>,
      tpu.vector_store %arg7[%swap3A_1543], %gather3A_1540 {strides = array<i32>} : memref<10112xf32, #tpu.memory_space<vmem>>, vector<16xf32>,
      %add3A_1545 = arith.constant 16 : i32
      %add3A_1546 = arith.addi %mul3A_1535, %add3A_1545 : i32
      %get3A_1547 = arith.index_cast %add3A_1546 : i32 to index
      %get3A_1548 = tpu.vector_load %arg4[%get3A_1547] {strides = array<i32>} : memref<10112xi32, #tpu.memory_space<vmem>>, vector<16xi32>,
      %gather3A_1549 = tpu.vector_load_idx %arg8[%get3A_1548] : memref<10240xf32, #tpu.memory_space<vmem>>[vector<16xi32>], vector<16xf32>,
      %add3A_1550 = arith.constant 16 : i32
      %add3A_1551 = arith.addi %mul3A_1535, %add3A_1550 : i32
      %swap3A_1552 = arith.index_cast %add3A_1551 : i32 to index
      %swap3A_1553 = tpu.vector_load %arg7[%swap3A_1552] {strides = array<i32>} : memref<10112xf32, #tpu.memory_space<vmem>>, vector<16xf32>,
      tpu.vector_store %arg7[%swap3A_1552], %gather3A_1549 {strides = array<i32>} : memref<10112xf32, #tpu.memory_space<vmem>>, vector<16xf32>,
      %add3A_1554 = arith.constant 32 : i32
      %add3A_1555 = arith.addi %mul3A_1535, %add3A_1554 : i32
      %get3A_1556 = arith.index_cast %add3A_1555 : i32 to index
      %get3A_1557 = tpu.vector_load %arg4[%get3A_1556] {strides = array<i32>} : memref<10112xi32, #tpu.memory_space<vmem>>, vector<16xi32>,
      %gather3A_1558 = tpu.vector_load_idx %arg8[%get3A_1557] : memref<10240xf32, #tpu.memory_space<vmem>>[vector<16xi32>], vector<16xf32>,
      %add3A_1559 = arith.constant 32 : i32
      %add3A_1560 = arith.addi %mul3A_1535, %add3A_1559 : i32
      %swap3A_1561 = arith.index_cast %add3A_1560 : i32 to index
      %swap3A_1562 = tpu.vector_load %arg7[%swap3A_1561] {strides = array<i32>} : memref<10112xf32, #tpu.memory_space<vmem>>, vector<16xf32>,
      tpu.vector_store %arg7[%swap3A_1561], %gather3A_1558 {strides = array<i32>} : memref<10112xf32, #tpu.memory_space<vmem>>, vector<16xf32>,
      %add3A_1563 = arith.constant 48 : i32
      %add3A_1564 = arith.addi %mul3A_1535, %add3A_1563 : i32
      %get3A_1565 = arith.index_cast %add3A_1564 : i32 to index
      %get3A_1566 = tpu.vector_load %arg4[%get3A_1565] {strides = array<i32>} : memref<10112xi32, #tpu.memory_space<vmem>>, vector<16xi32>,
      %gather3A_1567 = tpu.vector_load_idx %arg8[%get3A_1566] : memref<10240xf32, #tpu.memory_space<vmem>>[vector<16xi32>], vector<16xf32>,
      %add3A_1568 = arith.constant 48 : i32
      %add3A_1569 = arith.addi %mul3A_1535, %add3A_1568 : i32
      %swap3A_1570 = arith.index_cast %add3A_1569 : i32 to index
      %swap3A_1571 = tpu.vector_load %arg7[%swap3A_1570] {strides = array<i32>} : memref<10112xf32, #tpu.memory_space<vmem>>, vector<16xf32>,
      tpu.vector_store %arg7[%swap3A_1570], %gather3A_1567 {strides = array<i32>} : memref<10112xf32, #tpu.memory_space<vmem>>, vector<16xf32>,
      %add3A_1572 = arith.constant 64 : i32
      %add3A_1573 = arith.addi %mul3A_1535, %add3A_1572 : i32
      %get3A_1574 = arith.index_cast %add3A_1573 : i32 to index
      %get3A_1575 = tpu.vector_load %arg4[%get3A_1574] {strides = array<i32>} : memref<10112xi32, #tpu.memory_space<vmem>>, vector<16xi32>,
      %gather3A_1576 = tpu.vector_load_idx %arg8[%get3A_1575] : memref<10240xf32, #tpu.memory_space<vmem>>[vector<16xi32>], vector<16xf32>,
      %add3A_1577 = arith.constant 64 : i32
      %add3A_1578 = arith.addi %mul3A_1535, %add3A_1577 : i32
      %swap3A_1579 = arith.index_cast %add3A_1578 : i32 to index
      %swap3A_1580 = tpu.vector_load %arg7[%swap3A_1579] {strides = array<i32>} : memref<10112xf32, #tpu.memory_space<vmem>>, vector<16xf32>,
      tpu.vector_store %arg7[%swap3A_1579], %gather3A_1576 {strides = array<i32>} : memref<10112xf32, #tpu.memory_space<vmem>>, vector<16xf32>,
      %add3A_1581 = arith.constant 80 : i32
      %add3A_1582 = arith.addi %mul3A_1535, %add3A_1581 : i32
      %get3A_1583 = arith.index_cast %add3A_1582 : i32 to index
      %get3A_1584 = tpu.vector_load %arg4[%get3A_1583] {strides = array<i32>} : memref<10112xi32, #tpu.memory_space<vmem>>, vector<16xi32>,
      %gather3A_1585 = tpu.vector_load_idx %arg8[%get3A_1584] : memref<10240xf32, #tpu.memory_space<vmem>>[vector<16xi32>], vector<16xf32>,
      %add3A_1586 = arith.constant 80 : i32
      %add3A_1587 = arith.addi %mul3A_1535, %add3A_1586 : i32
      %swap3A_1588 = arith.index_cast %add3A_1587 : i32 to index
      %swap3A_1589 = tpu.vector_load %arg7[%swap3A_1588] {strides = array<i32>} : memref<10112xf32, #tpu.memory_space<vmem>>, vector<16xf32>,
      tpu.vector_store %arg7[%swap3A_1588], %gather3A_1585 {strides = array<i32>} : memref<10112xf32, #tpu.memory_space<vmem>>, vector<16xf32>,
      %add3A_1590 = arith.constant 96 : i32
      %add3A_1591 = arith.addi %mul3A_1535, %add3A_1590 : i32
      %get3A_1592 = arith.index_cast %add3A_1591 : i32 to index
      %get3A_1593 = tpu.vector_load %arg4[%get3A_1592] {strides = array<i32>} : memref<10112xi32, #tpu.memory_space<vmem>>, vector<16xi32>,
      %gather3A_1594 = tpu.vector_load_idx %arg8[%get3A_1593] : memref<10240xf32, #tpu.memory_space<vmem>>[vector<16xi32>], vector<16xf32>,
      %add3A_1595 = arith.constant 96 : i32
      %add3A_1596 = arith.addi %mul3A_1535, %add3A_1595 : i32
      %swap3A_1597 = arith.index_cast %add3A_1596 : i32 to index
      %swap3A_1598 = tpu.vector_load %arg7[%swap3A_1597] {strides = array<i32>} : memref<10112xf32, #tpu.memory_space<vmem>>, vector<16xf32>,
      tpu.vector_store %arg7[%swap3A_1597], %gather3A_1594 {strides = array<i32>} : memref<10112xf32, #tpu.memory_space<vmem>>, vector<16xf32>,
      %add3A_1599 = arith.constant 112 : i32
      %add3A_1600 = arith.addi %mul3A_1535, %add3A_1599 : i32
      %get3A_1601 = arith.index_cast %add3A_1600 : i32 to index
      %get3A_1602 = tpu.vector_load %arg4[%get3A_1601] {strides = array<i32>} : memref<10112xi32, #tpu.memory_space<vmem>>, vector<16xi32>,
      %gather3A_1603 = tpu.vector_load_idx %arg8[%get3A_1602] : memref<10240xf32, #tpu.memory_space<vmem>>[vector<16xi32>], vector<16xf32>,
      %add3A_1604 = arith.constant 112 : i32
      %add3A_1605 = arith.addi %mul3A_1535, %add3A_1604 : i32
      %swap3A_1606 = arith.index_cast %add3A_1605 : i32 to index
      %swap3A_1607 = tpu.vector_load %arg7[%swap3A_1606] {strides = array<i32>} : memref<10112xf32, #tpu.memory_space<vmem>>, vector<16xf32>,
      tpu.vector_store %arg7[%swap3A_1606], %gather3A_1603 {strides = array<i32>} : memref<10112xf32, #tpu.memory_space<vmem>>, vector<16xf32>,
      %mul3A_1608 = arith.constant 13 : i32
      %mul3A_1609 = arith.muli %scan3A_904, %mul3A_1608 : i32
      %add3A_1610 = arith.constant 9 : i32
      %add3A_1611 = arith.addi %mul3A_1609, %add3A_1610 : i32
      %mul3A_1612 = arith.constant 128 : i32
      %mul3A_1613 = arith.muli %add3A_1611, %mul3A_1612 : i32
      %add3A_1614 = arith.constant 0 : i32
      %add3A_1615 = arith.addi %mul3A_1613, %add3A_1614 : i32
      %get3A_1616 = arith.index_cast %add3A_1615 : i32 to index
      %get3A_1617 = tpu.vector_load %arg4[%get3A_1616] {strides = array<i32>} : memref<10112xi32, #tpu.memory_space<vmem>>, vector<16xi32>,
      %gather3A_1618 = tpu.vector_load_idx %arg8[%get3A_1617] : memref<10240xf32, #tpu.memory_space<vmem>>[vector<16xi32>], vector<16xf32>,
      %add3A_1619 = arith.constant 0 : i32
      %add3A_1620 = arith.addi %mul3A_1613, %add3A_1619 : i32
      %swap3A_1621 = arith.index_cast %add3A_1620 : i32 to index
      %swap3A_1622 = tpu.vector_load %arg7[%swap3A_1621] {strides = array<i32>} : memref<10112xf32, #tpu.memory_space<vmem>>, vector<16xf32>,
      tpu.vector_store %arg7[%swap3A_1621], %gather3A_1618 {strides = array<i32>} : memref<10112xf32, #tpu.memory_space<vmem>>, vector<16xf32>,
      %add3A_1623 = arith.constant 16 : i32
      %add3A_1624 = arith.addi %mul3A_1613, %add3A_1623 : i32
      %get3A_1625 = arith.index_cast %add3A_1624 : i32 to index
      %get3A_1626 = tpu.vector_load %arg4[%get3A_1625] {strides = array<i32>} : memref<10112xi32, #tpu.memory_space<vmem>>, vector<16xi32>,
      %gather3A_1627 = tpu.vector_load_idx %arg8[%get3A_1626] : memref<10240xf32, #tpu.memory_space<vmem>>[vector<16xi32>], vector<16xf32>,
      %add3A_1628 = arith.constant 16 : i32
      %add3A_1629 = arith.addi %mul3A_1613, %add3A_1628 : i32
      %swap3A_1630 = arith.index_cast %add3A_1629 : i32 to index
      %swap3A_1631 = tpu.vector_load %arg7[%swap3A_1630] {strides = array<i32>} : memref<10112xf32, #tpu.memory_space<vmem>>, vector<16xf32>,
      tpu.vector_store %arg7[%swap3A_1630], %gather3A_1627 {strides = array<i32>} : memref<10112xf32, #tpu.memory_space<vmem>>, vector<16xf32>,
      %add3A_1632 = arith.constant 32 : i32
      %add3A_1633 = arith.addi %mul3A_1613, %add3A_1632 : i32
      %get3A_1634 = arith.index_cast %add3A_1633 : i32 to index
      %get3A_1635 = tpu.vector_load %arg4[%get3A_1634] {strides = array<i32>} : memref<10112xi32, #tpu.memory_space<vmem>>, vector<16xi32>,
      %gather3A_1636 = tpu.vector_load_idx %arg8[%get3A_1635] : memref<10240xf32, #tpu.memory_space<vmem>>[vector<16xi32>], vector<16xf32>,
      %add3A_1637 = arith.constant 32 : i32
      %add3A_1638 = arith.addi %mul3A_1613, %add3A_1637 : i32
      %swap3A_1639 = arith.index_cast %add3A_1638 : i32 to index
      %swap3A_1640 = tpu.vector_load %arg7[%swap3A_1639] {strides = array<i32>} : memref<10112xf32, #tpu.memory_space<vmem>>, vector<16xf32>,
      tpu.vector_store %arg7[%swap3A_1639], %gather3A_1636 {strides = array<i32>} : memref<10112xf32, #tpu.memory_space<vmem>>, vector<16xf32>,
      %add3A_1641 = arith.constant 48 : i32
      %add3A_1642 = arith.addi %mul3A_1613, %add3A_1641 : i32
      %get3A_1643 = arith.index_cast %add3A_1642 : i32 to index
      %get3A_1644 = tpu.vector_load %arg4[%get3A_1643] {strides = array<i32>} : memref<10112xi32, #tpu.memory_space<vmem>>, vector<16xi32>,
      %gather3A_1645 = tpu.vector_load_idx %arg8[%get3A_1644] : memref<10240xf32, #tpu.memory_space<vmem>>[vector<16xi32>], vector<16xf32>,
      %add3A_1646 = arith.constant 48 : i32
      %add3A_1647 = arith.addi %mul3A_1613, %add3A_1646 : i32
      %swap3A_1648 = arith.index_cast %add3A_1647 : i32 to index
      %swap3A_1649 = tpu.vector_load %arg7[%swap3A_1648] {strides = array<i32>} : memref<10112xf32, #tpu.memory_space<vmem>>, vector<16xf32>,
      tpu.vector_store %arg7[%swap3A_1648], %gather3A_1645 {strides = array<i32>} : memref<10112xf32, #tpu.memory_space<vmem>>, vector<16xf32>,
      %add3A_1650 = arith.constant 64 : i32
      %add3A_1651 = arith.addi %mul3A_1613, %add3A_1650 : i32
      %get3A_1652 = arith.index_cast %add3A_1651 : i32 to index
      %get3A_1653 = tpu.vector_load %arg4[%get3A_1652] {strides = array<i32>} : memref<10112xi32, #tpu.memory_space<vmem>>, vector<16xi32>,
      %gather3A_1654 = tpu.vector_load_idx %arg8[%get3A_1653] : memref<10240xf32, #tpu.memory_space<vmem>>[vector<16xi32>], vector<16xf32>,
      %add3A_1655 = arith.constant 64 : i32
      %add3A_1656 = arith.addi %mul3A_1613, %add3A_1655 : i32
      %swap3A_1657 = arith.index_cast %add3A_1656 : i32 to index
      %swap3A_1658 = tpu.vector_load %arg7[%swap3A_1657] {strides = array<i32>} : memref<10112xf32, #tpu.memory_space<vmem>>, vector<16xf32>,
      tpu.vector_store %arg7[%swap3A_1657], %gather3A_1654 {strides = array<i32>} : memref<10112xf32, #tpu.memory_space<vmem>>, vector<16xf32>,
      %add3A_1659 = arith.constant 80 : i32
      %add3A_1660 = arith.addi %mul3A_1613, %add3A_1659 : i32
      %get3A_1661 = arith.index_cast %add3A_1660 : i32 to index
      %get3A_1662 = tpu.vector_load %arg4[%get3A_1661] {strides = array<i32>} : memref<10112xi32, #tpu.memory_space<vmem>>, vector<16xi32>,
      %gather3A_1663 = tpu.vector_load_idx %arg8[%get3A_1662] : memref<10240xf32, #tpu.memory_space<vmem>>[vector<16xi32>], vector<16xf32>,
      %add3A_1664 = arith.constant 80 : i32
      %add3A_1665 = arith.addi %mul3A_1613, %add3A_1664 : i32
      %swap3A_1666 = arith.index_cast %add3A_1665 : i32 to index
      %swap3A_1667 = tpu.vector_load %arg7[%swap3A_1666] {strides = array<i32>} : memref<10112xf32, #tpu.memory_space<vmem>>, vector<16xf32>,
      tpu.vector_store %arg7[%swap3A_1666], %gather3A_1663 {strides = array<i32>} : memref<10112xf32, #tpu.memory_space<vmem>>, vector<16xf32>,
      %add3A_1668 = arith.constant 96 : i32
      %add3A_1669 = arith.addi %mul3A_1613, %add3A_1668 : i32
      %get3A_1670 = arith.index_cast %add3A_1669 : i32 to index
      %get3A_1671 = tpu.vector_load %arg4[%get3A_1670] {strides = array<i32>} : memref<10112xi32, #tpu.memory_space<vmem>>, vector<16xi32>,
      %gather3A_1672 = tpu.vector_load_idx %arg8[%get3A_1671] : memref<10240xf32, #tpu.memory_space<vmem>>[vector<16xi32>], vector<16xf32>,
      %add3A_1673 = arith.constant 96 : i32
      %add3A_1674 = arith.addi %mul3A_1613, %add3A_1673 : i32
      %swap3A_1675 = arith.index_cast %add3A_1674 : i32 to index
      %swap3A_1676 = tpu.vector_load %arg7[%swap3A_1675] {strides = array<i32>} : memref<10112xf32, #tpu.memory_space<vmem>>, vector<16xf32>,
      tpu.vector_store %arg7[%swap3A_1675], %gather3A_1672 {strides = array<i32>} : memref<10112xf32, #tpu.memory_space<vmem>>, vector<16xf32>,
      %add3A_1677 = arith.constant 112 : i32
      %add3A_1678 = arith.addi %mul3A_1613, %add3A_1677 : i32
      %get3A_1679 = arith.index_cast %add3A_1678 : i32 to index
      %get3A_1680 = tpu.vector_load %arg4[%get3A_1679] {strides = array<i32>} : memref<10112xi32, #tpu.memory_space<vmem>>, vector<16xi32>,
      %gather3A_1681 = tpu.vector_load_idx %arg8[%get3A_1680] : memref<10240xf32, #tpu.memory_space<vmem>>[vector<16xi32>], vector<16xf32>,
      %add3A_1682 = arith.constant 112 : i32
      %add3A_1683 = arith.addi %mul3A_1613, %add3A_1682 : i32
      %swap3A_1684 = arith.index_cast %add3A_1683 : i32 to index
      %swap3A_1685 = tpu.vector_load %arg7[%swap3A_1684] {strides = array<i32>} : memref<10112xf32, #tpu.memory_space<vmem>>, vector<16xf32>,
      tpu.vector_store %arg7[%swap3A_1684], %gather3A_1681 {strides = array<i32>} : memref<10112xf32, #tpu.memory_space<vmem>>, vector<16xf32>,
      %mul3A_1686 = arith.constant 13 : i32
      %mul3A_1687 = arith.muli %scan3A_904, %mul3A_1686 : i32
      %add3A_1688 = arith.constant 10 : i32
      %add3A_1689 = arith.addi %mul3A_1687, %add3A_1688 : i32
      %mul3A_1690 = arith.constant 128 : i32
      %mul3A_1691 = arith.muli %add3A_1689, %mul3A_1690 : i32
      %add3A_1692 = arith.constant 0 : i32
      %add3A_1693 = arith.addi %mul3A_1691, %add3A_1692 : i32
      %get3A_1694 = arith.index_cast %add3A_1693 : i32 to index
      %get3A_1695 = tpu.vector_load %arg4[%get3A_1694] {strides = array<i32>} : memref<10112xi32, #tpu.memory_space<vmem>>, vector<16xi32>,
      %gather3A_1696 = tpu.vector_load_idx %arg8[%get3A_1695] : memref<10240xf32, #tpu.memory_space<vmem>>[vector<16xi32>], vector<16xf32>,
      %add3A_1697 = arith.constant 0 : i32
      %add3A_1698 = arith.addi %mul3A_1691, %add3A_1697 : i32
      %swap3A_1699 = arith.index_cast %add3A_1698 : i32 to index
      %swap3A_1700 = tpu.vector_load %arg7[%swap3A_1699] {strides = array<i32>} : memref<10112xf32, #tpu.memory_space<vmem>>, vector<16xf32>,
      tpu.vector_store %arg7[%swap3A_1699], %gather3A_1696 {strides = array<i32>} : memref<10112xf32, #tpu.memory_space<vmem>>, vector<16xf32>,
      %add3A_1701 = arith.constant 16 : i32
      %add3A_1702 = arith.addi %mul3A_1691, %add3A_1701 : i32
      %get3A_1703 = arith.index_cast %add3A_1702 : i32 to index
      %get3A_1704 = tpu.vector_load %arg4[%get3A_1703] {strides = array<i32>} : memref<10112xi32, #tpu.memory_space<vmem>>, vector<16xi32>,
      %gather3A_1705 = tpu.vector_load_idx %arg8[%get3A_1704] : memref<10240xf32, #tpu.memory_space<vmem>>[vector<16xi32>], vector<16xf32>,
      %add3A_1706 = arith.constant 16 : i32
      %add3A_1707 = arith.addi %mul3A_1691, %add3A_1706 : i32
      %swap3A_1708 = arith.index_cast %add3A_1707 : i32 to index
      %swap3A_1709 = tpu.vector_load %arg7[%swap3A_1708] {strides = array<i32>} : memref<10112xf32, #tpu.memory_space<vmem>>, vector<16xf32>,
      tpu.vector_store %arg7[%swap3A_1708], %gather3A_1705 {strides = array<i32>} : memref<10112xf32, #tpu.memory_space<vmem>>, vector<16xf32>,
      %add3A_1710 = arith.constant 32 : i32
      %add3A_1711 = arith.addi %mul3A_1691, %add3A_1710 : i32
      %get3A_1712 = arith.index_cast %add3A_1711 : i32 to index
      %get3A_1713 = tpu.vector_load %arg4[%get3A_1712] {strides = array<i32>} : memref<10112xi32, #tpu.memory_space<vmem>>, vector<16xi32>,
      %gather3A_1714 = tpu.vector_load_idx %arg8[%get3A_1713] : memref<10240xf32, #tpu.memory_space<vmem>>[vector<16xi32>], vector<16xf32>,
      %add3A_1715 = arith.constant 32 : i32
      %add3A_1716 = arith.addi %mul3A_1691, %add3A_1715 : i32
      %swap3A_1717 = arith.index_cast %add3A_1716 : i32 to index
      %swap3A_1718 = tpu.vector_load %arg7[%swap3A_1717] {strides = array<i32>} : memref<10112xf32, #tpu.memory_space<vmem>>, vector<16xf32>,
      tpu.vector_store %arg7[%swap3A_1717], %gather3A_1714 {strides = array<i32>} : memref<10112xf32, #tpu.memory_space<vmem>>, vector<16xf32>,
      %add3A_1719 = arith.constant 48 : i32
      %add3A_1720 = arith.addi %mul3A_1691, %add3A_1719 : i32
      %get3A_1721 = arith.index_cast %add3A_1720 : i32 to index
      %get3A_1722 = tpu.vector_load %arg4[%get3A_1721] {strides = array<i32>} : memref<10112xi32, #tpu.memory_space<vmem>>, vector<16xi32>,
      %gather3A_1723 = tpu.vector_load_idx %arg8[%get3A_1722] : memref<10240xf32, #tpu.memory_space<vmem>>[vector<16xi32>], vector<16xf32>,
      %add3A_1724 = arith.constant 48 : i32
      %add3A_1725 = arith.addi %mul3A_1691, %add3A_1724 : i32
      %swap3A_1726 = arith.index_cast %add3A_1725 : i32 to index
      %swap3A_1727 = tpu.vector_load %arg7[%swap3A_1726] {strides = array<i32>} : memref<10112xf32, #tpu.memory_space<vmem>>, vector<16xf32>,
      tpu.vector_store %arg7[%swap3A_1726], %gather3A_1723 {strides = array<i32>} : memref<10112xf32, #tpu.memory_space<vmem>>, vector<16xf32>,
      %add3A_1728 = arith.constant 64 : i32
      %add3A_1729 = arith.addi %mul3A_1691, %add3A_1728 : i32
      %get3A_1730 = arith.index_cast %add3A_1729 : i32 to index
      %get3A_1731 = tpu.vector_load %arg4[%get3A_1730] {strides = array<i32>} : memref<10112xi32, #tpu.memory_space<vmem>>, vector<16xi32>,
      %gather3A_1732 = tpu.vector_load_idx %arg8[%get3A_1731] : memref<10240xf32, #tpu.memory_space<vmem>>[vector<16xi32>], vector<16xf32>,
      %add3A_1733 = arith.constant 64 : i32
      %add3A_1734 = arith.addi %mul3A_1691, %add3A_1733 : i32
      %swap3A_1735 = arith.index_cast %add3A_1734 : i32 to index
      %swap3A_1736 = tpu.vector_load %arg7[%swap3A_1735] {strides = array<i32>} : memref<10112xf32, #tpu.memory_space<vmem>>, vector<16xf32>,
      tpu.vector_store %arg7[%swap3A_1735], %gather3A_1732 {strides = array<i32>} : memref<10112xf32, #tpu.memory_space<vmem>>, vector<16xf32>,
      %add3A_1737 = arith.constant 80 : i32
      %add3A_1738 = arith.addi %mul3A_1691, %add3A_1737 : i32
      %get3A_1739 = arith.index_cast %add3A_1738 : i32 to index
      %get3A_1740 = tpu.vector_load %arg4[%get3A_1739] {strides = array<i32>} : memref<10112xi32, #tpu.memory_space<vmem>>, vector<16xi32>,
      %gather3A_1741 = tpu.vector_load_idx %arg8[%get3A_1740] : memref<10240xf32, #tpu.memory_space<vmem>>[vector<16xi32>], vector<16xf32>,
      %add3A_1742 = arith.constant 80 : i32
      %add3A_1743 = arith.addi %mul3A_1691, %add3A_1742 : i32
      %swap3A_1744 = arith.index_cast %add3A_1743 : i32 to index
      %swap3A_1745 = tpu.vector_load %arg7[%swap3A_1744] {strides = array<i32>} : memref<10112xf32, #tpu.memory_space<vmem>>, vector<16xf32>,
      tpu.vector_store %arg7[%swap3A_1744], %gather3A_1741 {strides = array<i32>} : memref<10112xf32, #tpu.memory_space<vmem>>, vector<16xf32>,
      %add3A_1746 = arith.constant 96 : i32
      %add3A_1747 = arith.addi %mul3A_1691, %add3A_1746 : i32
      %get3A_1748 = arith.index_cast %add3A_1747 : i32 to index
      %get3A_1749 = tpu.vector_load %arg4[%get3A_1748] {strides = array<i32>} : memref<10112xi32, #tpu.memory_space<vmem>>, vector<16xi32>,
      %gather3A_1750 = tpu.vector_load_idx %arg8[%get3A_1749] : memref<10240xf32, #tpu.memory_space<vmem>>[vector<16xi32>], vector<16xf32>,
      %add3A_1751 = arith.constant 96 : i32
      %add3A_1752 = arith.addi %mul3A_1691, %add3A_1751 : i32
      %swap3A_1753 = arith.index_cast %add3A_1752 : i32 to index
      %swap3A_1754 = tpu.vector_load %arg7[%swap3A_1753] {strides = array<i32>} : memref<10112xf32, #tpu.memory_space<vmem>>, vector<16xf32>,
      tpu.vector_store %arg7[%swap3A_1753], %gather3A_1750 {strides = array<i32>} : memref<10112xf32, #tpu.memory_space<vmem>>, vector<16xf32>,
      %add3A_1755 = arith.constant 112 : i32
      %add3A_1756 = arith.addi %mul3A_1691, %add3A_1755 : i32
      %get3A_1757 = arith.index_cast %add3A_1756 : i32 to index
      %get3A_1758 = tpu.vector_load %arg4[%get3A_1757] {strides = array<i32>} : memref<10112xi32, #tpu.memory_space<vmem>>, vector<16xi32>,
      %gather3A_1759 = tpu.vector_load_idx %arg8[%get3A_1758] : memref<10240xf32, #tpu.memory_space<vmem>>[vector<16xi32>], vector<16xf32>,
      %add3A_1760 = arith.constant 112 : i32
      %add3A_1761 = arith.addi %mul3A_1691, %add3A_1760 : i32
      %swap3A_1762 = arith.index_cast %add3A_1761 : i32 to index
      %swap3A_1763 = tpu.vector_load %arg7[%swap3A_1762] {strides = array<i32>} : memref<10112xf32, #tpu.memory_space<vmem>>, vector<16xf32>,
      tpu.vector_store %arg7[%swap3A_1762], %gather3A_1759 {strides = array<i32>} : memref<10112xf32, #tpu.memory_space<vmem>>, vector<16xf32>,
      %mul3A_1764 = arith.constant 13 : i32
      %mul3A_1765 = arith.muli %scan3A_904, %mul3A_1764 : i32
      %add3A_1766 = arith.constant 11 : i32
      %add3A_1767 = arith.addi %mul3A_1765, %add3A_1766 : i32
      %mul3A_1768 = arith.constant 128 : i32
      %mul3A_1769 = arith.muli %add3A_1767, %mul3A_1768 : i32
      %add3A_1770 = arith.constant 0 : i32
      %add3A_1771 = arith.addi %mul3A_1769, %add3A_1770 : i32
      %get3A_1772 = arith.index_cast %add3A_1771 : i32 to index
      %get3A_1773 = tpu.vector_load %arg4[%get3A_1772] {strides = array<i32>} : memref<10112xi32, #tpu.memory_space<vmem>>, vector<16xi32>,
      %gather3A_1774 = tpu.vector_load_idx %arg8[%get3A_1773] : memref<10240xf32, #tpu.memory_space<vmem>>[vector<16xi32>], vector<16xf32>,
      %add3A_1775 = arith.constant 0 : i32
      %add3A_1776 = arith.addi %mul3A_1769, %add3A_1775 : i32
      %swap3A_1777 = arith.index_cast %add3A_1776 : i32 to index
      %swap3A_1778 = tpu.vector_load %arg7[%swap3A_1777] {strides = array<i32>} : memref<10112xf32, #tpu.memory_space<vmem>>, vector<16xf32>,
      tpu.vector_store %arg7[%swap3A_1777], %gather3A_1774 {strides = array<i32>} : memref<10112xf32, #tpu.memory_space<vmem>>, vector<16xf32>,
      %add3A_1779 = arith.constant 16 : i32
      %add3A_1780 = arith.addi %mul3A_1769, %add3A_1779 : i32
      %get3A_1781 = arith.index_cast %add3A_1780 : i32 to index
      %get3A_1782 = tpu.vector_load %arg4[%get3A_1781] {strides = array<i32>} : memref<10112xi32, #tpu.memory_space<vmem>>, vector<16xi32>,
      %gather3A_1783 = tpu.vector_load_idx %arg8[%get3A_1782] : memref<10240xf32, #tpu.memory_space<vmem>>[vector<16xi32>], vector<16xf32>,
      %add3A_1784 = arith.constant 16 : i32
      %add3A_1785 = arith.addi %mul3A_1769, %add3A_1784 : i32
      %swap3A_1786 = arith.index_cast %add3A_1785 : i32 to index
      %swap3A_1787 = tpu.vector_load %arg7[%swap3A_1786] {strides = array<i32>} : memref<10112xf32, #tpu.memory_space<vmem>>, vector<16xf32>,
      tpu.vector_store %arg7[%swap3A_1786], %gather3A_1783 {strides = array<i32>} : memref<10112xf32, #tpu.memory_space<vmem>>, vector<16xf32>,
      %add3A_1788 = arith.constant 32 : i32
      %add3A_1789 = arith.addi %mul3A_1769, %add3A_1788 : i32
      %get3A_1790 = arith.index_cast %add3A_1789 : i32 to index
      %get3A_1791 = tpu.vector_load %arg4[%get3A_1790] {strides = array<i32>} : memref<10112xi32, #tpu.memory_space<vmem>>, vector<16xi32>,
      %gather3A_1792 = tpu.vector_load_idx %arg8[%get3A_1791] : memref<10240xf32, #tpu.memory_space<vmem>>[vector<16xi32>], vector<16xf32>,
      %add3A_1793 = arith.constant 32 : i32
      %add3A_1794 = arith.addi %mul3A_1769, %add3A_1793 : i32
      %swap3A_1795 = arith.index_cast %add3A_1794 : i32 to index
      %swap3A_1796 = tpu.vector_load %arg7[%swap3A_1795] {strides = array<i32>} : memref<10112xf32, #tpu.memory_space<vmem>>, vector<16xf32>,
      tpu.vector_store %arg7[%swap3A_1795], %gather3A_1792 {strides = array<i32>} : memref<10112xf32, #tpu.memory_space<vmem>>, vector<16xf32>,
      %add3A_1797 = arith.constant 48 : i32
      %add3A_1798 = arith.addi %mul3A_1769, %add3A_1797 : i32
      %get3A_1799 = arith.index_cast %add3A_1798 : i32 to index
      %get3A_1800 = tpu.vector_load %arg4[%get3A_1799] {strides = array<i32>} : memref<10112xi32, #tpu.memory_space<vmem>>, vector<16xi32>,
      %gather3A_1801 = tpu.vector_load_idx %arg8[%get3A_1800] : memref<10240xf32, #tpu.memory_space<vmem>>[vector<16xi32>], vector<16xf32>,
      %add3A_1802 = arith.constant 48 : i32
      %add3A_1803 = arith.addi %mul3A_1769, %add3A_1802 : i32
      %swap3A_1804 = arith.index_cast %add3A_1803 : i32 to index
      %swap3A_1805 = tpu.vector_load %arg7[%swap3A_1804] {strides = array<i32>} : memref<10112xf32, #tpu.memory_space<vmem>>, vector<16xf32>,
      tpu.vector_store %arg7[%swap3A_1804], %gather3A_1801 {strides = array<i32>} : memref<10112xf32, #tpu.memory_space<vmem>>, vector<16xf32>,
      %add3A_1806 = arith.constant 64 : i32
      %add3A_1807 = arith.addi %mul3A_1769, %add3A_1806 : i32
      %get3A_1808 = arith.index_cast %add3A_1807 : i32 to index
      %get3A_1809 = tpu.vector_load %arg4[%get3A_1808] {strides = array<i32>} : memref<10112xi32, #tpu.memory_space<vmem>>, vector<16xi32>,
      %gather3A_1810 = tpu.vector_load_idx %arg8[%get3A_1809] : memref<10240xf32, #tpu.memory_space<vmem>>[vector<16xi32>], vector<16xf32>,
      %add3A_1811 = arith.constant 64 : i32
      %add3A_1812 = arith.addi %mul3A_1769, %add3A_1811 : i32
      %swap3A_1813 = arith.index_cast %add3A_1812 : i32 to index
      %swap3A_1814 = tpu.vector_load %arg7[%swap3A_1813] {strides = array<i32>} : memref<10112xf32, #tpu.memory_space<vmem>>, vector<16xf32>,
      tpu.vector_store %arg7[%swap3A_1813], %gather3A_1810 {strides = array<i32>} : memref<10112xf32, #tpu.memory_space<vmem>>, vector<16xf32>,
      %add3A_1815 = arith.constant 80 : i32
      %add3A_1816 = arith.addi %mul3A_1769, %add3A_1815 : i32
      %get3A_1817 = arith.index_cast %add3A_1816 : i32 to index
      %get3A_1818 = tpu.vector_load %arg4[%get3A_1817] {strides = array<i32>} : memref<10112xi32, #tpu.memory_space<vmem>>, vector<16xi32>,
      %gather3A_1819 = tpu.vector_load_idx %arg8[%get3A_1818] : memref<10240xf32, #tpu.memory_space<vmem>>[vector<16xi32>], vector<16xf32>,
      %add3A_1820 = arith.constant 80 : i32
      %add3A_1821 = arith.addi %mul3A_1769, %add3A_1820 : i32
      %swap3A_1822 = arith.index_cast %add3A_1821 : i32 to index
      %swap3A_1823 = tpu.vector_load %arg7[%swap3A_1822] {strides = array<i32>} : memref<10112xf32, #tpu.memory_space<vmem>>, vector<16xf32>,
      tpu.vector_store %arg7[%swap3A_1822], %gather3A_1819 {strides = array<i32>} : memref<10112xf32, #tpu.memory_space<vmem>>, vector<16xf32>,
      %add3A_1824 = arith.constant 96 : i32
      %add3A_1825 = arith.addi %mul3A_1769, %add3A_1824 : i32
      %get3A_1826 = arith.index_cast %add3A_1825 : i32 to index
      %get3A_1827 = tpu.vector_load %arg4[%get3A_1826] {strides = array<i32>} : memref<10112xi32, #tpu.memory_space<vmem>>, vector<16xi32>,
      %gather3A_1828 = tpu.vector_load_idx %arg8[%get3A_1827] : memref<10240xf32, #tpu.memory_space<vmem>>[vector<16xi32>], vector<16xf32>,
      %add3A_1829 = arith.constant 96 : i32
      %add3A_1830 = arith.addi %mul3A_1769, %add3A_1829 : i32
      %swap3A_1831 = arith.index_cast %add3A_1830 : i32 to index
      %swap3A_1832 = tpu.vector_load %arg7[%swap3A_1831] {strides = array<i32>} : memref<10112xf32, #tpu.memory_space<vmem>>, vector<16xf32>,
      tpu.vector_store %arg7[%swap3A_1831], %gather3A_1828 {strides = array<i32>} : memref<10112xf32, #tpu.memory_space<vmem>>, vector<16xf32>,
      %add3A_1833 = arith.constant 112 : i32
      %add3A_1834 = arith.addi %mul3A_1769, %add3A_1833 : i32
      %get3A_1835 = arith.index_cast %add3A_1834 : i32 to index
      %get3A_1836 = tpu.vector_load %arg4[%get3A_1835] {strides = array<i32>} : memref<10112xi32, #tpu.memory_space<vmem>>, vector<16xi32>,
      %gather3A_1837 = tpu.vector_load_idx %arg8[%get3A_1836] : memref<10240xf32, #tpu.memory_space<vmem>>[vector<16xi32>], vector<16xf32>,
      %add3A_1838 = arith.constant 112 : i32
      %add3A_1839 = arith.addi %mul3A_1769, %add3A_1838 : i32
      %swap3A_1840 = arith.index_cast %add3A_1839 : i32 to index
      %swap3A_1841 = tpu.vector_load %arg7[%swap3A_1840] {strides = array<i32>} : memref<10112xf32, #tpu.memory_space<vmem>>, vector<16xf32>,
      tpu.vector_store %arg7[%swap3A_1840], %gather3A_1837 {strides = array<i32>} : memref<10112xf32, #tpu.memory_space<vmem>>, vector<16xf32>,
      %mul3A_1842 = arith.constant 13 : i32
      %mul3A_1843 = arith.muli %scan3A_904, %mul3A_1842 : i32
      %add3A_1844 = arith.constant 12 : i32
      %add3A_1845 = arith.addi %mul3A_1843, %add3A_1844 : i32
      %mul3A_1846 = arith.constant 128 : i32
      %mul3A_1847 = arith.muli %add3A_1845, %mul3A_1846 : i32
      %add3A_1848 = arith.constant 0 : i32
      %add3A_1849 = arith.addi %mul3A_1847, %add3A_1848 : i32
      %get3A_1850 = arith.index_cast %add3A_1849 : i32 to index
      %get3A_1851 = tpu.vector_load %arg4[%get3A_1850] {strides = array<i32>} : memref<10112xi32, #tpu.memory_space<vmem>>, vector<16xi32>,
      %gather3A_1852 = tpu.vector_load_idx %arg8[%get3A_1851] : memref<10240xf32, #tpu.memory_space<vmem>>[vector<16xi32>], vector<16xf32>,
      %add3A_1853 = arith.constant 0 : i32
      %add3A_1854 = arith.addi %mul3A_1847, %add3A_1853 : i32
      %swap3A_1855 = arith.index_cast %add3A_1854 : i32 to index
      %swap3A_1856 = tpu.vector_load %arg7[%swap3A_1855] {strides = array<i32>} : memref<10112xf32, #tpu.memory_space<vmem>>, vector<16xf32>,
      tpu.vector_store %arg7[%swap3A_1855], %gather3A_1852 {strides = array<i32>} : memref<10112xf32, #tpu.memory_space<vmem>>, vector<16xf32>,
      %add3A_1857 = arith.constant 16 : i32
      %add3A_1858 = arith.addi %mul3A_1847, %add3A_1857 : i32
      %get3A_1859 = arith.index_cast %add3A_1858 : i32 to index
      %get3A_1860 = tpu.vector_load %arg4[%get3A_1859] {strides = array<i32>} : memref<10112xi32, #tpu.memory_space<vmem>>, vector<16xi32>,
      %gather3A_1861 = tpu.vector_load_idx %arg8[%get3A_1860] : memref<10240xf32, #tpu.memory_space<vmem>>[vector<16xi32>], vector<16xf32>,
      %add3A_1862 = arith.constant 16 : i32
      %add3A_1863 = arith.addi %mul3A_1847, %add3A_1862 : i32
      %swap3A_1864 = arith.index_cast %add3A_1863 : i32 to index
      %swap3A_1865 = tpu.vector_load %arg7[%swap3A_1864] {strides = array<i32>} : memref<10112xf32, #tpu.memory_space<vmem>>, vector<16xf32>,
      tpu.vector_store %arg7[%swap3A_1864], %gather3A_1861 {strides = array<i32>} : memref<10112xf32, #tpu.memory_space<vmem>>, vector<16xf32>,
      %add3A_1866 = arith.constant 32 : i32
      %add3A_1867 = arith.addi %mul3A_1847, %add3A_1866 : i32
      %get3A_1868 = arith.index_cast %add3A_1867 : i32 to index
      %get3A_1869 = tpu.vector_load %arg4[%get3A_1868] {strides = array<i32>} : memref<10112xi32, #tpu.memory_space<vmem>>, vector<16xi32>,
      %gather3A_1870 = tpu.vector_load_idx %arg8[%get3A_1869] : memref<10240xf32, #tpu.memory_space<vmem>>[vector<16xi32>], vector<16xf32>,
      %add3A_1871 = arith.constant 32 : i32
      %add3A_1872 = arith.addi %mul3A_1847, %add3A_1871 : i32
      %swap3A_1873 = arith.index_cast %add3A_1872 : i32 to index
      %swap3A_1874 = tpu.vector_load %arg7[%swap3A_1873] {strides = array<i32>} : memref<10112xf32, #tpu.memory_space<vmem>>, vector<16xf32>,
      tpu.vector_store %arg7[%swap3A_1873], %gather3A_1870 {strides = array<i32>} : memref<10112xf32, #tpu.memory_space<vmem>>, vector<16xf32>,
      %add3A_1875 = arith.constant 48 : i32
      %add3A_1876 = arith.addi %mul3A_1847, %add3A_1875 : i32
      %get3A_1877 = arith.index_cast %add3A_1876 : i32 to index
      %get3A_1878 = tpu.vector_load %arg4[%get3A_1877] {strides = array<i32>} : memref<10112xi32, #tpu.memory_space<vmem>>, vector<16xi32>,
      %gather3A_1879 = tpu.vector_load_idx %arg8[%get3A_1878] : memref<10240xf32, #tpu.memory_space<vmem>>[vector<16xi32>], vector<16xf32>,
      %add3A_1880 = arith.constant 48 : i32
      %add3A_1881 = arith.addi %mul3A_1847, %add3A_1880 : i32
      %swap3A_1882 = arith.index_cast %add3A_1881 : i32 to index
      %swap3A_1883 = tpu.vector_load %arg7[%swap3A_1882] {strides = array<i32>} : memref<10112xf32, #tpu.memory_space<vmem>>, vector<16xf32>,
      tpu.vector_store %arg7[%swap3A_1882], %gather3A_1879 {strides = array<i32>} : memref<10112xf32, #tpu.memory_space<vmem>>, vector<16xf32>,
      %add3A_1884 = arith.constant 64 : i32
      %add3A_1885 = arith.addi %mul3A_1847, %add3A_1884 : i32
      %get3A_1886 = arith.index_cast %add3A_1885 : i32 to index
      %get3A_1887 = tpu.vector_load %arg4[%get3A_1886] {strides = array<i32>} : memref<10112xi32, #tpu.memory_space<vmem>>, vector<16xi32>,
      %gather3A_1888 = tpu.vector_load_idx %arg8[%get3A_1887] : memref<10240xf32, #tpu.memory_space<vmem>>[vector<16xi32>], vector<16xf32>,
      %add3A_1889 = arith.constant 64 : i32
      %add3A_1890 = arith.addi %mul3A_1847, %add3A_1889 : i32
      %swap3A_1891 = arith.index_cast %add3A_1890 : i32 to index
      %swap3A_1892 = tpu.vector_load %arg7[%swap3A_1891] {strides = array<i32>} : memref<10112xf32, #tpu.memory_space<vmem>>, vector<16xf32>,
      tpu.vector_store %arg7[%swap3A_1891], %gather3A_1888 {strides = array<i32>} : memref<10112xf32, #tpu.memory_space<vmem>>, vector<16xf32>,
      %add3A_1893 = arith.constant 80 : i32
      %add3A_1894 = arith.addi %mul3A_1847, %add3A_1893 : i32
      %get3A_1895 = arith.index_cast %add3A_1894 : i32 to index
      %get3A_1896 = tpu.vector_load %arg4[%get3A_1895] {strides = array<i32>} : memref<10112xi32, #tpu.memory_space<vmem>>, vector<16xi32>,
      %gather3A_1897 = tpu.vector_load_idx %arg8[%get3A_1896] : memref<10240xf32, #tpu.memory_space<vmem>>[vector<16xi32>], vector<16xf32>,
      %add3A_1898 = arith.constant 80 : i32
      %add3A_1899 = arith.addi %mul3A_1847, %add3A_1898 : i32
      %swap3A_1900 = arith.index_cast %add3A_1899 : i32 to index
      %swap3A_1901 = tpu.vector_load %arg7[%swap3A_1900] {strides = array<i32>} : memref<10112xf32, #tpu.memory_space<vmem>>, vector<16xf32>,
      tpu.vector_store %arg7[%swap3A_1900], %gather3A_1897 {strides = array<i32>} : memref<10112xf32, #tpu.memory_space<vmem>>, vector<16xf32>,
      %add3A_1902 = arith.constant 96 : i32
      %add3A_1903 = arith.addi %mul3A_1847, %add3A_1902 : i32
      %get3A_1904 = arith.index_cast %add3A_1903 : i32 to index
      %get3A_1905 = tpu.vector_load %arg4[%get3A_1904] {strides = array<i32>} : memref<10112xi32, #tpu.memory_space<vmem>>, vector<16xi32>,
      %gather3A_1906 = tpu.vector_load_idx %arg8[%get3A_1905] : memref<10240xf32, #tpu.memory_space<vmem>>[vector<16xi32>], vector<16xf32>,
      %add3A_1907 = arith.constant 96 : i32
      %add3A_1908 = arith.addi %mul3A_1847, %add3A_1907 : i32
      %swap3A_1909 = arith.index_cast %add3A_1908 : i32 to index
      %swap3A_1910 = tpu.vector_load %arg7[%swap3A_1909] {strides = array<i32>} : memref<10112xf32, #tpu.memory_space<vmem>>, vector<16xf32>,
      tpu.vector_store %arg7[%swap3A_1909], %gather3A_1906 {strides = array<i32>} : memref<10112xf32, #tpu.memory_space<vmem>>, vector<16xf32>,
      %add3A_1911 = arith.constant 112 : i32
      %add3A_1912 = arith.addi %mul3A_1847, %add3A_1911 : i32
      %get3A_1913 = arith.index_cast %add3A_1912 : i32 to index
      %get3A_1914 = tpu.vector_load %arg4[%get3A_1913] {strides = array<i32>} : memref<10112xi32, #tpu.memory_space<vmem>>, vector<16xi32>,
      %gather3A_1915 = tpu.vector_load_idx %arg8[%get3A_1914] : memref<10240xf32, #tpu.memory_space<vmem>>[vector<16xi32>], vector<16xf32>,
      %add3A_1916 = arith.constant 112 : i32
      %add3A_1917 = arith.addi %mul3A_1847, %add3A_1916 : i32
      %swap3A_1918 = arith.index_cast %add3A_1917 : i32 to index
      %swap3A_1919 = tpu.vector_load %arg7[%swap3A_1918] {strides = array<i32>} : memref<10112xf32, #tpu.memory_space<vmem>>, vector<16xf32>,
      tpu.vector_store %arg7[%swap3A_1918], %gather3A_1915 {strides = array<i32>} : memref<10112xf32, #tpu.memory_space<vmem>>, vector<16xf32>,
      %mul3A_1920 = arith.constant 13 : i32
      %mul3A_1921 = arith.muli %scan3A_904, %mul3A_1920 : i32
      %add3A_1922 = arith.constant 0 : i32
      %add3A_1923 = arith.addi %mul3A_1921, %add3A_1922 : i32
      %mul3A_1924 = arith.constant 128 : i32
      %mul3A_1925 = arith.muli %add3A_1923, %mul3A_1924 : i32
      %mul3A_1926 = arith.constant 13 : i32
      %mul3A_1927 = arith.muli %scan3A_904, %mul3A_1926 : i32
      %add3A_1928 = arith.constant 0 : i32
      %add3A_1929 = arith.addi %mul3A_1927, %add3A_1928 : i32
      %mul3A_1930 = arith.constant 128 : i32
      %mul3A_1931 = arith.muli %add3A_1929, %mul3A_1930 : i32
      %dma_start3A_1932 = tpu.memref_slice %arg7[%mul3A_1925] : memref<10112xf32, #tpu.memory_space<vmem>> -> memref<128xf32, #tpu.memory_space<vmem>>
      %dma_start3A_1933 = tpu.memref_slice %arg5[%mul3A_1931] : memref<10112xi32, #tpu.memory_space<vmem>> -> memref<128xi32, #tpu.memory_space<vmem>>
      %dma_start3A_1934 = arith.constant 0 : i32
      %dma_start3A_1935 = tpu.memref_slice %arg12[%dma_start3A_1934] : memref<10240xf32, #tpu.memory_space<vmem_shared>> -> memref<10240xf32, #tpu.memory_space<vmem_shared>>
      tpu.enqueue_indirect_dma source(%dma_start3A_1932 : memref<128xf32, #tpu.memory_space<vmem>>) target(%dma_start3A_1935 : memref<10240xf32, #tpu.memory_space<vmem_shared>>) offsets(%dma_start3A_1933 : memref<128xi32, #tpu.memory_space<vmem>>) semaphore(%arg14 : memref<!tpu.dma_semaphore, #tpu.memory_space<semaphore_mem>>) {add = true}
      %mul3A_1936 = arith.constant 13 : i32
      %mul3A_1937 = arith.muli %scan3A_904, %mul3A_1936 : i32
      %add3A_1938 = arith.constant 1 : i32
      %add3A_1939 = arith.addi %mul3A_1937, %add3A_1938 : i32
      %mul3A_1940 = arith.constant 128 : i32
      %mul3A_1941 = arith.muli %add3A_1939, %mul3A_1940 : i32
      %mul3A_1942 = arith.constant 13 : i32
      %mul3A_1943 = arith.muli %scan3A_904, %mul3A_1942 : i32
      %add3A_1944 = arith.constant 1 : i32
      %add3A_1945 = arith.addi %mul3A_1943, %add3A_1944 : i32
      %mul3A_1946 = arith.constant 128 : i32
      %mul3A_1947 = arith.muli %add3A_1945, %mul3A_1946 : i32
      %dma_start3A_1948 = tpu.memref_slice %arg7[%mul3A_1941] : memref<10112xf32, #tpu.memory_space<vmem>> -> memref<128xf32, #tpu.memory_space<vmem>>
      %dma_start3A_1949 = tpu.memref_slice %arg5[%mul3A_1947] : memref<10112xi32, #tpu.memory_space<vmem>> -> memref<128xi32, #tpu.memory_space<vmem>>
      %dma_start3A_1950 = arith.constant 0 : i32
      %dma_start3A_1951 = tpu.memref_slice %arg12[%dma_start3A_1950] : memref<10240xf32, #tpu.memory_space<vmem_shared>> -> memref<10240xf32, #tpu.memory_space<vmem_shared>>
      tpu.enqueue_indirect_dma source(%dma_start3A_1948 : memref<128xf32, #tpu.memory_space<vmem>>) target(%dma_start3A_1951 : memref<10240xf32, #tpu.memory_space<vmem_shared>>) offsets(%dma_start3A_1949 : memref<128xi32, #tpu.memory_space<vmem>>) semaphore(%arg14 : memref<!tpu.dma_semaphore, #tpu.memory_space<semaphore_mem>>) {add = true}
      %mul3A_1952 = arith.constant 13 : i32
      %mul3A_1953 = arith.muli %scan3A_904, %mul3A_1952 : i32
      %add3A_1954 = arith.constant 2 : i32
      %add3A_1955 = arith.addi %mul3A_1953, %add3A_1954 : i32
      %mul3A_1956 = arith.constant 128 : i32
      %mul3A_1957 = arith.muli %add3A_1955, %mul3A_1956 : i32
      %mul3A_1958 = arith.constant 13 : i32
      %mul3A_1959 = arith.muli %scan3A_904, %mul3A_1958 : i32
      %add3A_1960 = arith.constant 2 : i32
      %add3A_1961 = arith.addi %mul3A_1959, %add3A_1960 : i32
      %mul3A_1962 = arith.constant 128 : i32
      %mul3A_1963 = arith.muli %add3A_1961, %mul3A_1962 : i32
      %dma_start3A_1964 = tpu.memref_slice %arg7[%mul3A_1957] : memref<10112xf32, #tpu.memory_space<vmem>> -> memref<128xf32, #tpu.memory_space<vmem>>
      %dma_start3A_1965 = tpu.memref_slice %arg5[%mul3A_1963] : memref<10112xi32, #tpu.memory_space<vmem>> -> memref<128xi32, #tpu.memory_space<vmem>>
      %dma_start3A_1966 = arith.constant 0 : i32
      %dma_start3A_1967 = tpu.memref_slice %arg12[%dma_start3A_1966] : memref<10240xf32, #tpu.memory_space<vmem_shared>> -> memref<10240xf32, #tpu.memory_space<vmem_shared>>
      tpu.enqueue_indirect_dma source(%dma_start3A_1964 : memref<128xf32, #tpu.memory_space<vmem>>) target(%dma_start3A_1967 : memref<10240xf32, #tpu.memory_space<vmem_shared>>) offsets(%dma_start3A_1965 : memref<128xi32, #tpu.memory_space<vmem>>) semaphore(%arg14 : memref<!tpu.dma_semaphore, #tpu.memory_space<semaphore_mem>>) {add = true}
      %mul3A_1968 = arith.constant 13 : i32
      %mul3A_1969 = arith.muli %scan3A_904, %mul3A_1968 : i32
      %add3A_1970 = arith.constant 3 : i32
      %add3A_1971 = arith.addi %mul3A_1969, %add3A_1970 : i32
      %mul3A_1972 = arith.constant 128 : i32
      %mul3A_1973 = arith.muli %add3A_1971, %mul3A_1972 : i32
      %mul3A_1974 = arith.constant 13 : i32
      %mul3A_1975 = arith.muli %scan3A_904, %mul3A_1974 : i32
      %add3A_1976 = arith.constant 3 : i32
      %add3A_1977 = arith.addi %mul3A_1975, %add3A_1976 : i32
      %mul3A_1978 = arith.constant 128 : i32
      %mul3A_1979 = arith.muli %add3A_1977, %mul3A_1978 : i32
      %dma_start3A_1980 = tpu.memref_slice %arg7[%mul3A_1973] : memref<10112xf32, #tpu.memory_space<vmem>> -> memref<128xf32, #tpu.memory_space<vmem>>
      %dma_start3A_1981 = tpu.memref_slice %arg5[%mul3A_1979] : memref<10112xi32, #tpu.memory_space<vmem>> -> memref<128xi32, #tpu.memory_space<vmem>>
      %dma_start3A_1982 = arith.constant 0 : i32
      %dma_start3A_1983 = tpu.memref_slice %arg12[%dma_start3A_1982] : memref<10240xf32, #tpu.memory_space<vmem_shared>> -> memref<10240xf32, #tpu.memory_space<vmem_shared>>
      tpu.enqueue_indirect_dma source(%dma_start3A_1980 : memref<128xf32, #tpu.memory_space<vmem>>) target(%dma_start3A_1983 : memref<10240xf32, #tpu.memory_space<vmem_shared>>) offsets(%dma_start3A_1981 : memref<128xi32, #tpu.memory_space<vmem>>) semaphore(%arg14 : memref<!tpu.dma_semaphore, #tpu.memory_space<semaphore_mem>>) {add = true}
      %mul3A_1984 = arith.constant 13 : i32
      %mul3A_1985 = arith.muli %scan3A_904, %mul3A_1984 : i32
      %add3A_1986 = arith.constant 4 : i32
      %add3A_1987 = arith.addi %mul3A_1985, %add3A_1986 : i32
      %mul3A_1988 = arith.constant 128 : i32
      %mul3A_1989 = arith.muli %add3A_1987, %mul3A_1988 : i32
      %mul3A_1990 = arith.constant 13 : i32
      %mul3A_1991 = arith.muli %scan3A_904, %mul3A_1990 : i32
      %add3A_1992 = arith.constant 4 : i32
      %add3A_1993 = arith.addi %mul3A_1991, %add3A_1992 : i32
      %mul3A_1994 = arith.constant 128 : i32
      %mul3A_1995 = arith.muli %add3A_1993, %mul3A_1994 : i32
      %dma_start3A_1996 = tpu.memref_slice %arg7[%mul3A_1989] : memref<10112xf32, #tpu.memory_space<vmem>> -> memref<128xf32, #tpu.memory_space<vmem>>
      %dma_start3A_1997 = tpu.memref_slice %arg5[%mul3A_1995] : memref<10112xi32, #tpu.memory_space<vmem>> -> memref<128xi32, #tpu.memory_space<vmem>>
      %dma_start3A_1998 = arith.constant 0 : i32
      %dma_start3A_1999 = tpu.memref_slice %arg12[%dma_start3A_1998] : memref<10240xf32, #tpu.memory_space<vmem_shared>> -> memref<10240xf32, #tpu.memory_space<vmem_shared>>
      tpu.enqueue_indirect_dma source(%dma_start3A_1996 : memref<128xf32, #tpu.memory_space<vmem>>) target(%dma_start3A_1999 : memref<10240xf32, #tpu.memory_space<vmem_shared>>) offsets(%dma_start3A_1997 : memref<128xi32, #tpu.memory_space<vmem>>) semaphore(%arg14 : memref<!tpu.dma_semaphore, #tpu.memory_space<semaphore_mem>>) {add = true}
      %mul3A_2000 = arith.constant 13 : i32
      %mul3A_2001 = arith.muli %scan3A_904, %mul3A_2000 : i32
      %add3A_2002 = arith.constant 5 : i32
      %add3A_2003 = arith.addi %mul3A_2001, %add3A_2002 : i32
      %mul3A_2004 = arith.constant 128 : i32
      %mul3A_2005 = arith.muli %add3A_2003, %mul3A_2004 : i32
      %mul3A_2006 = arith.constant 13 : i32
      %mul3A_2007 = arith.muli %scan3A_904, %mul3A_2006 : i32
      %add3A_2008 = arith.constant 5 : i32
      %add3A_2009 = arith.addi %mul3A_2007, %add3A_2008 : i32
      %mul3A_2010 = arith.constant 128 : i32
      %mul3A_2011 = arith.muli %add3A_2009, %mul3A_2010 : i32
      %dma_start3A_2012 = tpu.memref_slice %arg7[%mul3A_2005] : memref<10112xf32, #tpu.memory_space<vmem>> -> memref<128xf32, #tpu.memory_space<vmem>>
      %dma_start3A_2013 = tpu.memref_slice %arg5[%mul3A_2011] : memref<10112xi32, #tpu.memory_space<vmem>> -> memref<128xi32, #tpu.memory_space<vmem>>
      %dma_start3A_2014 = arith.constant 0 : i32
      %dma_start3A_2015 = tpu.memref_slice %arg12[%dma_start3A_2014] : memref<10240xf32, #tpu.memory_space<vmem_shared>> -> memref<10240xf32, #tpu.memory_space<vmem_shared>>
      tpu.enqueue_indirect_dma source(%dma_start3A_2012 : memref<128xf32, #tpu.memory_space<vmem>>) target(%dma_start3A_2015 : memref<10240xf32, #tpu.memory_space<vmem_shared>>) offsets(%dma_start3A_2013 : memref<128xi32, #tpu.memory_space<vmem>>) semaphore(%arg14 : memref<!tpu.dma_semaphore, #tpu.memory_space<semaphore_mem>>) {add = true}
      %mul3A_2016 = arith.constant 13 : i32
      %mul3A_2017 = arith.muli %scan3A_904, %mul3A_2016 : i32
      %add3A_2018 = arith.constant 6 : i32
      %add3A_2019 = arith.addi %mul3A_2017, %add3A_2018 : i32
      %mul3A_2020 = arith.constant 128 : i32
      %mul3A_2021 = arith.muli %add3A_2019, %mul3A_2020 : i32
      %mul3A_2022 = arith.constant 13 : i32
      %mul3A_2023 = arith.muli %scan3A_904, %mul3A_2022 : i32
      %add3A_2024 = arith.constant 6 : i32
      %add3A_2025 = arith.addi %mul3A_2023, %add3A_2024 : i32
      %mul3A_2026 = arith.constant 128 : i32
      %mul3A_2027 = arith.muli %add3A_2025, %mul3A_2026 : i32
      %dma_start3A_2028 = tpu.memref_slice %arg7[%mul3A_2021] : memref<10112xf32, #tpu.memory_space<vmem>> -> memref<128xf32, #tpu.memory_space<vmem>>
      %dma_start3A_2029 = tpu.memref_slice %arg5[%mul3A_2027] : memref<10112xi32, #tpu.memory_space<vmem>> -> memref<128xi32, #tpu.memory_space<vmem>>
      %dma_start3A_2030 = arith.constant 0 : i32
      %dma_start3A_2031 = tpu.memref_slice %arg12[%dma_start3A_2030] : memref<10240xf32, #tpu.memory_space<vmem_shared>> -> memref<10240xf32, #tpu.memory_space<vmem_shared>>
      tpu.enqueue_indirect_dma source(%dma_start3A_2028 : memref<128xf32, #tpu.memory_space<vmem>>) target(%dma_start3A_2031 : memref<10240xf32, #tpu.memory_space<vmem_shared>>) offsets(%dma_start3A_2029 : memref<128xi32, #tpu.memory_space<vmem>>) semaphore(%arg14 : memref<!tpu.dma_semaphore, #tpu.memory_space<semaphore_mem>>) {add = true}
      %mul3A_2032 = arith.constant 13 : i32
      %mul3A_2033 = arith.muli %scan3A_904, %mul3A_2032 : i32
      %add3A_2034 = arith.constant 7 : i32
      %add3A_2035 = arith.addi %mul3A_2033, %add3A_2034 : i32
      %mul3A_2036 = arith.constant 128 : i32
      %mul3A_2037 = arith.muli %add3A_2035, %mul3A_2036 : i32
      %mul3A_2038 = arith.constant 13 : i32
      %mul3A_2039 = arith.muli %scan3A_904, %mul3A_2038 : i32
      %add3A_2040 = arith.constant 7 : i32
      %add3A_2041 = arith.addi %mul3A_2039, %add3A_2040 : i32
      %mul3A_2042 = arith.constant 128 : i32
      %mul3A_2043 = arith.muli %add3A_2041, %mul3A_2042 : i32
      %dma_start3A_2044 = tpu.memref_slice %arg7[%mul3A_2037] : memref<10112xf32, #tpu.memory_space<vmem>> -> memref<128xf32, #tpu.memory_space<vmem>>
      %dma_start3A_2045 = tpu.memref_slice %arg5[%mul3A_2043] : memref<10112xi32, #tpu.memory_space<vmem>> -> memref<128xi32, #tpu.memory_space<vmem>>
      %dma_start3A_2046 = arith.constant 0 : i32
      %dma_start3A_2047 = tpu.memref_slice %arg12[%dma_start3A_2046] : memref<10240xf32, #tpu.memory_space<vmem_shared>> -> memref<10240xf32, #tpu.memory_space<vmem_shared>>
      tpu.enqueue_indirect_dma source(%dma_start3A_2044 : memref<128xf32, #tpu.memory_space<vmem>>) target(%dma_start3A_2047 : memref<10240xf32, #tpu.memory_space<vmem_shared>>) offsets(%dma_start3A_2045 : memref<128xi32, #tpu.memory_space<vmem>>) semaphore(%arg14 : memref<!tpu.dma_semaphore, #tpu.memory_space<semaphore_mem>>) {add = true}
      %mul3A_2048 = arith.constant 13 : i32
      %mul3A_2049 = arith.muli %scan3A_904, %mul3A_2048 : i32
      %add3A_2050 = arith.constant 8 : i32
      %add3A_2051 = arith.addi %mul3A_2049, %add3A_2050 : i32
      %mul3A_2052 = arith.constant 128 : i32
      %mul3A_2053 = arith.muli %add3A_2051, %mul3A_2052 : i32
      %mul3A_2054 = arith.constant 13 : i32
      %mul3A_2055 = arith.muli %scan3A_904, %mul3A_2054 : i32
      %add3A_2056 = arith.constant 8 : i32
      %add3A_2057 = arith.addi %mul3A_2055, %add3A_2056 : i32
      %mul3A_2058 = arith.constant 128 : i32
      %mul3A_2059 = arith.muli %add3A_2057, %mul3A_2058 : i32
      %dma_start3A_2060 = tpu.memref_slice %arg7[%mul3A_2053] : memref<10112xf32, #tpu.memory_space<vmem>> -> memref<128xf32, #tpu.memory_space<vmem>>
      %dma_start3A_2061 = tpu.memref_slice %arg5[%mul3A_2059] : memref<10112xi32, #tpu.memory_space<vmem>> -> memref<128xi32, #tpu.memory_space<vmem>>
      %dma_start3A_2062 = arith.constant 0 : i32
      %dma_start3A_2063 = tpu.memref_slice %arg12[%dma_start3A_2062] : memref<10240xf32, #tpu.memory_space<vmem_shared>> -> memref<10240xf32, #tpu.memory_space<vmem_shared>>
      tpu.enqueue_indirect_dma source(%dma_start3A_2060 : memref<128xf32, #tpu.memory_space<vmem>>) target(%dma_start3A_2063 : memref<10240xf32, #tpu.memory_space<vmem_shared>>) offsets(%dma_start3A_2061 : memref<128xi32, #tpu.memory_space<vmem>>) semaphore(%arg14 : memref<!tpu.dma_semaphore, #tpu.memory_space<semaphore_mem>>) {add = true}
      %mul3A_2064 = arith.constant 13 : i32
      %mul3A_2065 = arith.muli %scan3A_904, %mul3A_2064 : i32
      %add3A_2066 = arith.constant 9 : i32
      %add3A_2067 = arith.addi %mul3A_2065, %add3A_2066 : i32
      %mul3A_2068 = arith.constant 128 : i32
      %mul3A_2069 = arith.muli %add3A_2067, %mul3A_2068 : i32
      %mul3A_2070 = arith.constant 13 : i32
      %mul3A_2071 = arith.muli %scan3A_904, %mul3A_2070 : i32
      %add3A_2072 = arith.constant 9 : i32
      %add3A_2073 = arith.addi %mul3A_2071, %add3A_2072 : i32
      %mul3A_2074 = arith.constant 128 : i32
      %mul3A_2075 = arith.muli %add3A_2073, %mul3A_2074 : i32
      %dma_start3A_2076 = tpu.memref_slice %arg7[%mul3A_2069] : memref<10112xf32, #tpu.memory_space<vmem>> -> memref<128xf32, #tpu.memory_space<vmem>>
      %dma_start3A_2077 = tpu.memref_slice %arg5[%mul3A_2075] : memref<10112xi32, #tpu.memory_space<vmem>> -> memref<128xi32, #tpu.memory_space<vmem>>
      %dma_start3A_2078 = arith.constant 0 : i32
      %dma_start3A_2079 = tpu.memref_slice %arg12[%dma_start3A_2078] : memref<10240xf32, #tpu.memory_space<vmem_shared>> -> memref<10240xf32, #tpu.memory_space<vmem_shared>>
      tpu.enqueue_indirect_dma source(%dma_start3A_2076 : memref<128xf32, #tpu.memory_space<vmem>>) target(%dma_start3A_2079 : memref<10240xf32, #tpu.memory_space<vmem_shared>>) offsets(%dma_start3A_2077 : memref<128xi32, #tpu.memory_space<vmem>>) semaphore(%arg14 : memref<!tpu.dma_semaphore, #tpu.memory_space<semaphore_mem>>) {add = true}
      %mul3A_2080 = arith.constant 13 : i32
      %mul3A_2081 = arith.muli %scan3A_904, %mul3A_2080 : i32
      %add3A_2082 = arith.constant 10 : i32
      %add3A_2083 = arith.addi %mul3A_2081, %add3A_2082 : i32
      %mul3A_2084 = arith.constant 128 : i32
      %mul3A_2085 = arith.muli %add3A_2083, %mul3A_2084 : i32
      %mul3A_2086 = arith.constant 13 : i32
      %mul3A_2087 = arith.muli %scan3A_904, %mul3A_2086 : i32
      %add3A_2088 = arith.constant 10 : i32
      %add3A_2089 = arith.addi %mul3A_2087, %add3A_2088 : i32
      %mul3A_2090 = arith.constant 128 : i32
      %mul3A_2091 = arith.muli %add3A_2089, %mul3A_2090 : i32
      %dma_start3A_2092 = tpu.memref_slice %arg7[%mul3A_2085] : memref<10112xf32, #tpu.memory_space<vmem>> -> memref<128xf32, #tpu.memory_space<vmem>>
      %dma_start3A_2093 = tpu.memref_slice %arg5[%mul3A_2091] : memref<10112xi32, #tpu.memory_space<vmem>> -> memref<128xi32, #tpu.memory_space<vmem>>
      %dma_start3A_2094 = arith.constant 0 : i32
      %dma_start3A_2095 = tpu.memref_slice %arg12[%dma_start3A_2094] : memref<10240xf32, #tpu.memory_space<vmem_shared>> -> memref<10240xf32, #tpu.memory_space<vmem_shared>>
      tpu.enqueue_indirect_dma source(%dma_start3A_2092 : memref<128xf32, #tpu.memory_space<vmem>>) target(%dma_start3A_2095 : memref<10240xf32, #tpu.memory_space<vmem_shared>>) offsets(%dma_start3A_2093 : memref<128xi32, #tpu.memory_space<vmem>>) semaphore(%arg14 : memref<!tpu.dma_semaphore, #tpu.memory_space<semaphore_mem>>) {add = true}
      %mul3A_2096 = arith.constant 13 : i32
      %mul3A_2097 = arith.muli %scan3A_904, %mul3A_2096 : i32
      %add3A_2098 = arith.constant 11 : i32
      %add3A_2099 = arith.addi %mul3A_2097, %add3A_2098 : i32
      %mul3A_2100 = arith.constant 128 : i32
      %mul3A_2101 = arith.muli %add3A_2099, %mul3A_2100 : i32
      %mul3A_2102 = arith.constant 13 : i32
      %mul3A_2103 = arith.muli %scan3A_904, %mul3A_2102 : i32
      %add3A_2104 = arith.constant 11 : i32
      %add3A_2105 = arith.addi %mul3A_2103, %add3A_2104 : i32
      %mul3A_2106 = arith.constant 128 : i32
      %mul3A_2107 = arith.muli %add3A_2105, %mul3A_2106 : i32
      %dma_start3A_2108 = tpu.memref_slice %arg7[%mul3A_2101] : memref<10112xf32, #tpu.memory_space<vmem>> -> memref<128xf32, #tpu.memory_space<vmem>>
      %dma_start3A_2109 = tpu.memref_slice %arg5[%mul3A_2107] : memref<10112xi32, #tpu.memory_space<vmem>> -> memref<128xi32, #tpu.memory_space<vmem>>
      %dma_start3A_2110 = arith.constant 0 : i32
      %dma_start3A_2111 = tpu.memref_slice %arg12[%dma_start3A_2110] : memref<10240xf32, #tpu.memory_space<vmem_shared>> -> memref<10240xf32, #tpu.memory_space<vmem_shared>>
      tpu.enqueue_indirect_dma source(%dma_start3A_2108 : memref<128xf32, #tpu.memory_space<vmem>>) target(%dma_start3A_2111 : memref<10240xf32, #tpu.memory_space<vmem_shared>>) offsets(%dma_start3A_2109 : memref<128xi32, #tpu.memory_space<vmem>>) semaphore(%arg14 : memref<!tpu.dma_semaphore, #tpu.memory_space<semaphore_mem>>) {add = true}
      %mul3A_2112 = arith.constant 13 : i32
      %mul3A_2113 = arith.muli %scan3A_904, %mul3A_2112 : i32
      %add3A_2114 = arith.constant 12 : i32
      %add3A_2115 = arith.addi %mul3A_2113, %add3A_2114 : i32
      %mul3A_2116 = arith.constant 128 : i32
      %mul3A_2117 = arith.muli %add3A_2115, %mul3A_2116 : i32
      %mul3A_2118 = arith.constant 13 : i32
      %mul3A_2119 = arith.muli %scan3A_904, %mul3A_2118 : i32
      %add3A_2120 = arith.constant 12 : i32
      %add3A_2121 = arith.addi %mul3A_2119, %add3A_2120 : i32
      %mul3A_2122 = arith.constant 128 : i32
      %mul3A_2123 = arith.muli %add3A_2121, %mul3A_2122 : i32
      %dma_start3A_2124 = tpu.memref_slice %arg7[%mul3A_2117] : memref<10112xf32, #tpu.memory_space<vmem>> -> memref<128xf32, #tpu.memory_space<vmem>>
      %dma_start3A_2125 = tpu.memref_slice %arg5[%mul3A_2123] : memref<10112xi32, #tpu.memory_space<vmem>> -> memref<128xi32, #tpu.memory_space<vmem>>
      %dma_start3A_2126 = arith.constant 0 : i32
      %dma_start3A_2127 = tpu.memref_slice %arg12[%dma_start3A_2126] : memref<10240xf32, #tpu.memory_space<vmem_shared>> -> memref<10240xf32, #tpu.memory_space<vmem_shared>>
      tpu.enqueue_indirect_dma source(%dma_start3A_2124 : memref<128xf32, #tpu.memory_space<vmem>>) target(%dma_start3A_2127 : memref<10240xf32, #tpu.memory_space<vmem_shared>>) offsets(%dma_start3A_2125 : memref<128xi32, #tpu.memory_space<vmem>>) semaphore(%arg14 : memref<!tpu.dma_semaphore, #tpu.memory_space<semaphore_mem>>) {add = true}
      %dma_wait3A_2128 = tpu.memref_slice %arg7[%mul3A_1925] : memref<10112xf32, #tpu.memory_space<vmem>> -> memref<128xf32, #tpu.memory_space<vmem>>
      %dma_wait3A_2129 = tpu.memref_slice %arg5[%mul3A_1931] : memref<10112xi32, #tpu.memory_space<vmem>> -> memref<128xi32, #tpu.memory_space<vmem>>
      %dma_wait3A_2130 = arith.constant 0 : i32
      %dma_wait3A_2131 = tpu.memref_slice %arg12[%dma_wait3A_2130] : memref<10240xf32, #tpu.memory_space<vmem_shared>> -> memref<10240xf32, #tpu.memory_space<vmem_shared>>
      tpu.wait_indirect_dma semaphore(%arg14 : memref<!tpu.dma_semaphore, #tpu.memory_space<semaphore_mem>>) src(%dma_wait3A_2128 : memref<128xf32, #tpu.memory_space<vmem>>) dst(%dma_wait3A_2131 : memref<10240xf32, #tpu.memory_space<vmem_shared>>)
      %dma_wait3A_2132 = tpu.memref_slice %arg7[%mul3A_1941] : memref<10112xf32, #tpu.memory_space<vmem>> -> memref<128xf32, #tpu.memory_space<vmem>>
      %dma_wait3A_2133 = tpu.memref_slice %arg5[%mul3A_1947] : memref<10112xi32, #tpu.memory_space<vmem>> -> memref<128xi32, #tpu.memory_space<vmem>>
      %dma_wait3A_2134 = arith.constant 0 : i32
      %dma_wait3A_2135 = tpu.memref_slice %arg12[%dma_wait3A_2134] : memref<10240xf32, #tpu.memory_space<vmem_shared>> -> memref<10240xf32, #tpu.memory_space<vmem_shared>>
      tpu.wait_indirect_dma semaphore(%arg14 : memref<!tpu.dma_semaphore, #tpu.memory_space<semaphore_mem>>) src(%dma_wait3A_2132 : memref<128xf32, #tpu.memory_space<vmem>>) dst(%dma_wait3A_2135 : memref<10240xf32, #tpu.memory_space<vmem_shared>>)
      %dma_wait3A_2136 = tpu.memref_slice %arg7[%mul3A_1957] : memref<10112xf32, #tpu.memory_space<vmem>> -> memref<128xf32, #tpu.memory_space<vmem>>
      %dma_wait3A_2137 = tpu.memref_slice %arg5[%mul3A_1963] : memref<10112xi32, #tpu.memory_space<vmem>> -> memref<128xi32, #tpu.memory_space<vmem>>
      %dma_wait3A_2138 = arith.constant 0 : i32
      %dma_wait3A_2139 = tpu.memref_slice %arg12[%dma_wait3A_2138] : memref<10240xf32, #tpu.memory_space<vmem_shared>> -> memref<10240xf32, #tpu.memory_space<vmem_shared>>
      tpu.wait_indirect_dma semaphore(%arg14 : memref<!tpu.dma_semaphore, #tpu.memory_space<semaphore_mem>>) src(%dma_wait3A_2136 : memref<128xf32, #tpu.memory_space<vmem>>) dst(%dma_wait3A_2139 : memref<10240xf32, #tpu.memory_space<vmem_shared>>)
      %dma_wait3A_2140 = tpu.memref_slice %arg7[%mul3A_1973] : memref<10112xf32, #tpu.memory_space<vmem>> -> memref<128xf32, #tpu.memory_space<vmem>>
      %dma_wait3A_2141 = tpu.memref_slice %arg5[%mul3A_1979] : memref<10112xi32, #tpu.memory_space<vmem>> -> memref<128xi32, #tpu.memory_space<vmem>>
      %dma_wait3A_2142 = arith.constant 0 : i32
      %dma_wait3A_2143 = tpu.memref_slice %arg12[%dma_wait3A_2142] : memref<10240xf32, #tpu.memory_space<vmem_shared>> -> memref<10240xf32, #tpu.memory_space<vmem_shared>>
      tpu.wait_indirect_dma semaphore(%arg14 : memref<!tpu.dma_semaphore, #tpu.memory_space<semaphore_mem>>) src(%dma_wait3A_2140 : memref<128xf32, #tpu.memory_space<vmem>>) dst(%dma_wait3A_2143 : memref<10240xf32, #tpu.memory_space<vmem_shared>>)
      %dma_wait3A_2144 = tpu.memref_slice %arg7[%mul3A_1989] : memref<10112xf32, #tpu.memory_space<vmem>> -> memref<128xf32, #tpu.memory_space<vmem>>
      %dma_wait3A_2145 = tpu.memref_slice %arg5[%mul3A_1995] : memref<10112xi32, #tpu.memory_space<vmem>> -> memref<128xi32, #tpu.memory_space<vmem>>
      %dma_wait3A_2146 = arith.constant 0 : i32
      %dma_wait3A_2147 = tpu.memref_slice %arg12[%dma_wait3A_2146] : memref<10240xf32, #tpu.memory_space<vmem_shared>> -> memref<10240xf32, #tpu.memory_space<vmem_shared>>
      tpu.wait_indirect_dma semaphore(%arg14 : memref<!tpu.dma_semaphore, #tpu.memory_space<semaphore_mem>>) src(%dma_wait3A_2144 : memref<128xf32, #tpu.memory_space<vmem>>) dst(%dma_wait3A_2147 : memref<10240xf32, #tpu.memory_space<vmem_shared>>)
      %dma_wait3A_2148 = tpu.memref_slice %arg7[%mul3A_2005] : memref<10112xf32, #tpu.memory_space<vmem>> -> memref<128xf32, #tpu.memory_space<vmem>>
      %dma_wait3A_2149 = tpu.memref_slice %arg5[%mul3A_2011] : memref<10112xi32, #tpu.memory_space<vmem>> -> memref<128xi32, #tpu.memory_space<vmem>>
      %dma_wait3A_2150 = arith.constant 0 : i32
      %dma_wait3A_2151 = tpu.memref_slice %arg12[%dma_wait3A_2150] : memref<10240xf32, #tpu.memory_space<vmem_shared>> -> memref<10240xf32, #tpu.memory_space<vmem_shared>>
      tpu.wait_indirect_dma semaphore(%arg14 : memref<!tpu.dma_semaphore, #tpu.memory_space<semaphore_mem>>) src(%dma_wait3A_2148 : memref<128xf32, #tpu.memory_space<vmem>>) dst(%dma_wait3A_2151 : memref<10240xf32, #tpu.memory_space<vmem_shared>>)
      %dma_wait3A_2152 = tpu.memref_slice %arg7[%mul3A_2021] : memref<10112xf32, #tpu.memory_space<vmem>> -> memref<128xf32, #tpu.memory_space<vmem>>
      %dma_wait3A_2153 = tpu.memref_slice %arg5[%mul3A_2027] : memref<10112xi32, #tpu.memory_space<vmem>> -> memref<128xi32, #tpu.memory_space<vmem>>
      %dma_wait3A_2154 = arith.constant 0 : i32
      %dma_wait3A_2155 = tpu.memref_slice %arg12[%dma_wait3A_2154] : memref<10240xf32, #tpu.memory_space<vmem_shared>> -> memref<10240xf32, #tpu.memory_space<vmem_shared>>
      tpu.wait_indirect_dma semaphore(%arg14 : memref<!tpu.dma_semaphore, #tpu.memory_space<semaphore_mem>>) src(%dma_wait3A_2152 : memref<128xf32, #tpu.memory_space<vmem>>) dst(%dma_wait3A_2155 : memref<10240xf32, #tpu.memory_space<vmem_shared>>)
      %dma_wait3A_2156 = tpu.memref_slice %arg7[%mul3A_2037] : memref<10112xf32, #tpu.memory_space<vmem>> -> memref<128xf32, #tpu.memory_space<vmem>>
      %dma_wait3A_2157 = tpu.memref_slice %arg5[%mul3A_2043] : memref<10112xi32, #tpu.memory_space<vmem>> -> memref<128xi32, #tpu.memory_space<vmem>>
      %dma_wait3A_2158 = arith.constant 0 : i32
      %dma_wait3A_2159 = tpu.memref_slice %arg12[%dma_wait3A_2158] : memref<10240xf32, #tpu.memory_space<vmem_shared>> -> memref<10240xf32, #tpu.memory_space<vmem_shared>>
      tpu.wait_indirect_dma semaphore(%arg14 : memref<!tpu.dma_semaphore, #tpu.memory_space<semaphore_mem>>) src(%dma_wait3A_2156 : memref<128xf32, #tpu.memory_space<vmem>>) dst(%dma_wait3A_2159 : memref<10240xf32, #tpu.memory_space<vmem_shared>>)
      %dma_wait3A_2160 = tpu.memref_slice %arg7[%mul3A_2053] : memref<10112xf32, #tpu.memory_space<vmem>> -> memref<128xf32, #tpu.memory_space<vmem>>
      %dma_wait3A_2161 = tpu.memref_slice %arg5[%mul3A_2059] : memref<10112xi32, #tpu.memory_space<vmem>> -> memref<128xi32, #tpu.memory_space<vmem>>
      %dma_wait3A_2162 = arith.constant 0 : i32
      %dma_wait3A_2163 = tpu.memref_slice %arg12[%dma_wait3A_2162] : memref<10240xf32, #tpu.memory_space<vmem_shared>> -> memref<10240xf32, #tpu.memory_space<vmem_shared>>
      tpu.wait_indirect_dma semaphore(%arg14 : memref<!tpu.dma_semaphore, #tpu.memory_space<semaphore_mem>>) src(%dma_wait3A_2160 : memref<128xf32, #tpu.memory_space<vmem>>) dst(%dma_wait3A_2163 : memref<10240xf32, #tpu.memory_space<vmem_shared>>)
      %dma_wait3A_2164 = tpu.memref_slice %arg7[%mul3A_2069] : memref<10112xf32, #tpu.memory_space<vmem>> -> memref<128xf32, #tpu.memory_space<vmem>>
      %dma_wait3A_2165 = tpu.memref_slice %arg5[%mul3A_2075] : memref<10112xi32, #tpu.memory_space<vmem>> -> memref<128xi32, #tpu.memory_space<vmem>>
      %dma_wait3A_2166 = arith.constant 0 : i32
      %dma_wait3A_2167 = tpu.memref_slice %arg12[%dma_wait3A_2166] : memref<10240xf32, #tpu.memory_space<vmem_shared>> -> memref<10240xf32, #tpu.memory_space<vmem_shared>>
      tpu.wait_indirect_dma semaphore(%arg14 : memref<!tpu.dma_semaphore, #tpu.memory_space<semaphore_mem>>) src(%dma_wait3A_2164 : memref<128xf32, #tpu.memory_space<vmem>>) dst(%dma_wait3A_2167 : memref<10240xf32, #tpu.memory_space<vmem_shared>>)
      %dma_wait3A_2168 = tpu.memref_slice %arg7[%mul3A_2085] : memref<10112xf32, #tpu.memory_space<vmem>> -> memref<128xf32, #tpu.memory_space<vmem>>
      %dma_wait3A_2169 = tpu.memref_slice %arg5[%mul3A_2091] : memref<10112xi32, #tpu.memory_space<vmem>> -> memref<128xi32, #tpu.memory_space<vmem>>
      %dma_wait3A_2170 = arith.constant 0 : i32
      %dma_wait3A_2171 = tpu.memref_slice %arg12[%dma_wait3A_2170] : memref<10240xf32, #tpu.memory_space<vmem_shared>> -> memref<10240xf32, #tpu.memory_space<vmem_shared>>
      tpu.wait_indirect_dma semaphore(%arg14 : memref<!tpu.dma_semaphore, #tpu.memory_space<semaphore_mem>>) src(%dma_wait3A_2168 : memref<128xf32, #tpu.memory_space<vmem>>) dst(%dma_wait3A_2171 : memref<10240xf32, #tpu.memory_space<vmem_shared>>)
      %dma_wait3A_2172 = tpu.memref_slice %arg7[%mul3A_2101] : memref<10112xf32, #tpu.memory_space<vmem>> -> memref<128xf32, #tpu.memory_space<vmem>>
      %dma_wait3A_2173 = tpu.memref_slice %arg5[%mul3A_2107] : memref<10112xi32, #tpu.memory_space<vmem>> -> memref<128xi32, #tpu.memory_space<vmem>>
      %dma_wait3A_2174 = arith.constant 0 : i32
      %dma_wait3A_2175 = tpu.memref_slice %arg12[%dma_wait3A_2174] : memref<10240xf32, #tpu.memory_space<vmem_shared>> -> memref<10240xf32, #tpu.memory_space<vmem_shared>>
      tpu.wait_indirect_dma semaphore(%arg14 : memref<!tpu.dma_semaphore, #tpu.memory_space<semaphore_mem>>) src(%dma_wait3A_2172 : memref<128xf32, #tpu.memory_space<vmem>>) dst(%dma_wait3A_2175 : memref<10240xf32, #tpu.memory_space<vmem_shared>>)
      %dma_wait3A_2176 = tpu.memref_slice %arg7[%mul3A_2117] : memref<10112xf32, #tpu.memory_space<vmem>> -> memref<128xf32, #tpu.memory_space<vmem>>
      %dma_wait3A_2177 = tpu.memref_slice %arg5[%mul3A_2123] : memref<10112xi32, #tpu.memory_space<vmem>> -> memref<128xi32, #tpu.memory_space<vmem>>
      %dma_wait3A_2178 = arith.constant 0 : i32
      %dma_wait3A_2179 = tpu.memref_slice %arg12[%dma_wait3A_2178] : memref<10240xf32, #tpu.memory_space<vmem_shared>> -> memref<10240xf32, #tpu.memory_space<vmem_shared>>
      tpu.wait_indirect_dma semaphore(%arg14 : memref<!tpu.dma_semaphore, #tpu.memory_space<semaphore_mem>>) src(%dma_wait3A_2176 : memref<128xf32, #tpu.memory_space<vmem>>) dst(%dma_wait3A_2179 : memref<10240xf32, #tpu.memory_space<vmem_shared>>)
      %scan3A_2180 = arith.constant 0 : i32
      scf.yield %scan3A_2180 : i32
    }
    %scan3A_810 = arith.constant 5 : i32
    %dma_wait3A_811 = arith.constant 0 : i32
    %dma_wait3A_812 = tpu.memref_slice %arg7[%dma_wait3A_811] : memref<10112xf32, #tpu.memory_space<vmem>> -> memref<128xf32, #tpu.memory_space<vmem>>
    %dma_wait3A_813 = arith.constant 0 : i32
    %dma_wait3A_814 = tpu.memref_slice %arg5[%dma_wait3A_813] : memref<10112xi32, #tpu.memory_space<vmem>> -> memref<128xi32, #tpu.memory_space<vmem>>
    %dma_wait3A_815 = arith.constant 0 : i32
    %dma_wait3A_816 = tpu.memref_slice %arg12[%dma_wait3A_815] : memref<10240xf32, #tpu.memory_space<vmem_shared>> -> memref<10240xf32, #tpu.memory_space<vmem_shared>>
    tpu.wait_indirect_dma semaphore(%arg14 : memref<!tpu.dma_semaphore, #tpu.memory_space<semaphore_mem>>) src(%dma_wait3A_812 : memref<128xf32, #tpu.memory_space<vmem>>) dst(%dma_wait3A_816 : memref<10240xf32, #tpu.memory_space<vmem_shared>>)
    %dma_wait3A_817 = arith.constant 128 : i32
    %dma_wait3A_818 = tpu.memref_slice %arg7[%dma_wait3A_817] : memref<10112xf32, #tpu.memory_space<vmem>> -> memref<128xf32, #tpu.memory_space<vmem>>
    %dma_wait3A_819 = arith.constant 128 : i32
    %dma_wait3A_820 = tpu.memref_slice %arg5[%dma_wait3A_819] : memref<10112xi32, #tpu.memory_space<vmem>> -> memref<128xi32, #tpu.memory_space<vmem>>
    %dma_wait3A_821 = arith.constant 0 : i32
    %dma_wait3A_822 = tpu.memref_slice %arg12[%dma_wait3A_821] : memref<10240xf32, #tpu.memory_space<vmem_shared>> -> memref<10240xf32, #tpu.memory_space<vmem_shared>>
    tpu.wait_indirect_dma semaphore(%arg14 : memref<!tpu.dma_semaphore, #tpu.memory_space<semaphore_mem>>) src(%dma_wait3A_818 : memref<128xf32, #tpu.memory_space<vmem>>) dst(%dma_wait3A_822 : memref<10240xf32, #tpu.memory_space<vmem_shared>>)
    %dma_wait3A_823 = arith.constant 256 : i32
    %dma_wait3A_824 = tpu.memref_slice %arg7[%dma_wait3A_823] : memref<10112xf32, #tpu.memory_space<vmem>> -> memref<128xf32, #tpu.memory_space<vmem>>
    %dma_wait3A_825 = arith.constant 256 : i32
    %dma_wait3A_826 = tpu.memref_slice %arg5[%dma_wait3A_825] : memref<10112xi32, #tpu.memory_space<vmem>> -> memref<128xi32, #tpu.memory_space<vmem>>
    %dma_wait3A_827 = arith.constant 0 : i32
    %dma_wait3A_828 = tpu.memref_slice %arg12[%dma_wait3A_827] : memref<10240xf32, #tpu.memory_space<vmem_shared>> -> memref<10240xf32, #tpu.memory_space<vmem_shared>>
    tpu.wait_indirect_dma semaphore(%arg14 : memref<!tpu.dma_semaphore, #tpu.memory_space<semaphore_mem>>) src(%dma_wait3A_824 : memref<128xf32, #tpu.memory_space<vmem>>) dst(%dma_wait3A_828 : memref<10240xf32, #tpu.memory_space<vmem_shared>>)
    %dma_wait3A_829 = arith.constant 384 : i32
    %dma_wait3A_830 = tpu.memref_slice %arg7[%dma_wait3A_829] : memref<10112xf32, #tpu.memory_space<vmem>> -> memref<128xf32, #tpu.memory_space<vmem>>
    %dma_wait3A_831 = arith.constant 384 : i32
    %dma_wait3A_832 = tpu.memref_slice %arg5[%dma_wait3A_831] : memref<10112xi32, #tpu.memory_space<vmem>> -> memref<128xi32, #tpu.memory_space<vmem>>
    %dma_wait3A_833 = arith.constant 0 : i32
    %dma_wait3A_834 = tpu.memref_slice %arg12[%dma_wait3A_833] : memref<10240xf32, #tpu.memory_space<vmem_shared>> -> memref<10240xf32, #tpu.memory_space<vmem_shared>>
    tpu.wait_indirect_dma semaphore(%arg14 : memref<!tpu.dma_semaphore, #tpu.memory_space<semaphore_mem>>) src(%dma_wait3A_830 : memref<128xf32, #tpu.memory_space<vmem>>) dst(%dma_wait3A_834 : memref<10240xf32, #tpu.memory_space<vmem_shared>>)
    %dma_wait3A_835 = arith.constant 512 : i32
    %dma_wait3A_836 = tpu.memref_slice %arg7[%dma_wait3A_835] : memref<10112xf32, #tpu.memory_space<vmem>> -> memref<128xf32, #tpu.memory_space<vmem>>
    %dma_wait3A_837 = arith.constant 512 : i32
    %dma_wait3A_838 = tpu.memref_slice %arg5[%dma_wait3A_837] : memref<10112xi32, #tpu.memory_space<vmem>> -> memref<128xi32, #tpu.memory_space<vmem>>
    %dma_wait3A_839 = arith.constant 0 : i32
    %dma_wait3A_840 = tpu.memref_slice %arg12[%dma_wait3A_839] : memref<10240xf32, #tpu.memory_space<vmem_shared>> -> memref<10240xf32, #tpu.memory_space<vmem_shared>>
    tpu.wait_indirect_dma semaphore(%arg14 : memref<!tpu.dma_semaphore, #tpu.memory_space<semaphore_mem>>) src(%dma_wait3A_836 : memref<128xf32, #tpu.memory_space<vmem>>) dst(%dma_wait3A_840 : memref<10240xf32, #tpu.memory_space<vmem_shared>>)
    %dma_wait3A_841 = arith.constant 640 : i32
    %dma_wait3A_842 = tpu.memref_slice %arg7[%dma_wait3A_841] : memref<10112xf32, #tpu.memory_space<vmem>> -> memref<128xf32, #tpu.memory_space<vmem>>
    %dma_wait3A_843 = arith.constant 640 : i32
    %dma_wait3A_844 = tpu.memref_slice %arg5[%dma_wait3A_843] : memref<10112xi32, #tpu.memory_space<vmem>> -> memref<128xi32, #tpu.memory_space<vmem>>
    %dma_wait3A_845 = arith.constant 0 : i32
    %dma_wait3A_846 = tpu.memref_slice %arg12[%dma_wait3A_845] : memref<10240xf32, #tpu.memory_space<vmem_shared>> -> memref<10240xf32, #tpu.memory_space<vmem_shared>>
    tpu.wait_indirect_dma semaphore(%arg14 : memref<!tpu.dma_semaphore, #tpu.memory_space<semaphore_mem>>) src(%dma_wait3A_842 : memref<128xf32, #tpu.memory_space<vmem>>) dst(%dma_wait3A_846 : memref<10240xf32, #tpu.memory_space<vmem_shared>>)
    %dma_wait3A_847 = arith.constant 768 : i32
    %dma_wait3A_848 = tpu.memref_slice %arg7[%dma_wait3A_847] : memref<10112xf32, #tpu.memory_space<vmem>> -> memref<128xf32, #tpu.memory_space<vmem>>
    %dma_wait3A_849 = arith.constant 768 : i32
    %dma_wait3A_850 = tpu.memref_slice %arg5[%dma_wait3A_849] : memref<10112xi32, #tpu.memory_space<vmem>> -> memref<128xi32, #tpu.memory_space<vmem>>
    %dma_wait3A_851 = arith.constant 0 : i32
    %dma_wait3A_852 = tpu.memref_slice %arg12[%dma_wait3A_851] : memref<10240xf32, #tpu.memory_space<vmem_shared>> -> memref<10240xf32, #tpu.memory_space<vmem_shared>>
    tpu.wait_indirect_dma semaphore(%arg14 : memref<!tpu.dma_semaphore, #tpu.memory_space<semaphore_mem>>) src(%dma_wait3A_848 : memref<128xf32, #tpu.memory_space<vmem>>) dst(%dma_wait3A_852 : memref<10240xf32, #tpu.memory_space<vmem_shared>>)
    %dma_wait3A_853 = arith.constant 896 : i32
    %dma_wait3A_854 = tpu.memref_slice %arg7[%dma_wait3A_853] : memref<10112xf32, #tpu.memory_space<vmem>> -> memref<128xf32, #tpu.memory_space<vmem>>
    %dma_wait3A_855 = arith.constant 896 : i32
    %dma_wait3A_856 = tpu.memref_slice %arg5[%dma_wait3A_855] : memref<10112xi32, #tpu.memory_space<vmem>> -> memref<128xi32, #tpu.memory_space<vmem>>
    %dma_wait3A_857 = arith.constant 0 : i32
    %dma_wait3A_858 = tpu.memref_slice %arg12[%dma_wait3A_857] : memref<10240xf32, #tpu.memory_space<vmem_shared>> -> memref<10240xf32, #tpu.memory_space<vmem_shared>>
    tpu.wait_indirect_dma semaphore(%arg14 : memref<!tpu.dma_semaphore, #tpu.memory_space<semaphore_mem>>) src(%dma_wait3A_854 : memref<128xf32, #tpu.memory_space<vmem>>) dst(%dma_wait3A_858 : memref<10240xf32, #tpu.memory_space<vmem_shared>>)
    %dma_wait3A_859 = arith.constant 1024 : i32
    %dma_wait3A_860 = tpu.memref_slice %arg7[%dma_wait3A_859] : memref<10112xf32, #tpu.memory_space<vmem>> -> memref<128xf32, #tpu.memory_space<vmem>>
    %dma_wait3A_861 = arith.constant 1024 : i32
    %dma_wait3A_862 = tpu.memref_slice %arg5[%dma_wait3A_861] : memref<10112xi32, #tpu.memory_space<vmem>> -> memref<128xi32, #tpu.memory_space<vmem>>
    %dma_wait3A_863 = arith.constant 0 : i32
    %dma_wait3A_864 = tpu.memref_slice %arg12[%dma_wait3A_863] : memref<10240xf32, #tpu.memory_space<vmem_shared>> -> memref<10240xf32, #tpu.memory_space<vmem_shared>>
    tpu.wait_indirect_dma semaphore(%arg14 : memref<!tpu.dma_semaphore, #tpu.memory_space<semaphore_mem>>) src(%dma_wait3A_860 : memref<128xf32, #tpu.memory_space<vmem>>) dst(%dma_wait3A_864 : memref<10240xf32, #tpu.memory_space<vmem_shared>>)
    %dma_wait3A_865 = arith.constant 1152 : i32
    %dma_wait3A_866 = tpu.memref_slice %arg7[%dma_wait3A_865] : memref<10112xf32, #tpu.memory_space<vmem>> -> memref<128xf32, #tpu.memory_space<vmem>>
    %dma_wait3A_867 = arith.constant 1152 : i32
    %dma_wait3A_868 = tpu.memref_slice %arg5[%dma_wait3A_867] : memref<10112xi32, #tpu.memory_space<vmem>> -> memref<128xi32, #tpu.memory_space<vmem>>
    %dma_wait3A_869 = arith.constant 0 : i32
    %dma_wait3A_870 = tpu.memref_slice %arg12[%dma_wait3A_869] : memref<10240xf32, #tpu.memory_space<vmem_shared>> -> memref<10240xf32, #tpu.memory_space<vmem_shared>>
    tpu.wait_indirect_dma semaphore(%arg14 : memref<!tpu.dma_semaphore, #tpu.memory_space<semaphore_mem>>) src(%dma_wait3A_866 : memref<128xf32, #tpu.memory_space<vmem>>) dst(%dma_wait3A_870 : memref<10240xf32, #tpu.memory_space<vmem_shared>>)
    %dma_wait3A_871 = arith.constant 1280 : i32
    %dma_wait3A_872 = tpu.memref_slice %arg7[%dma_wait3A_871] : memref<10112xf32, #tpu.memory_space<vmem>> -> memref<128xf32, #tpu.memory_space<vmem>>
    %dma_wait3A_873 = arith.constant 1280 : i32
    %dma_wait3A_874 = tpu.memref_slice %arg5[%dma_wait3A_873] : memref<10112xi32, #tpu.memory_space<vmem>> -> memref<128xi32, #tpu.memory_space<vmem>>
    %dma_wait3A_875 = arith.constant 0 : i32
    %dma_wait3A_876 = tpu.memref_slice %arg12[%dma_wait3A_875] : memref<10240xf32, #tpu.memory_space<vmem_shared>> -> memref<10240xf32, #tpu.memory_space<vmem_shared>>
    tpu.wait_indirect_dma semaphore(%arg14 : memref<!tpu.dma_semaphore, #tpu.memory_space<semaphore_mem>>) src(%dma_wait3A_872 : memref<128xf32, #tpu.memory_space<vmem>>) dst(%dma_wait3A_876 : memref<10240xf32, #tpu.memory_space<vmem_shared>>)
    %dma_wait3A_877 = arith.constant 1408 : i32
    %dma_wait3A_878 = tpu.memref_slice %arg7[%dma_wait3A_877] : memref<10112xf32, #tpu.memory_space<vmem>> -> memref<128xf32, #tpu.memory_space<vmem>>
    %dma_wait3A_879 = arith.constant 1408 : i32
    %dma_wait3A_880 = tpu.memref_slice %arg5[%dma_wait3A_879] : memref<10112xi32, #tpu.memory_space<vmem>> -> memref<128xi32, #tpu.memory_space<vmem>>
    %dma_wait3A_881 = arith.constant 0 : i32
    %dma_wait3A_882 = tpu.memref_slice %arg12[%dma_wait3A_881] : memref<10240xf32, #tpu.memory_space<vmem_shared>> -> memref<10240xf32, #tpu.memory_space<vmem_shared>>
    tpu.wait_indirect_dma semaphore(%arg14 : memref<!tpu.dma_semaphore, #tpu.memory_space<semaphore_mem>>) src(%dma_wait3A_878 : memref<128xf32, #tpu.memory_space<vmem>>) dst(%dma_wait3A_882 : memref<10240xf32, #tpu.memory_space<vmem_shared>>)
    %dma_wait3A_883 = arith.constant 1536 : i32
    %dma_wait3A_884 = tpu.memref_slice %arg7[%dma_wait3A_883] : memref<10112xf32, #tpu.memory_space<vmem>> -> memref<128xf32, #tpu.memory_space<vmem>>
    %dma_wait3A_885 = arith.constant 1536 : i32
    %dma_wait3A_886 = tpu.memref_slice %arg5[%dma_wait3A_885] : memref<10112xi32, #tpu.memory_space<vmem>> -> memref<128xi32, #tpu.memory_space<vmem>>
    %dma_wait3A_887 = arith.constant 0 : i32
    %dma_wait3A_888 = tpu.memref_slice %arg12[%dma_wait3A_887] : memref<10240xf32, #tpu.memory_space<vmem_shared>> -> memref<10240xf32, #tpu.memory_space<vmem_shared>>
    tpu.wait_indirect_dma semaphore(%arg14 : memref<!tpu.dma_semaphore, #tpu.memory_space<semaphore_mem>>) src(%dma_wait3A_884 : memref<128xf32, #tpu.memory_space<vmem>>) dst(%dma_wait3A_888 : memref<10240xf32, #tpu.memory_space<vmem_shared>>)
    %convert_element_type3A_889 = arith.extui %lt3A_1 : i1 to i32
    %cond3A_890 = arith.constant 0 : i32
    %cond3A_891 = arith.cmpi ne, %convert_element_type3A_889, %cond3A_890 : i32
    scf.if %cond3A_891 {
      %get3A_904 = arith.constant 9984 : index
      %get3A_905 = tpu.vector_load %arg4[%get3A_904] {strides = array<i32>} : memref<10112xi32, #tpu.memory_space<vmem>>, vector<16xi32>,
      %gather3A_906 = tpu.vector_load_idx %arg8[%get3A_905] : memref<10240xf32, #tpu.memory_space<vmem>>[vector<16xi32>], vector<16xf32>,
      %swap3A_907 = arith.constant 9984 : index
      %swap3A_908 = tpu.vector_load %arg7[%swap3A_907] {strides = array<i32>} : memref<10112xf32, #tpu.memory_space<vmem>>, vector<16xf32>,
      tpu.vector_store %arg7[%swap3A_907], %gather3A_906 {strides = array<i32>} : memref<10112xf32, #tpu.memory_space<vmem>>, vector<16xf32>,
      %get3A_909 = arith.constant 10000 : index
      %get3A_910 = tpu.vector_load %arg4[%get3A_909] {strides = array<i32>} : memref<10112xi32, #tpu.memory_space<vmem>>, vector<16xi32>,
      %gather3A_911 = tpu.vector_load_idx %arg8[%get3A_910] : memref<10240xf32, #tpu.memory_space<vmem>>[vector<16xi32>], vector<16xf32>,
      %swap3A_912 = arith.constant 10000 : index
      %swap3A_913 = tpu.vector_load %arg7[%swap3A_912] {strides = array<i32>} : memref<10112xf32, #tpu.memory_space<vmem>>, vector<16xf32>,
      tpu.vector_store %arg7[%swap3A_912], %gather3A_911 {strides = array<i32>} : memref<10112xf32, #tpu.memory_space<vmem>>, vector<16xf32>,
      %get3A_914 = arith.constant 10016 : index
      %get3A_915 = tpu.vector_load %arg4[%get3A_914] {strides = array<i32>} : memref<10112xi32, #tpu.memory_space<vmem>>, vector<16xi32>,
      %gather3A_916 = tpu.vector_load_idx %arg8[%get3A_915] : memref<10240xf32, #tpu.memory_space<vmem>>[vector<16xi32>], vector<16xf32>,
      %swap3A_917 = arith.constant 10016 : index
      %swap3A_918 = tpu.vector_load %arg7[%swap3A_917] {strides = array<i32>} : memref<10112xf32, #tpu.memory_space<vmem>>, vector<16xf32>,
      tpu.vector_store %arg7[%swap3A_917], %gather3A_916 {strides = array<i32>} : memref<10112xf32, #tpu.memory_space<vmem>>, vector<16xf32>,
      %get3A_919 = arith.constant 10032 : index
      %get3A_920 = tpu.vector_load %arg4[%get3A_919] {strides = array<i32>} : memref<10112xi32, #tpu.memory_space<vmem>>, vector<16xi32>,
      %gather3A_921 = tpu.vector_load_idx %arg8[%get3A_920] : memref<10240xf32, #tpu.memory_space<vmem>>[vector<16xi32>], vector<16xf32>,
      %swap3A_922 = arith.constant 10032 : index
      %swap3A_923 = tpu.vector_load %arg7[%swap3A_922] {strides = array<i32>} : memref<10112xf32, #tpu.memory_space<vmem>>, vector<16xf32>,
      tpu.vector_store %arg7[%swap3A_922], %gather3A_921 {strides = array<i32>} : memref<10112xf32, #tpu.memory_space<vmem>>, vector<16xf32>,
      %get3A_924 = arith.constant 10048 : index
      %get3A_925 = tpu.vector_load %arg4[%get3A_924] {strides = array<i32>} : memref<10112xi32, #tpu.memory_space<vmem>>, vector<16xi32>,
      %gather3A_926 = tpu.vector_load_idx %arg8[%get3A_925] : memref<10240xf32, #tpu.memory_space<vmem>>[vector<16xi32>], vector<16xf32>,
      %swap3A_927 = arith.constant 10048 : index
      %swap3A_928 = tpu.vector_load %arg7[%swap3A_927] {strides = array<i32>} : memref<10112xf32, #tpu.memory_space<vmem>>, vector<16xf32>,
      tpu.vector_store %arg7[%swap3A_927], %gather3A_926 {strides = array<i32>} : memref<10112xf32, #tpu.memory_space<vmem>>, vector<16xf32>,
      %get3A_929 = arith.constant 10064 : index
      %get3A_930 = tpu.vector_load %arg4[%get3A_929] {strides = array<i32>} : memref<10112xi32, #tpu.memory_space<vmem>>, vector<16xi32>,
      %gather3A_931 = tpu.vector_load_idx %arg8[%get3A_930] : memref<10240xf32, #tpu.memory_space<vmem>>[vector<16xi32>], vector<16xf32>,
      %swap3A_932 = arith.constant 10064 : index
      %swap3A_933 = tpu.vector_load %arg7[%swap3A_932] {strides = array<i32>} : memref<10112xf32, #tpu.memory_space<vmem>>, vector<16xf32>,
      tpu.vector_store %arg7[%swap3A_932], %gather3A_931 {strides = array<i32>} : memref<10112xf32, #tpu.memory_space<vmem>>, vector<16xf32>,
      %get3A_934 = arith.constant 10080 : index
      %get3A_935 = tpu.vector_load %arg4[%get3A_934] {strides = array<i32>} : memref<10112xi32, #tpu.memory_space<vmem>>, vector<16xi32>,
      %gather3A_936 = tpu.vector_load_idx %arg8[%get3A_935] : memref<10240xf32, #tpu.memory_space<vmem>>[vector<16xi32>], vector<16xf32>,
      %swap3A_937 = arith.constant 10080 : index
      %swap3A_938 = tpu.vector_load %arg7[%swap3A_937] {strides = array<i32>} : memref<10112xf32, #tpu.memory_space<vmem>>, vector<16xf32>,
      tpu.vector_store %arg7[%swap3A_937], %gather3A_936 {strides = array<i32>} : memref<10112xf32, #tpu.memory_space<vmem>>, vector<16xf32>,
      %get3A_939 = arith.constant 10096 : index
      %get3A_940 = tpu.vector_load %arg4[%get3A_939] {strides = array<i32>} : memref<10112xi32, #tpu.memory_space<vmem>>, vector<16xi32>,
      %gather3A_941 = tpu.vector_load_idx %arg8[%get3A_940] : memref<10240xf32, #tpu.memory_space<vmem>>[vector<16xi32>], vector<16xf32>,
      %swap3A_942 = arith.constant 10096 : index
      %swap3A_943 = tpu.vector_load %arg7[%swap3A_942] {strides = array<i32>} : memref<10112xf32, #tpu.memory_space<vmem>>, vector<16xf32>,
      tpu.vector_store %arg7[%swap3A_942], %gather3A_941 {strides = array<i32>} : memref<10112xf32, #tpu.memory_space<vmem>>, vector<16xf32>,
      "tpu.region"() ({
        %run_scoped3A = tpu.sem_alloc : memref<!tpu.dma_semaphore, #tpu.memory_space<semaphore_mem>>
        %dma_start3A_944 = arith.constant 9984 : i32
        %dma_start3A_945 = tpu.memref_slice %arg7[%dma_start3A_944] : memref<10112xf32, #tpu.memory_space<vmem>> -> memref<128xf32, #tpu.memory_space<vmem>>
        %dma_start3A_946 = arith.constant 9984 : i32
        %dma_start3A_947 = tpu.memref_slice %arg5[%dma_start3A_946] : memref<10112xi32, #tpu.memory_space<vmem>> -> memref<128xi32, #tpu.memory_space<vmem>>
        %dma_start3A_948 = arith.constant 0 : i32
        %dma_start3A_949 = tpu.memref_slice %arg12[%dma_start3A_948] : memref<10240xf32, #tpu.memory_space<vmem_shared>> -> memref<10240xf32, #tpu.memory_space<vmem_shared>>
        tpu.enqueue_indirect_dma source(%dma_start3A_945 : memref<128xf32, #tpu.memory_space<vmem>>) target(%dma_start3A_949 : memref<10240xf32, #tpu.memory_space<vmem_shared>>) offsets(%dma_start3A_947 : memref<128xi32, #tpu.memory_space<vmem>>) semaphore(%run_scoped3A : memref<!tpu.dma_semaphore, #tpu.memory_space<semaphore_mem>>) {add = true}
        %dma_wait3A_950 = arith.constant 9984 : i32
        %dma_wait3A_951 = tpu.memref_slice %arg7[%dma_wait3A_950] : memref<10112xf32, #tpu.memory_space<vmem>> -> memref<128xf32, #tpu.memory_space<vmem>>
        %dma_wait3A_952 = arith.constant 9984 : i32
        %dma_wait3A_953 = tpu.memref_slice %arg5[%dma_wait3A_952] : memref<10112xi32, #tpu.memory_space<vmem>> -> memref<128xi32, #tpu.memory_space<vmem>>
        %dma_wait3A_954 = arith.constant 0 : i32
        %dma_wait3A_955 = tpu.memref_slice %arg12[%dma_wait3A_954] : memref<10240xf32, #tpu.memory_space<vmem_shared>> -> memref<10240xf32, #tpu.memory_space<vmem_shared>>
        tpu.wait_indirect_dma semaphore(%run_scoped3A : memref<!tpu.dma_semaphore, #tpu.memory_space<semaphore_mem>>) src(%dma_wait3A_951 : memref<128xf32, #tpu.memory_space<vmem>>) dst(%dma_wait3A_955 : memref<10240xf32, #tpu.memory_space<vmem_shared>>)
        tpu.yield
      }) : () -> ()
    } else {
    }
    %barrier3A_892 = arith.constant 0 : index
    tpu.barrier barrier_id(%barrier3A_892)
    %mul3A_893 = arith.constant 320 : i32
    %mul3A_894 = arith.muli %add3A, %mul3A_893 : i32
    "tpu.region"() ({
      %run_scoped3A = tpu.sem_alloc : memref<!tpu.dma_semaphore, #tpu.memory_space<semaphore_mem>>
      %dma_start3A_904 = arith.constant 0 : i32
      %dma_start3A_905 = tpu.memref_slice %arg9[%dma_start3A_904] : memref<640xf32, #tpu.memory_space<vmem>> -> memref<320xf32, #tpu.memory_space<vmem>>
      %dma_start3A_906 = tpu.memref_slice %arg12[%mul3A_894] : memref<10240xf32, #tpu.memory_space<vmem_shared>> -> memref<320xf32, #tpu.memory_space<vmem_shared>>
      %dma_start3A_907 = arith.constant 0 : i32
      %dma_start3A_908 = tpu.memref_slice %arg9[%dma_start3A_907] : memref<640xf32, #tpu.memory_space<vmem>> -> memref<320xf32, #tpu.memory_space<vmem>>
      %dma_start3A_909 = tpu.memref_slice %arg12[%mul3A_894] : memref<10240xf32, #tpu.memory_space<vmem_shared>> -> memref<320xf32, #tpu.memory_space<vmem_shared>>
      tpu.enqueue_dma source(%dma_start3A_909 : memref<320xf32, #tpu.memory_space<vmem_shared>>) target(%dma_start3A_908 : memref<320xf32, #tpu.memory_space<vmem>>) target_semaphore(%run_scoped3A : memref<!tpu.dma_semaphore, #tpu.memory_space<semaphore_mem>>)
      %dma_wait3A_910 = arith.constant 0 : i32
      %dma_wait3A_911 = tpu.memref_slice %arg9[%dma_wait3A_910] : memref<640xf32, #tpu.memory_space<vmem>> -> memref<320xf32, #tpu.memory_space<vmem>>
      %dma_wait3A_912 = tpu.memref_slice %arg12[%mul3A_894] : memref<10240xf32, #tpu.memory_space<vmem_shared>> -> memref<320xf32, #tpu.memory_space<vmem_shared>>
      %dma_wait3A_913 = arith.constant 0 : i32
      %dma_wait3A_914 = tpu.memref_slice %arg9[%dma_wait3A_913] : memref<640xf32, #tpu.memory_space<vmem>> -> memref<320xf32, #tpu.memory_space<vmem>>
      %dma_wait3A_915 = tpu.memref_slice %arg12[%mul3A_894] : memref<10240xf32, #tpu.memory_space<vmem_shared>> -> memref<320xf32, #tpu.memory_space<vmem_shared>>
      tpu.wait_dma2 semaphore(%run_scoped3A : memref<!tpu.dma_semaphore, #tpu.memory_space<semaphore_mem>>) src(%dma_wait3A_915 : memref<320xf32, #tpu.memory_space<vmem_shared>>) dst(%dma_wait3A_914 : memref<320xf32, #tpu.memory_space<vmem>>)
      tpu.yield
    }) : () -> ()
    %scan3A_895 = arith.constant 0 : i32
    %scan3A_896 = arith.constant 0 : i32
    %scan3A_897 = arith.constant 20 : i32
    %scan3A_898 = arith.addi %scan3A_896, %scan3A_897 : i32
    %scan3A_899 = arith.constant 1 : i32
    %scan3A_900 = scf.for %scan3A_904 = %scan3A_896 to %scan3A_898 step %scan3A_899 iter_args(%scan3A_905 = %scan3A_895) -> (i32)  : i32 {
      %mul3A_906 = arith.constant 16 : i32
      %mul3A_907 = arith.muli %scan3A_904, %mul3A_906 : i32
      %get3A_908 = arith.index_cast %mul3A_907 : i32 to index
      %get3A_909 = tpu.vector_load %arg9[%get3A_908] {strides = array<i32>} : memref<640xf32, #tpu.memory_space<vmem>>, vector<16xf32>,
      %mul3A_910 = arith.constant 320 : i32
      %mul3A_911 = arith.muli %add3A, %mul3A_910 : i32
      %mul3A_912 = arith.constant 16 : i32
      %mul3A_913 = arith.muli %scan3A_904, %mul3A_912 : i32
      %add3A_914 = arith.addi %mul3A_911, %mul3A_913 : i32
      %get3A_915 = arith.index_cast %add3A_914 : i32 to index
      %get3A_916 = tpu.vector_load %arg8[%get3A_915] {strides = array<i32>} : memref<10240xf32, #tpu.memory_space<vmem>>, vector<16xf32>,
      %mul3A_917 = arith.constant 320 : i32
      %mul3A_918 = arith.muli %add3A, %mul3A_917 : i32
      %mul3A_919 = arith.constant 16 : i32
      %mul3A_920 = arith.muli %scan3A_904, %mul3A_919 : i32
      %add3A_921 = arith.addi %mul3A_918, %mul3A_920 : i32
      %iota3A = tpu.iota {dimensions = array<i32: 0>} : vector<16xi32>
      %add3A_922 = vector.broadcast %add3A_921 : i32 to vector<16xi32>
      %add3A_923 = arith.addi %add3A_922, %iota3A : vector<16xi32>
      %lt3A_924 = arith.constant 10000 : i32
      %lt3A_925 = vector.broadcast %lt3A_924 : i32 to vector<16xi32>
      %lt3A_926 = arith.cmpi slt, %add3A_923, %lt3A_925 : vector<16xi32>
      %add3A_927 = arith.addf %get3A_909, %get3A_916 : vector<16xf32>
      %mul3A_928 = arith.mulf %get3A_916, %add3A_927 : vector<16xf32>
      %jit3A = arith.constant 0.000000e+00 : f32
      %broadcast_in_dim3A_929 = vector.broadcast %jit3A : f32 to vector<16xf32>
      %select_n3A = arith.select %lt3A_926, %mul3A_928, %broadcast_in_dim3A_929 : vector<16xi1>, vector<16xf32>
      %mul3A_930 = arith.constant 16 : i32
      %mul3A_931 = arith.muli %scan3A_904, %mul3A_930 : i32
      %swap3A_932 = arith.index_cast %mul3A_931 : i32 to index
      %swap3A_933 = tpu.vector_load %arg10[%swap3A_932] {strides = array<i32>} : memref<640xf32, #tpu.memory_space<vmem>>, vector<16xf32>,
      tpu.vector_store %arg10[%swap3A_932], %select_n3A {strides = array<i32>} : memref<640xf32, #tpu.memory_space<vmem>>, vector<16xf32>,
      %scan3A_934 = arith.constant 0 : i32
      scf.yield %scan3A_934 : i32
    }
    %scan3A_901 = arith.constant 20 : i32
    %mul3A_902 = arith.constant 320 : i32
    %mul3A_903 = arith.muli %add3A, %mul3A_902 : i32
    "tpu.region"() ({
      %run_scoped3A = tpu.sem_alloc : memref<!tpu.dma_semaphore, #tpu.memory_space<semaphore_mem>>
      %dma_start3A_904 = arith.constant 0 : i32
      %dma_start3A_905 = tpu.memref_slice %arg10[%dma_start3A_904] : memref<640xf32, #tpu.memory_space<vmem>> -> memref<320xf32, #tpu.memory_space<vmem>>
      %dma_start3A_906 = tpu.memref_slice %arg3[%mul3A_903] : memref<10240xf32, #tpu.memory_space<hbm>> -> memref<320xf32, #tpu.memory_space<hbm>>
      %dma_start3A_907 = tpu.memref_slice %arg3[%mul3A_903] : memref<10240xf32, #tpu.memory_space<hbm>> -> memref<320xf32, #tpu.memory_space<hbm>>
      %dma_start3A_908 = arith.constant 0 : i32
      %dma_start3A_909 = tpu.memref_slice %arg10[%dma_start3A_908] : memref<640xf32, #tpu.memory_space<vmem>> -> memref<320xf32, #tpu.memory_space<vmem>>
      tpu.enqueue_dma source(%dma_start3A_909 : memref<320xf32, #tpu.memory_space<vmem>>) target(%dma_start3A_907 : memref<320xf32, #tpu.memory_space<hbm>>) target_semaphore(%run_scoped3A : memref<!tpu.dma_semaphore, #tpu.memory_space<semaphore_mem>>)
      %dma_wait3A_910 = arith.constant 0 : i32
      %dma_wait3A_911 = tpu.memref_slice %arg10[%dma_wait3A_910] : memref<640xf32, #tpu.memory_space<vmem>> -> memref<320xf32, #tpu.memory_space<vmem>>
      %dma_wait3A_912 = tpu.memref_slice %arg3[%mul3A_903] : memref<10240xf32, #tpu.memory_space<hbm>> -> memref<320xf32, #tpu.memory_space<hbm>>
      %dma_wait3A_913 = tpu.memref_slice %arg3[%mul3A_903] : memref<10240xf32, #tpu.memory_space<hbm>> -> memref<320xf32, #tpu.memory_space<hbm>>
      %dma_wait3A_914 = arith.constant 0 : i32
      %dma_wait3A_915 = tpu.memref_slice %arg10[%dma_wait3A_914] : memref<640xf32, #tpu.memory_space<vmem>> -> memref<320xf32, #tpu.memory_space<vmem>>
      tpu.wait_dma2 semaphore(%run_scoped3A : memref<!tpu.dma_semaphore, #tpu.memory_space<semaphore_mem>>) src(%dma_wait3A_915 : memref<320xf32, #tpu.memory_space<vmem>>) dst(%dma_wait3A_913 : memref<320xf32, #tpu.memory_space<hbm>>)
      tpu.yield
    }) : () -> ()
    return
  }
}

module attributes {stable_mosaic.version = 14 : i64} {
  func.func @_tc_body(%arg0: i32, %arg1: memref<5x2000xf32, #tpu.memory_space<vmem>>, %arg2: memref<2000x256xf32, #tpu.memory_space<vmem>>, %arg3: memref<256x512xf32, #tpu.memory_space<vmem>>, %arg4: memref<1x512xf32, #tpu.memory_space<vmem>>, %arg5: memref<1x512xf32, #tpu.memory_space<vmem>>, %arg6: memref<1x256xf32, #tpu.memory_space<vmem>>) attributes {dimension_semantics = [#tpu.dimension_semantics<arbitrary>], iteration_bounds = array<i64: 5>, scalar_prefetch = 0 : i64, scratch_operands = 1 : i64, tpu.core_type = #tpu.core_type<tc>, window_params = [{pipeline_mode = #tpu.pipeline_mode<synchronous>, transform_indices = @transform_0, window_bounds = array<i64: 5, 2000>}, {transform_indices = @transform_1, window_bounds = array<i64: 2000, 256>}, {pipeline_mode = #tpu.pipeline_mode<synchronous>, transform_indices = @transform_2, window_bounds = array<i64: 256, 512>}, {pipeline_mode = #tpu.pipeline_mode<synchronous>, transform_indices = @transform_3, window_bounds = array<i64: 1, 512>}, {pipeline_mode = #tpu.pipeline_mode<synchronous>, transform_indices = @transform_4, window_bounds = array<i64: 1, 512>}]} {
    %eq3A = arith.constant 0 : i32
    %eq3A_0 = arith.cmpi eq, %arg0, %eq3A : i32
    %convert_element_type3A = arith.extui %eq3A_0 : i1 to i32
    %cond3A = arith.constant 0 : i32
    %cond3A_1 = arith.cmpi ne, %convert_element_type3A, %cond3A : i32
    scf.if %cond3A_1 {
      %broadcast_in_dim3A = arith.constant 0.000000e+00 : f32
      %broadcast_in_dim3A_18 = vector.broadcast %broadcast_in_dim3A : f32 to vector<1x256xf32>
      %swap3A_19 = arith.constant 0 : index
      %swap3A_20 = arith.constant 0 : index
      %swap3A_21 = vector.load %arg6[%swap3A_19, %swap3A_20] : memref<1x256xf32, #tpu.memory_space<vmem>>, vector<1x256xf32>
      tpu.vector_store %arg6[%swap3A_19, %swap3A_20], %broadcast_in_dim3A_18 {strides = array<i32>} : memref<1x256xf32, #tpu.memory_space<vmem>>, vector<1x256xf32>,
    } else {
    }
    %get3A = arith.index_cast %arg0 : i32 to index
    %get3A_2 = arith.constant 0 : index
    %get3A_3 = vector.load %arg1[%get3A, %get3A_2] : memref<5x2000xf32, #tpu.memory_space<vmem>>, vector<1x2000xf32>
    %get3A_4 = arith.constant 0 : index
    %get3A_5 = arith.constant 0 : index
    %get3A_6 = vector.load %arg6[%get3A_4, %get3A_5] : memref<1x256xf32, #tpu.memory_space<vmem>>, vector<1x256xf32>
    %get3A_7 = arith.constant 0 : index
    %get3A_8 = arith.constant 0 : index
    %get3A_9 = vector.load %arg2[%get3A_7, %get3A_8] : memref<2000x256xf32, #tpu.memory_space<vmem>>, vector<2000x256xf32>
    %dot_general3A = arith.constant dense<0.000000e+00> : vector<1x256xf32>
    %dot_general3A_10 = tpu.matmul %get3A_3, %get3A_9, %dot_general3A {dimension_numbers = #tpu.dot_dimension_numbers<[1], [0], [0], [1], [0, 0, 1, 1], [], []>, transpose_lhs_hint = false} : vector<1x2000xf32>, vector<2000x256xf32>, vector<1x256xf32> -> vector<1x256xf32>
    %add3A = arith.addf %get3A_6, %dot_general3A_10 : vector<1x256xf32>
    %swap3A = arith.constant 0 : index
    %swap3A_11 = arith.constant 0 : index
    %swap3A_12 = vector.load %arg6[%swap3A, %swap3A_11] : memref<1x256xf32, #tpu.memory_space<vmem>>, vector<1x256xf32>
    tpu.vector_store %arg6[%swap3A, %swap3A_11], %add3A {strides = array<i32>} : memref<1x256xf32, #tpu.memory_space<vmem>>, vector<1x256xf32>,
    %eq3A_13 = arith.constant 4 : i32
    %eq3A_14 = arith.cmpi eq, %arg0, %eq3A_13 : i32
    %convert_element_type3A_15 = arith.extui %eq3A_14 : i1 to i32
    %cond3A_16 = arith.constant 0 : i32
    %cond3A_17 = arith.cmpi ne, %convert_element_type3A_15, %cond3A_16 : i32
    scf.if %cond3A_17 {
      %get3A_18 = arith.constant 0 : index
      %get3A_19 = arith.constant 0 : index
      %get3A_20 = vector.load %arg6[%get3A_18, %get3A_19] : memref<1x256xf32, #tpu.memory_space<vmem>>, vector<1x256xf32>
      %mul3A = arith.constant 9.99999974E-5 : f32
      %mul3A_21 = vector.broadcast %mul3A : f32 to vector<1x256xf32>
      %mul3A_22 = arith.mulf %get3A_20, %mul3A_21 : vector<1x256xf32>
      %get3A_23 = arith.constant 0 : index
      %get3A_24 = arith.constant 0 : index
      %get3A_25 = vector.load %arg3[%get3A_23, %get3A_24] : memref<256x512xf32, #tpu.memory_space<vmem>>, vector<256x512xf32>
      %dot_general3A_26 = arith.constant dense<0.000000e+00> : vector<1x512xf32>
      %dot_general3A_27 = tpu.matmul %mul3A_22, %get3A_25, %dot_general3A_26 {dimension_numbers = #tpu.dot_dimension_numbers<[1], [0], [0], [1], [0, 0, 1, 1], [], []>, transpose_lhs_hint = false} : vector<1x256xf32>, vector<256x512xf32>, vector<1x512xf32> -> vector<1x512xf32>
      %get3A_28 = arith.constant 0 : index
      %get3A_29 = arith.constant 0 : index
      %get3A_30 = vector.load %arg4[%get3A_28, %get3A_29] : memref<1x512xf32, #tpu.memory_space<vmem>>, vector<1x512xf32>
      %add3A_31 = arith.addf %dot_general3A_27, %get3A_30 : vector<1x512xf32>
      %swap3A_32 = arith.constant 0 : index
      %swap3A_33 = arith.constant 0 : index
      %swap3A_34 = vector.load %arg5[%swap3A_32, %swap3A_33] : memref<1x512xf32, #tpu.memory_space<vmem>>, vector<1x512xf32>
      tpu.vector_store %arg5[%swap3A_32, %swap3A_33], %add3A_31 {strides = array<i32>} : memref<1x512xf32, #tpu.memory_space<vmem>>, vector<1x512xf32>,
    } else {
    }
    return
  }
  func.func @transform_0(%arg0: i32) -> (i32, i32) {
    %c0_i32 = arith.constant 0 : i32
    %c0_i32_0 = arith.constant 0 : i32
    %c0_i32_1 = arith.constant 0 : i32
    return %c0_i32, %c0_i32_0 : i32, i32
  }
  func.func @transform_1(%arg0: i32) -> (i32, i32) {
    %c0_i32 = arith.constant 0 : i32
    %c0_i32_0 = arith.constant 0 : i32
    return %arg0, %c0_i32 : i32, i32
  }
  func.func @transform_2(%arg0: i32) -> (i32, i32) {
    %c0_i32 = arith.constant 0 : i32
    %c0_i32_0 = arith.constant 0 : i32
    %c0_i32_1 = arith.constant 0 : i32
    return %c0_i32, %c0_i32_0 : i32, i32
  }
  func.func @transform_3(%arg0: i32) -> (i32, i32) {
    %c0_i32 = arith.constant 0 : i32
    %c0_i32_0 = arith.constant 0 : i32
    %c0_i32_1 = arith.constant 0 : i32
    return %c0_i32, %c0_i32_0 : i32, i32
  }
  func.func @transform_4(%arg0: i32) -> (i32, i32) {
    %c0_i32 = arith.constant 0 : i32
    %c0_i32_0 = arith.constant 0 : i32
    %c0_i32_1 = arith.constant 0 : i32
    return %c0_i32, %c0_i32_0 : i32, i32
  }
}

</mosaic_0001>

<sc_bundles>
// kernel: kernel.4.cloned.1.call-start
scs
__scs_entry_jumppad:
0x0: {  	(pc) =	sbr.rel $0x88, $3  }
0x1: {  	(tag) =	ssettag $0x0;
	lr =	simm.s32 $0x1  }
0x2: {  	[smem:$0x3F9D] =	sst lr;
	_ =	strace $0xD0000000  }
0x3: {  	_ = 	snop  }
0x4: {  	_ = 	snop  }
0x5: {  	_ = 	snop  }
0x6: {  	_ = 	snop  }
0x7: {  	_ = 	snop  }
__scs_overlays_trampoline_lowered:
0x8: {  	[smem:$0x3FAC] =	sst s0  }
0x9: {  	[smem:$0x3FAD] =	sst s1  }
0xa: {  	[smem:$0x3FAE] =	sst s2  }
0xb: {  	[smem:$0x3FAF] =	sst s3  }
0xc: {  	[smem:$0x3FB0] =	sst s4  }
0xd: {  	[smem:$0x3FB1] =	sst s5  }
0xe: {  	[smem:$0x3FB2] =	sst s6  }
0xf: {  	[smem:$0x3FB3] =	sst s7  }
0x10: {  	[smem:$0x3FB4] =	sst s8  }
0x11: {  	[smem:$0x3FB5] =	sst s9;
	s0 =	simm.s32 @!p0 $0x0  }
0x12: {  	s1 =	sld [smem:$0x3F9B];
	s0 =	simm.s32 @p0 $0x1  }
0x13: {  	[smem:$0x3FB6] =	sst s0;
	s0 =	simm.s32 @!p1 $0x0  }
0x14: {  	s2 =	sld [smem:$0x3F9A];
	s0 =	simm.s32 @p1 $0x1  }
0x15: {  	[smem:$0x3FB7] =	sst s0;
	s0 =	simm.s32 @!p2 $0x0  }
0x16: {  	s3 =	sld [smem:$0x3FDB];
	s0 =	simm.s32 @p2 $0x1  }
0x17: {  	s4 =	simm.s32 $0x1BF5;
	[smem:$0x3FB9] =	sst s0  }
0x18: {  	s0 =	sld [smem:$0x3F9C];
	_ =	swait.ge [sflag:s4], $0x0  }
0x19: {  	s7 =	sld [smem:$0x3F9D]  }
0x1a: {  	s8 =	sadd.s32 $0xFFFFE003, lr  }
0x1b: {  	s9 =	sadd.s32 $0xFFFFFEF7, lr;
	s5 =	simm.s32 $0xFFFFFFFF;
	p2 =	slt.u32 s8, $0xFFFFF086  }
0x1c: {  	p1 =	slt.u32 s9, $0xF7A;
	s5 =	simm.s32 @!p2 $0x0  }
0x1d: {  	s5 =	simm.s32 @p1 $0x1;
	p0 =	seq.s32 s7, s2  }
0x1e: {  	s7 =	smul.u32 @!p0 $0xF7A, s2;
	p2 =	seq.s32 @!p0 s5, $0x0  }
0x1f: {  	s9 =	smul.u32 $0xF7A, s1;
	s8 =	simm.s32 @!p0 $0x1BF5;
	p2 =	por !p2, p0  }
0x20: {  	[sflag:s8] =	ssyncset.s32 @!p0 $0xFFFFF086;
	s6 =	sadd.s32 @!p0 s3, s7;
	s7 =	simm.s32 @!p0 $0x108  }
0x21: {  	s3 =	sadd.s32 s3, s9;
	s6 =	sadd.s32 @!p0 $0x88, s6;
	s7 =	simm.s32 @p2 $0x1082  }
0x22: {  	[simem:s7], [sflag:s8] =	dma.local @!p0 [hbm:s6], $0xF7A  }
0x23: {  	s9 =	sor.u32 $0xD0000000, s2;
	s6 =	simm.s32 $0x108;
	_ =	swait.ge @!p0 [sflag:s8], $0x0  }
0x24: {  	s3 =	sadd.s32 $0x88, s3;
	s6 =	simm.s32 @!p1 $0x1082;
	[sflag:s4] =	ssyncset.s32 $0xFFFFF086  }
0x25: {  	[simem:s6], [sflag:s4] =	dma.local [hbm:s3], $0xF7A  }
0x26: {  	[smem:$0x3F9D] =	sst s1;
	(tag) =	ssettag s2;
	_ =	strace s9  }
0x27: {  	s1 =	sld [smem:$0x3FAD]  }
0x28: {  	s2 =	sld [smem:$0x3FAE]  }
0x29: {  	s4 =	sld [smem:$0x3FB0]  }
0x2a: {  	p0 =	seq.s32 s5, $0x0;
	s5 =	sld [smem:$0x3FB1]  }
0x2b: {  	s6 =	sld [smem:$0x3FB2]  }
0x2c: {  	s7 =	sld [smem:$0x3FB3]  }
0x2d: {  	s3 =	simm.s32 $0x108;
	s8 =	sld [smem:$0x3FB4]  }
0x2e: {  	s3 =	simm.s32 @!p0 $0x1082;
	s9 =	sld [smem:$0x3FB5]  }
0x2f: {  	lr =	sadd.s32 s0, s3;
	s0 =	sld [smem:$0x3FAC]  }
0x30: {  	s3 =	sld [smem:$0x3FAF]  }
0x31: {  	[smem:$0x3FB8] =	sst s10  }
0x32: {  	s10 =	sld [smem:$0x3FB6];
	_ =	sdelay $0x3  }
0x33: {  	p0 =	seq.s32 s10, $0x1;
	s10 =	sld [smem:$0x3FB8];
	_ =	sdelay $0x3  }
0x34: {  	[smem:$0x3FB8] =	sst s10  }
0x35: {  	s10 =	sld [smem:$0x3FB7];
	_ =	sdelay $0x3  }
0x36: {  	p1 =	seq.s32 s10, $0x1;
	s10 =	sld [smem:$0x3FB8];
	_ =	sdelay $0x3  }
0x37: {  	[smem:$0x3FB8] =	sst s10  }
0x38: {  	s10 =	sld [smem:$0x3FB9]  }
0x39: {  	_ = 	snop;
	(pc) =	sbr.ind lr, $3  }
0x3a: {  	_ = 	snop  }
0x3b: {  	_ = 	snop  }
0x3c: {  	p2 =	seq.s32 s10, $0x1;
	s10 =	sld [smem:$0x3FB8]  }
0x3d: {  	_ =	shalt  }
0x3e: {  	_ =	shalt  }
0x3f: {  	_ =	shalt  }
0x40: {  	_ =	shalt  }
0x41: {  	_ =	shalt  }
0x42: {  	_ =	shalt  }
0x43: {  	_ =	shalt  }
0x44: {  	_ =	shalt  }
0x45: {  	_ =	shalt  }
0x46: {  	_ =	shalt  }
0x47: {  	_ =	shalt  }
0x48: {  	_ =	shalt  }
0x49: {  	_ =	shalt  }
0x4a: {  	_ =	shalt  }
0x4b: {  	_ =	shalt  }
0x4c: {  	_ =	shalt  }
0x4d: {  	_ =	shalt  }
0x4e: {  	_ =	shalt  }
0x4f: {  	_ =	shalt  }
0x50: {  	_ =	shalt  }
0x51: {  	_ =	shalt  }
0x52: {  	_ =	shalt  }
0x53: {  	_ =	shalt  }
0x54: {  	_ =	shalt  }
0x55: {  	_ =	shalt  }
0x56: {  	_ =	shalt  }
0x57: {  	_ =	shalt  }
0x58: {  	_ =	shalt  }
0x59: {  	_ =	shalt  }
0x5a: {  	_ =	shalt  }
0x5b: {  	_ =	shalt  }
0x5c: {  	_ =	shalt  }
0x5d: {  	_ =	shalt  }
0x5e: {  	_ =	shalt  }
0x5f: {  	_ =	shalt  }
0x60: {  	_ =	shalt  }
0x61: {  	_ =	shalt  }
0x62: {  	_ =	shalt  }
0x63: {  	_ =	shalt  }
0x64: {  	_ =	shalt  }
0x65: {  	_ =	shalt  }
0x66: {  	_ =	shalt  }
0x67: {  	_ =	shalt  }
0x68: {  	_ =	shalt  }
0x69: {  	_ =	shalt  }
0x6a: {  	_ =	shalt  }
0x6b: {  	_ =	shalt  }
0x6c: {  	_ =	shalt  }
0x6d: {  	_ =	shalt  }
0x6e: {  	_ =	shalt  }
0x6f: {  	_ =	shalt  }
0x70: {  	_ =	shalt  }
0x71: {  	_ =	shalt  }
0x72: {  	_ =	shalt  }
0x73: {  	_ =	shalt  }
0x74: {  	_ =	shalt  }
0x75: {  	_ =	shalt  }
0x76: {  	_ =	shalt  }
0x77: {  	_ =	shalt  }
0x78: {  	_ =	shalt  }
0x79: {  	_ =	shalt  }
0x7a: {  	_ =	shalt  }
0x7b: {  	_ =	shalt  }
0x7c: {  	_ =	shalt  }
0x7d: {  	_ =	shalt  }
0x7e: {  	_ =	shalt  }
0x7f: {  	_ =	shalt  }
0x80: {  	_ =	shalt  }
0x81: {  	_ =	shalt  }
0x82: {  	_ =	shalt  }
0x83: {  	_ =	shalt  }
0x84: {  	_ =	shalt  }
0x85: {  	_ =	shalt  }
0x86: {  	_ =	shalt  }
0x87: {  	_ =	shalt  }
.Lfunc_end0:
.L_simem_size_0:
called_computation_lowered:
.L_overlay_start_0:
0x88: {  	s2 =	sld [smem:$0x3FD9]  }
0x89: {  	s3 =	sld [smem:$0x3FFE];
	_ =	sdelay $0x1  }
0x8a: {  	s1 =	srdreg.scid  }
0x8b: {  	s0 =	sand.u32 $0x1, s1  }
0x8c: {  	s17 =	sshll.u32 s0, $0xA;
	s2 =	sadd.s32 s3, s2  }
0x8d: {  	s2 =	sadd.s32 s2, s17  }
0x8e: {  	[smem:$0x3FC4] =	sst s2  }
0x8f: {  	_ = 	snop  }
0x90: {  	s2 =	sld [smem:$0x3FC8];
	(tm) =	ssettm $0x1  }
0x91: {  	s18 =	sld [smem:$0x3FFB];
	_ =	sdelay $0x3  }
0x92: {  	_ =	strace s18  }
0x93: {  	s3 =	sld [smem:$0x3FFC];
	_ =	sdelay $0x3  }
0x94: {  	_ =	strace s3  }
0x95: {  	s3 =	sld [smem:$0x3FFD];
	_ =	sdelay $0x3  }
0x96: {  	_ =	strace s3  }
0x97: {  	_ =	strace $0x8FFFFFFF  }
0x98: {  	s19 =	sld [smem:$0x3FDB];
	_ =	sdelay $0x1  }
0x99: {  	s4 =	simm.s32 $_scs_section_size  }
0x9a: {  	s5 =	simm.s32 $_size__tile_overlayer_lowered;
	s6 =	simm.s32 $_tile_overlayer_lowered  }
0x9b: {  	s22 =	simm.s32 $0x1BFF;
	s21 =	sshll.u32 s6, $0x1;
	s3 =	sadd.s32 s4, s19  }
0x9c: {  	s7 =	simm.s32 $0x0;
	s20 =	sshll.u32 s5, $0x1;
	s5 =	sadd.s32 s21, s3  }
0x9d: {  	[timem:s7], [sflag:s22] =	dma.local [hbm:s5], s20  }
0x9e: {  	_ =	swait.ge [sflag:s22], s20  }
0x9f: {  	s4 =	ssub.s32 $0x0, s20;
	[sflag:s22] =	ssyncset.done $0x0  }
0xa0: {  	[sflag:s22] =	ssyncadd.s32 s4;
	_ =	sdelay $0x1  }
0xa1: {  	s23 =	simm.s32 $0x1B8B  }
0xa2: {  	_ =	swait.ge [sflag:s23], $0x1  }
0xa3: {  	[sflag:s23] =	ssyncset.done $0x0  }
0xa4: {  	s25 =	simm.s32 $0x1B8E;
	s24 =	sld [smem:$0x3FFE];
	[sflag:s23] =	ssyncadd.s32 $0xFFFFFFFF  }
0xa5: {  	s26 =	simm.s32 $execute0_lowered;
	[smem:$0x3FD2] =	sst s25  }
0xa6: {  	s5 =	sshll.u32 s26, $0x1;
	_ =	strace $0x80000046;
	[dreg:$0x1] =	wrdreg $0xFFFFFFFF  }
0xa7: {  	s28 =	simm.s32 $_size_execute0_lowered;
	s3 =	sadd.s32 s3, s5;
	[dreg:$0x0] =	wrdreg $0x0  }
0xa8: {  	s5 =	sshll.u32 s28, $0x1;
	[dreg:$0x2] =	wrdreg s3  }
0xa9: {  	[dreg:$0x3] =	wrdreg s5  }
0xaa: {  	[dreg:$0x4] =	wrdreg $0xC0  }
0xab: {  	_ =	task [dreg:s7], $0x5FFFF  }
0xac: {  	[dreg:$0x1] =	wrdreg $0xFFFFFFFF  }
0xad: {  	[dreg:$0x0] =	wrdreg $0x60  }
0xae: {  	[dreg:$0x2] =	wrdreg s2  }
0xaf: {  	[dreg:$0x3] =	wrdreg s24  }
0xb0: {  	[dreg:$0x4] =	wrdreg $0xA4000  }
0xb1: {  	[dreg:$0x5] =	wrdreg $0xA6800  }
0xb2: {  	[dreg:$0x6] =	wrdreg $0xA9000  }
0xb3: {  	[dreg:$0x7] =	wrdreg $0x9  }
0xb4: {  	_ =	task.clear_ibuf [dreg:s7], $0x8FFFF;
	_ =	strace $0x90000046  }
0xb5: {  	s29 =	simm.s32 $0x9;
	_ =	strace $0x80000048  }
0xb6: {  	_ =	swait.ge [sflag:s29], $0x1  }
0xb7: {  	[sflag:s29] =	ssyncadd.s32 $0xFFFFFFFF  }
0xb8: {  	_ =	strace $0x90000048  }
0xb9: {  	_ =	sfence  }
0xba: {  	s30 =	sld [smem:$0x0];
	_ =	sdelay $0x2  }
0xbb: {  	s31 =	sshll.u32 s1, $0xD;
	s1 =	sshrl.u32 s1, $0x2  }
0xbc: {  	s3 =	sand.u32 $0x4000, s31;
	s1 =	sadd.s32 s1, s30  }
0xbd: {  	s0 =	sor.u32 s3, s0;
	s1 =	sshll.u32 s1, $0x11  }
0xbe: {  	s0 =	sor.u32 s1, s0  }
0xbf: {  	s0 =	sadd.s32 $0x8F2B, s0  }
0xc0: {  	[sflag:s0] =	ssyncadd.remote.s32 $0x1  }
0xc1: {  	_ =	sfence.sel $0xFFFF  }
0xc2: {  	[dreg:$0x0] =	wrdreg $0xFFFFFFFF;
	(pc) =	sbr.abs _section_cstart, $3  }
0xc3: {  	[dreg:$0x1] =	wrdreg $0xFFFFFFFF  }
0xc4: {  	_ =	task.clear_ibuf [dreg:s7], $0x2FFFF;
	_ =	strace $0x9FFFFFFF  }
0xc5: {  	(tm) =	ssettm $0x7FFFFFFF  }
tec
execute0_lowered:
.L_overlay_start_1:
0x0: {  	(tag) =	ssettag $0x1  }
0x1: {  	s1 =	rddreg [dreg:$0x0]  }
0x2: {  	s2 =	rddreg [dreg:$0x1]  }
0x3: {  	s0 =	rddreg [dreg:$0x2]  }
0x4: {  	s4 =	srdreg.scid;
	s3 =	rddreg [dreg:$0x3]  }
0x5: {  	s16 =	rddreg [dreg:$0x4];
	s17 =	stileid.u32  }
0x6: {  	s5 =	simm.s32 $0x0;
	s18 =	simm.s32 $0x100;
	s20 =	simm.s32 $0x9F00  }
0x7: {  	s21 =	simm.s32 $0x2;
	s22 =	simm.s32 $0x1;
	s23 =	simm.s32 $0x4F00  }
0x8: {  	s25 =	simm.s32 $0xA180;
	s4 =	sand.u32 $0x1, s4;
	s9 =	smul.u32 $0x9C0, s17  }
0x9: {  	s28 =	simm.s32 $0x0;
	s30 =	smul.u32 $0x500, s17;
	s6 =	sshll.u32 s4, $0x4  }
0xa: {  	s26 =	ssub.s32 $0x2, s4;
	s14 =	smul.u32 $0x5000, s4;
	s6 =	sor.u32 s17, s6  }
0xb: {  	s29 =	sshll.u32 s17, $0x5;
	s8 =	sshrl.u32 s26, $0x1;
	s13 =	smul.u32 $0x140, s6  }
0xc: {  	s15 =	ssub.s32 s26, s8;
	s6 =	sadd.s32 s1, s9;
	s1 =	sadd.s32 s29, s1  }
0xd: {  	s8 =	sadd.s32 $0x9C10, s1;
	s9 =	sadd.s32 $0x9C00, s1;
	s1 =	sadd.s32 s30, s14  }
0xe: {  	[smem:$0x7FF] =	sst s5;
	s12 =	smul.u32 $0x280, s17;
	s1 =	sshrl.u32 s1, $0x2  }
0xf: {  	s31 =	smul.u32 $0x140, s17;
	p0 =	sgt.u32 s17, $0x1;
	s1 =	sadd.s32 $0x7700, s1  }
0x10: {  	_ =	strace $0x80000047;
	s4 =	smul.u32 $0x1400, s4;
	s10 =	sadd.s32 s12, s0;
	v0 =	vmov s1  }
0x11: {  	s11 =	sadd.s32 s12, s3;
	s12 =	sadd.s32 s12, s16;
	s17 =	simm.s32 $0x80  }
0x12: {  	s16 =	sadd.s32 s31, s4;
	s26 =	simm.s32 $0x2780;
	s7 =	sshrl.u32 s13, $0x3  }
0x13: {  	s4 =	simm.s32 $0x7700;
	s15 =	smax.u32 s15, $0x1;
	s2 =	sadd.s32 s7, s2  }
0x14: {  	v1 =	vimm.f32 $0.0e+00;
	v2 =	vimm.f32 $1.000000000e+00;
	s13 =	sadd.s32 s13, s3;
	s7 =	sadd.s32 $0x10, s6;
	s14 =	sadd.s32 $0xA00, s2  }
.LBB2_1:
0x15: {  	[tilespmem:s5], [sflag:$0x1] =	stream.strided.gather [hbm4b:s7+s17], $0x2700, s18, s17, $0x38;
	[tilespmem:$0xAB80] =	vst v63  }
0x16: {  	_ = 	snop  }
0x17: {  	[tilespmem:s26], [sflag:$0x1] =	stream.strided.gather [hbm4b:s6+s17], $0x2700, s18, s17, $0x38;
	[tilespmem:$0xAB80] =	vst v63  }
0x18: {  	s1 =	simm.s32 @!p0 $0x0;
	s2 =	simm.s32 @!p0 $0x2700  }
0x19: {  	[tilespmem:s2], [sflag:$0x2] =	stream.linear.gather @!p0 [hbm4b:s8+s1], $0x80, $0x38;
	[tilespmem:$0xAB80] =	vst v63  }
0x1a: {  	s2 =	simm.s32 @!p0 $0x2  }
0x1b: {  	_ =	swait.ge @!p0 [sflag:s2], $0x80  }
0x1c: {  	[sflag:s2] =	ssyncset.done @!p0 $0x0  }
0x1d: {  	s24 =	simm.s32 @!p0 $0x4E80;
	[sflag:s2] =	ssyncadd.s32 @!p0 $0xFFFFFF80  }
0x1e: {  	[tilespmem:s24], [sflag:$0x2] =	stream.linear.gather @!p0 [hbm4b:s9+s1], $0x80, $0x38;
	[tilespmem:$0xAB80] =	vst v63  }
0x1f: {  	_ =	swait.ge @!p0 [sflag:s2], $0x80  }
0x20: {  	[sflag:s2] =	ssyncset.done @!p0 $0x0  }
0x21: {  	[sflag:s2] =	ssyncadd.s32 @!p0 $0xFFFFFF80  }
0x22: {  	[tilespmem:$0x9F00] =	vst v1  }
0x23: {  	[tilespmem:$0x9F10] =	vst v1  }
0x24: {  	[tilespmem:$0x9F20] =	vst v1  }
0x25: {  	[tilespmem:$0x9F30] =	vst v1  }
0x26: {  	[tilespmem:$0x9F40] =	vst v1  }
0x27: {  	[tilespmem:$0x9F50] =	vst v1  }
0x28: {  	[tilespmem:$0x9F60] =	vst v1  }
0x29: {  	[tilespmem:$0x9F70] =	vst v1  }
0x2a: {  	[tilespmem:$0x9F80] =	vst v1  }
0x2b: {  	[tilespmem:$0x9F90] =	vst v1  }
0x2c: {  	[tilespmem:$0x9FA0] =	vst v1  }
0x2d: {  	[tilespmem:$0x9FB0] =	vst v1  }
0x2e: {  	[tilespmem:$0x9FC0] =	vst v1  }
0x2f: {  	[tilespmem:$0x9FD0] =	vst v1  }
0x30: {  	[tilespmem:$0x9FE0] =	vst v1  }
0x31: {  	[tilespmem:$0x9FF0] =	vst v1  }
0x32: {  	[tilespmem:$0xA000] =	vst v1  }
0x33: {  	[tilespmem:$0xA010] =	vst v1  }
0x34: {  	[tilespmem:$0xA020] =	vst v1  }
0x35: {  	[tilespmem:$0xA030] =	vst v1  }
0x36: {  	[tilespmem:$0xA040] =	vst v1  }
0x37: {  	[tilespmem:$0xA050] =	vst v1  }
0x38: {  	[tilespmem:$0xA060] =	vst v1  }
0x39: {  	[tilespmem:$0xA070] =	vst v1  }
0x3a: {  	[tilespmem:$0xA080] =	vst v1  }
0x3b: {  	[tilespmem:$0xA090] =	vst v1  }
0x3c: {  	[tilespmem:$0xA0A0] =	vst v1  }
0x3d: {  	[tilespmem:$0xA0B0] =	vst v1  }
0x3e: {  	[tilespmem:$0xA0C0] =	vst v1  }
0x3f: {  	[tilespmem:$0xA0D0] =	vst v1  }
0x40: {  	[tilespmem:$0xA0E0] =	vst v1  }
0x41: {  	[tilespmem:$0xA0F0] =	vst v1  }
0x42: {  	[tilespmem:$0xA100] =	vst v1  }
0x43: {  	[tilespmem:$0xA110] =	vst v1  }
0x44: {  	[tilespmem:$0xA120] =	vst v1  }
0x45: {  	[tilespmem:$0xA130] =	vst v1  }
0x46: {  	[tilespmem:$0xA140] =	vst v1  }
0x47: {  	[tilespmem:$0xA150] =	vst v1  }
0x48: {  	[tilespmem:$0xA160] =	vst v1  }
0x49: {  	[tilespmem:$0xA170] =	vst v1  }
0x4a: {  	[spmem:s10] =	stream.linear.scatter [tilespmem:s20], [sflag:$0x2], $0x280, $0x38;
	[tilespmem:$0xAB80] =	vst v63  }
0x4b: {  	_ =	swait.ge [sflag:s21], $0x280  }
0x4c: {  	[sflag:s21] =	ssyncset.done $0x0  }
0x4d: {  	[sflag:s21] =	ssyncadd.s32 $0xFFFFFD80  }
0x4e: {  	[spmem:s11] =	stream.linear.scatter [tilespmem:s20], [sflag:$0x2], $0x280, $0x38;
	[tilespmem:$0xAB80] =	vst v63  }
0x4f: {  	_ =	swait.ge [sflag:s21], $0x280  }
0x50: {  	[sflag:s21] =	ssyncset.done $0x0  }
0x51: {  	[sflag:s21] =	ssyncadd.s32 $0xFFFFFD80  }
0x52: {  	[tilespmem:$0x4F00] =	vst v2  }
0x53: {  	[tilespmem:$0x4F10] =	vst v2  }
0x54: {  	[tilespmem:$0x4F20] =	vst v2  }
0x55: {  	[tilespmem:$0x4F30] =	vst v2  }
0x56: {  	[tilespmem:$0x4F40] =	vst v2  }
0x57: {  	[tilespmem:$0x4F50] =	vst v2  }
0x58: {  	[tilespmem:$0x4F60] =	vst v2  }
0x59: {  	[tilespmem:$0x4F70] =	vst v2  }
0x5a: {  	_ =	swait.ge [sflag:s22], $0x2700  }
0x5b: {  	[sflag:s22] =	ssyncset.done $0x0  }
0x5c: {  	[sflag:s22] =	ssyncadd.s32 $0xFFFFD900  }
0x5d: {  	_ =	swait.ge [sflag:s22], $0x2700  }
0x5e: {  	[sflag:s22] =	ssyncset.done $0x0  }
0x5f: {  	[sflag:s22] =	ssyncadd.s32 $0xFFFFD900  }
0x60: {  	[bflag:$0x0] =	sbarrier.arrive $0xFFFF  }
0x61: {  	[spmem:s0] =	stream.indirect.scatter.add.f32 [tilespmem:s23], [sflag:$0x1], $0x1, s5, s17, $0xb8;
	[tilespmem:$0xAB80] =	vst v63  }
0x62: {  	_ = 	snop  }
0x63: {  	[spmem:s0] =	stream.indirect.scatter.add.f32 [tilespmem:s23], [sflag:$0x1], $0x1, s17, s17, $0xb8;
	[tilespmem:$0xAB80] =	vst v63  }
0x64: {  	_ = 	snop  }
0x65: {  	[spmem:s0] =	stream.indirect.scatter.add.f32 [tilespmem:s23], [sflag:$0x1], $0x1, s18, s17, $0xb8;
	[tilespmem:$0xAB80] =	vst v63  }
0x66: {  	s30 =	simm.s32 $0x180  }
0x67: {  	[spmem:s0] =	stream.indirect.scatter.add.f32 [tilespmem:s23], [sflag:$0x1], $0x1, s30, s17, $0xb8;
	[tilespmem:$0xAB80] =	vst v63  }
0x68: {  	s31 =	simm.s32 $0x200  }
0x69: {  	[spmem:s0] =	stream.indirect.scatter.add.f32 [tilespmem:s23], [sflag:$0x1], $0x1, s31, s17, $0xb8;
	[tilespmem:$0xAB80] =	vst v63  }
0x6a: {  	s2 =	simm.s32 $0x280  }
0x6b: {  	[spmem:s0] =	stream.indirect.scatter.add.f32 [tilespmem:s23], [sflag:$0x1], $0x1, s2, s17, $0xb8;
	[tilespmem:$0xAB80] =	vst v63  }
0x6c: {  	s19 =	simm.s32 $0x300  }
0x6d: {  	[spmem:s0] =	stream.indirect.scatter.add.f32 [tilespmem:s23], [sflag:$0x1], $0x1, s19, s17, $0xb8;
	[tilespmem:$0xAB80] =	vst v63  }
0x6e: {  	s24 =	simm.s32 $0x380  }
0x6f: {  	[spmem:s0] =	stream.indirect.scatter.add.f32 [tilespmem:s23], [sflag:$0x1], $0x1, s24, s17, $0xb8;
	[tilespmem:$0xAB80] =	vst v63  }
0x70: {  	s26 =	simm.s32 $0x400  }
0x71: {  	[spmem:s0] =	stream.indirect.scatter.add.f32 [tilespmem:s23], [sflag:$0x1], $0x1, s26, s17, $0xb8;
	[tilespmem:$0xAB80] =	vst v63  }
0x72: {  	s29 =	simm.s32 $0x480  }
0x73: {  	[spmem:s0] =	stream.indirect.scatter.add.f32 [tilespmem:s23], [sflag:$0x1], $0x1, s29, s17, $0xb8;
	[tilespmem:$0xAB80] =	vst v63  }
0x74: {  	s30 =	simm.s32 $0x500  }
0x75: {  	[spmem:s0] =	stream.indirect.scatter.add.f32 [tilespmem:s23], [sflag:$0x1], $0x1, s30, s17, $0xb8;
	[tilespmem:$0xAB80] =	vst v63  }
0x76: {  	s31 =	simm.s32 $0x580  }
0x77: {  	[spmem:s0] =	stream.indirect.scatter.add.f32 [tilespmem:s23], [sflag:$0x1], $0x1, s31, s17, $0xb8;
	[tilespmem:$0xAB80] =	vst v63  }
0x78: {  	s2 =	simm.s32 $0x600  }
0x79: {  	[spmem:s0] =	stream.indirect.scatter.add.f32 [tilespmem:s23], [sflag:$0x1], $0x1, s2, s17, $0xb8;
	[tilespmem:$0xAB80] =	vst v63  }
0x7a: {  	s19 =	simm.s32 $0x680  }
0x7b: {  	[spmem:s0] =	stream.indirect.scatter.add.f32 [tilespmem:s23], [sflag:$0x1], $0x1, s19, s17, $0xb8;
	[tilespmem:$0xAB80] =	vst v63  }
0x7c: {  	s24 =	simm.s32 $0x700  }
0x7d: {  	[spmem:s0] =	stream.indirect.scatter.add.f32 [tilespmem:s23], [sflag:$0x1], $0x1, s24, s17, $0xb8;
	[tilespmem:$0xAB80] =	vst v63  }
0x7e: {  	s26 =	simm.s32 $0x780  }
0x7f: {  	[spmem:s0] =	stream.indirect.scatter.add.f32 [tilespmem:s23], [sflag:$0x1], $0x1, s26, s17, $0xb8;
	[tilespmem:$0xAB80] =	vst v63  }
0x80: {  	s29 =	simm.s32 $0x800  }
0x81: {  	[spmem:s0] =	stream.indirect.scatter.add.f32 [tilespmem:s23], [sflag:$0x1], $0x1, s29, s17, $0xb8;
	[tilespmem:$0xAB80] =	vst v63  }
0x82: {  	s30 =	simm.s32 $0x880  }
0x83: {  	[spmem:s0] =	stream.indirect.scatter.add.f32 [tilespmem:s23], [sflag:$0x1], $0x1, s30, s17, $0xb8;
	[tilespmem:$0xAB80] =	vst v63  }
0x84: {  	s31 =	simm.s32 $0x900  }
0x85: {  	[spmem:s0] =	stream.indirect.scatter.add.f32 [tilespmem:s23], [sflag:$0x1], $0x1, s31, s17, $0xb8;
	[tilespmem:$0xAB80] =	vst v63  }
0x86: {  	s2 =	simm.s32 $0x980  }
0x87: {  	[spmem:s0] =	stream.indirect.scatter.add.f32 [tilespmem:s23], [sflag:$0x1], $0x1, s2, s17, $0xb8;
	[tilespmem:$0xAB80] =	vst v63  }
0x88: {  	s19 =	simm.s32 $0xA00  }
0x89: {  	[spmem:s0] =	stream.indirect.scatter.add.f32 [tilespmem:s23], [sflag:$0x1], $0x1, s19, s17, $0xb8;
	[tilespmem:$0xAB80] =	vst v63  }
0x8a: {  	s24 =	simm.s32 $0xA80  }
0x8b: {  	[spmem:s0] =	stream.indirect.scatter.add.f32 [tilespmem:s23], [sflag:$0x1], $0x1, s24, s17, $0xb8;
	[tilespmem:$0xAB80] =	vst v63  }
0x8c: {  	s26 =	simm.s32 $0xB00  }
0x8d: {  	[spmem:s0] =	stream.indirect.scatter.add.f32 [tilespmem:s23], [sflag:$0x1], $0x1, s26, s17, $0xb8;
	[tilespmem:$0xAB80] =	vst v63  }
0x8e: {  	s29 =	simm.s32 $0xB80  }
0x8f: {  	[spmem:s0] =	stream.indirect.scatter.add.f32 [tilespmem:s23], [sflag:$0x1], $0x1, s29, s17, $0xb8;
	[tilespmem:$0xAB80] =	vst v63  }
0x90: {  	s30 =	simm.s32 $0xC00  }
0x91: {  	[spmem:s0] =	stream.indirect.scatter.add.f32 [tilespmem:s23], [sflag:$0x1], $0x1, s30, s17, $0xb8;
	[tilespmem:$0xAB80] =	vst v63  }
0x92: {  	s31 =	simm.s32 $0xC80  }
0x93: {  	[spmem:s0] =	stream.indirect.scatter.add.f32 [tilespmem:s23], [sflag:$0x1], $0x1, s31, s17, $0xb8;
	[tilespmem:$0xAB80] =	vst v63  }
0x94: {  	_ =	swait.ge [sflag:s22], $0x80  }
0x95: {  	[sflag:s22] =	ssyncset.done $0x0  }
0x96: {  	[sflag:s22] =	ssyncadd.s32 $0xFFFFFF80  }
0x97: {  	_ =	swait.ge [sflag:s22], $0x80  }
0x98: {  	[sflag:s22] =	ssyncset.done $0x0  }
0x99: {  	[sflag:s22] =	ssyncadd.s32 $0xFFFFFF80  }
0x9a: {  	_ =	swait.ge [sflag:s22], $0x80  }
0x9b: {  	[sflag:s22] =	ssyncset.done $0x0  }
0x9c: {  	[sflag:s22] =	ssyncadd.s32 $0xFFFFFF80  }
0x9d: {  	_ =	swait.ge [sflag:s22], $0x80  }
0x9e: {  	[sflag:s22] =	ssyncset.done $0x0  }
0x9f: {  	[sflag:s22] =	ssyncadd.s32 $0xFFFFFF80  }
0xa0: {  	_ =	swait.ge [sflag:s22], $0x80  }
0xa1: {  	[sflag:s22] =	ssyncset.done $0x0  }
0xa2: {  	[sflag:s22] =	ssyncadd.s32 $0xFFFFFF80  }
0xa3: {  	_ =	swait.ge [sflag:s22], $0x80  }
0xa4: {  	[sflag:s22] =	ssyncset.done $0x0  }
0xa5: {  	[sflag:s22] =	ssyncadd.s32 $0xFFFFFF80  }
0xa6: {  	_ =	swait.ge [sflag:s22], $0x80  }
0xa7: {  	[sflag:s22] =	ssyncset.done $0x0  }
0xa8: {  	[sflag:s22] =	ssyncadd.s32 $0xFFFFFF80  }
0xa9: {  	_ =	swait.ge [sflag:s22], $0x80  }
0xaa: {  	[sflag:s22] =	ssyncset.done $0x0  }
0xab: {  	[sflag:s22] =	ssyncadd.s32 $0xFFFFFF80  }
0xac: {  	_ =	swait.ge [sflag:s22], $0x80  }
0xad: {  	[sflag:s22] =	ssyncset.done $0x0  }
0xae: {  	[sflag:s22] =	ssyncadd.s32 $0xFFFFFF80  }
0xaf: {  	_ =	swait.ge [sflag:s22], $0x80  }
0xb0: {  	[sflag:s22] =	ssyncset.done $0x0  }
0xb1: {  	[sflag:s22] =	ssyncadd.s32 $0xFFFFFF80  }
0xb2: {  	_ =	swait.ge [sflag:s22], $0x80  }
0xb3: {  	[sflag:s22] =	ssyncset.done $0x0  }
0xb4: {  	[sflag:s22] =	ssyncadd.s32 $0xFFFFFF80  }
0xb5: {  	_ =	swait.ge [sflag:s22], $0x80  }
0xb6: {  	[sflag:s22] =	ssyncset.done $0x0  }
0xb7: {  	[sflag:s22] =	ssyncadd.s32 $0xFFFFFF80  }
0xb8: {  	_ =	swait.ge [sflag:s22], $0x80  }
0xb9: {  	s2 =	simm.s32 $0x680;
	s24 =	simm.s32 $0x3400;
	[sflag:s22] =	ssyncset.done $0x0  }
.LBB2_2:
0xba: {  	s26 =	sadd.s32 $0x680, s2  }
0xbb: {  	[sflag:s22] =	ssyncadd.s32 $0xFFFFFF80;
	s29 =	smov.u32 s24;
	s1 =	sadd.s32 $0x1A00, s24  }
0xbc: {  	[spmem:s0] =	stream.indirect.scatter.add.f32 [tilespmem:s23], [sflag:$0x1], $0x1, s26, s17, $0xb8;
	[tilespmem:$0xAB80] =	vst v63  }
0xbd: {  	p1 =	sne.s32 s24, $0x6800;
	s24 =	sadd.s32 $0x700, s2  }
0xbe: {  	[spmem:s0] =	stream.indirect.scatter.add.f32 [tilespmem:s23], [sflag:$0x1], $0x1, s24, s17, $0xb8;
	[tilespmem:$0xAB80] =	vst v63  }
0xbf: {  	s24 =	sadd.s32 $0x780, s2  }
0xc0: {  	[spmem:s0] =	stream.indirect.scatter.add.f32 [tilespmem:s23], [sflag:$0x1], $0x1, s24, s17, $0xb8;
	[tilespmem:$0xAB80] =	vst v63  }
0xc1: {  	s24 =	sadd.s32 $0x800, s2  }
0xc2: {  	[spmem:s0] =	stream.indirect.scatter.add.f32 [tilespmem:s23], [sflag:$0x1], $0x1, s24, s17, $0xb8;
	[tilespmem:$0xAB80] =	vst v63  }
0xc3: {  	s24 =	sadd.s32 $0x880, s2  }
0xc4: {  	[spmem:s0] =	stream.indirect.scatter.add.f32 [tilespmem:s23], [sflag:$0x1], $0x1, s24, s17, $0xb8;
	[tilespmem:$0xAB80] =	vst v63  }
0xc5: {  	s24 =	sadd.s32 $0x900, s2  }
0xc6: {  	[spmem:s0] =	stream.indirect.scatter.add.f32 [tilespmem:s23], [sflag:$0x1], $0x1, s24, s17, $0xb8;
	[tilespmem:$0xAB80] =	vst v63  }
0xc7: {  	s24 =	sadd.s32 $0x980, s2  }
0xc8: {  	[spmem:s0] =	stream.indirect.scatter.add.f32 [tilespmem:s23], [sflag:$0x1], $0x1, s24, s17, $0xb8;
	[tilespmem:$0xAB80] =	vst v63  }
0xc9: {  	s24 =	sadd.s32 $0xA00, s2  }
0xca: {  	[spmem:s0] =	stream.indirect.scatter.add.f32 [tilespmem:s23], [sflag:$0x1], $0x1, s24, s17, $0xb8;
	[tilespmem:$0xAB80] =	vst v63  }
0xcb: {  	s24 =	sadd.s32 $0xA80, s2  }
0xcc: {  	[spmem:s0] =	stream.indirect.scatter.add.f32 [tilespmem:s23], [sflag:$0x1], $0x1, s24, s17, $0xb8;
	[tilespmem:$0xAB80] =	vst v63  }
0xcd: {  	s24 =	sadd.s32 $0xB00, s2  }
0xce: {  	[spmem:s0] =	stream.indirect.scatter.add.f32 [tilespmem:s23], [sflag:$0x1], $0x1, s24, s17, $0xb8;
	[tilespmem:$0xAB80] =	vst v63  }
0xcf: {  	s24 =	sadd.s32 $0xB80, s2  }
0xd0: {  	[spmem:s0] =	stream.indirect.scatter.add.f32 [tilespmem:s23], [sflag:$0x1], $0x1, s24, s17, $0xb8;
	[tilespmem:$0xAB80] =	vst v63  }
0xd1: {  	s24 =	sadd.s32 $0xC00, s2  }
0xd2: {  	[spmem:s0] =	stream.indirect.scatter.add.f32 [tilespmem:s23], [sflag:$0x1], $0x1, s24, s17, $0xb8;
	[tilespmem:$0xAB80] =	vst v63  }
0xd3: {  	s2 =	sadd.s32 $0xC80, s2  }
0xd4: {  	[spmem:s0] =	stream.indirect.scatter.add.f32 [tilespmem:s23], [sflag:$0x1], $0x1, s2, s17, $0xb8;
	[tilespmem:$0xAB80] =	vst v63  }
0xd5: {  	_ =	swait.ge [sflag:s22], $0x80  }
0xd6: {  	[sflag:s22] =	ssyncset.done $0x0  }
0xd7: {  	[sflag:s22] =	ssyncadd.s32 $0xFFFFFF80  }
0xd8: {  	_ =	swait.ge [sflag:s22], $0x80  }
0xd9: {  	[sflag:s22] =	ssyncset.done $0x0  }
0xda: {  	[sflag:s22] =	ssyncadd.s32 $0xFFFFFF80  }
0xdb: {  	_ =	swait.ge [sflag:s22], $0x80  }
0xdc: {  	[sflag:s22] =	ssyncset.done $0x0  }
0xdd: {  	[sflag:s22] =	ssyncadd.s32 $0xFFFFFF80  }
0xde: {  	_ =	swait.ge [sflag:s22], $0x80  }
0xdf: {  	[sflag:s22] =	ssyncset.done $0x0  }
0xe0: {  	[sflag:s22] =	ssyncadd.s32 $0xFFFFFF80  }
0xe1: {  	_ =	swait.ge [sflag:s22], $0x80  }
0xe2: {  	[sflag:s22] =	ssyncset.done $0x0  }
0xe3: {  	[sflag:s22] =	ssyncadd.s32 $0xFFFFFF80  }
0xe4: {  	_ =	swait.ge [sflag:s22], $0x80  }
0xe5: {  	[sflag:s22] =	ssyncset.done $0x0  }
0xe6: {  	[sflag:s22] =	ssyncadd.s32 $0xFFFFFF80  }
0xe7: {  	_ =	swait.ge [sflag:s22], $0x80  }
0xe8: {  	[sflag:s22] =	ssyncset.done $0x0  }
0xe9: {  	[sflag:s22] =	ssyncadd.s32 $0xFFFFFF80  }
0xea: {  	_ =	swait.ge [sflag:s22], $0x80  }
0xeb: {  	[sflag:s22] =	ssyncset.done $0x0  }
0xec: {  	[sflag:s22] =	ssyncadd.s32 $0xFFFFFF80  }
0xed: {  	_ =	swait.ge [sflag:s22], $0x80  }
0xee: {  	[sflag:s22] =	ssyncset.done $0x0  }
0xef: {  	[sflag:s22] =	ssyncadd.s32 $0xFFFFFF80  }
0xf0: {  	_ =	swait.ge [sflag:s22], $0x80  }
0xf1: {  	[sflag:s22] =	ssyncset.done $0x0  }
0xf2: {  	[sflag:s22] =	ssyncadd.s32 $0xFFFFFF80  }
0xf3: {  	_ =	swait.ge [sflag:s22], $0x80  }
0xf4: {  	[sflag:s22] =	ssyncset.done $0x0  }
0xf5: {  	[sflag:s22] =	ssyncadd.s32 $0xFFFFFF80  }
.Ltmp0:
0xf6: {  	_ =	swait.ge [sflag:s22], $0x80;
	(pc) =	sbr.rel @p1 .LBB2_2-.Ltmp0, $4  }
0xf7: {  	[sflag:s22] =	ssyncset.done $0x0  }
0xf8: {  	[sflag:s22] =	ssyncadd.s32 $0xFFFFFF80  }
0xf9: {  	_ =	swait.ge [sflag:s22], $0x80  }
0xfa: {  	s24 =	smov.u32 s1;
	s2 =	sshra.s32 s29, $0x2;
	[sflag:s22] =	ssyncset.done $0x0  }
0xfb: {  	s1 =	sadd.s32 $0x680, s2;
	[sflag:s22] =	ssyncadd.s32 $0xFFFFFF80  }
0xfc: {  	[spmem:s0] =	stream.indirect.scatter.add.f32 [tilespmem:s23], [sflag:$0x1], $0x1, s1, s17, $0xb8;
	[tilespmem:$0xAB80] =	vst v63  }
0xfd: {  	s19 =	sadd.s32 $0x700, s2  }
0xfe: {  	[spmem:s0] =	stream.indirect.scatter.add.f32 [tilespmem:s23], [sflag:$0x1], $0x1, s19, s17, $0xb8;
	[tilespmem:$0xAB80] =	vst v63  }
0xff: {  	s24 =	sadd.s32 $0x780, s2  }
0x100: {  	[spmem:s0] =	stream.indirect.scatter.add.f32 [tilespmem:s23], [sflag:$0x1], $0x1, s24, s17, $0xb8;
	[tilespmem:$0xAB80] =	vst v63  }
0x101: {  	s26 =	sadd.s32 $0x800, s2  }
0x102: {  	[spmem:s0] =	stream.indirect.scatter.add.f32 [tilespmem:s23], [sflag:$0x1], $0x1, s26, s17, $0xb8;
	[tilespmem:$0xAB80] =	vst v63  }
0x103: {  	s19 =	sadd.s32 $0x880, s2  }
0x104: {  	[spmem:s0] =	stream.indirect.scatter.add.f32 [tilespmem:s23], [sflag:$0x1], $0x1, s19, s17, $0xb8;
	[tilespmem:$0xAB80] =	vst v63  }
0x105: {  	s24 =	sadd.s32 $0x900, s2  }
0x106: {  	[spmem:s0] =	stream.indirect.scatter.add.f32 [tilespmem:s23], [sflag:$0x1], $0x1, s24, s17, $0xb8;
	[tilespmem:$0xAB80] =	vst v63  }
0x107: {  	s26 =	sadd.s32 $0x980, s2  }
0x108: {  	[spmem:s0] =	stream.indirect.scatter.add.f32 [tilespmem:s23], [sflag:$0x1], $0x1, s26, s17, $0xb8;
	[tilespmem:$0xAB80] =	vst v63  }
0x109: {  	s19 =	sadd.s32 $0xA00, s2  }
0x10a: {  	[spmem:s0] =	stream.indirect.scatter.add.f32 [tilespmem:s23], [sflag:$0x1], $0x1, s19, s17, $0xb8;
	[tilespmem:$0xAB80] =	vst v63  }
0x10b: {  	s24 =	sadd.s32 $0xA80, s2  }
0x10c: {  	[spmem:s0] =	stream.indirect.scatter.add.f32 [tilespmem:s23], [sflag:$0x1], $0x1, s24, s17, $0xb8;
	[tilespmem:$0xAB80] =	vst v63  }
0x10d: {  	s26 =	sadd.s32 $0xB00, s2  }
0x10e: {  	[spmem:s0] =	stream.indirect.scatter.add.f32 [tilespmem:s23], [sflag:$0x1], $0x1, s26, s17, $0xb8;
	[tilespmem:$0xAB80] =	vst v63  }
0x10f: {  	s19 =	sadd.s32 $0xB80, s2  }
0x110: {  	[spmem:s0] =	stream.indirect.scatter.add.f32 [tilespmem:s23], [sflag:$0x1], $0x1, s19, s17, $0xb8;
	[tilespmem:$0xAB80] =	vst v63  }
0x111: {  	s24 =	sadd.s32 $0xC00, s2  }
0x112: {  	[spmem:s0] =	stream.indirect.scatter.add.f32 [tilespmem:s23], [sflag:$0x1], $0x1, s24, s17, $0xb8;
	[tilespmem:$0xAB80] =	vst v63  }
0x113: {  	s26 =	sadd.s32 $0xC80, s2  }
0x114: {  	[spmem:s0] =	stream.indirect.scatter.add.f32 [tilespmem:s23], [sflag:$0x1], $0x1, s26, s17, $0xb8;
	[tilespmem:$0xAB80] =	vst v63  }
0x115: {  	_ =	swait.ge [sflag:s22], $0x80  }
0x116: {  	[sflag:s22] =	ssyncset.done $0x0  }
0x117: {  	[sflag:s22] =	ssyncadd.s32 $0xFFFFFF80  }
0x118: {  	_ =	swait.ge [sflag:s22], $0x80  }
0x119: {  	[sflag:s22] =	ssyncset.done $0x0  }
0x11a: {  	[sflag:s22] =	ssyncadd.s32 $0xFFFFFF80  }
0x11b: {  	_ =	swait.ge [sflag:s22], $0x80  }
0x11c: {  	[sflag:s22] =	ssyncset.done $0x0  }
0x11d: {  	[sflag:s22] =	ssyncadd.s32 $0xFFFFFF80  }
0x11e: {  	_ =	swait.ge [sflag:s22], $0x80  }
0x11f: {  	[sflag:s22] =	ssyncset.done $0x0  }
0x120: {  	[sflag:s22] =	ssyncadd.s32 $0xFFFFFF80  }
0x121: {  	_ =	swait.ge [sflag:s22], $0x80  }
0x122: {  	[sflag:s22] =	ssyncset.done $0x0  }
0x123: {  	[sflag:s22] =	ssyncadd.s32 $0xFFFFFF80  }
0x124: {  	_ =	swait.ge [sflag:s22], $0x80  }
0x125: {  	[sflag:s22] =	ssyncset.done $0x0  }
0x126: {  	[sflag:s22] =	ssyncadd.s32 $0xFFFFFF80  }
0x127: {  	_ =	swait.ge [sflag:s22], $0x80  }
0x128: {  	[sflag:s22] =	ssyncset.done $0x0  }
0x129: {  	[sflag:s22] =	ssyncadd.s32 $0xFFFFFF80  }
0x12a: {  	_ =	swait.ge [sflag:s22], $0x80  }
0x12b: {  	[sflag:s22] =	ssyncset.done $0x0  }
0x12c: {  	[sflag:s22] =	ssyncadd.s32 $0xFFFFFF80  }
0x12d: {  	_ =	swait.ge [sflag:s22], $0x80  }
0x12e: {  	[sflag:s22] =	ssyncset.done $0x0  }
0x12f: {  	[sflag:s22] =	ssyncadd.s32 $0xFFFFFF80  }
0x130: {  	_ =	swait.ge [sflag:s22], $0x80  }
0x131: {  	[sflag:s22] =	ssyncset.done $0x0  }
0x132: {  	[sflag:s22] =	ssyncadd.s32 $0xFFFFFF80  }
0x133: {  	_ =	swait.ge [sflag:s22], $0x80  }
0x134: {  	[sflag:s22] =	ssyncset.done $0x0  }
0x135: {  	[sflag:s22] =	ssyncadd.s32 $0xFFFFFF80  }
0x136: {  	_ =	swait.ge [sflag:s22], $0x80  }
0x137: {  	[sflag:s22] =	ssyncset.done $0x0  }
0x138: {  	[sflag:s22] =	ssyncadd.s32 $0xFFFFFF80  }
0x139: {  	_ =	swait.ge [sflag:s22], $0x80  }
0x13a: {  	[sflag:s22] =	ssyncset.done $0x0  }
0x13b: {  	[sflag:s22] =	ssyncadd.s32 $0xFFFFFF80  }
0x13c: {  	_ =	swait.ge [sflag:s22], $0x80  }
0x13d: {  	[sflag:s22] =	ssyncset.done $0x0  }
0x13e: {  	[sflag:s22] =	ssyncadd.s32 $0xFFFFFF80  }
0x13f: {  	_ =	swait.ge [sflag:s22], $0x80  }
0x140: {  	[sflag:s22] =	ssyncset.done $0x0  }
0x141: {  	[sflag:s22] =	ssyncadd.s32 $0xFFFFFF80  }
0x142: {  	_ =	swait.ge [sflag:s22], $0x80  }
0x143: {  	[sflag:s22] =	ssyncset.done $0x0  }
0x144: {  	[sflag:s22] =	ssyncadd.s32 $0xFFFFFF80  }
0x145: {  	_ =	swait.ge [sflag:s22], $0x80  }
0x146: {  	[sflag:s22] =	ssyncset.done $0x0  }
0x147: {  	[sflag:s22] =	ssyncadd.s32 $0xFFFFFF80  }
0x148: {  	_ =	swait.ge [sflag:s22], $0x80  }
0x149: {  	[sflag:s22] =	ssyncset.done $0x0  }
0x14a: {  	[sflag:s22] =	ssyncadd.s32 $0xFFFFFF80  }
0x14b: {  	_ =	swait.ge [sflag:s22], $0x80  }
0x14c: {  	[sflag:s22] =	ssyncset.done $0x0  }
0x14d: {  	[sflag:s22] =	ssyncadd.s32 $0xFFFFFF80  }
0x14e: {  	_ =	swait.ge [sflag:s22], $0x80  }
0x14f: {  	[sflag:s22] =	ssyncset.done $0x0  }
0x150: {  	[sflag:s22] =	ssyncadd.s32 $0xFFFFFF80  }
0x151: {  	_ =	swait.ge [sflag:s22], $0x80  }
0x152: {  	[sflag:s22] =	ssyncset.done $0x0  }
0x153: {  	[sflag:s22] =	ssyncadd.s32 $0xFFFFFF80  }
0x154: {  	_ =	swait.ge [sflag:s22], $0x80  }
0x155: {  	[sflag:s22] =	ssyncset.done $0x0  }
0x156: {  	[sflag:s22] =	ssyncadd.s32 $0xFFFFFF80  }
0x157: {  	_ =	swait.ge [sflag:s22], $0x80  }
0x158: {  	[sflag:s22] =	ssyncset.done $0x0  }
0x159: {  	[sflag:s22] =	ssyncadd.s32 $0xFFFFFF80  }
0x15a: {  	_ =	swait.ge [sflag:s22], $0x80  }
0x15b: {  	[sflag:s22] =	ssyncset.done $0x0  }
0x15c: {  	[sflag:s22] =	ssyncadd.s32 $0xFFFFFF80  }
0x15d: {  	_ =	swait.ge [sflag:s22], $0x80  }
0x15e: {  	[sflag:s22] =	ssyncset.done $0x0  }
0x15f: {  	[sflag:s22] =	ssyncadd.s32 $0xFFFFFF80  }
0x160: {  	_ =	swait.ge [sflag:s22], $0x80  }
0x161: {  	s1 =	simm.s32 @!p0 $0x80;
	[sflag:s22] =	ssyncset.done $0x0  }
0x162: {  	s2 =	simm.s32 @!p0 $0x2700;
	s24 =	simm.s32 @!p0 $0x4F00;
	[sflag:s22] =	ssyncadd.s32 $0xFFFFFF80  }
0x163: {  	[spmem:s0] =	stream.indirect.scatter.add.f32 @!p0 [tilespmem:s24], [sflag:$0x2], $0x1, s2, s1, $0xb8;
	[tilespmem:$0xAB80] =	vst v63  }
0x164: {  	s1 =	simm.s32 @!p0 $0x2  }
0x165: {  	_ =	swait.ge @!p0 [sflag:s1], $0x80  }
0x166: {  	[sflag:s1] =	ssyncset.done @!p0 $0x0  }
0x167: {  	[sflag:s1] =	ssyncadd.s32 @!p0 $0xFFFFFF80  }
0x168: {  	[bflag:$0x0] =	sbarrier.arrive $0xFFFF  }
0x169: {  	[tilespmem:s20], [sflag:$0x2] =	stream.linear.gather [spmem:s10], $0x280, $0x38;
	[tilespmem:$0xAB80] =	vst v63  }
0x16a: {  	_ =	swait.ge [sflag:s21], $0x280  }
0x16b: {  	[sflag:s21] =	ssyncset.done $0x0  }
0x16c: {  	s30 =	simm.s32 $0x0;
	[sflag:s21] =	ssyncadd.s32 $0xFFFFFD80  }
0x16d: {  	v3 =	vld [tilespmem:s30+$0x9F00];
	_ =	sdelay $0x4  }
0x16e: {  	s29 =	simm.s32 $0x10;
	v3 =	vadd.f32 $1.000000000e+00, v3  }
0x16f: {  	v4 =	vld [tilespmem:s29+$0x9F00]  }
0x170: {  	v5 =	vshrl.u32 v3, $0x1;
	v6 =	vmul.f32 $5.000000000e-01, v3  }
0x171: {  	v3 =	vsub.s32 $0x5F3759DF, v5  }
0x172: {  	v5 =	vmul.f32 v3, v6  }
0x173: {  	s31 =	simm.s32 $0x20  }
0x174: {  	v7 =	vld [tilespmem:s31+$0x9F00];
	v4 =	vadd.f32 $1.000000000e+00, v4;
	v5 =	vmul.f32 v3, v5;
	_ =	sdelay $0x1  }
0x175: {  	v8 =	vshrl.u32 v4, $0x1;
	v10 =	vmul.f32 $5.000000000e-01, v4;
	v4 =	vsub.f32 $1.500000000e+00, v5  }
0x176: {  	v5 =	vsub.s32 $0x5F3759DF, v8  }
0x177: {  	v8 =	vmul.f32 v5, v10;
	v4 =	vmul.f32 v3, v4  }
0x178: {  	s1 =	simm.s32 $0x30;
	v3 =	vadd.f32 $1.000000000e+00, v7  }
0x179: {  	v7 =	vld [tilespmem:s1+$0x9F00];
	v8 =	vmul.f32 v5, v8;
	v9 =	vmul.f32 v4, v6  }
0x17a: {  	v11 =	vshrl.u32 v3, $0x1;
	v3 =	vmul.f32 $5.000000000e-01, v3  }
0x17b: {  	v8 =	vsub.f32 $1.500000000e+00, v8;
	v11 =	vsub.s32 $0x5F3759DF, v11;
	v9 =	vmul.f32 v9, v4  }
0x17c: {  	v12 =	vmul.f32 v11, v3  }
0x17d: {  	v5 =	vmul.f32 v5, v8;
	v8 =	vsub.f32 $1.500000000e+00, v9  }
0x17e: {  	v7 =	vadd.f32 $1.000000000e+00, v7;
	v12 =	vmul.f32 v11, v12  }
0x17f: {  	s2 =	simm.s32 $0x40;
	v13 =	vmul.f32 v5, v10;
	v8 =	vmul.f32 v8, v4  }
0x180: {  	v9 =	vld [tilespmem:s2+$0x9F00];
	v14 =	vshrl.u32 v7, $0x1;
	v4 =	vmul.f32 $5.000000000e-01, v7;
	v7 =	vsub.f32 $1.500000000e+00, v12  }
0x181: {  	v15 =	vsub.s32 $0x5F3759DF, v14;
	v12 =	vmul.f32 v13, v5;
	v6 =	vmul.f32 v8, v6  }
0x182: {  	v13 =	vmul.f32 v15, v4;
	v7 =	vmul.f32 v11, v7  }
0x183: {  	v11 =	vsub.f32 $1.500000000e+00, v12;
	v6 =	vmul.f32 v6, v8  }
0x184: {  	v12 =	vmul.f32 v15, v13;
	v13 =	vmul.f32 v7, v3  }
0x185: {  	s24 =	simm.s32 $0x50;
	v9 =	vadd.f32 $1.000000000e+00, v9;
	v5 =	vmul.f32 v11, v5  }
0x186: {  	v16 =	vsub.f32 $1.500000000e+00, v6;
	v17 =	vsub.f32 $1.500000000e+00, v12;
	v12 =	vmul.f32 v13, v7;
	v13 =	vld [tilespmem:s24+$0x9F00]  }
0x187: {  	v14 =	vshrl.u32 v9, $0x1;
	v6 =	vmul.f32 $5.000000000e-01, v9  }
0x188: {  	v9 =	vsub.s32 $0x5F3759DF, v14;
	v11 =	vmul.f32 v5, v10;
	v8 =	vmul.f32 v16, v8  }
0x189: {  	s26 =	simm.s32 $0x180;
	v14 =	vmul.f32 v9, v6;
	v10 =	vmul.f32 v15, v17  }
.LBB2_4:
0x18a: {  	s19 =	sshra.s32 s26, $0x2  }
0x18b: {  	v15 =	vadd.f32 $1.000000000e+00, v13;
	v12 =	vsub.f32 $1.500000000e+00, v12;
	v11 =	vmul.f32 v11, v5;
	[tilespmem:s30+$0xA180] =	vst v8;
	s30 =	smov.u32 s29;
	s29 =	smov.u32 s31;
	p1 =	sne.s32 s26, $0x9C0  }
.Ltmp1:
0x18c: {  	s31 =	smov.u32 s1;
	s1 =	smov.u32 s2;
	v13 =	vld [tilespmem:s19+$0x9F00];
	v8 =	vmul.f32 v9, v14;
	v14 =	vmul.f32 v10, v4;
	(pc) =	sbr.rel @p1 .LBB2_4-.Ltmp1, $4  }
0x18d: {  	s26 =	sadd.s32 $0x40, s26;
	s2 =	smov.u32 s24;
	v16 =	vshrl.u32 v15, $0x1;
	v17 =	vmul.f32 v12, v7;
	v18 =	vsub.f32 $1.500000000e+00, v11;
	v7 =	vmovc v10  }
0x18e: {  	s24 =	smov.u32 s19;
	v15 =	vmul.f32 $5.000000000e-01, v15;
	v10 =	vsub.f32 $1.500000000e+00, v8;
	v12 =	vmul.f32 v14, v7  }
0x18f: {  	v16 =	vsub.s32 $0x5F3759DF, v16;
	v11 =	vmul.f32 v17, v3;
	v8 =	vmul.f32 v18, v5;
	v5 =	vmovc v17;
	v3 =	vmovc v4  }
0x190: {  	v14 =	vmul.f32 v16, v15;
	v4 =	vmovc v6;
	v6 =	vmovc v15;
	v10 =	vmul.f32 v9, v10;
	v9 =	vmov v16  }
0x191: {  	v13 =	vadd.f32 $1.000000000e+00, v13;
	_ =	sdelay $0x1  }
0x192: {  	v15 =	vshrl.u32 v13, $0x1;
	v13 =	vmul.f32 $5.000000000e-01, v13  }
0x193: {  	v15 =	vsub.s32 $0x5F3759DF, v15  }
0x194: {  	v16 =	vmul.f32 v15, v13  }
0x195: {  	v14 =	vmul.f32 v9, v14  }
0x196: {  	v16 =	vmul.f32 v15, v16  }
0x197: {  	v14 =	vsub.f32 $1.500000000e+00, v14  }
0x198: {  	v16 =	vsub.f32 $1.500000000e+00, v16  }
0x199: {  	v54 =	vmul.f32 v9, v14  }
0x19a: {  	v55 =	vmul.f32 v10, v4;
	v15 =	vmul.f32 v15, v16  }
0x19b: {  	v56 =	vmul.f32 v54, v6  }
0x19c: {  	v14 =	vmul.f32 v55, v10;
	v17 =	vmul.f32 v15, v13  }
0x19d: {  	v12 =	vsub.f32 $1.500000000e+00, v12;
	v16 =	vmul.f32 v56, v54  }
0x19e: {  	v14 =	vsub.f32 $1.500000000e+00, v14;
	v17 =	vmul.f32 v17, v15  }
0x19f: {  	v7 =	vmul.f32 v12, v7;
	v57 =	vsub.f32 $1.500000000e+00, v16  }
0x1a0: {  	v11 =	vmul.f32 v11, v5;
	v58 =	vmul.f32 v14, v10;
	v59 =	vsub.f32 $1.500000000e+00, v17  }
0x1a1: {  	v3 =	vmul.f32 v7, v3;
	v9 =	vmul.f32 v57, v54  }
0x1a2: {  	v60 =	vmul.f32 v58, v4;
	v61 =	vmul.f32 v59, v15  }
0x1a3: {  	v3 =	vmul.f32 v3, v7;
	v62 =	vmul.f32 v9, v6  }
0x1a4: {  	v11 =	vsub.f32 $1.500000000e+00, v11;
	v4 =	vmul.f32 v60, v58;
	v13 =	vmul.f32 v61, v13  }
0x1a5: {  	v3 =	vsub.f32 $1.500000000e+00, v3;
	v6 =	vmul.f32 v62, v9  }
0x1a6: {  	v63 =	vmul.f32 v11, v5;
	v4 =	vsub.f32 $1.500000000e+00, v4;
	v14 =	vmul.f32 v13, v61  }
0x1a7: {  	[tilespmem:s30+$0xA180] =	vst v8;
	v3 =	vmul.f32 v3, v7;
	v6 =	vsub.f32 $1.500000000e+00, v6  }
0x1a8: {  	[tilespmem:s29+$0xA180] =	vst v63;
	v4 =	vmul.f32 v4, v58;
	v15 =	vsub.f32 $1.500000000e+00, v14  }
0x1a9: {  	[tilespmem:s31+$0xA180] =	vst v3;
	v3 =	vmul.f32 v6, v9  }
0x1aa: {  	[tilespmem:s1+$0xA180] =	vst v4;
	v16 =	vmul.f32 v15, v61  }
0x1ab: {  	[tilespmem:s2+$0xA180] =	vst v3  }
0x1ac: {  	[tilespmem:s24+$0xA180] =	vst v16  }
0x1ad: {  	[spmem:s12] =	stream.linear.scatter [tilespmem:s25], [sflag:$0x2], $0x280, $0x38;
	[tilespmem:$0xAB80] =	vst v63  }
0x1ae: {  	_ =	swait.ge [sflag:s21], $0x280  }
0x1af: {  	[sflag:s21] =	ssyncset.done $0x0  }
0x1b0: {  	[sflag:s21] =	ssyncadd.s32 $0xFFFFFD80  }
0x1b1: {  	[bflag:$0x0] =	sbarrier.arrive $0xFFFF  }
0x1b2: {  	s31 =	rddreg [dreg:$0x4]  }
0x1b3: {  	[tilespmem:s4], [sflag:$0x2] =	stream.linear.gather [spmem:s31], $0x2800, $0x38;
	[tilespmem:$0xAB80] =	vst v63  }
0x1b4: {  	_ =	swait.ge [sflag:s21], $0x2800  }
0x1b5: {  	[sflag:s21] =	ssyncset.done $0x0  }
0x1b6: {  	[sflag:s21] =	ssyncadd.s32 $0xFFFFD800  }
0x1b7: {  	v3 =	vld [tilespmem:$0x0];
	_ =	sdelay $0x5  }
0x1b8: {  	v17 =	vld [tilespmem:$0x10];
	_ =	sdelay $0x1  }
0x1b9: {  	v3 =	vld.idx.msk [tilespmem:v3+s4+$0x0], $0xffff;
	_ =	sdelay $0x3  }
0x1ba: {  	v18 =	vld [tilespmem:$0x20]  }
0x1bb: {  	[tilespmem:$0x4F80] =	vst v3  }
0x1bc: {  	v3 =	vld.idx.msk [tilespmem:v17+s4+$0x0], $0xffff;
	_ =	sdelay $0x3  }
0x1bd: {  	v19 =	vld [tilespmem:$0x30]  }
0x1be: {  	[tilespmem:$0x4F90] =	vst v3  }
0x1bf: {  	v3 =	vld.idx.msk [tilespmem:v18+s4+$0x0], $0xffff;
	_ =	sdelay $0x3  }
0x1c0: {  	v20 =	vld [tilespmem:$0x40]  }
0x1c1: {  	[tilespmem:$0x4FA0] =	vst v3  }
0x1c2: {  	v3 =	vld.idx.msk [tilespmem:v19+s4+$0x0], $0xffff;
	_ =	sdelay $0x3  }
0x1c3: {  	v21 =	vld [tilespmem:$0x50]  }
0x1c4: {  	[tilespmem:$0x4FB0] =	vst v3  }
0x1c5: {  	v3 =	vld.idx.msk [tilespmem:v20+s4+$0x0], $0xffff;
	_ =	sdelay $0x3  }
0x1c6: {  	v22 =	vld [tilespmem:$0x60]  }
0x1c7: {  	[tilespmem:$0x4FC0] =	vst v3  }
0x1c8: {  	v3 =	vld.idx.msk [tilespmem:v21+s4+$0x0], $0xffff;
	_ =	sdelay $0x3  }
0x1c9: {  	v23 =	vld [tilespmem:$0x70]  }
0x1ca: {  	[tilespmem:$0x4FD0] =	vst v3  }
0x1cb: {  	v3 =	vld.idx.msk [tilespmem:v22+s4+$0x0], $0xffff;
	_ =	sdelay $0x3  }
0x1cc: {  	v24 =	vld [tilespmem:$0x80]  }
0x1cd: {  	[tilespmem:$0x4FE0] =	vst v3  }
0x1ce: {  	v3 =	vld.idx.msk [tilespmem:v23+s4+$0x0], $0xffff;
	_ =	sdelay $0x3  }
0x1cf: {  	v25 =	vld [tilespmem:$0x90]  }
0x1d0: {  	[tilespmem:$0x4FF0] =	vst v3  }
0x1d1: {  	v3 =	vld.idx.msk [tilespmem:v24+s4+$0x0], $0xffff;
	_ =	sdelay $0x3  }
0x1d2: {  	v26 =	vld [tilespmem:$0xA0]  }
0x1d3: {  	[tilespmem:$0x5000] =	vst v3  }
0x1d4: {  	v3 =	vld.idx.msk [tilespmem:v25+s4+$0x0], $0xffff;
	_ =	sdelay $0x3  }
0x1d5: {  	v27 =	vld [tilespmem:$0xB0]  }
0x1d6: {  	[tilespmem:$0x5010] =	vst v3  }
0x1d7: {  	v3 =	vld.idx.msk [tilespmem:v26+s4+$0x0], $0xffff;
	_ =	sdelay $0x3  }
0x1d8: {  	v28 =	vld [tilespmem:$0xC0]  }
0x1d9: {  	[tilespmem:$0x5020] =	vst v3  }
0x1da: {  	v3 =	vld.idx.msk [tilespmem:v27+s4+$0x0], $0xffff;
	_ =	sdelay $0x3  }
0x1db: {  	v29 =	vld [tilespmem:$0xD0]  }
0x1dc: {  	[tilespmem:$0x5030] =	vst v3  }
0x1dd: {  	v3 =	vld.idx.msk [tilespmem:v28+s4+$0x0], $0xffff;
	_ =	sdelay $0x3  }
0x1de: {  	v30 =	vld [tilespmem:$0xE0]  }
0x1df: {  	[tilespmem:$0x5040] =	vst v3  }
0x1e0: {  	v3 =	vld.idx.msk [tilespmem:v29+s4+$0x0], $0xffff;
	_ =	sdelay $0x3  }
0x1e1: {  	v31 =	vld [tilespmem:$0xF0]  }
0x1e2: {  	[tilespmem:$0x5050] =	vst v3  }
0x1e3: {  	v3 =	vld.idx.msk [tilespmem:v30+s4+$0x0], $0xffff;
	_ =	sdelay $0x3  }
0x1e4: {  	v32 =	vld [tilespmem:$0x100]  }
0x1e5: {  	[tilespmem:$0x5060] =	vst v3  }
0x1e6: {  	v3 =	vld.idx.msk [tilespmem:v31+s4+$0x0], $0xffff;
	_ =	sdelay $0x3  }
0x1e7: {  	v33 =	vld [tilespmem:$0x110]  }
0x1e8: {  	[tilespmem:$0x5070] =	vst v3  }
0x1e9: {  	v3 =	vld.idx.msk [tilespmem:v32+s4+$0x0], $0xffff;
	_ =	sdelay $0x3  }
0x1ea: {  	v34 =	vld [tilespmem:$0x120]  }
0x1eb: {  	[tilespmem:$0x5080] =	vst v3  }
0x1ec: {  	v3 =	vld.idx.msk [tilespmem:v33+s4+$0x0], $0xffff;
	_ =	sdelay $0x3  }
0x1ed: {  	v35 =	vld [tilespmem:$0x130]  }
0x1ee: {  	[tilespmem:$0x5090] =	vst v3  }
0x1ef: {  	v3 =	vld.idx.msk [tilespmem:v34+s4+$0x0], $0xffff;
	_ =	sdelay $0x3  }
0x1f0: {  	v36 =	vld [tilespmem:$0x140]  }
0x1f1: {  	[tilespmem:$0x50A0] =	vst v3  }
0x1f2: {  	v3 =	vld.idx.msk [tilespmem:v35+s4+$0x0], $0xffff;
	_ =	sdelay $0x3  }
0x1f3: {  	v37 =	vld [tilespmem:$0x150]  }
0x1f4: {  	[tilespmem:$0x50B0] =	vst v3  }
0x1f5: {  	v3 =	vld.idx.msk [tilespmem:v36+s4+$0x0], $0xffff;
	_ =	sdelay $0x3  }
0x1f6: {  	v38 =	vld [tilespmem:$0x160]  }
0x1f7: {  	[tilespmem:$0x50C0] =	vst v3  }
0x1f8: {  	v3 =	vld.idx.msk [tilespmem:v37+s4+$0x0], $0xffff;
	_ =	sdelay $0x3  }
0x1f9: {  	v39 =	vld [tilespmem:$0x170]  }
0x1fa: {  	[tilespmem:$0x50D0] =	vst v3  }
0x1fb: {  	v3 =	vld.idx.msk [tilespmem:v38+s4+$0x0], $0xffff;
	_ =	sdelay $0x3  }
0x1fc: {  	v40 =	vld [tilespmem:$0x180]  }
0x1fd: {  	[tilespmem:$0x50E0] =	vst v3  }
0x1fe: {  	v3 =	vld.idx.msk [tilespmem:v39+s4+$0x0], $0xffff;
	_ =	sdelay $0x3  }
0x1ff: {  	v41 =	vld [tilespmem:$0x190]  }
0x200: {  	[tilespmem:$0x50F0] =	vst v3  }
0x201: {  	v3 =	vld.idx.msk [tilespmem:v40+s4+$0x0], $0xffff;
	_ =	sdelay $0x3  }
0x202: {  	v42 =	vld [tilespmem:$0x1A0]  }
0x203: {  	[tilespmem:$0x5100] =	vst v3  }
0x204: {  	v3 =	vld.idx.msk [tilespmem:v41+s4+$0x0], $0xffff;
	_ =	sdelay $0x3  }
0x205: {  	v43 =	vld [tilespmem:$0x1B0]  }
0x206: {  	[tilespmem:$0x5110] =	vst v3  }
0x207: {  	v3 =	vld.idx.msk [tilespmem:v42+s4+$0x0], $0xffff;
	_ =	sdelay $0x3  }
0x208: {  	v44 =	vld [tilespmem:$0x1C0]  }
0x209: {  	[tilespmem:$0x5120] =	vst v3  }
0x20a: {  	v3 =	vld.idx.msk [tilespmem:v43+s4+$0x0], $0xffff;
	_ =	sdelay $0x3  }
0x20b: {  	v45 =	vld [tilespmem:$0x1D0]  }
0x20c: {  	[tilespmem:$0x5130] =	vst v3  }
0x20d: {  	v3 =	vld.idx.msk [tilespmem:v44+s4+$0x0], $0xffff;
	_ =	sdelay $0x3  }
0x20e: {  	v46 =	vld [tilespmem:$0x1E0]  }
0x20f: {  	[tilespmem:$0x5140] =	vst v3  }
0x210: {  	v3 =	vld.idx.msk [tilespmem:v45+s4+$0x0], $0xffff;
	_ =	sdelay $0x3  }
0x211: {  	v47 =	vld [tilespmem:$0x1F0]  }
0x212: {  	[tilespmem:$0x5150] =	vst v3  }
0x213: {  	v3 =	vld.idx.msk [tilespmem:v46+s4+$0x0], $0xffff;
	_ =	sdelay $0x3  }
0x214: {  	v48 =	vld [tilespmem:$0x200]  }
0x215: {  	[tilespmem:$0x5160] =	vst v3  }
0x216: {  	v3 =	vld.idx.msk [tilespmem:v47+s4+$0x0], $0xffff;
	_ =	sdelay $0x3  }
0x217: {  	v49 =	vld [tilespmem:$0x210]  }
0x218: {  	[tilespmem:$0x5170] =	vst v3  }
0x219: {  	v3 =	vld.idx.msk [tilespmem:v48+s4+$0x0], $0xffff;
	_ =	sdelay $0x3  }
0x21a: {  	v50 =	vld [tilespmem:$0x220]  }
0x21b: {  	[tilespmem:$0x5180] =	vst v3  }
0x21c: {  	v3 =	vld.idx.msk [tilespmem:v49+s4+$0x0], $0xffff;
	_ =	sdelay $0x3  }
0x21d: {  	v51 =	vld [tilespmem:$0x230]  }
0x21e: {  	[tilespmem:$0x5190] =	vst v3  }
0x21f: {  	v3 =	vld.idx.msk [tilespmem:v50+s4+$0x0], $0xffff;
	_ =	sdelay $0x3  }
0x220: {  	v52 =	vld [tilespmem:$0x240]  }
0x221: {  	[tilespmem:$0x51A0] =	vst v3  }
0x222: {  	v3 =	vld.idx.msk [tilespmem:v51+s4+$0x0], $0xffff;
	_ =	sdelay $0x3  }
0x223: {  	v53 =	vld [tilespmem:$0x250]  }
0x224: {  	[tilespmem:$0x51B0] =	vst v3  }
0x225: {  	v3 =	vld.idx.msk [tilespmem:v52+s4+$0x0], $0xffff;
	_ =	sdelay $0x3  }
0x226: {  	v54 =	vld [tilespmem:$0x260]  }
0x227: {  	[tilespmem:$0x51C0] =	vst v3  }
0x228: {  	v3 =	vld.idx.msk [tilespmem:v53+s4+$0x0], $0xffff;
	_ =	sdelay $0x3  }
0x229: {  	v55 =	vld [tilespmem:$0x270]  }
0x22a: {  	[tilespmem:$0x51D0] =	vst v3  }
0x22b: {  	v3 =	vld.idx.msk [tilespmem:v54+s4+$0x0], $0xffff;
	_ =	sdelay $0x3  }
0x22c: {  	v56 =	vld [tilespmem:$0x280]  }
0x22d: {  	[tilespmem:$0x51E0] =	vst v3  }
0x22e: {  	v3 =	vld.idx.msk [tilespmem:v55+s4+$0x0], $0xffff;
	_ =	sdelay $0x3  }
0x22f: {  	v57 =	vld [tilespmem:$0x290]  }
0x230: {  	[tilespmem:$0x51F0] =	vst v3  }
0x231: {  	v3 =	vld.idx.msk [tilespmem:v56+s4+$0x0], $0xffff;
	_ =	sdelay $0x3  }
0x232: {  	v58 =	vld [tilespmem:$0x2A0]  }
0x233: {  	[tilespmem:$0x5200] =	vst v3  }
0x234: {  	v3 =	vld.idx.msk [tilespmem:v57+s4+$0x0], $0xffff;
	_ =	sdelay $0x3  }
0x235: {  	v59 =	vld [tilespmem:$0x2B0]  }
0x236: {  	[tilespmem:$0x5210] =	vst v3  }
0x237: {  	v3 =	vld.idx.msk [tilespmem:v58+s4+$0x0], $0xffff;
	_ =	sdelay $0x3  }
0x238: {  	v60 =	vld [tilespmem:$0x2C0]  }
0x239: {  	[tilespmem:$0x5220] =	vst v3  }
0x23a: {  	v3 =	vld.idx.msk [tilespmem:v59+s4+$0x0], $0xffff;
	_ =	sdelay $0x3  }
0x23b: {  	v61 =	vld [tilespmem:$0x2D0]  }
0x23c: {  	[tilespmem:$0x5230] =	vst v3  }
0x23d: {  	v3 =	vld.idx.msk [tilespmem:v60+s4+$0x0], $0xffff;
	_ =	sdelay $0x3  }
0x23e: {  	v62 =	vld [tilespmem:$0x2E0]  }
0x23f: {  	[tilespmem:$0x5240] =	vst v3  }
0x240: {  	v3 =	vld.idx.msk [tilespmem:v61+s4+$0x0], $0xffff;
	_ =	sdelay $0x3  }
0x241: {  	v63 =	vld [tilespmem:$0x2F0]  }
0x242: {  	[tilespmem:$0x5250] =	vst v3  }
0x243: {  	v3 =	vld.idx.msk [tilespmem:v62+s4+$0x0], $0xffff;
	_ =	sdelay $0x3  }
0x244: {  	v8 =	vld [tilespmem:$0x300]  }
0x245: {  	[tilespmem:$0x5260] =	vst v3  }
0x246: {  	v3 =	vld.idx.msk [tilespmem:v63+s4+$0x0], $0xffff;
	_ =	sdelay $0x3  }
0x247: {  	v9 =	vld [tilespmem:$0x310]  }
0x248: {  	[tilespmem:$0x5270] =	vst v3  }
0x249: {  	v3 =	vld.idx.msk [tilespmem:v8+s4+$0x0], $0xffff;
	_ =	sdelay $0x3  }
0x24a: {  	v10 =	vld [tilespmem:$0x320]  }
0x24b: {  	[tilespmem:$0x5280] =	vst v3  }
0x24c: {  	v3 =	vld.idx.msk [tilespmem:v9+s4+$0x0], $0xffff;
	_ =	sdelay $0x3  }
0x24d: {  	v11 =	vld [tilespmem:$0x330]  }
0x24e: {  	[tilespmem:$0x5290] =	vst v3  }
0x24f: {  	v3 =	vld.idx.msk [tilespmem:v10+s4+$0x0], $0xffff;
	_ =	sdelay $0x3  }
0x250: {  	v12 =	vld [tilespmem:$0x340]  }
0x251: {  	[tilespmem:$0x52A0] =	vst v3  }
0x252: {  	v3 =	vld.idx.msk [tilespmem:v11+s4+$0x0], $0xffff;
	_ =	sdelay $0x3  }
0x253: {  	v13 =	vld [tilespmem:$0x350]  }
0x254: {  	[tilespmem:$0x52B0] =	vst v3  }
0x255: {  	v3 =	vld.idx.msk [tilespmem:v12+s4+$0x0], $0xffff;
	_ =	sdelay $0x3  }
0x256: {  	v14 =	vld [tilespmem:$0x360]  }
0x257: {  	[tilespmem:$0x52C0] =	vst v3  }
0x258: {  	v3 =	vld.idx.msk [tilespmem:v13+s4+$0x0], $0xffff;
	_ =	sdelay $0x3  }
0x259: {  	v15 =	vld [tilespmem:$0x370]  }
0x25a: {  	[tilespmem:$0x52D0] =	vst v3  }
0x25b: {  	v3 =	vld.idx.msk [tilespmem:v14+s4+$0x0], $0xffff;
	_ =	sdelay $0x3  }
0x25c: {  	v16 =	vld [tilespmem:$0x380]  }
0x25d: {  	[tilespmem:$0x52E0] =	vst v3  }
0x25e: {  	v3 =	vld.idx.msk [tilespmem:v15+s4+$0x0], $0xffff;
	_ =	sdelay $0x3  }
0x25f: {  	v17 =	vld [tilespmem:$0x390]  }
0x260: {  	[tilespmem:$0x52F0] =	vst v3  }
0x261: {  	v3 =	vld.idx.msk [tilespmem:v16+s4+$0x0], $0xffff;
	_ =	sdelay $0x3  }
0x262: {  	v18 =	vld [tilespmem:$0x3A0]  }
0x263: {  	[tilespmem:$0x5300] =	vst v3  }
0x264: {  	v3 =	vld.idx.msk [tilespmem:v17+s4+$0x0], $0xffff;
	_ =	sdelay $0x3  }
0x265: {  	v19 =	vld [tilespmem:$0x3B0]  }
0x266: {  	[tilespmem:$0x5310] =	vst v3  }
0x267: {  	v3 =	vld.idx.msk [tilespmem:v18+s4+$0x0], $0xffff;
	_ =	sdelay $0x3  }
0x268: {  	v20 =	vld [tilespmem:$0x3C0]  }
0x269: {  	[tilespmem:$0x5320] =	vst v3  }
0x26a: {  	v3 =	vld.idx.msk [tilespmem:v19+s4+$0x0], $0xffff;
	_ =	sdelay $0x3  }
0x26b: {  	v21 =	vld [tilespmem:$0x3D0]  }
0x26c: {  	[tilespmem:$0x5330] =	vst v3  }
0x26d: {  	v3 =	vld.idx.msk [tilespmem:v20+s4+$0x0], $0xffff;
	_ =	sdelay $0x3  }
0x26e: {  	v22 =	vld [tilespmem:$0x3E0]  }
0x26f: {  	[tilespmem:$0x5340] =	vst v3  }
0x270: {  	v3 =	vld.idx.msk [tilespmem:v21+s4+$0x0], $0xffff;
	_ =	sdelay $0x3  }
0x271: {  	v23 =	vld [tilespmem:$0x3F0]  }
0x272: {  	[tilespmem:$0x5350] =	vst v3  }
0x273: {  	v3 =	vld.idx.msk [tilespmem:v22+s4+$0x0], $0xffff;
	_ =	sdelay $0x3  }
0x274: {  	v24 =	vld [tilespmem:$0x400]  }
0x275: {  	[tilespmem:$0x5360] =	vst v3  }
0x276: {  	v3 =	vld.idx.msk [tilespmem:v23+s4+$0x0], $0xffff;
	_ =	sdelay $0x3  }
0x277: {  	v25 =	vld [tilespmem:$0x410]  }
0x278: {  	[tilespmem:$0x5370] =	vst v3  }
0x279: {  	v3 =	vld.idx.msk [tilespmem:v24+s4+$0x0], $0xffff;
	_ =	sdelay $0x3  }
0x27a: {  	v26 =	vld [tilespmem:$0x420]  }
0x27b: {  	[tilespmem:$0x5380] =	vst v3  }
0x27c: {  	v3 =	vld.idx.msk [tilespmem:v25+s4+$0x0], $0xffff;
	_ =	sdelay $0x3  }
0x27d: {  	v27 =	vld [tilespmem:$0x430]  }
0x27e: {  	[tilespmem:$0x5390] =	vst v3  }
0x27f: {  	v3 =	vld.idx.msk [tilespmem:v26+s4+$0x0], $0xffff;
	_ =	sdelay $0x3  }
0x280: {  	v28 =	vld [tilespmem:$0x440]  }
0x281: {  	[tilespmem:$0x53A0] =	vst v3  }
0x282: {  	v3 =	vld.idx.msk [tilespmem:v27+s4+$0x0], $0xffff;
	_ =	sdelay $0x3  }
0x283: {  	v29 =	vld [tilespmem:$0x450]  }
0x284: {  	[tilespmem:$0x53B0] =	vst v3  }
0x285: {  	v3 =	vld.idx.msk [tilespmem:v28+s4+$0x0], $0xffff;
	_ =	sdelay $0x3  }
0x286: {  	v30 =	vld [tilespmem:$0x460]  }
0x287: {  	[tilespmem:$0x53C0] =	vst v3  }
0x288: {  	v3 =	vld.idx.msk [tilespmem:v29+s4+$0x0], $0xffff;
	_ =	sdelay $0x3  }
0x289: {  	v31 =	vld [tilespmem:$0x470]  }
0x28a: {  	[tilespmem:$0x53D0] =	vst v3  }
0x28b: {  	v3 =	vld.idx.msk [tilespmem:v30+s4+$0x0], $0xffff;
	_ =	sdelay $0x3  }
0x28c: {  	v32 =	vld [tilespmem:$0x480]  }
0x28d: {  	[tilespmem:$0x53E0] =	vst v3  }
0x28e: {  	v3 =	vld.idx.msk [tilespmem:v31+s4+$0x0], $0xffff;
	_ =	sdelay $0x3  }
0x28f: {  	v33 =	vld [tilespmem:$0x490]  }
0x290: {  	[tilespmem:$0x53F0] =	vst v3  }
0x291: {  	v3 =	vld.idx.msk [tilespmem:v32+s4+$0x0], $0xffff;
	_ =	sdelay $0x3  }
0x292: {  	v34 =	vld [tilespmem:$0x4A0]  }
0x293: {  	[tilespmem:$0x5400] =	vst v3  }
0x294: {  	v3 =	vld.idx.msk [tilespmem:v33+s4+$0x0], $0xffff;
	_ =	sdelay $0x3  }
0x295: {  	v35 =	vld [tilespmem:$0x4B0]  }
0x296: {  	[tilespmem:$0x5410] =	vst v3  }
0x297: {  	v3 =	vld.idx.msk [tilespmem:v34+s4+$0x0], $0xffff;
	_ =	sdelay $0x3  }
0x298: {  	v36 =	vld [tilespmem:$0x4C0]  }
0x299: {  	[tilespmem:$0x5420] =	vst v3  }
0x29a: {  	v3 =	vld.idx.msk [tilespmem:v35+s4+$0x0], $0xffff;
	_ =	sdelay $0x3  }
0x29b: {  	v37 =	vld [tilespmem:$0x4D0]  }
0x29c: {  	[tilespmem:$0x5430] =	vst v3  }
0x29d: {  	v3 =	vld.idx.msk [tilespmem:v36+s4+$0x0], $0xffff;
	_ =	sdelay $0x3  }
0x29e: {  	v38 =	vld [tilespmem:$0x4E0]  }
0x29f: {  	[tilespmem:$0x5440] =	vst v3  }
0x2a0: {  	v3 =	vld.idx.msk [tilespmem:v37+s4+$0x0], $0xffff;
	_ =	sdelay $0x3  }
0x2a1: {  	v39 =	vld [tilespmem:$0x4F0]  }
0x2a2: {  	[tilespmem:$0x5450] =	vst v3  }
0x2a3: {  	v3 =	vld.idx.msk [tilespmem:v38+s4+$0x0], $0xffff;
	_ =	sdelay $0x3  }
0x2a4: {  	v40 =	vld [tilespmem:$0x500]  }
0x2a5: {  	[tilespmem:$0x5460] =	vst v3  }
0x2a6: {  	v3 =	vld.idx.msk [tilespmem:v39+s4+$0x0], $0xffff;
	_ =	sdelay $0x3  }
0x2a7: {  	v41 =	vld [tilespmem:$0x510]  }
0x2a8: {  	[tilespmem:$0x5470] =	vst v3  }
0x2a9: {  	v3 =	vld.idx.msk [tilespmem:v40+s4+$0x0], $0xffff;
	_ =	sdelay $0x3  }
0x2aa: {  	v42 =	vld [tilespmem:$0x520]  }
0x2ab: {  	[tilespmem:$0x5480] =	vst v3  }
0x2ac: {  	v3 =	vld.idx.msk [tilespmem:v41+s4+$0x0], $0xffff;
	_ =	sdelay $0x3  }
0x2ad: {  	v43 =	vld [tilespmem:$0x530]  }
0x2ae: {  	[tilespmem:$0x5490] =	vst v3  }
0x2af: {  	v3 =	vld.idx.msk [tilespmem:v42+s4+$0x0], $0xffff;
	_ =	sdelay $0x3  }
0x2b0: {  	v44 =	vld [tilespmem:$0x540]  }
0x2b1: {  	[tilespmem:$0x54A0] =	vst v3  }
0x2b2: {  	v3 =	vld.idx.msk [tilespmem:v43+s4+$0x0], $0xffff;
	_ =	sdelay $0x3  }
0x2b3: {  	v45 =	vld [tilespmem:$0x550]  }
0x2b4: {  	[tilespmem:$0x54B0] =	vst v3  }
0x2b5: {  	v3 =	vld.idx.msk [tilespmem:v44+s4+$0x0], $0xffff;
	_ =	sdelay $0x3  }
0x2b6: {  	v46 =	vld [tilespmem:$0x560]  }
0x2b7: {  	[tilespmem:$0x54C0] =	vst v3  }
0x2b8: {  	v3 =	vld.idx.msk [tilespmem:v45+s4+$0x0], $0xffff;
	_ =	sdelay $0x3  }
0x2b9: {  	v47 =	vld [tilespmem:$0x570]  }
0x2ba: {  	[tilespmem:$0x54D0] =	vst v3  }
0x2bb: {  	v3 =	vld.idx.msk [tilespmem:v46+s4+$0x0], $0xffff;
	_ =	sdelay $0x3  }
0x2bc: {  	v48 =	vld [tilespmem:$0x580]  }
0x2bd: {  	[tilespmem:$0x54E0] =	vst v3  }
0x2be: {  	v3 =	vld.idx.msk [tilespmem:v47+s4+$0x0], $0xffff;
	_ =	sdelay $0x3  }
0x2bf: {  	v49 =	vld [tilespmem:$0x590]  }
0x2c0: {  	[tilespmem:$0x54F0] =	vst v3  }
0x2c1: {  	v3 =	vld.idx.msk [tilespmem:v48+s4+$0x0], $0xffff;
	_ =	sdelay $0x3  }
0x2c2: {  	v50 =	vld [tilespmem:$0x5A0]  }
0x2c3: {  	[tilespmem:$0x5500] =	vst v3  }
0x2c4: {  	v3 =	vld.idx.msk [tilespmem:v49+s4+$0x0], $0xffff;
	_ =	sdelay $0x3  }
0x2c5: {  	v51 =	vld [tilespmem:$0x5B0]  }
0x2c6: {  	[tilespmem:$0x5510] =	vst v3  }
0x2c7: {  	v3 =	vld.idx.msk [tilespmem:v50+s4+$0x0], $0xffff;
	_ =	sdelay $0x3  }
0x2c8: {  	v52 =	vld [tilespmem:$0x5C0]  }
0x2c9: {  	[tilespmem:$0x5520] =	vst v3  }
0x2ca: {  	v3 =	vld.idx.msk [tilespmem:v51+s4+$0x0], $0xffff;
	_ =	sdelay $0x3  }
0x2cb: {  	v53 =	vld [tilespmem:$0x5D0]  }
0x2cc: {  	[tilespmem:$0x5530] =	vst v3  }
0x2cd: {  	v3 =	vld.idx.msk [tilespmem:v52+s4+$0x0], $0xffff;
	_ =	sdelay $0x3  }
0x2ce: {  	v54 =	vld [tilespmem:$0x5E0]  }
0x2cf: {  	[tilespmem:$0x5540] =	vst v3  }
0x2d0: {  	v3 =	vld.idx.msk [tilespmem:v53+s4+$0x0], $0xffff;
	_ =	sdelay $0x3  }
0x2d1: {  	v55 =	vld [tilespmem:$0x5F0]  }
0x2d2: {  	[tilespmem:$0x5550] =	vst v3  }
0x2d3: {  	v3 =	vld.idx.msk [tilespmem:v54+s4+$0x0], $0xffff;
	_ =	sdelay $0x3  }
0x2d4: {  	v56 =	vld [tilespmem:$0x600]  }
0x2d5: {  	[tilespmem:$0x5560] =	vst v3  }
0x2d6: {  	v3 =	vld.idx.msk [tilespmem:v55+s4+$0x0], $0xffff;
	_ =	sdelay $0x3  }
0x2d7: {  	v57 =	vld [tilespmem:$0x610]  }
0x2d8: {  	[tilespmem:$0x5570] =	vst v3  }
0x2d9: {  	v3 =	vld.idx.msk [tilespmem:v56+s4+$0x0], $0xffff;
	_ =	sdelay $0x3  }
0x2da: {  	v58 =	vld [tilespmem:$0x620]  }
0x2db: {  	[tilespmem:$0x5580] =	vst v3  }
0x2dc: {  	v3 =	vld.idx.msk [tilespmem:v57+s4+$0x0], $0xffff;
	_ =	sdelay $0x3  }
0x2dd: {  	v59 =	vld [tilespmem:$0x630]  }
0x2de: {  	[tilespmem:$0x5590] =	vst v3  }
0x2df: {  	v3 =	vld.idx.msk [tilespmem:v58+s4+$0x0], $0xffff;
	_ =	sdelay $0x3  }
0x2e0: {  	v60 =	vld [tilespmem:$0x640]  }
0x2e1: {  	[tilespmem:$0x55A0] =	vst v3  }
0x2e2: {  	v3 =	vld.idx.msk [tilespmem:v59+s4+$0x0], $0xffff;
	_ =	sdelay $0x3  }
0x2e3: {  	v61 =	vld [tilespmem:$0x650]  }
0x2e4: {  	[tilespmem:$0x55B0] =	vst v3  }
0x2e5: {  	v3 =	vld.idx.msk [tilespmem:v60+s4+$0x0], $0xffff;
	_ =	sdelay $0x3  }
0x2e6: {  	v62 =	vld [tilespmem:$0x660]  }
0x2e7: {  	[tilespmem:$0x55C0] =	vst v3  }
0x2e8: {  	v3 =	vld.idx.msk [tilespmem:v61+s4+$0x0], $0xffff;
	_ =	sdelay $0x3  }
0x2e9: {  	v63 =	vld [tilespmem:$0x670]  }
0x2ea: {  	[tilespmem:$0x55D0] =	vst v3  }
0x2eb: {  	v3 =	vld.idx.msk [tilespmem:v62+s4+$0x0], $0xffff;
	_ =	sdelay $0x4  }
0x2ec: {  	[tilespmem:$0x55E0] =	vst v3  }
0x2ed: {  	v3 =	vld.idx.msk [tilespmem:v63+s4+$0x0], $0xffff;
	_ =	sdelay $0x4  }
0x2ee: {  	s26 =	simm.s32 $0x2780;
	s2 =	simm.s32 $0x4F80;
	[tilespmem:$0x55F0] =	vst v3  }
0x2ef: {  	[spmem:s3] =	stream.indirect.scatter.add.f32 [tilespmem:s2], [sflag:$0x1], $0x1, s26, s17, $0xb8;
	[tilespmem:$0xAB80] =	vst v63  }
0x2f0: {  	s19 =	simm.s32 $0x2800;
	s24 =	simm.s32 $0x5000  }
0x2f1: {  	[spmem:s3] =	stream.indirect.scatter.add.f32 [tilespmem:s24], [sflag:$0x1], $0x1, s19, s17, $0xb8;
	[tilespmem:$0xAB80] =	vst v63  }
0x2f2: {  	s30 =	simm.s32 $0x2880;
	s31 =	simm.s32 $0x5080  }
0x2f3: {  	[spmem:s3] =	stream.indirect.scatter.add.f32 [tilespmem:s31], [sflag:$0x1], $0x1, s30, s17, $0xb8;
	[tilespmem:$0xAB80] =	vst v63  }
0x2f4: {  	s19 =	simm.s32 $0x2900;
	s24 =	simm.s32 $0x5100  }
0x2f5: {  	[spmem:s3] =	stream.indirect.scatter.add.f32 [tilespmem:s24], [sflag:$0x1], $0x1, s19, s17, $0xb8;
	[tilespmem:$0xAB80] =	vst v63  }
0x2f6: {  	s30 =	simm.s32 $0x2980;
	s31 =	simm.s32 $0x5180  }
0x2f7: {  	[spmem:s3] =	stream.indirect.scatter.add.f32 [tilespmem:s31], [sflag:$0x1], $0x1, s30, s17, $0xb8;
	[tilespmem:$0xAB80] =	vst v63  }
0x2f8: {  	s19 =	simm.s32 $0x2A00;
	s24 =	simm.s32 $0x5200  }
0x2f9: {  	[spmem:s3] =	stream.indirect.scatter.add.f32 [tilespmem:s24], [sflag:$0x1], $0x1, s19, s17, $0xb8;
	[tilespmem:$0xAB80] =	vst v63  }
0x2fa: {  	s30 =	simm.s32 $0x2A80;
	s31 =	simm.s32 $0x5280  }
0x2fb: {  	[spmem:s3] =	stream.indirect.scatter.add.f32 [tilespmem:s31], [sflag:$0x1], $0x1, s30, s17, $0xb8;
	[tilespmem:$0xAB80] =	vst v63  }
0x2fc: {  	s19 =	simm.s32 $0x2B00;
	s24 =	simm.s32 $0x5300  }
0x2fd: {  	[spmem:s3] =	stream.indirect.scatter.add.f32 [tilespmem:s24], [sflag:$0x1], $0x1, s19, s17, $0xb8;
	[tilespmem:$0xAB80] =	vst v63  }
0x2fe: {  	s30 =	simm.s32 $0x2B80;
	s31 =	simm.s32 $0x5380  }
0x2ff: {  	[spmem:s3] =	stream.indirect.scatter.add.f32 [tilespmem:s31], [sflag:$0x1], $0x1, s30, s17, $0xb8;
	[tilespmem:$0xAB80] =	vst v63  }
0x300: {  	s19 =	simm.s32 $0x2C00;
	s24 =	simm.s32 $0x5400  }
0x301: {  	[spmem:s3] =	stream.indirect.scatter.add.f32 [tilespmem:s24], [sflag:$0x1], $0x1, s19, s17, $0xb8;
	[tilespmem:$0xAB80] =	vst v63  }
0x302: {  	s30 =	simm.s32 $0x2C80;
	s31 =	simm.s32 $0x5480  }
0x303: {  	[spmem:s3] =	stream.indirect.scatter.add.f32 [tilespmem:s31], [sflag:$0x1], $0x1, s30, s17, $0xb8;
	[tilespmem:$0xAB80] =	vst v63  }
0x304: {  	s19 =	simm.s32 $0x2D00;
	s24 =	simm.s32 $0x5500  }
0x305: {  	[spmem:s3] =	stream.indirect.scatter.add.f32 [tilespmem:s24], [sflag:$0x1], $0x1, s19, s17, $0xb8;
	[tilespmem:$0xAB80] =	vst v63  }
0x306: {  	s29 =	simm.s32 $0x1;
	s30 =	simm.s32 $0x2D80;
	s31 =	simm.s32 $0x5580  }
0x307: {  	[spmem:s3] =	stream.indirect.scatter.add.f32 [tilespmem:s31], [sflag:$0x1], $0x1, s30, s17, $0xb8;
	[tilespmem:$0xAB80] =	vst v63  }
.LBB2_6:
0x308: {  	s30 =	smul.u32 $0x680, s29;
	_ =	sdelay $0x1  }
0x309: {  	v3 =	vld [tilespmem:s30+$0x0];
	_ =	sdelay $0x5  }
0x30a: {  	v4 =	vld [tilespmem:s30+$0x10];
	_ =	sdelay $0x1  }
0x30b: {  	v3 =	vld.idx.msk [tilespmem:v3+s4+$0x0], $0xffff;
	_ =	sdelay $0x3  }
0x30c: {  	v5 =	vld [tilespmem:s30+$0x20]  }
0x30d: {  	[tilespmem:s30+$0x4F80] =	vst v3  }
0x30e: {  	v3 =	vld.idx.msk [tilespmem:v4+s4+$0x0], $0xffff;
	_ =	sdelay $0x3  }
0x30f: {  	v19 =	vld [tilespmem:s30+$0x30]  }
0x310: {  	[tilespmem:s30+$0x4F90] =	vst v3  }
0x311: {  	v3 =	vld.idx.msk [tilespmem:v5+s4+$0x0], $0xffff;
	_ =	sdelay $0x3  }
0x312: {  	v20 =	vld [tilespmem:s30+$0x40]  }
0x313: {  	[tilespmem:s30+$0x4FA0] =	vst v3  }
0x314: {  	v3 =	vld.idx.msk [tilespmem:v19+s4+$0x0], $0xffff;
	_ =	sdelay $0x3  }
0x315: {  	v21 =	vld [tilespmem:s30+$0x50]  }
0x316: {  	[tilespmem:s30+$0x4FB0] =	vst v3  }
0x317: {  	v3 =	vld.idx.msk [tilespmem:v20+s4+$0x0], $0xffff;
	_ =	sdelay $0x3  }
0x318: {  	v22 =	vld [tilespmem:s30+$0x60]  }
0x319: {  	[tilespmem:s30+$0x4FC0] =	vst v3  }
0x31a: {  	v3 =	vld.idx.msk [tilespmem:v21+s4+$0x0], $0xffff;
	_ =	sdelay $0x3  }
0x31b: {  	v23 =	vld [tilespmem:s30+$0x70]  }
0x31c: {  	[tilespmem:s30+$0x4FD0] =	vst v3  }
0x31d: {  	v3 =	vld.idx.msk [tilespmem:v22+s4+$0x0], $0xffff;
	_ =	sdelay $0x3  }
0x31e: {  	v24 =	vld [tilespmem:s30+$0x80]  }
0x31f: {  	[tilespmem:s30+$0x4FE0] =	vst v3  }
0x320: {  	v3 =	vld.idx.msk [tilespmem:v23+s4+$0x0], $0xffff;
	_ =	sdelay $0x3  }
0x321: {  	v25 =	vld [tilespmem:s30+$0x90]  }
0x322: {  	[tilespmem:s30+$0x4FF0] =	vst v3  }
0x323: {  	v3 =	vld.idx.msk [tilespmem:v24+s4+$0x0], $0xffff;
	_ =	sdelay $0x3  }
0x324: {  	v26 =	vld [tilespmem:s30+$0xA0]  }
0x325: {  	[tilespmem:s30+$0x5000] =	vst v3  }
0x326: {  	v3 =	vld.idx.msk [tilespmem:v25+s4+$0x0], $0xffff;
	_ =	sdelay $0x3  }
0x327: {  	v27 =	vld [tilespmem:s30+$0xB0]  }
0x328: {  	[tilespmem:s30+$0x5010] =	vst v3  }
0x329: {  	v3 =	vld.idx.msk [tilespmem:v26+s4+$0x0], $0xffff;
	_ =	sdelay $0x3  }
0x32a: {  	v28 =	vld [tilespmem:s30+$0xC0]  }
0x32b: {  	[tilespmem:s30+$0x5020] =	vst v3  }
0x32c: {  	v3 =	vld.idx.msk [tilespmem:v27+s4+$0x0], $0xffff;
	_ =	sdelay $0x3  }
0x32d: {  	v29 =	vld [tilespmem:s30+$0xD0]  }
0x32e: {  	[tilespmem:s30+$0x5030] =	vst v3  }
0x32f: {  	v3 =	vld.idx.msk [tilespmem:v28+s4+$0x0], $0xffff;
	_ =	sdelay $0x3  }
0x330: {  	v30 =	vld [tilespmem:s30+$0xE0]  }
0x331: {  	[tilespmem:s30+$0x5040] =	vst v3  }
0x332: {  	v3 =	vld.idx.msk [tilespmem:v29+s4+$0x0], $0xffff;
	_ =	sdelay $0x3  }
0x333: {  	v31 =	vld [tilespmem:s30+$0xF0]  }
0x334: {  	[tilespmem:s30+$0x5050] =	vst v3  }
0x335: {  	v3 =	vld.idx.msk [tilespmem:v30+s4+$0x0], $0xffff;
	_ =	sdelay $0x3  }
0x336: {  	v32 =	vld [tilespmem:s30+$0x100]  }
0x337: {  	[tilespmem:s30+$0x5060] =	vst v3  }
0x338: {  	v3 =	vld.idx.msk [tilespmem:v31+s4+$0x0], $0xffff;
	_ =	sdelay $0x3  }
0x339: {  	v33 =	vld [tilespmem:s30+$0x110]  }
0x33a: {  	[tilespmem:s30+$0x5070] =	vst v3  }
0x33b: {  	v3 =	vld.idx.msk [tilespmem:v32+s4+$0x0], $0xffff;
	_ =	sdelay $0x3  }
0x33c: {  	v34 =	vld [tilespmem:s30+$0x120]  }
0x33d: {  	[tilespmem:s30+$0x5080] =	vst v3  }
0x33e: {  	v3 =	vld.idx.msk [tilespmem:v33+s4+$0x0], $0xffff;
	_ =	sdelay $0x3  }
0x33f: {  	v35 =	vld [tilespmem:s30+$0x130]  }
0x340: {  	[tilespmem:s30+$0x5090] =	vst v3  }
0x341: {  	v3 =	vld.idx.msk [tilespmem:v34+s4+$0x0], $0xffff;
	_ =	sdelay $0x3  }
0x342: {  	v36 =	vld [tilespmem:s30+$0x140]  }
0x343: {  	[tilespmem:s30+$0x50A0] =	vst v3  }
0x344: {  	v3 =	vld.idx.msk [tilespmem:v35+s4+$0x0], $0xffff;
	_ =	sdelay $0x3  }
0x345: {  	v37 =	vld [tilespmem:s30+$0x150]  }
0x346: {  	[tilespmem:s30+$0x50B0] =	vst v3  }
0x347: {  	v3 =	vld.idx.msk [tilespmem:v36+s4+$0x0], $0xffff;
	_ =	sdelay $0x3  }
0x348: {  	v38 =	vld [tilespmem:s30+$0x160]  }
0x349: {  	[tilespmem:s30+$0x50C0] =	vst v3  }
0x34a: {  	v3 =	vld.idx.msk [tilespmem:v37+s4+$0x0], $0xffff;
	_ =	sdelay $0x3  }
0x34b: {  	v39 =	vld [tilespmem:s30+$0x170]  }
0x34c: {  	[tilespmem:s30+$0x50D0] =	vst v3  }
0x34d: {  	v3 =	vld.idx.msk [tilespmem:v38+s4+$0x0], $0xffff;
	_ =	sdelay $0x3  }
0x34e: {  	v40 =	vld [tilespmem:s30+$0x180]  }
0x34f: {  	[tilespmem:s30+$0x50E0] =	vst v3  }
0x350: {  	v3 =	vld.idx.msk [tilespmem:v39+s4+$0x0], $0xffff;
	_ =	sdelay $0x3  }
0x351: {  	v41 =	vld [tilespmem:s30+$0x190]  }
0x352: {  	[tilespmem:s30+$0x50F0] =	vst v3  }
0x353: {  	v3 =	vld.idx.msk [tilespmem:v40+s4+$0x0], $0xffff;
	_ =	sdelay $0x3  }
0x354: {  	v42 =	vld [tilespmem:s30+$0x1A0]  }
0x355: {  	[tilespmem:s30+$0x5100] =	vst v3  }
0x356: {  	v3 =	vld.idx.msk [tilespmem:v41+s4+$0x0], $0xffff;
	_ =	sdelay $0x3  }
0x357: {  	v43 =	vld [tilespmem:s30+$0x1B0]  }
0x358: {  	[tilespmem:s30+$0x5110] =	vst v3  }
0x359: {  	v3 =	vld.idx.msk [tilespmem:v42+s4+$0x0], $0xffff;
	_ =	sdelay $0x3  }
0x35a: {  	v44 =	vld [tilespmem:s30+$0x1C0]  }
0x35b: {  	[tilespmem:s30+$0x5120] =	vst v3  }
0x35c: {  	v3 =	vld.idx.msk [tilespmem:v43+s4+$0x0], $0xffff;
	_ =	sdelay $0x3  }
0x35d: {  	v45 =	vld [tilespmem:s30+$0x1D0]  }
0x35e: {  	[tilespmem:s30+$0x5130] =	vst v3  }
0x35f: {  	v3 =	vld.idx.msk [tilespmem:v44+s4+$0x0], $0xffff;
	_ =	sdelay $0x3  }
0x360: {  	v46 =	vld [tilespmem:s30+$0x1E0]  }
0x361: {  	[tilespmem:s30+$0x5140] =	vst v3  }
0x362: {  	v3 =	vld.idx.msk [tilespmem:v45+s4+$0x0], $0xffff;
	_ =	sdelay $0x3  }
0x363: {  	v47 =	vld [tilespmem:s30+$0x1F0]  }
0x364: {  	[tilespmem:s30+$0x5150] =	vst v3  }
0x365: {  	v3 =	vld.idx.msk [tilespmem:v46+s4+$0x0], $0xffff;
	_ =	sdelay $0x3  }
0x366: {  	v48 =	vld [tilespmem:s30+$0x200]  }
0x367: {  	[tilespmem:s30+$0x5160] =	vst v3  }
0x368: {  	v3 =	vld.idx.msk [tilespmem:v47+s4+$0x0], $0xffff;
	_ =	sdelay $0x3  }
0x369: {  	v49 =	vld [tilespmem:s30+$0x210]  }
0x36a: {  	[tilespmem:s30+$0x5170] =	vst v3  }
0x36b: {  	v3 =	vld.idx.msk [tilespmem:v48+s4+$0x0], $0xffff;
	_ =	sdelay $0x3  }
0x36c: {  	v50 =	vld [tilespmem:s30+$0x220]  }
0x36d: {  	[tilespmem:s30+$0x5180] =	vst v3  }
0x36e: {  	v3 =	vld.idx.msk [tilespmem:v49+s4+$0x0], $0xffff;
	_ =	sdelay $0x3  }
0x36f: {  	v51 =	vld [tilespmem:s30+$0x230]  }
0x370: {  	[tilespmem:s30+$0x5190] =	vst v3  }
0x371: {  	v3 =	vld.idx.msk [tilespmem:v50+s4+$0x0], $0xffff;
	_ =	sdelay $0x3  }
0x372: {  	v52 =	vld [tilespmem:s30+$0x240]  }
0x373: {  	[tilespmem:s30+$0x51A0] =	vst v3  }
0x374: {  	v3 =	vld.idx.msk [tilespmem:v51+s4+$0x0], $0xffff;
	_ =	sdelay $0x3  }
0x375: {  	v53 =	vld [tilespmem:s30+$0x250]  }
0x376: {  	[tilespmem:s30+$0x51B0] =	vst v3  }
0x377: {  	v3 =	vld.idx.msk [tilespmem:v52+s4+$0x0], $0xffff;
	_ =	sdelay $0x3  }
0x378: {  	v54 =	vld [tilespmem:s30+$0x260]  }
0x379: {  	[tilespmem:s30+$0x51C0] =	vst v3  }
0x37a: {  	v3 =	vld.idx.msk [tilespmem:v53+s4+$0x0], $0xffff;
	_ =	sdelay $0x3  }
0x37b: {  	v55 =	vld [tilespmem:s30+$0x270]  }
0x37c: {  	[tilespmem:s30+$0x51D0] =	vst v3  }
0x37d: {  	v3 =	vld.idx.msk [tilespmem:v54+s4+$0x0], $0xffff;
	_ =	sdelay $0x3  }
0x37e: {  	v56 =	vld [tilespmem:s30+$0x280]  }
0x37f: {  	[tilespmem:s30+$0x51E0] =	vst v3  }
0x380: {  	v3 =	vld.idx.msk [tilespmem:v55+s4+$0x0], $0xffff;
	_ =	sdelay $0x3  }
0x381: {  	v57 =	vld [tilespmem:s30+$0x290]  }
0x382: {  	[tilespmem:s30+$0x51F0] =	vst v3  }
0x383: {  	v3 =	vld.idx.msk [tilespmem:v56+s4+$0x0], $0xffff;
	_ =	sdelay $0x3  }
0x384: {  	v58 =	vld [tilespmem:s30+$0x2A0]  }
0x385: {  	[tilespmem:s30+$0x5200] =	vst v3  }
0x386: {  	v3 =	vld.idx.msk [tilespmem:v57+s4+$0x0], $0xffff;
	_ =	sdelay $0x3  }
0x387: {  	v59 =	vld [tilespmem:s30+$0x2B0]  }
0x388: {  	[tilespmem:s30+$0x5210] =	vst v3  }
0x389: {  	v3 =	vld.idx.msk [tilespmem:v58+s4+$0x0], $0xffff;
	_ =	sdelay $0x3  }
0x38a: {  	v60 =	vld [tilespmem:s30+$0x2C0]  }
0x38b: {  	[tilespmem:s30+$0x5220] =	vst v3  }
0x38c: {  	v3 =	vld.idx.msk [tilespmem:v59+s4+$0x0], $0xffff;
	_ =	sdelay $0x3  }
0x38d: {  	v61 =	vld [tilespmem:s30+$0x2D0]  }
0x38e: {  	[tilespmem:s30+$0x5230] =	vst v3  }
0x38f: {  	v3 =	vld.idx.msk [tilespmem:v60+s4+$0x0], $0xffff;
	_ =	sdelay $0x3  }
0x390: {  	v62 =	vld [tilespmem:s30+$0x2E0]  }
0x391: {  	[tilespmem:s30+$0x5240] =	vst v3  }
0x392: {  	v3 =	vld.idx.msk [tilespmem:v61+s4+$0x0], $0xffff;
	_ =	sdelay $0x3  }
0x393: {  	v63 =	vld [tilespmem:s30+$0x2F0]  }
0x394: {  	[tilespmem:s30+$0x5250] =	vst v3  }
0x395: {  	v3 =	vld.idx.msk [tilespmem:v62+s4+$0x0], $0xffff;
	_ =	sdelay $0x3  }
0x396: {  	v8 =	vld [tilespmem:s30+$0x300]  }
0x397: {  	[tilespmem:s30+$0x5260] =	vst v3  }
0x398: {  	v3 =	vld.idx.msk [tilespmem:v63+s4+$0x0], $0xffff;
	_ =	sdelay $0x3  }
0x399: {  	v9 =	vld [tilespmem:s30+$0x310]  }
0x39a: {  	[tilespmem:s30+$0x5270] =	vst v3  }
0x39b: {  	v3 =	vld.idx.msk [tilespmem:v8+s4+$0x0], $0xffff;
	_ =	sdelay $0x3  }
0x39c: {  	v10 =	vld [tilespmem:s30+$0x320]  }
0x39d: {  	[tilespmem:s30+$0x5280] =	vst v3  }
0x39e: {  	v3 =	vld.idx.msk [tilespmem:v9+s4+$0x0], $0xffff;
	_ =	sdelay $0x3  }
0x39f: {  	v11 =	vld [tilespmem:s30+$0x330]  }
0x3a0: {  	[tilespmem:s30+$0x5290] =	vst v3  }
0x3a1: {  	v3 =	vld.idx.msk [tilespmem:v10+s4+$0x0], $0xffff;
	_ =	sdelay $0x3  }
0x3a2: {  	v12 =	vld [tilespmem:s30+$0x340]  }
0x3a3: {  	[tilespmem:s30+$0x52A0] =	vst v3  }
0x3a4: {  	v3 =	vld.idx.msk [tilespmem:v11+s4+$0x0], $0xffff;
	_ =	sdelay $0x3  }
0x3a5: {  	v13 =	vld [tilespmem:s30+$0x350]  }
0x3a6: {  	[tilespmem:s30+$0x52B0] =	vst v3  }
0x3a7: {  	v3 =	vld.idx.msk [tilespmem:v12+s4+$0x0], $0xffff;
	_ =	sdelay $0x3  }
0x3a8: {  	v14 =	vld [tilespmem:s30+$0x360]  }
0x3a9: {  	[tilespmem:s30+$0x52C0] =	vst v3  }
0x3aa: {  	v3 =	vld.idx.msk [tilespmem:v13+s4+$0x0], $0xffff;
	_ =	sdelay $0x3  }
0x3ab: {  	v15 =	vld [tilespmem:s30+$0x370]  }
0x3ac: {  	[tilespmem:s30+$0x52D0] =	vst v3  }
0x3ad: {  	v3 =	vld.idx.msk [tilespmem:v14+s4+$0x0], $0xffff;
	_ =	sdelay $0x3  }
0x3ae: {  	v16 =	vld [tilespmem:s30+$0x380]  }
0x3af: {  	[tilespmem:s30+$0x52E0] =	vst v3  }
0x3b0: {  	v3 =	vld.idx.msk [tilespmem:v15+s4+$0x0], $0xffff;
	_ =	sdelay $0x3  }
0x3b1: {  	v17 =	vld [tilespmem:s30+$0x390]  }
0x3b2: {  	[tilespmem:s30+$0x52F0] =	vst v3  }
0x3b3: {  	v3 =	vld.idx.msk [tilespmem:v16+s4+$0x0], $0xffff;
	_ =	sdelay $0x3  }
0x3b4: {  	v18 =	vld [tilespmem:s30+$0x3A0]  }
0x3b5: {  	[tilespmem:s30+$0x5300] =	vst v3  }
0x3b6: {  	v3 =	vld.idx.msk [tilespmem:v17+s4+$0x0], $0xffff;
	_ =	sdelay $0x3  }
0x3b7: {  	v19 =	vld [tilespmem:s30+$0x3B0]  }
0x3b8: {  	[tilespmem:s30+$0x5310] =	vst v3  }
0x3b9: {  	v3 =	vld.idx.msk [tilespmem:v18+s4+$0x0], $0xffff;
	_ =	sdelay $0x3  }
0x3ba: {  	v20 =	vld [tilespmem:s30+$0x3C0]  }
0x3bb: {  	[tilespmem:s30+$0x5320] =	vst v3  }
0x3bc: {  	v3 =	vld.idx.msk [tilespmem:v19+s4+$0x0], $0xffff;
	_ =	sdelay $0x3  }
0x3bd: {  	v21 =	vld [tilespmem:s30+$0x3D0]  }
0x3be: {  	[tilespmem:s30+$0x5330] =	vst v3  }
0x3bf: {  	v3 =	vld.idx.msk [tilespmem:v20+s4+$0x0], $0xffff;
	_ =	sdelay $0x3  }
0x3c0: {  	v22 =	vld [tilespmem:s30+$0x3E0]  }
0x3c1: {  	[tilespmem:s30+$0x5340] =	vst v3  }
0x3c2: {  	v3 =	vld.idx.msk [tilespmem:v21+s4+$0x0], $0xffff;
	_ =	sdelay $0x3  }
0x3c3: {  	v23 =	vld [tilespmem:s30+$0x3F0]  }
0x3c4: {  	[tilespmem:s30+$0x5350] =	vst v3  }
0x3c5: {  	v3 =	vld.idx.msk [tilespmem:v22+s4+$0x0], $0xffff;
	_ =	sdelay $0x3  }
0x3c6: {  	v24 =	vld [tilespmem:s30+$0x400]  }
0x3c7: {  	[tilespmem:s30+$0x5360] =	vst v3  }
0x3c8: {  	v3 =	vld.idx.msk [tilespmem:v23+s4+$0x0], $0xffff;
	_ =	sdelay $0x3  }
0x3c9: {  	v25 =	vld [tilespmem:s30+$0x410]  }
0x3ca: {  	[tilespmem:s30+$0x5370] =	vst v3  }
0x3cb: {  	v3 =	vld.idx.msk [tilespmem:v24+s4+$0x0], $0xffff;
	_ =	sdelay $0x3  }
0x3cc: {  	v26 =	vld [tilespmem:s30+$0x420]  }
0x3cd: {  	[tilespmem:s30+$0x5380] =	vst v3  }
0x3ce: {  	v3 =	vld.idx.msk [tilespmem:v25+s4+$0x0], $0xffff;
	_ =	sdelay $0x3  }
0x3cf: {  	v27 =	vld [tilespmem:s30+$0x430]  }
0x3d0: {  	[tilespmem:s30+$0x5390] =	vst v3  }
0x3d1: {  	v3 =	vld.idx.msk [tilespmem:v26+s4+$0x0], $0xffff;
	_ =	sdelay $0x3  }
0x3d2: {  	v28 =	vld [tilespmem:s30+$0x440]  }
0x3d3: {  	[tilespmem:s30+$0x53A0] =	vst v3  }
0x3d4: {  	v3 =	vld.idx.msk [tilespmem:v27+s4+$0x0], $0xffff;
	_ =	sdelay $0x3  }
0x3d5: {  	v29 =	vld [tilespmem:s30+$0x450]  }
0x3d6: {  	[tilespmem:s30+$0x53B0] =	vst v3  }
0x3d7: {  	v3 =	vld.idx.msk [tilespmem:v28+s4+$0x0], $0xffff;
	_ =	sdelay $0x3  }
0x3d8: {  	v30 =	vld [tilespmem:s30+$0x460]  }
0x3d9: {  	[tilespmem:s30+$0x53C0] =	vst v3  }
0x3da: {  	v3 =	vld.idx.msk [tilespmem:v29+s4+$0x0], $0xffff;
	_ =	sdelay $0x3  }
0x3db: {  	v31 =	vld [tilespmem:s30+$0x470]  }
0x3dc: {  	[tilespmem:s30+$0x53D0] =	vst v3  }
0x3dd: {  	v3 =	vld.idx.msk [tilespmem:v30+s4+$0x0], $0xffff;
	_ =	sdelay $0x3  }
0x3de: {  	v32 =	vld [tilespmem:s30+$0x480]  }
0x3df: {  	[tilespmem:s30+$0x53E0] =	vst v3  }
0x3e0: {  	v3 =	vld.idx.msk [tilespmem:v31+s4+$0x0], $0xffff;
	_ =	sdelay $0x3  }
0x3e1: {  	v33 =	vld [tilespmem:s30+$0x490]  }
0x3e2: {  	[tilespmem:s30+$0x53F0] =	vst v3  }
0x3e3: {  	v3 =	vld.idx.msk [tilespmem:v32+s4+$0x0], $0xffff;
	_ =	sdelay $0x3  }
0x3e4: {  	v34 =	vld [tilespmem:s30+$0x4A0]  }
0x3e5: {  	[tilespmem:s30+$0x5400] =	vst v3  }
0x3e6: {  	v3 =	vld.idx.msk [tilespmem:v33+s4+$0x0], $0xffff;
	_ =	sdelay $0x3  }
0x3e7: {  	v35 =	vld [tilespmem:s30+$0x4B0]  }
0x3e8: {  	[tilespmem:s30+$0x5410] =	vst v3  }
0x3e9: {  	v3 =	vld.idx.msk [tilespmem:v34+s4+$0x0], $0xffff;
	_ =	sdelay $0x3  }
0x3ea: {  	v36 =	vld [tilespmem:s30+$0x4C0]  }
0x3eb: {  	[tilespmem:s30+$0x5420] =	vst v3  }
0x3ec: {  	v3 =	vld.idx.msk [tilespmem:v35+s4+$0x0], $0xffff;
	_ =	sdelay $0x3  }
0x3ed: {  	v37 =	vld [tilespmem:s30+$0x4D0]  }
0x3ee: {  	[tilespmem:s30+$0x5430] =	vst v3  }
0x3ef: {  	v3 =	vld.idx.msk [tilespmem:v36+s4+$0x0], $0xffff;
	_ =	sdelay $0x3  }
0x3f0: {  	v38 =	vld [tilespmem:s30+$0x4E0]  }
0x3f1: {  	[tilespmem:s30+$0x5440] =	vst v3  }
0x3f2: {  	v3 =	vld.idx.msk [tilespmem:v37+s4+$0x0], $0xffff;
	_ =	sdelay $0x3  }
0x3f3: {  	v39 =	vld [tilespmem:s30+$0x4F0]  }
0x3f4: {  	[tilespmem:s30+$0x5450] =	vst v3  }
0x3f5: {  	v3 =	vld.idx.msk [tilespmem:v38+s4+$0x0], $0xffff;
	_ =	sdelay $0x3  }
0x3f6: {  	v40 =	vld [tilespmem:s30+$0x500]  }
0x3f7: {  	[tilespmem:s30+$0x5460] =	vst v3  }
0x3f8: {  	v3 =	vld.idx.msk [tilespmem:v39+s4+$0x0], $0xffff;
	_ =	sdelay $0x3  }
0x3f9: {  	v41 =	vld [tilespmem:s30+$0x510]  }
0x3fa: {  	[tilespmem:s30+$0x5470] =	vst v3  }
0x3fb: {  	v3 =	vld.idx.msk [tilespmem:v40+s4+$0x0], $0xffff;
	_ =	sdelay $0x3  }
0x3fc: {  	v42 =	vld [tilespmem:s30+$0x520]  }
0x3fd: {  	[tilespmem:s30+$0x5480] =	vst v3  }
0x3fe: {  	v3 =	vld.idx.msk [tilespmem:v41+s4+$0x0], $0xffff;
	_ =	sdelay $0x3  }
0x3ff: {  	v43 =	vld [tilespmem:s30+$0x530]  }
0x400: {  	[tilespmem:s30+$0x5490] =	vst v3  }
0x401: {  	v3 =	vld.idx.msk [tilespmem:v42+s4+$0x0], $0xffff;
	_ =	sdelay $0x3  }
0x402: {  	v44 =	vld [tilespmem:s30+$0x540]  }
0x403: {  	[tilespmem:s30+$0x54A0] =	vst v3  }
0x404: {  	v3 =	vld.idx.msk [tilespmem:v43+s4+$0x0], $0xffff;
	_ =	sdelay $0x3  }
0x405: {  	v45 =	vld [tilespmem:s30+$0x550]  }
0x406: {  	[tilespmem:s30+$0x54B0] =	vst v3  }
0x407: {  	v3 =	vld.idx.msk [tilespmem:v44+s4+$0x0], $0xffff;
	_ =	sdelay $0x3  }
0x408: {  	v46 =	vld [tilespmem:s30+$0x560]  }
0x409: {  	[tilespmem:s30+$0x54C0] =	vst v3  }
0x40a: {  	v3 =	vld.idx.msk [tilespmem:v45+s4+$0x0], $0xffff;
	_ =	sdelay $0x3  }
0x40b: {  	v47 =	vld [tilespmem:s30+$0x570]  }
0x40c: {  	[tilespmem:s30+$0x54D0] =	vst v3  }
0x40d: {  	v3 =	vld.idx.msk [tilespmem:v46+s4+$0x0], $0xffff;
	_ =	sdelay $0x3  }
0x40e: {  	v48 =	vld [tilespmem:s30+$0x580]  }
0x40f: {  	[tilespmem:s30+$0x54E0] =	vst v3  }
0x410: {  	v3 =	vld.idx.msk [tilespmem:v47+s4+$0x0], $0xffff;
	_ =	sdelay $0x3  }
0x411: {  	v49 =	vld [tilespmem:s30+$0x590]  }
0x412: {  	[tilespmem:s30+$0x54F0] =	vst v3  }
0x413: {  	v3 =	vld.idx.msk [tilespmem:v48+s4+$0x0], $0xffff;
	_ =	sdelay $0x3  }
0x414: {  	v50 =	vld [tilespmem:s30+$0x5A0]  }
0x415: {  	[tilespmem:s30+$0x5500] =	vst v3  }
0x416: {  	v3 =	vld.idx.msk [tilespmem:v49+s4+$0x0], $0xffff;
	_ =	sdelay $0x3  }
0x417: {  	v51 =	vld [tilespmem:s30+$0x5B0]  }
0x418: {  	[tilespmem:s30+$0x5510] =	vst v3  }
0x419: {  	v3 =	vld.idx.msk [tilespmem:v50+s4+$0x0], $0xffff;
	_ =	sdelay $0x3  }
0x41a: {  	v52 =	vld [tilespmem:s30+$0x5C0]  }
0x41b: {  	[tilespmem:s30+$0x5520] =	vst v3  }
0x41c: {  	v3 =	vld.idx.msk [tilespmem:v51+s4+$0x0], $0xffff;
	_ =	sdelay $0x3  }
0x41d: {  	v53 =	vld [tilespmem:s30+$0x5D0]  }
0x41e: {  	[tilespmem:s30+$0x5530] =	vst v3  }
0x41f: {  	v3 =	vld.idx.msk [tilespmem:v52+s4+$0x0], $0xffff;
	_ =	sdelay $0x3  }
0x420: {  	v54 =	vld [tilespmem:s30+$0x5E0]  }
0x421: {  	[tilespmem:s30+$0x5540] =	vst v3  }
0x422: {  	v3 =	vld.idx.msk [tilespmem:v53+s4+$0x0], $0xffff;
	_ =	sdelay $0x3  }
0x423: {  	v55 =	vld [tilespmem:s30+$0x5F0]  }
0x424: {  	[tilespmem:s30+$0x5550] =	vst v3  }
0x425: {  	v3 =	vld.idx.msk [tilespmem:v54+s4+$0x0], $0xffff;
	_ =	sdelay $0x3  }
0x426: {  	v56 =	vld [tilespmem:s30+$0x600]  }
0x427: {  	[tilespmem:s30+$0x5560] =	vst v3  }
0x428: {  	v3 =	vld.idx.msk [tilespmem:v55+s4+$0x0], $0xffff;
	_ =	sdelay $0x3  }
0x429: {  	v57 =	vld [tilespmem:s30+$0x610]  }
0x42a: {  	[tilespmem:s30+$0x5570] =	vst v3  }
0x42b: {  	v3 =	vld.idx.msk [tilespmem:v56+s4+$0x0], $0xffff;
	_ =	sdelay $0x3  }
0x42c: {  	v58 =	vld [tilespmem:s30+$0x620]  }
0x42d: {  	[tilespmem:s30+$0x5580] =	vst v3  }
0x42e: {  	v3 =	vld.idx.msk [tilespmem:v57+s4+$0x0], $0xffff;
	_ =	sdelay $0x3  }
0x42f: {  	v59 =	vld [tilespmem:s30+$0x630]  }
0x430: {  	[tilespmem:s30+$0x5590] =	vst v3  }
0x431: {  	v3 =	vld.idx.msk [tilespmem:v58+s4+$0x0], $0xffff;
	_ =	sdelay $0x3  }
0x432: {  	v60 =	vld [tilespmem:s30+$0x640]  }
0x433: {  	[tilespmem:s30+$0x55A0] =	vst v3  }
0x434: {  	v3 =	vld.idx.msk [tilespmem:v59+s4+$0x0], $0xffff;
	_ =	sdelay $0x3  }
0x435: {  	v61 =	vld [tilespmem:s30+$0x650]  }
0x436: {  	[tilespmem:s30+$0x55B0] =	vst v3  }
0x437: {  	v3 =	vld.idx.msk [tilespmem:v60+s4+$0x0], $0xffff;
	_ =	sdelay $0x3  }
0x438: {  	v62 =	vld [tilespmem:s30+$0x660]  }
0x439: {  	[tilespmem:s30+$0x55C0] =	vst v3  }
0x43a: {  	v3 =	vld.idx.msk [tilespmem:v61+s4+$0x0], $0xffff;
	_ =	sdelay $0x3  }
0x43b: {  	v63 =	vld [tilespmem:s30+$0x670]  }
0x43c: {  	[tilespmem:s30+$0x55D0] =	vst v3  }
0x43d: {  	v3 =	vld.idx.msk [tilespmem:v62+s4+$0x0], $0xffff;
	_ =	sdelay $0x4  }
0x43e: {  	[tilespmem:s30+$0x55E0] =	vst v3  }
0x43f: {  	v3 =	vld.idx.msk [tilespmem:v63+s4+$0x0], $0xffff;
	_ =	sdelay $0x4  }
0x440: {  	s1 =	sadd.s32 $0x4F80, s30;
	s2 =	sadd.s32 $0x2780, s30;
	[tilespmem:s30+$0x55F0] =	vst v3  }
0x441: {  	[spmem:s3] =	stream.indirect.scatter.add.f32 [tilespmem:s1], [sflag:$0x1], $0x1, s2, s17, $0xb8;
	[tilespmem:$0xAB80] =	vst v63  }
0x442: {  	s19 =	sadd.s32 $0x2800, s30;
	s2 =	sadd.s32 $0x5000, s30  }
0x443: {  	[spmem:s3] =	stream.indirect.scatter.add.f32 [tilespmem:s2], [sflag:$0x1], $0x1, s19, s17, $0xb8;
	[tilespmem:$0xAB80] =	vst v63  }
0x444: {  	s24 =	sadd.s32 $0x5080, s30;
	s31 =	sadd.s32 $0x2880, s30  }
0x445: {  	[spmem:s3] =	stream.indirect.scatter.add.f32 [tilespmem:s24], [sflag:$0x1], $0x1, s31, s17, $0xb8;
	[tilespmem:$0xAB80] =	vst v63  }
0x446: {  	s2 =	sadd.s32 $0x5100, s30;
	s19 =	sadd.s32 $0x2900, s30  }
0x447: {  	[spmem:s3] =	stream.indirect.scatter.add.f32 [tilespmem:s2], [sflag:$0x1], $0x1, s19, s17, $0xb8;
	[tilespmem:$0xAB80] =	vst v63  }
0x448: {  	s24 =	sadd.s32 $0x5180, s30;
	s31 =	sadd.s32 $0x2980, s30  }
0x449: {  	[spmem:s3] =	stream.indirect.scatter.add.f32 [tilespmem:s24], [sflag:$0x1], $0x1, s31, s17, $0xb8;
	[tilespmem:$0xAB80] =	vst v63  }
0x44a: {  	s2 =	sadd.s32 $0x5200, s30;
	s19 =	sadd.s32 $0x2A00, s30  }
0x44b: {  	[spmem:s3] =	stream.indirect.scatter.add.f32 [tilespmem:s2], [sflag:$0x1], $0x1, s19, s17, $0xb8;
	[tilespmem:$0xAB80] =	vst v63  }
0x44c: {  	s24 =	sadd.s32 $0x5280, s30;
	s31 =	sadd.s32 $0x2A80, s30  }
0x44d: {  	[spmem:s3] =	stream.indirect.scatter.add.f32 [tilespmem:s24], [sflag:$0x1], $0x1, s31, s17, $0xb8;
	[tilespmem:$0xAB80] =	vst v63  }
0x44e: {  	s2 =	sadd.s32 $0x5300, s30;
	s19 =	sadd.s32 $0x2B00, s30  }
0x44f: {  	[spmem:s3] =	stream.indirect.scatter.add.f32 [tilespmem:s2], [sflag:$0x1], $0x1, s19, s17, $0xb8;
	[tilespmem:$0xAB80] =	vst v63  }
0x450: {  	s24 =	sadd.s32 $0x5380, s30;
	s31 =	sadd.s32 $0x2B80, s30  }
0x451: {  	[spmem:s3] =	stream.indirect.scatter.add.f32 [tilespmem:s24], [sflag:$0x1], $0x1, s31, s17, $0xb8;
	[tilespmem:$0xAB80] =	vst v63  }
0x452: {  	s2 =	sadd.s32 $0x5400, s30;
	s19 =	sadd.s32 $0x2C00, s30  }
0x453: {  	[spmem:s3] =	stream.indirect.scatter.add.f32 [tilespmem:s2], [sflag:$0x1], $0x1, s19, s17, $0xb8;
	[tilespmem:$0xAB80] =	vst v63  }
0x454: {  	s24 =	sadd.s32 $0x5480, s30;
	s31 =	sadd.s32 $0x2C80, s30  }
0x455: {  	[spmem:s3] =	stream.indirect.scatter.add.f32 [tilespmem:s24], [sflag:$0x1], $0x1, s31, s17, $0xb8;
	[tilespmem:$0xAB80] =	vst v63  }
0x456: {  	s2 =	sadd.s32 $0x5500, s30;
	s19 =	sadd.s32 $0x2D00, s30  }
0x457: {  	[spmem:s3] =	stream.indirect.scatter.add.f32 [tilespmem:s2], [sflag:$0x1], $0x1, s19, s17, $0xb8;
	[tilespmem:$0xAB80] =	vst v63  }
0x458: {  	s24 =	sadd.s32 $0x5580, s30;
	s31 =	sadd.s32 $0x2D80, s30  }
0x459: {  	[spmem:s3] =	stream.indirect.scatter.add.f32 [tilespmem:s24], [sflag:$0x1], $0x1, s31, s17, $0xb8;
	[tilespmem:$0xAB80] =	vst v63  }
0x45a: {  	_ =	swait.ge [sflag:s22], $0x80  }
0x45b: {  	[sflag:s22] =	ssyncset.done $0x0  }
0x45c: {  	[sflag:s22] =	ssyncadd.s32 $0xFFFFFF80  }
0x45d: {  	_ =	swait.ge [sflag:s22], $0x80  }
0x45e: {  	[sflag:s22] =	ssyncset.done $0x0  }
0x45f: {  	[sflag:s22] =	ssyncadd.s32 $0xFFFFFF80  }
0x460: {  	_ =	swait.ge [sflag:s22], $0x80  }
0x461: {  	[sflag:s22] =	ssyncset.done $0x0  }
0x462: {  	[sflag:s22] =	ssyncadd.s32 $0xFFFFFF80  }
0x463: {  	_ =	swait.ge [sflag:s22], $0x80  }
0x464: {  	[sflag:s22] =	ssyncset.done $0x0  }
0x465: {  	[sflag:s22] =	ssyncadd.s32 $0xFFFFFF80  }
0x466: {  	_ =	swait.ge [sflag:s22], $0x80  }
0x467: {  	[sflag:s22] =	ssyncset.done $0x0  }
0x468: {  	[sflag:s22] =	ssyncadd.s32 $0xFFFFFF80  }
0x469: {  	_ =	swait.ge [sflag:s22], $0x80  }
0x46a: {  	[sflag:s22] =	ssyncset.done $0x0  }
0x46b: {  	[sflag:s22] =	ssyncadd.s32 $0xFFFFFF80  }
0x46c: {  	_ =	swait.ge [sflag:s22], $0x80  }
0x46d: {  	[sflag:s22] =	ssyncset.done $0x0  }
0x46e: {  	[sflag:s22] =	ssyncadd.s32 $0xFFFFFF80  }
0x46f: {  	_ =	swait.ge [sflag:s22], $0x80  }
0x470: {  	[sflag:s22] =	ssyncset.done $0x0  }
0x471: {  	[sflag:s22] =	ssyncadd.s32 $0xFFFFFF80  }
0x472: {  	_ =	swait.ge [sflag:s22], $0x80  }
0x473: {  	[sflag:s22] =	ssyncset.done $0x0  }
0x474: {  	[sflag:s22] =	ssyncadd.s32 $0xFFFFFF80  }
0x475: {  	_ =	swait.ge [sflag:s22], $0x80  }
0x476: {  	[sflag:s22] =	ssyncset.done $0x0  }
0x477: {  	[sflag:s22] =	ssyncadd.s32 $0xFFFFFF80  }
0x478: {  	_ =	swait.ge [sflag:s22], $0x80  }
0x479: {  	[sflag:s22] =	ssyncset.done $0x0  }
0x47a: {  	[sflag:s22] =	ssyncadd.s32 $0xFFFFFF80  }
0x47b: {  	p1 =	sne.s32 s29, $0x5;
	_ =	swait.ge [sflag:s22], $0x80  }
.Ltmp2:
0x47c: {  	[sflag:s22] =	ssyncset.done $0x0;
	(pc) =	sbr.rel @p1 .LBB2_6-.Ltmp2, $4  }
0x47d: {  	[sflag:s22] =	ssyncadd.s32 $0xFFFFFF80  }
0x47e: {  	_ =	swait.ge [sflag:s22], $0x80  }
0x47f: {  	[sflag:s22] =	ssyncset.done $0x0  }
0x480: {  	s29 =	sadd.s32 $0x1, s29;
	[sflag:s22] =	ssyncadd.s32 $0xFFFFFF80  }
0x481: {  	_ =	swait.ge [sflag:s22], $0x80  }
0x482: {  	[sflag:s22] =	ssyncset.done $0x0  }
0x483: {  	[sflag:s22] =	ssyncadd.s32 $0xFFFFFF80  }
0x484: {  	_ =	swait.ge [sflag:s22], $0x80  }
0x485: {  	[sflag:s22] =	ssyncset.done $0x0  }
0x486: {  	[sflag:s22] =	ssyncadd.s32 $0xFFFFFF80  }
0x487: {  	_ =	swait.ge [sflag:s22], $0x80  }
0x488: {  	[sflag:s22] =	ssyncset.done $0x0  }
0x489: {  	[sflag:s22] =	ssyncadd.s32 $0xFFFFFF80  }
0x48a: {  	_ =	swait.ge [sflag:s22], $0x80  }
0x48b: {  	[sflag:s22] =	ssyncset.done $0x0  }
0x48c: {  	[sflag:s22] =	ssyncadd.s32 $0xFFFFFF80  }
0x48d: {  	_ =	swait.ge [sflag:s22], $0x80  }
0x48e: {  	[sflag:s22] =	ssyncset.done $0x0  }
0x48f: {  	[sflag:s22] =	ssyncadd.s32 $0xFFFFFF80  }
0x490: {  	_ =	swait.ge [sflag:s22], $0x80  }
0x491: {  	[sflag:s22] =	ssyncset.done $0x0  }
0x492: {  	[sflag:s22] =	ssyncadd.s32 $0xFFFFFF80  }
0x493: {  	_ =	swait.ge [sflag:s22], $0x80  }
0x494: {  	[sflag:s22] =	ssyncset.done $0x0  }
0x495: {  	[sflag:s22] =	ssyncadd.s32 $0xFFFFFF80  }
0x496: {  	_ =	swait.ge [sflag:s22], $0x80  }
0x497: {  	[sflag:s22] =	ssyncset.done $0x0  }
0x498: {  	[sflag:s22] =	ssyncadd.s32 $0xFFFFFF80  }
0x499: {  	_ =	swait.ge [sflag:s22], $0x80  }
0x49a: {  	[sflag:s22] =	ssyncset.done $0x0  }
0x49b: {  	[sflag:s22] =	ssyncadd.s32 $0xFFFFFF80  }
0x49c: {  	_ =	swait.ge [sflag:s22], $0x80  }
0x49d: {  	[sflag:s22] =	ssyncset.done $0x0  }
0x49e: {  	[sflag:s22] =	ssyncadd.s32 $0xFFFFFF80  }
0x49f: {  	_ =	swait.ge [sflag:s22], $0x80  }
0x4a0: {  	[sflag:s22] =	ssyncset.done $0x0  }
0x4a1: {  	[sflag:s22] =	ssyncadd.s32 $0xFFFFFF80  }
0x4a2: {  	_ =	swait.ge [sflag:s22], $0x80  }
0x4a3: {  	[sflag:s22] =	ssyncset.done $0x0  }
0x4a4: {  	[sflag:s22] =	ssyncadd.s32 $0xFFFFFF80  }
0x4a5: {  	_ =	swait.ge [sflag:s22], $0x80  }
0x4a6: {  	[sflag:s22] =	ssyncset.done $0x0  }
0x4a7: {  	[sflag:s22] =	ssyncadd.s32 $0xFFFFFF80  }
0x4a8: {  	v3 =	vld @!p0 [tilespmem:$0x2700];
	_ =	sdelay $0x5  }
0x4a9: {  	v4 =	vld @!p0 [tilespmem:$0x2710]  }
0x4aa: {  	s1 =	simm.s32 @!p0 $0x7700  }
0x4ab: {  	v3 =	vld.idx.msk @!p0 [tilespmem:v3+s1+$0x0], $0xffff;
	_ =	sdelay $0x3  }
0x4ac: {  	v5 =	vld @!p0 [tilespmem:$0x2720]  }
0x4ad: {  	[tilespmem:$0x7680] =	vst @!p0 v3  }
0x4ae: {  	v3 =	vld.idx.msk @!p0 [tilespmem:v4+s1+$0x0], $0xffff;
	_ =	sdelay $0x3  }
0x4af: {  	v4 =	vld @!p0 [tilespmem:$0x2730]  }
0x4b0: {  	[tilespmem:$0x7690] =	vst @!p0 v3  }
0x4b1: {  	v3 =	vld.idx.msk @!p0 [tilespmem:v5+s1+$0x0], $0xffff;
	_ =	sdelay $0x3  }
0x4b2: {  	v5 =	vld @!p0 [tilespmem:$0x2740]  }
0x4b3: {  	[tilespmem:$0x76A0] =	vst @!p0 v3  }
0x4b4: {  	v3 =	vld.idx.msk @!p0 [tilespmem:v4+s1+$0x0], $0xffff;
	_ =	sdelay $0x3  }
0x4b5: {  	v4 =	vld @!p0 [tilespmem:$0x2750]  }
0x4b6: {  	[tilespmem:$0x76B0] =	vst @!p0 v3  }
0x4b7: {  	v3 =	vld.idx.msk @!p0 [tilespmem:v5+s1+$0x0], $0xffff;
	_ =	sdelay $0x3  }
0x4b8: {  	v5 =	vld @!p0 [tilespmem:$0x2760]  }
0x4b9: {  	[tilespmem:$0x76C0] =	vst @!p0 v3  }
0x4ba: {  	v3 =	vld.idx.msk @!p0 [tilespmem:v4+s1+$0x0], $0xffff;
	_ =	sdelay $0x3  }
0x4bb: {  	v4 =	vld @!p0 [tilespmem:$0x2770]  }
0x4bc: {  	[tilespmem:$0x76D0] =	vst @!p0 v3  }
0x4bd: {  	v3 =	vld.idx.msk @!p0 [tilespmem:v5+s1+$0x0], $0xffff;
	_ =	sdelay $0x4  }
0x4be: {  	[tilespmem:$0x76E0] =	vst @!p0 v3  }
0x4bf: {  	v3 =	vld.idx.msk @!p0 [tilespmem:v4+s1+$0x0], $0xffff;
	_ =	sdelay $0x4  }
0x4c0: {  	s2 =	simm.s32 @!p0 $0x4E80;
	s19 =	simm.s32 @!p0 $0x7680;
	s1 =	simm.s32 @!p0 $0x80;
	[tilespmem:$0x76F0] =	vst @!p0 v3  }
0x4c1: {  	[spmem:s3] =	stream.indirect.scatter.add.f32 @!p0 [tilespmem:s19], [sflag:$0x2], $0x1, s2, s1, $0xb8;
	[tilespmem:$0xAB80] =	vst v63  }
0x4c2: {  	s1 =	simm.s32 @!p0 $0x2  }
0x4c3: {  	_ =	swait.ge @!p0 [sflag:s1], $0x80  }
0x4c4: {  	[sflag:s1] =	ssyncset.done @!p0 $0x0  }
0x4c5: {  	[sflag:s1] =	ssyncadd.s32 @!p0 $0xFFFFFF80  }
0x4c6: {  	[bflag:$0x0] =	sbarrier.arrive $0xFFFF  }
0x4c7: {  	[tilespmem:s20], [sflag:$0x2] =	stream.linear.gather [spmem:s13], $0x140, $0x38;
	[tilespmem:$0xAB80] =	vst v63  }
0x4c8: {  	_ =	swait.ge [sflag:s21], $0x140  }
0x4c9: {  	[sflag:s21] =	ssyncset.done $0x0  }
0x4ca: {  	s31 =	simm.s32 $0x0;
	[sflag:s21] =	ssyncadd.s32 $0xFFFFFEC0  }
0x4cb: {  	v3 =	vld.idx.msk [tilespmem:v0+s31+$0x0 ss:$0x1], $0xffff  }
0x4cc: {  	v63 =	vld [tilespmem:s31+$0x9F00];
	_ =	sdelay $0x4  }
0x4cd: {  	v4 =	vadd.f32 v3, v63;
	_ =	sdelay $0x1  }
0x4ce: {  	v3 =	vmul.f32 v4, v3  }
0x4cf: {  	p1 =	slt.u32 s16, $0x2710  }
0x4d0: {  	v3 =	vpsel !p1, $0x0, v3  }
0x4d1: {  	s24 =	simm.s32 $0x80;
	s2 =	smov.u32 s16;
	s1 =	simm.s32 $0x10;
	[tilespmem:s31+$0xA180] =	vst v3  }
.LBB2_8:
0x4d2: {  	p1 =	sne.s32 s24, $0x4C0;
	v3 =	vld.idx.msk [tilespmem:v0+s1+$0x0 ss:$0x1], $0xffff  }
0x4d3: {  	v4 =	vld [tilespmem:s1+$0x9F00];
	_ =	sdelay $0x4  }
0x4d4: {  	v4 =	vadd.f32 v3, v4  }
.Ltmp3:
0x4d5: {  	(pc) =	sbr.rel @p1 .LBB2_8-.Ltmp3, $4  }
0x4d6: {  	s2 =	sadd.s32 $0x10, s2;
	v3 =	vmul.f32 v4, v3  }
0x4d7: {  	p2 =	slt.u32 s2, $0x2710  }
0x4d8: {  	v3 =	vpsel !p2, $0x0, v3  }
0x4d9: {  	[tilespmem:s1+$0xA180] =	vst v3;
	s1 =	sshra.s32 s24, $0x2;
	s24 =	sadd.s32 $0x40, s24  }
0x4da: {  	_ =	sdelay $0x3  }
0x4db: {  	v3 =	vld.idx.msk [tilespmem:v0+s1+$0x0 ss:$0x1], $0xffff  }
0x4dc: {  	v4 =	vld [tilespmem:s1+$0x9F00];
	_ =	sdelay $0x4  }
0x4dd: {  	v4 =	vadd.f32 v3, v4;
	_ =	sdelay $0x1  }
0x4de: {  	s2 =	sadd.s32 $0x10, s2;
	v3 =	vmul.f32 v4, v3  }
0x4df: {  	s28 =	sadd.s32 $0x1, s28;
	p1 =	slt.u32 s2, $0x2710  }
0x4e0: {  	v3 =	vpsel !p1, $0x0, v3;
	p1 =	sne.s32 s28, s15  }
.Ltmp4:
0x4e1: {  	[tilespmem:s1+$0xA180] =	vst v3;
	(pc) =	sbr.rel @p1 .LBB2_1-.Ltmp4, $4  }
0x4e2: {  	[hbm4b:s14+s5] =	stream.linear.scatter [tilespmem:s25], [sflag:$0x2], $0x140, $0x38;
	[tilespmem:$0xAB80] =	vst v63  }
0x4e3: {  	_ =	swait.ge [sflag:s21], $0x140  }
0x4e4: {  	[sflag:s21] =	ssyncset.done $0x0  }
0x4e5: {  	[sflag:s21] =	ssyncadd.s32 $0xFFFFFEC0  }
0x4e6: {  	_ =	sfence.sel $0x180000  }
0x4e7: {  	[bflag:$0x0] =	sbarrier.arrive $0xFFFF  }
0x4e8: {  	_ =	strace $0x90000047  }
0x4e9: {  	s0 =	stileid.u32;
	[bflag:$0x2] =	sbarrier.arrive $0xFFFF  }
0x4ea: {  	p0 =	sne.s32 s0, $0x0;
	s0 =	rddreg [dreg:$0x5]  }
0x4eb: {  	s0 =	sadd.s32 @!p0 $0x100000, s0  }
0x4ec: {  	[sflag:s0] =	ssyncadd.tile.s32 @!p0 $0x1;
	_ =	shalt  }
.Lfunc_end2:
_tile_overlayer_lowered:
.L_overlay_start_2:
0x4ed: {  	(tag) =	ssettag $0x2  }
0x4ee: {  	s0 =	rddreg [dreg:$0x0];
	s2 =	stileid.u32  }
0x4ef: {  	s1 =	rddreg [dreg:$0x1];
	p0 =	sne.s32 s2, $0x0  }
0x4f0: {  	s3 =	rddreg [dreg:$0x2];
	[bflag:$0x3] =	sbarrier.arrive $0xFFFF;
	s2 =	simm.s32 @!p0 $0x1C02  }
0x4f1: {  	[timem:s3], [sflag:s2] =	dma.local @!p0 [hbm:s0], s1  }
0x4f2: {  	s0 =	simm.s32 @!p0 $0x2  }
0x4f3: {  	_ =	swait.ge @!p0 [sflag:s0], s1  }
0x4f4: {  	s1 =	ssub.s32 @!p0 $0x0, s1;
	[sflag:s0] =	ssyncset.done @!p0 $0x0  }
0x4f5: {  	[sflag:s0] =	ssyncadd.s32 @!p0 s1  }
0x4f6: {  	[bflag:$0x3] =	sbarrier.arrive $0xFFFF  }
0x4f7: {  	_ =	shalt  }

</sc_bundles>
